<compile_context>
chip_gen: v7x
topology: tpu7x:2x2x1
jax: 0.10.2.dev20260603
libtpu: 0.0.44.dev20260713+nightly
codegen_flags: <defaults>
</compile_context>

<pallas_src>
import jax
import jax.numpy as jnp
from jax import lax
from jax.experimental import pallas as pl
from jax.experimental.pallas import tpu as pltpu
from jax.experimental.pallas import tpu_sc as plsc

_N = 10000
_E = 320000
_NF = 128
_NH = 256
_NC = 16
_K = 10

_NS = 16
_NW = 32
_NPAD = 10240
_RPW = _NPAD // _NW
_ZPT = _NPAD // _NS
_CHUNK = 128
_CPW = 80
_EPW = _CPW * _CHUNK
_EREAL = _E // _NW
_NBUF = 10
_GRP = _CPW // _NBUF



def _mlp_body(x_ref, w1_ref, b1_ref, w2_ref, b2_ref, o_ref):
    h = jnp.dot(x_ref[...], w1_ref[...], preferred_element_type=jnp.float32)
    h = jnp.maximum(h + b1_ref[...], 0.0)
    o_ref[...] = jnp.dot(h, w2_ref[...], preferred_element_type=jnp.float32) + b2_ref[...]


_MLP_BLK = 1024


def _mlp(xp, W1, b1, W2, b2):
    return pl.pallas_call(
        _mlp_body,
        grid=(_NPAD // _MLP_BLK,),
        in_specs=[
            pl.BlockSpec((_MLP_BLK, _NF), lambda i: (i, 0)),
            pl.BlockSpec((_NF, _NH), lambda i: (0, 0)),
            pl.BlockSpec((1, _NH), lambda i: (0, 0)),
            pl.BlockSpec((_NH, _NC), lambda i: (0, 0)),
            pl.BlockSpec((1, _NC), lambda i: (0, 0)),
        ],
        out_specs=pl.BlockSpec((_MLP_BLK, _NC), lambda i: (i, 0)),
        out_shape=jax.ShapeDtypeStruct((_NPAD, _NC), jnp.float32),
    )(xp, W1, b1, W2, b2)



def _lsm_body(h_ref, o_ref):
    v = h_ref[...]
    m = jnp.max(v, axis=1, keepdims=True)
    e = jnp.exp(v - m)
    s = jnp.sum(e, axis=1, keepdims=True)
    o_ref[...] = (v - m) - jnp.log(s)


_LSM_BLK = 2000


def _logsoftmax(h):
    return pl.pallas_call(
        _lsm_body,
        grid=(_N // _LSM_BLK,),
        in_specs=[pl.BlockSpec((_LSM_BLK, _NC), lambda i: (i, 0))],
        out_specs=pl.BlockSpec((_LSM_BLK, _NC), lambda i: (i, 0)),
        out_shape=jax.ShapeDtypeStruct((_N, _NC), jnp.float32),
    )(h)



def _sc_body(rows_hbm, cols_hbm, h0_hbm, temp_hbm,
             hidden_hbm, gwork_hbm, part_hbm,
             row_t, col_t, bufs, g_t, acc_t, d2_t, sbuf_t, pbuf_t, zero_t,
             temp_v, s_sh, gsem, ssem, xsem):
    cid = lax.axis_index("c")
    sid = lax.axis_index("s")
    w = cid * _NS + sid
    r0 = w * _RPW
    own = pl.ds(r0, _RPW)
    pr0 = ((1 - cid) * _NS + sid) * _RPW
    peer = pl.ds(pr0, _RPW)
    zrows = pl.ds(sid * _ZPT, _ZPT)

    def xbarrier():
        plsc.subcore_barrier()

        @pl.when(sid == 0)
        def _x():
            pltpu.semaphore_signal(xsem, 1, core_index=1 - cid)
            pl.semaphore_wait(xsem, 1)
        plsc.subcore_barrier()

    pltpu.sync_copy(rows_hbm.at[w], row_t)
    pltpu.sync_copy(cols_hbm.at[w], col_t)
    pltpu.sync_copy(temp_hbm, temp_v)

    ones = jnp.ones((_NC,), jnp.float32)
    zeros = jnp.zeros((_NC,), jnp.float32)

    def _fill_zero(i, c):
        zero_t[i, :] = zeros
        return c

    def _fill_one(i, c):
        zero_t[i, :] = ones
        return c

    def _fill_src_ones(i, c):
        sbuf_t[i, :] = ones
        return c

    lax.fori_loop(0, _CHUNK, _fill_src_ones, 0)

    @pl.when(cid == 0)
    def _i0():
        lax.fori_loop(0, _ZPT, _fill_one, 0)

    @pl.when(cid == 1)
    def _i1():
        lax.fori_loop(0, _ZPT, _fill_zero, 0)
    pltpu.sync_copy(zero_t, s_sh.at[zrows])

    @pl.when(cid == 0)
    def _i0z():
        lax.fori_loop(0, _ZPT, _fill_zero, 0)
    plsc.subcore_barrier()

    def _deg_group(m, c):
        for b in range(_NBUF):
            j = m * _NBUF + b
            pltpu.async_copy(sbuf_t.at[pl.ds(0, _CHUNK)],
                             s_sh.at[col_t.at[j]], ssem.at[0], add=True)
        for b in range(_NBUF):
            j = m * _NBUF + b
            pltpu.make_async_copy(sbuf_t.at[pl.ds(0, _CHUNK)],
                                  s_sh.at[col_t.at[j]], ssem.at[0]).wait()
        return c
    lax.fori_loop(0, _GRP, _deg_group, 0)
    plsc.subcore_barrier()

    pltpu.async_copy(s_sh.at[peer], part_hbm.at[peer], gsem.at[0])
    pltpu.async_copy(s_sh.at[own], sbuf_t, gsem.at[1])
    pltpu.make_async_copy(s_sh.at[peer], part_hbm.at[peer], gsem.at[0]).wait()
    pltpu.make_async_copy(s_sh.at[own], sbuf_t, gsem.at[1]).wait()
    pltpu.async_copy(zero_t.at[pl.ds(0, _RPW)], s_sh.at[own], gsem.at[2])
    pltpu.async_copy(zero_t.at[pl.ds(0, _RPW)], s_sh.at[peer], gsem.at[3])
    pltpu.make_async_copy(zero_t.at[pl.ds(0, _RPW)], s_sh.at[own], gsem.at[2]).wait()
    pltpu.make_async_copy(zero_t.at[pl.ds(0, _RPW)], s_sh.at[peer], gsem.at[3]).wait()
    xbarrier()

    pltpu.sync_copy(part_hbm.at[own], pbuf_t)
    pltpu.sync_copy(h0_hbm.at[own], g_t)
    t0 = temp_v[0, :]

    def _prep(i, c):
        d = sbuf_t[i, :] + pbuf_t[i, :]
        y = 1.0 / d
        for _ in range(20):
            y = y * (1.5 - 0.5 * d * y * y)
        d2_t[i, :] = y * y
        g0 = y * g_t[i, :]
        g_t[i, :] = g0
        acc_t[i, :] = t0 * g0
        return c
    lax.fori_loop(0, _RPW, _prep, 0)
    pltpu.sync_copy(g_t, gwork_hbm.at[own])
    xbarrier()

    def _hop(k, c):
        for b in range(_NBUF):
            pltpu.async_copy(gwork_hbm.at[row_t.at[b]], bufs.at[b], gsem.at[b])

        def _group(m, cc):
            for b in range(_NBUF):
                j = m * _NBUF + b
                pltpu.make_async_copy(gwork_hbm.at[row_t.at[j]],
                                      bufs.at[b], gsem.at[b]).wait()
                pltpu.async_copy(bufs.at[b], s_sh.at[col_t.at[j]],
                                 ssem.at[b], add=True)
            for b in range(_NBUF):
                j = m * _NBUF + b

                @pl.when(m < _GRP - 1)
                def _refill():
                    pltpu.make_async_copy(bufs.at[b], s_sh.at[col_t.at[j]],
                                          ssem.at[b]).wait()
                    pltpu.async_copy(gwork_hbm.at[row_t.at[j + _NBUF]],
                                     bufs.at[b], gsem.at[b])
            return cc
        lax.fori_loop(0, _GRP, _group, 0)
        for b in range(_NBUF):
            j = (_GRP - 1) * _NBUF + b
            pltpu.make_async_copy(bufs.at[b], s_sh.at[col_t.at[j]],
                                  ssem.at[b]).wait()
        plsc.subcore_barrier()

        pltpu.async_copy(s_sh.at[peer], part_hbm.at[peer], gsem.at[0])
        pltpu.async_copy(s_sh.at[own], sbuf_t, gsem.at[1])
        pltpu.make_async_copy(s_sh.at[peer], part_hbm.at[peer],
                              gsem.at[0]).wait()
        pltpu.make_async_copy(s_sh.at[own], sbuf_t, gsem.at[1]).wait()
        pltpu.async_copy(zero_t.at[pl.ds(0, _RPW)], s_sh.at[own], gsem.at[2])
        pltpu.async_copy(zero_t.at[pl.ds(0, _RPW)], s_sh.at[peer], gsem.at[3])
        pltpu.make_async_copy(zero_t.at[pl.ds(0, _RPW)], s_sh.at[own], gsem.at[2]).wait()
        pltpu.make_async_copy(zero_t.at[pl.ds(0, _RPW)], s_sh.at[peer], gsem.at[3]).wait()
        xbarrier()

        pltpu.sync_copy(part_hbm.at[own], pbuf_t)
        tk = temp_v[k + 1, :]

        def _upd(i, cc):
            gn = d2_t[i, :] * (sbuf_t[i, :] + pbuf_t[i, :] + g_t[i, :])
            acc_t[i, :] = acc_t[i, :] + tk * gn
            g_t[i, :] = gn
            return cc
        lax.fori_loop(0, _RPW, _upd, 0)
        pltpu.sync_copy(g_t, gwork_hbm.at[own])
        xbarrier()
        return c
    lax.fori_loop(0, _K, _hop, 0)

    def _fin(i, c):
        d2 = d2_t[i, :]
        y = jnp.ones((_NC,), jnp.float32)
        for _ in range(20):
            y = y * (1.5 - 0.5 * d2 * y * y)
        acc_t[i, :] = y * acc_t[i, :]
        return c
    lax.fori_loop(0, _RPW, _fin, 0)
    pltpu.sync_copy(acc_t, hidden_hbm.at[own])


_sc_mesh = plsc.VectorSubcoreMesh(core_axis_name="c", subcore_axis_name="s",
                                  num_cores=2, num_subcores=_NS)

_scprop = pl.kernel(
    _sc_body,
    out_type=(jax.ShapeDtypeStruct((_NPAD, _NC), jnp.float32),
              jax.ShapeDtypeStruct((_NPAD, _NC), jnp.float32),
              jax.ShapeDtypeStruct((_NPAD, _NC), jnp.float32)),
    mesh=_sc_mesh,
    scratch_types=[
        pltpu.VMEM((_CPW, _CHUNK), jnp.int32),
        pltpu.VMEM((_CPW, _CHUNK), jnp.int32),
        pltpu.VMEM((_NBUF, _CHUNK, _NC), jnp.float32),
        pltpu.VMEM((_RPW, _NC), jnp.float32),
        pltpu.VMEM((_RPW, _NC), jnp.float32),
        pltpu.VMEM((_RPW, _NC), jnp.float32),
        pltpu.VMEM((_RPW, _NC), jnp.float32),
        pltpu.VMEM((_RPW, _NC), jnp.float32),
        pltpu.VMEM((_ZPT, _NC), jnp.float32),
        pltpu.VMEM((16, 16), jnp.float32),
        pltpu.VMEM_SHARED((_NPAD, _NC), jnp.float32),
        pltpu.SemaphoreType.DMA((_NBUF,)),
        pltpu.SemaphoreType.DMA((_NBUF,)),
        pltpu.SemaphoreType.REGULAR,
    ],
    compiler_params=pltpu.CompilerParams(use_tc_tiling_on_sc=False),
)



def kernel(x, edge_index, W1, b1, W2, b2, temp):
    x = x.astype(jnp.float32)
    row = edge_index[0].astype(jnp.int32)
    col = edge_index[1].astype(jnp.int32)

    nfk = _EPW - _EREAL
    fk = (jnp.arange(_NW * nfk, dtype=jnp.int32) % (_NPAD - _N)) + _N
    fk = fk.reshape(_NW, nfk)
    rows = jnp.concatenate([row.reshape(_NW, _EREAL), fk], axis=1)
    cols = jnp.concatenate([col.reshape(_NW, _EREAL), fk], axis=1)
    rows = rows.reshape(_NW, _CPW, _CHUNK)
    cols = cols.reshape(_NW, _CPW, _CHUNK)

    xp = jnp.pad(x, ((0, _NPAD - _N), (0, 0)))
    temp16 = jnp.pad(temp.astype(jnp.float32), (0, 16 - (_K + 1)))
    tempb = jnp.broadcast_to(temp16[:, None], (16, 16))

    h0 = _mlp(xp, W1, b1.reshape(1, _NH), W2, b2.reshape(1, _NC))
    hidden, _, _ = _scprop(rows, cols, h0, tempb)
    return _logsoftmax(hidden[:_N])

# --- scband reference (transcript-rebuilt; emitter-appended) ---
"""Pipeline reference for scband-gprgnn-21801253994544 (READ-ONLY COPY).

The authoritative reference and input builder live on the scoring server;
editing this copy changes nothing except your own understanding.
"""

import jax, jax.numpy as jnp
import numpy as np

N = 10000
E = 320000
NFEAT = 128
HIDDEN = 256
NCLASS = 16
K = 10
ALPHA = 0.1


def setup_inputs(seed: int = 0) -> dict:
    key = jax.random.key(seed)
    k1, k2, k3, k4 = jax.random.split(key, 4)
    x = jax.random.normal(k1, (N, NFEAT), dtype=jnp.float32)
    edge_index = jax.random.randint(k2, (2, E), 0, N)
    W1 = jax.random.normal(k3, (NFEAT, HIDDEN), dtype=jnp.float32) / np.sqrt(NFEAT)
    b1 = jnp.zeros((HIDDEN,), dtype=jnp.float32)
    W2 = jax.random.normal(k4, (HIDDEN, NCLASS), dtype=jnp.float32) / np.sqrt(HIDDEN)
    b2 = jnp.zeros((NCLASS,), dtype=jnp.float32)
    t = ALPHA * (1.0 - ALPHA) ** np.arange(K + 1)
    t[-1] = (1.0 - ALPHA) ** K
    temp = jnp.asarray(t, dtype=jnp.float32)
    return {"x": x, "edge_index": edge_index, "W1": W1, "b1": b1, "W2": W2, "b2": b2, "temp": temp}


def reference(x, edge_index, W1, b1, W2, b2, temp):
    # MLP part (dropout is identity in eval mode)
    h = jax.nn.relu(x @ W1 + b1)
    h = h @ W2 + b2
    # gcn_norm with self-loops (fill_value=1), symmetric normalization
    row = edge_index[0]
    col = edge_index[1]
    loop = jnp.arange(N, dtype=row.dtype)
    row = jnp.concatenate([row, loop])
    col = jnp.concatenate([col, loop])
    w = jnp.ones((E + N,), dtype=h.dtype)
    deg = jax.ops.segment_sum(w, col, num_segments=N)
    deg_inv_sqrt = jnp.where(deg > 0, deg ** -0.5, 0.0)
    norm = deg_inv_sqrt[row] * w * deg_inv_sqrt[col]
    # GPR propagation: hidden = sum_k temp[k] * A_hat^k h
    hidden = h * temp[0]
    for k in range(K):
        msg = norm[:, None] * h[row]
        h = jax.ops.segment_sum(msg, col, num_segments=N)
        hidden = hidden + temp[k + 1] * h
    return jax.nn.log_softmax(hidden, axis=1)

if __name__ == "__main__":
    import jax
    _d = setup_inputs()
    print(jax.jit(kernel)(*tuple(_d.values())))

</pallas_src>

<mosaic_0001>
#map = affine_map<(d0, d1) -> (0, 0, 0)>
#map1 = affine_map<(d0, d1) -> (0, 0)>
module attributes {stable_mosaic.version = 14 : i64} {
  func.func @_sc_body(%arg0: i32, %arg1: i32, %arg2: memref<32x80x128xi32, #tpu.memory_space<hbm>>, %arg3: memref<32x80x128xi32, #tpu.memory_space<hbm>>, %arg4: memref<10240x16xf32, #tpu.memory_space<hbm>>, %arg5: memref<16x16xf32, #tpu.memory_space<hbm>>, %arg6: memref<10240x16xf32, #tpu.memory_space<hbm>>, %arg7: memref<10240x16xf32, #tpu.memory_space<hbm>>, %arg8: memref<10240x16xf32, #tpu.memory_space<hbm>>, %arg9: memref<80x128xi32, #tpu.memory_space<vmem>>, %arg10: memref<80x128xi32, #tpu.memory_space<vmem>>, %arg11: memref<10x128x16xf32, #tpu.memory_space<vmem>>, %arg12: memref<320x16xf32, #tpu.memory_space<vmem>>, %arg13: memref<320x16xf32, #tpu.memory_space<vmem>>, %arg14: memref<320x16xf32, #tpu.memory_space<vmem>>, %arg15: memref<320x16xf32, #tpu.memory_space<vmem>>, %arg16: memref<320x16xf32, #tpu.memory_space<vmem>>, %arg17: memref<640x16xf32, #tpu.memory_space<vmem>>, %arg18: memref<16x16xf32, #tpu.memory_space<vmem>>, %arg19: memref<10240x16xf32, #tpu.memory_space<vmem_shared>>, %arg20: memref<10x!tpu.dma_semaphore, #tpu.memory_space<semaphore_mem>>, %arg21: memref<10x!tpu.dma_semaphore, #tpu.memory_space<semaphore_mem>>, %arg22: memref<!tpu.semaphore, #tpu.memory_space<semaphore_mem>>) attributes {dimension_semantics = [#tpu.dimension_semantics<core_parallel>, #tpu.dimension_semantics<subcore_parallel>], iteration_bounds = array<i64: 2, 16>, scalar_prefetch = 0 : i64, scratch_operands = 14 : i64, tpu.core_type = #tpu.core_type<sc_vector_subcore>, window_params = [{transform_indices = #map}, {transform_indices = #map}, {transform_indices = #map1}, {transform_indices = #map1}, {transform_indices = #map1}, {transform_indices = #map1}, {transform_indices = #map1}]} {
    %mul3A = arith.constant 16 : i32
    %mul3A_0 = arith.muli %arg0, %mul3A : i32
    %add3A = arith.addi %mul3A_0, %arg1 : i32
    %mul3A_1 = arith.constant 320 : i32
    %mul3A_2 = arith.muli %add3A, %mul3A_1 : i32
    %sub3A = arith.constant 1 : i32
    %sub3A_3 = arith.subi %sub3A, %arg0 : i32
    %mul3A_4 = arith.constant 16 : i32
    %mul3A_5 = arith.muli %sub3A_3, %mul3A_4 : i32
    %add3A_6 = arith.addi %mul3A_5, %arg1 : i32
    %mul3A_7 = arith.constant 320 : i32
    %mul3A_8 = arith.muli %add3A_6, %mul3A_7 : i32
    %mul3A_9 = arith.constant 640 : i32
    %mul3A_10 = arith.muli %arg1, %mul3A_9 : i32
    "tpu.region"() ({
      %run_scoped3A = tpu.sem_alloc : memref<!tpu.dma_semaphore, #tpu.memory_space<semaphore_mem>>
      %dma_start3A_152 = arith.constant 0 : i32
      %dma_start3A_153 = arith.constant 0 : i32
      %dma_start3A_154 = tpu.memref_slice %arg2[%add3A, %dma_start3A_152, %dma_start3A_153] : memref<32x80x128xi32, #tpu.memory_space<hbm>> -> memref<1x80x128xi32, #tpu.memory_space<hbm>>
      %dma_start3A_155 = tpu.memref_squeeze %dma_start3A_154 : memref<1x80x128xi32, #tpu.memory_space<hbm>> -> memref<80x128xi32, #tpu.memory_space<hbm>>
      %dma_start3A_156 = arith.constant 0 : i32
      %dma_start3A_157 = arith.constant 0 : i32
      %dma_start3A_158 = tpu.memref_slice %arg2[%add3A, %dma_start3A_156, %dma_start3A_157] : memref<32x80x128xi32, #tpu.memory_space<hbm>> -> memref<1x80x128xi32, #tpu.memory_space<hbm>>
      %dma_start3A_159 = tpu.memref_squeeze %dma_start3A_158 : memref<1x80x128xi32, #tpu.memory_space<hbm>> -> memref<80x128xi32, #tpu.memory_space<hbm>>
      tpu.enqueue_dma source(%dma_start3A_159 : memref<80x128xi32, #tpu.memory_space<hbm>>) target(%arg9 : memref<80x128xi32, #tpu.memory_space<vmem>>) target_semaphore(%run_scoped3A : memref<!tpu.dma_semaphore, #tpu.memory_space<semaphore_mem>>)
      %dma_wait3A_160 = arith.constant 0 : i32
      %dma_wait3A_161 = arith.constant 0 : i32
      %dma_wait3A_162 = tpu.memref_slice %arg2[%add3A, %dma_wait3A_160, %dma_wait3A_161] : memref<32x80x128xi32, #tpu.memory_space<hbm>> -> memref<1x80x128xi32, #tpu.memory_space<hbm>>
      %dma_wait3A_163 = tpu.memref_squeeze %dma_wait3A_162 : memref<1x80x128xi32, #tpu.memory_space<hbm>> -> memref<80x128xi32, #tpu.memory_space<hbm>>
      %dma_wait3A_164 = arith.constant 0 : i32
      %dma_wait3A_165 = arith.constant 0 : i32
      %dma_wait3A_166 = tpu.memref_slice %arg2[%add3A, %dma_wait3A_164, %dma_wait3A_165] : memref<32x80x128xi32, #tpu.memory_space<hbm>> -> memref<1x80x128xi32, #tpu.memory_space<hbm>>
      %dma_wait3A_167 = tpu.memref_squeeze %dma_wait3A_166 : memref<1x80x128xi32, #tpu.memory_space<hbm>> -> memref<80x128xi32, #tpu.memory_space<hbm>>
      tpu.wait_dma2 semaphore(%run_scoped3A : memref<!tpu.dma_semaphore, #tpu.memory_space<semaphore_mem>>) src(%dma_wait3A_167 : memref<80x128xi32, #tpu.memory_space<hbm>>) dst(%arg9 : memref<80x128xi32, #tpu.memory_space<vmem>>)
      tpu.yield
    }) : () -> ()
    "tpu.region"() ({
      %run_scoped3A = tpu.sem_alloc : memref<!tpu.dma_semaphore, #tpu.memory_space<semaphore_mem>>
      %dma_start3A_152 = arith.constant 0 : i32
      %dma_start3A_153 = arith.constant 0 : i32
      %dma_start3A_154 = tpu.memref_slice %arg3[%add3A, %dma_start3A_152, %dma_start3A_153] : memref<32x80x128xi32, #tpu.memory_space<hbm>> -> memref<1x80x128xi32, #tpu.memory_space<hbm>>
      %dma_start3A_155 = tpu.memref_squeeze %dma_start3A_154 : memref<1x80x128xi32, #tpu.memory_space<hbm>> -> memref<80x128xi32, #tpu.memory_space<hbm>>
      %dma_start3A_156 = arith.constant 0 : i32
      %dma_start3A_157 = arith.constant 0 : i32
      %dma_start3A_158 = tpu.memref_slice %arg3[%add3A, %dma_start3A_156, %dma_start3A_157] : memref<32x80x128xi32, #tpu.memory_space<hbm>> -> memref<1x80x128xi32, #tpu.memory_space<hbm>>
      %dma_start3A_159 = tpu.memref_squeeze %dma_start3A_158 : memref<1x80x128xi32, #tpu.memory_space<hbm>> -> memref<80x128xi32, #tpu.memory_space<hbm>>
      tpu.enqueue_dma source(%dma_start3A_159 : memref<80x128xi32, #tpu.memory_space<hbm>>) target(%arg10 : memref<80x128xi32, #tpu.memory_space<vmem>>) target_semaphore(%run_scoped3A : memref<!tpu.dma_semaphore, #tpu.memory_space<semaphore_mem>>)
      %dma_wait3A_160 = arith.constant 0 : i32
      %dma_wait3A_161 = arith.constant 0 : i32
      %dma_wait3A_162 = tpu.memref_slice %arg3[%add3A, %dma_wait3A_160, %dma_wait3A_161] : memref<32x80x128xi32, #tpu.memory_space<hbm>> -> memref<1x80x128xi32, #tpu.memory_space<hbm>>
      %dma_wait3A_163 = tpu.memref_squeeze %dma_wait3A_162 : memref<1x80x128xi32, #tpu.memory_space<hbm>> -> memref<80x128xi32, #tpu.memory_space<hbm>>
      %dma_wait3A_164 = arith.constant 0 : i32
      %dma_wait3A_165 = arith.constant 0 : i32
      %dma_wait3A_166 = tpu.memref_slice %arg3[%add3A, %dma_wait3A_164, %dma_wait3A_165] : memref<32x80x128xi32, #tpu.memory_space<hbm>> -> memref<1x80x128xi32, #tpu.memory_space<hbm>>
      %dma_wait3A_167 = tpu.memref_squeeze %dma_wait3A_166 : memref<1x80x128xi32, #tpu.memory_space<hbm>> -> memref<80x128xi32, #tpu.memory_space<hbm>>
      tpu.wait_dma2 semaphore(%run_scoped3A : memref<!tpu.dma_semaphore, #tpu.memory_space<semaphore_mem>>) src(%dma_wait3A_167 : memref<80x128xi32, #tpu.memory_space<hbm>>) dst(%arg10 : memref<80x128xi32, #tpu.memory_space<vmem>>)
      tpu.yield
    }) : () -> ()
    "tpu.region"() ({
      %run_scoped3A = tpu.sem_alloc : memref<!tpu.dma_semaphore, #tpu.memory_space<semaphore_mem>>
      tpu.enqueue_dma source(%arg5 : memref<16x16xf32, #tpu.memory_space<hbm>>) target(%arg18 : memref<16x16xf32, #tpu.memory_space<vmem>>) target_semaphore(%run_scoped3A : memref<!tpu.dma_semaphore, #tpu.memory_space<semaphore_mem>>)
      tpu.wait_dma2 semaphore(%run_scoped3A : memref<!tpu.dma_semaphore, #tpu.memory_space<semaphore_mem>>) src(%arg5 : memref<16x16xf32, #tpu.memory_space<hbm>>) dst(%arg18 : memref<16x16xf32, #tpu.memory_space<vmem>>)
      tpu.yield
    }) : () -> ()
    %broadcast_in_dim3A = arith.constant 1.000000e+00 : f32
    %broadcast_in_dim3A_11 = vector.broadcast %broadcast_in_dim3A : f32 to vector<16xf32>
    %broadcast_in_dim3A_12 = arith.constant 0.000000e+00 : f32
    %broadcast_in_dim3A_13 = vector.broadcast %broadcast_in_dim3A_12 : f32 to vector<16xf32>
    %scan3A = arith.constant 0 : i32
    %scan3A_14 = arith.constant 0 : i32
    %scan3A_15 = arith.constant 128 : i32
    %scan3A_16 = arith.addi %scan3A_14, %scan3A_15 : i32
    %scan3A_17 = arith.constant 1 : i32
    scf.for %scan3A_152 = %scan3A_14 to %scan3A_16 step %scan3A_17  : i32 {
      %swap3A = arith.index_cast %scan3A_152 : i32 to index
      %swap3A_153 = arith.constant 0 : index
      %swap3A_154 = tpu.vector_load %arg15[%swap3A, %swap3A_153] {strides = array<i32>} : memref<320x16xf32, #tpu.memory_space<vmem>>, vector<1x16xf32>,
      %swap3A_155 = vector.shape_cast %swap3A_154 : vector<1x16xf32> to vector<16xf32>
      %swap3A_156 = vector.shape_cast %broadcast_in_dim3A_11 : vector<16xf32> to vector<1x16xf32>
      tpu.vector_store %arg15[%swap3A, %swap3A_153], %swap3A_156 {strides = array<i32>} : memref<320x16xf32, #tpu.memory_space<vmem>>, vector<1x16xf32>,
    }
    %scan3A_18 = arith.constant 128 : i32
    %eq3A = arith.constant 0 : i32
    %eq3A_19 = arith.cmpi eq, %arg0, %eq3A : i32
    %convert_element_type3A = arith.extui %eq3A_19 : i1 to i32
    %cond3A = arith.constant 0 : i32
    %cond3A_20 = arith.cmpi ne, %convert_element_type3A, %cond3A : i32
    scf.if %cond3A_20 {
      %scan3A_152 = arith.constant 0 : i32
      %scan3A_153 = arith.constant 0 : i32
      %scan3A_154 = arith.constant 640 : i32
      %scan3A_155 = arith.addi %scan3A_153, %scan3A_154 : i32
      %scan3A_156 = arith.constant 1 : i32
      scf.for %scan3A_158 = %scan3A_153 to %scan3A_155 step %scan3A_156  : i32 {
        %swap3A = arith.index_cast %scan3A_158 : i32 to index
        %swap3A_159 = arith.constant 0 : index
        %swap3A_160 = tpu.vector_load %arg17[%swap3A, %swap3A_159] {strides = array<i32>} : memref<640x16xf32, #tpu.memory_space<vmem>>, vector<1x16xf32>,
        %swap3A_161 = vector.shape_cast %swap3A_160 : vector<1x16xf32> to vector<16xf32>
        %swap3A_162 = vector.shape_cast %broadcast_in_dim3A_11 : vector<16xf32> to vector<1x16xf32>
        tpu.vector_store %arg17[%swap3A, %swap3A_159], %swap3A_162 {strides = array<i32>} : memref<640x16xf32, #tpu.memory_space<vmem>>, vector<1x16xf32>,
      }
      %scan3A_157 = arith.constant 640 : i32
    } else {
    }
    %eq3A_21 = arith.constant 1 : i32
    %eq3A_22 = arith.cmpi eq, %arg0, %eq3A_21 : i32
    %convert_element_type3A_23 = arith.extui %eq3A_22 : i1 to i32
    %cond3A_24 = arith.constant 0 : i32
    %cond3A_25 = arith.cmpi ne, %convert_element_type3A_23, %cond3A_24 : i32
    scf.if %cond3A_25 {
      %scan3A_152 = arith.constant 0 : i32
      %scan3A_153 = arith.constant 0 : i32
      %scan3A_154 = arith.constant 640 : i32
      %scan3A_155 = arith.addi %scan3A_153, %scan3A_154 : i32
      %scan3A_156 = arith.constant 1 : i32
      scf.for %scan3A_158 = %scan3A_153 to %scan3A_155 step %scan3A_156  : i32 {
        %swap3A = arith.index_cast %scan3A_158 : i32 to index
        %swap3A_159 = arith.constant 0 : index
        %swap3A_160 = tpu.vector_load %arg17[%swap3A, %swap3A_159] {strides = array<i32>} : memref<640x16xf32, #tpu.memory_space<vmem>>, vector<1x16xf32>,
        %swap3A_161 = vector.shape_cast %swap3A_160 : vector<1x16xf32> to vector<16xf32>
        %swap3A_162 = vector.shape_cast %broadcast_in_dim3A_13 : vector<16xf32> to vector<1x16xf32>
        tpu.vector_store %arg17[%swap3A, %swap3A_159], %swap3A_162 {strides = array<i32>} : memref<640x16xf32, #tpu.memory_space<vmem>>, vector<1x16xf32>,
      }
      %scan3A_157 = arith.constant 640 : i32
    } else {
    }
    "tpu.region"() ({
      %run_scoped3A = tpu.sem_alloc : memref<!tpu.dma_semaphore, #tpu.memory_space<semaphore_mem>>
      %dma_start3A_152 = arith.constant 0 : i32
      %dma_start3A_153 = tpu.memref_slice %arg19[%mul3A_10, %dma_start3A_152] : memref<10240x16xf32, #tpu.memory_space<vmem_shared>> -> memref<640x16xf32, #tpu.memory_space<vmem_shared>>
      %dma_start3A_154 = arith.constant 0 : i32
      %dma_start3A_155 = tpu.memref_slice %arg19[%mul3A_10, %dma_start3A_154] : memref<10240x16xf32, #tpu.memory_space<vmem_shared>> -> memref<640x16xf32, #tpu.memory_space<vmem_shared>>
      tpu.enqueue_dma source(%arg17 : memref<640x16xf32, #tpu.memory_space<vmem>>) target(%dma_start3A_155 : memref<640x16xf32, #tpu.memory_space<vmem_shared>>) target_semaphore(%run_scoped3A : memref<!tpu.dma_semaphore, #tpu.memory_space<semaphore_mem>>)
      %dma_wait3A_156 = arith.constant 0 : i32
      %dma_wait3A_157 = tpu.memref_slice %arg19[%mul3A_10, %dma_wait3A_156] : memref<10240x16xf32, #tpu.memory_space<vmem_shared>> -> memref<640x16xf32, #tpu.memory_space<vmem_shared>>
      %dma_wait3A_158 = arith.constant 0 : i32
      %dma_wait3A_159 = tpu.memref_slice %arg19[%mul3A_10, %dma_wait3A_158] : memref<10240x16xf32, #tpu.memory_space<vmem_shared>> -> memref<640x16xf32, #tpu.memory_space<vmem_shared>>
      tpu.wait_dma2 semaphore(%run_scoped3A : memref<!tpu.dma_semaphore, #tpu.memory_space<semaphore_mem>>) src(%arg17 : memref<640x16xf32, #tpu.memory_space<vmem>>) dst(%dma_wait3A_159 : memref<640x16xf32, #tpu.memory_space<vmem_shared>>)
      tpu.yield
    }) : () -> ()
    %eq3A_26 = arith.constant 0 : i32
    %eq3A_27 = arith.cmpi eq, %arg0, %eq3A_26 : i32
    %convert_element_type3A_28 = arith.extui %eq3A_27 : i1 to i32
    %cond3A_29 = arith.constant 0 : i32
    %cond3A_30 = arith.cmpi ne, %convert_element_type3A_28, %cond3A_29 : i32
    scf.if %cond3A_30 {
      %scan3A_152 = arith.constant 0 : i32
      %scan3A_153 = arith.constant 0 : i32
      %scan3A_154 = arith.constant 640 : i32
      %scan3A_155 = arith.addi %scan3A_153, %scan3A_154 : i32
      %scan3A_156 = arith.constant 1 : i32
      scf.for %scan3A_158 = %scan3A_153 to %scan3A_155 step %scan3A_156  : i32 {
        %swap3A = arith.index_cast %scan3A_158 : i32 to index
        %swap3A_159 = arith.constant 0 : index
        %swap3A_160 = tpu.vector_load %arg17[%swap3A, %swap3A_159] {strides = array<i32>} : memref<640x16xf32, #tpu.memory_space<vmem>>, vector<1x16xf32>,
        %swap3A_161 = vector.shape_cast %swap3A_160 : vector<1x16xf32> to vector<16xf32>
        %swap3A_162 = vector.shape_cast %broadcast_in_dim3A_13 : vector<16xf32> to vector<1x16xf32>
        tpu.vector_store %arg17[%swap3A, %swap3A_159], %swap3A_162 {strides = array<i32>} : memref<640x16xf32, #tpu.memory_space<vmem>>, vector<1x16xf32>,
      }
      %scan3A_157 = arith.constant 640 : i32
    } else {
    }
    %barrier3A = arith.constant 0 : index
    tpu.barrier barrier_id(%barrier3A)
    %scan3A_31 = arith.constant 0 : i32
    %scan3A_32 = arith.constant 0 : i32
    %scan3A_33 = arith.constant 8 : i32
    %scan3A_34 = arith.addi %scan3A_32, %scan3A_33 : i32
    %scan3A_35 = arith.constant 1 : i32
    scf.for %scan3A_152 = %scan3A_32 to %scan3A_34 step %scan3A_35  : i32 {
      %mul3A_153 = arith.constant 10 : i32
      %mul3A_154 = arith.muli %scan3A_152, %mul3A_153 : i32
      %add3A_155 = arith.constant 0 : i32
      %add3A_156 = arith.addi %mul3A_154, %add3A_155 : i32
      %dma_start3A_157 = arith.constant 0 : i32
      %dma_start3A_158 = arith.constant 0 : i32
      %dma_start3A_159 = arith.constant 0 : i32
      %dma_start3A_160 = tpu.memref_slice %arg15[%dma_start3A_158, %dma_start3A_159] : memref<320x16xf32, #tpu.memory_space<vmem>> -> memref<128x16xf32, #tpu.memory_space<vmem>>
      %dma_start3A_161 = arith.constant 0 : i32
      %dma_start3A_162 = tpu.memref_slice %arg10[%add3A_156, %dma_start3A_161] : memref<80x128xi32, #tpu.memory_space<vmem>> -> memref<1x128xi32, #tpu.memory_space<vmem>>
      %dma_start3A_163 = tpu.memref_squeeze %dma_start3A_162 : memref<1x128xi32, #tpu.memory_space<vmem>> -> memref<128xi32, #tpu.memory_space<vmem>>
      %dma_start3A_164 = arith.constant 0 : i32
      %dma_start3A_165 = arith.constant 0 : i32
      %dma_start3A_166 = tpu.memref_slice %arg19[%dma_start3A_164, %dma_start3A_165] : memref<10240x16xf32, #tpu.memory_space<vmem_shared>> -> memref<10240x16xf32, #tpu.memory_space<vmem_shared>>
      %dma_start3A_167 = tpu.memref_slice %arg21[%dma_start3A_157] : memref<10x!tpu.dma_semaphore, #tpu.memory_space<semaphore_mem>> -> memref<1x!tpu.dma_semaphore, #tpu.memory_space<semaphore_mem>>
      %dma_start3A_168 = tpu.memref_squeeze %dma_start3A_167 : memref<1x!tpu.dma_semaphore, #tpu.memory_space<semaphore_mem>> -> memref<!tpu.dma_semaphore, #tpu.memory_space<semaphore_mem>>
      tpu.enqueue_indirect_dma source(%dma_start3A_160 : memref<128x16xf32, #tpu.memory_space<vmem>>) target(%dma_start3A_166 : memref<10240x16xf32, #tpu.memory_space<vmem_shared>>) offsets(%dma_start3A_163 : memref<128xi32, #tpu.memory_space<vmem>>) semaphore(%dma_start3A_168 : memref<!tpu.dma_semaphore, #tpu.memory_space<semaphore_mem>>) {add = true}
      %mul3A_169 = arith.constant 10 : i32
      %mul3A_170 = arith.muli %scan3A_152, %mul3A_169 : i32
      %add3A_171 = arith.constant 1 : i32
      %add3A_172 = arith.addi %mul3A_170, %add3A_171 : i32
      %dma_start3A_173 = arith.constant 0 : i32
      %dma_start3A_174 = arith.constant 0 : i32
      %dma_start3A_175 = arith.constant 0 : i32
      %dma_start3A_176 = tpu.memref_slice %arg15[%dma_start3A_174, %dma_start3A_175] : memref<320x16xf32, #tpu.memory_space<vmem>> -> memref<128x16xf32, #tpu.memory_space<vmem>>
      %dma_start3A_177 = arith.constant 0 : i32
      %dma_start3A_178 = tpu.memref_slice %arg10[%add3A_172, %dma_start3A_177] : memref<80x128xi32, #tpu.memory_space<vmem>> -> memref<1x128xi32, #tpu.memory_space<vmem>>
      %dma_start3A_179 = tpu.memref_squeeze %dma_start3A_178 : memref<1x128xi32, #tpu.memory_space<vmem>> -> memref<128xi32, #tpu.memory_space<vmem>>
      %dma_start3A_180 = arith.constant 0 : i32
      %dma_start3A_181 = arith.constant 0 : i32
      %dma_start3A_182 = tpu.memref_slice %arg19[%dma_start3A_180, %dma_start3A_181] : memref<10240x16xf32, #tpu.memory_space<vmem_shared>> -> memref<10240x16xf32, #tpu.memory_space<vmem_shared>>
      %dma_start3A_183 = tpu.memref_slice %arg21[%dma_start3A_173] : memref<10x!tpu.dma_semaphore, #tpu.memory_space<semaphore_mem>> -> memref<1x!tpu.dma_semaphore, #tpu.memory_space<semaphore_mem>>
      %dma_start3A_184 = tpu.memref_squeeze %dma_start3A_183 : memref<1x!tpu.dma_semaphore, #tpu.memory_space<semaphore_mem>> -> memref<!tpu.dma_semaphore, #tpu.memory_space<semaphore_mem>>
      tpu.enqueue_indirect_dma source(%dma_start3A_176 : memref<128x16xf32, #tpu.memory_space<vmem>>) target(%dma_start3A_182 : memref<10240x16xf32, #tpu.memory_space<vmem_shared>>) offsets(%dma_start3A_179 : memref<128xi32, #tpu.memory_space<vmem>>) semaphore(%dma_start3A_184 : memref<!tpu.dma_semaphore, #tpu.memory_space<semaphore_mem>>) {add = true}
      %mul3A_185 = arith.constant 10 : i32
      %mul3A_186 = arith.muli %scan3A_152, %mul3A_185 : i32
      %add3A_187 = arith.constant 2 : i32
      %add3A_188 = arith.addi %mul3A_186, %add3A_187 : i32
      %dma_start3A_189 = arith.constant 0 : i32
      %dma_start3A_190 = arith.constant 0 : i32
      %dma_start3A_191 = arith.constant 0 : i32
      %dma_start3A_192 = tpu.memref_slice %arg15[%dma_start3A_190, %dma_start3A_191] : memref<320x16xf32, #tpu.memory_space<vmem>> -> memref<128x16xf32, #tpu.memory_space<vmem>>
      %dma_start3A_193 = arith.constant 0 : i32
      %dma_start3A_194 = tpu.memref_slice %arg10[%add3A_188, %dma_start3A_193] : memref<80x128xi32, #tpu.memory_space<vmem>> -> memref<1x128xi32, #tpu.memory_space<vmem>>
      %dma_start3A_195 = tpu.memref_squeeze %dma_start3A_194 : memref<1x128xi32, #tpu.memory_space<vmem>> -> memref<128xi32, #tpu.memory_space<vmem>>
      %dma_start3A_196 = arith.constant 0 : i32
      %dma_start3A_197 = arith.constant 0 : i32
      %dma_start3A_198 = tpu.memref_slice %arg19[%dma_start3A_196, %dma_start3A_197] : memref<10240x16xf32, #tpu.memory_space<vmem_shared>> -> memref<10240x16xf32, #tpu.memory_space<vmem_shared>>
      %dma_start3A_199 = tpu.memref_slice %arg21[%dma_start3A_189] : memref<10x!tpu.dma_semaphore, #tpu.memory_space<semaphore_mem>> -> memref<1x!tpu.dma_semaphore, #tpu.memory_space<semaphore_mem>>
      %dma_start3A_200 = tpu.memref_squeeze %dma_start3A_199 : memref<1x!tpu.dma_semaphore, #tpu.memory_space<semaphore_mem>> -> memref<!tpu.dma_semaphore, #tpu.memory_space<semaphore_mem>>
      tpu.enqueue_indirect_dma source(%dma_start3A_192 : memref<128x16xf32, #tpu.memory_space<vmem>>) target(%dma_start3A_198 : memref<10240x16xf32, #tpu.memory_space<vmem_shared>>) offsets(%dma_start3A_195 : memref<128xi32, #tpu.memory_space<vmem>>) semaphore(%dma_start3A_200 : memref<!tpu.dma_semaphore, #tpu.memory_space<semaphore_mem>>) {add = true}
      %mul3A_201 = arith.constant 10 : i32
      %mul3A_202 = arith.muli %scan3A_152, %mul3A_201 : i32
      %add3A_203 = arith.constant 3 : i32
      %add3A_204 = arith.addi %mul3A_202, %add3A_203 : i32
      %dma_start3A_205 = arith.constant 0 : i32
      %dma_start3A_206 = arith.constant 0 : i32
      %dma_start3A_207 = arith.constant 0 : i32
      %dma_start3A_208 = tpu.memref_slice %arg15[%dma_start3A_206, %dma_start3A_207] : memref<320x16xf32, #tpu.memory_space<vmem>> -> memref<128x16xf32, #tpu.memory_space<vmem>>
      %dma_start3A_209 = arith.constant 0 : i32
      %dma_start3A_210 = tpu.memref_slice %arg10[%add3A_204, %dma_start3A_209] : memref<80x128xi32, #tpu.memory_space<vmem>> -> memref<1x128xi32, #tpu.memory_space<vmem>>
      %dma_start3A_211 = tpu.memref_squeeze %dma_start3A_210 : memref<1x128xi32, #tpu.memory_space<vmem>> -> memref<128xi32, #tpu.memory_space<vmem>>
      %dma_start3A_212 = arith.constant 0 : i32
      %dma_start3A_213 = arith.constant 0 : i32
      %dma_start3A_214 = tpu.memref_slice %arg19[%dma_start3A_212, %dma_start3A_213] : memref<10240x16xf32, #tpu.memory_space<vmem_shared>> -> memref<10240x16xf32, #tpu.memory_space<vmem_shared>>
      %dma_start3A_215 = tpu.memref_slice %arg21[%dma_start3A_205] : memref<10x!tpu.dma_semaphore, #tpu.memory_space<semaphore_mem>> -> memref<1x!tpu.dma_semaphore, #tpu.memory_space<semaphore_mem>>
      %dma_start3A_216 = tpu.memref_squeeze %dma_start3A_215 : memref<1x!tpu.dma_semaphore, #tpu.memory_space<semaphore_mem>> -> memref<!tpu.dma_semaphore, #tpu.memory_space<semaphore_mem>>
      tpu.enqueue_indirect_dma source(%dma_start3A_208 : memref<128x16xf32, #tpu.memory_space<vmem>>) target(%dma_start3A_214 : memref<10240x16xf32, #tpu.memory_space<vmem_shared>>) offsets(%dma_start3A_211 : memref<128xi32, #tpu.memory_space<vmem>>) semaphore(%dma_start3A_216 : memref<!tpu.dma_semaphore, #tpu.memory_space<semaphore_mem>>) {add = true}
      %mul3A_217 = arith.constant 10 : i32
      %mul3A_218 = arith.muli %scan3A_152, %mul3A_217 : i32
      %add3A_219 = arith.constant 4 : i32
      %add3A_220 = arith.addi %mul3A_218, %add3A_219 : i32
      %dma_start3A_221 = arith.constant 0 : i32
      %dma_start3A_222 = arith.constant 0 : i32
      %dma_start3A_223 = arith.constant 0 : i32
      %dma_start3A_224 = tpu.memref_slice %arg15[%dma_start3A_222, %dma_start3A_223] : memref<320x16xf32, #tpu.memory_space<vmem>> -> memref<128x16xf32, #tpu.memory_space<vmem>>
      %dma_start3A_225 = arith.constant 0 : i32
      %dma_start3A_226 = tpu.memref_slice %arg10[%add3A_220, %dma_start3A_225] : memref<80x128xi32, #tpu.memory_space<vmem>> -> memref<1x128xi32, #tpu.memory_space<vmem>>
      %dma_start3A_227 = tpu.memref_squeeze %dma_start3A_226 : memref<1x128xi32, #tpu.memory_space<vmem>> -> memref<128xi32, #tpu.memory_space<vmem>>
      %dma_start3A_228 = arith.constant 0 : i32
      %dma_start3A_229 = arith.constant 0 : i32
      %dma_start3A_230 = tpu.memref_slice %arg19[%dma_start3A_228, %dma_start3A_229] : memref<10240x16xf32, #tpu.memory_space<vmem_shared>> -> memref<10240x16xf32, #tpu.memory_space<vmem_shared>>
      %dma_start3A_231 = tpu.memref_slice %arg21[%dma_start3A_221] : memref<10x!tpu.dma_semaphore, #tpu.memory_space<semaphore_mem>> -> memref<1x!tpu.dma_semaphore, #tpu.memory_space<semaphore_mem>>
      %dma_start3A_232 = tpu.memref_squeeze %dma_start3A_231 : memref<1x!tpu.dma_semaphore, #tpu.memory_space<semaphore_mem>> -> memref<!tpu.dma_semaphore, #tpu.memory_space<semaphore_mem>>
      tpu.enqueue_indirect_dma source(%dma_start3A_224 : memref<128x16xf32, #tpu.memory_space<vmem>>) target(%dma_start3A_230 : memref<10240x16xf32, #tpu.memory_space<vmem_shared>>) offsets(%dma_start3A_227 : memref<128xi32, #tpu.memory_space<vmem>>) semaphore(%dma_start3A_232 : memref<!tpu.dma_semaphore, #tpu.memory_space<semaphore_mem>>) {add = true}
      %mul3A_233 = arith.constant 10 : i32
      %mul3A_234 = arith.muli %scan3A_152, %mul3A_233 : i32
      %add3A_235 = arith.constant 5 : i32
      %add3A_236 = arith.addi %mul3A_234, %add3A_235 : i32
      %dma_start3A_237 = arith.constant 0 : i32
      %dma_start3A_238 = arith.constant 0 : i32
      %dma_start3A_239 = arith.constant 0 : i32
      %dma_start3A_240 = tpu.memref_slice %arg15[%dma_start3A_238, %dma_start3A_239] : memref<320x16xf32, #tpu.memory_space<vmem>> -> memref<128x16xf32, #tpu.memory_space<vmem>>
      %dma_start3A_241 = arith.constant 0 : i32
      %dma_start3A_242 = tpu.memref_slice %arg10[%add3A_236, %dma_start3A_241] : memref<80x128xi32, #tpu.memory_space<vmem>> -> memref<1x128xi32, #tpu.memory_space<vmem>>
      %dma_start3A_243 = tpu.memref_squeeze %dma_start3A_242 : memref<1x128xi32, #tpu.memory_space<vmem>> -> memref<128xi32, #tpu.memory_space<vmem>>
      %dma_start3A_244 = arith.constant 0 : i32
      %dma_start3A_245 = arith.constant 0 : i32
      %dma_start3A_246 = tpu.memref_slice %arg19[%dma_start3A_244, %dma_start3A_245] : memref<10240x16xf32, #tpu.memory_space<vmem_shared>> -> memref<10240x16xf32, #tpu.memory_space<vmem_shared>>
      %dma_start3A_247 = tpu.memref_slice %arg21[%dma_start3A_237] : memref<10x!tpu.dma_semaphore, #tpu.memory_space<semaphore_mem>> -> memref<1x!tpu.dma_semaphore, #tpu.memory_space<semaphore_mem>>
      %dma_start3A_248 = tpu.memref_squeeze %dma_start3A_247 : memref<1x!tpu.dma_semaphore, #tpu.memory_space<semaphore_mem>> -> memref<!tpu.dma_semaphore, #tpu.memory_space<semaphore_mem>>
      tpu.enqueue_indirect_dma source(%dma_start3A_240 : memref<128x16xf32, #tpu.memory_space<vmem>>) target(%dma_start3A_246 : memref<10240x16xf32, #tpu.memory_space<vmem_shared>>) offsets(%dma_start3A_243 : memref<128xi32, #tpu.memory_space<vmem>>) semaphore(%dma_start3A_248 : memref<!tpu.dma_semaphore, #tpu.memory_space<semaphore_mem>>) {add = true}
      %mul3A_249 = arith.constant 10 : i32
      %mul3A_250 = arith.muli %scan3A_152, %mul3A_249 : i32
      %add3A_251 = arith.constant 6 : i32
      %add3A_252 = arith.addi %mul3A_250, %add3A_251 : i32
      %dma_start3A_253 = arith.constant 0 : i32
      %dma_start3A_254 = arith.constant 0 : i32
      %dma_start3A_255 = arith.constant 0 : i32
      %dma_start3A_256 = tpu.memref_slice %arg15[%dma_start3A_254, %dma_start3A_255] : memref<320x16xf32, #tpu.memory_space<vmem>> -> memref<128x16xf32, #tpu.memory_space<vmem>>
      %dma_start3A_257 = arith.constant 0 : i32
      %dma_start3A_258 = tpu.memref_slice %arg10[%add3A_252, %dma_start3A_257] : memref<80x128xi32, #tpu.memory_space<vmem>> -> memref<1x128xi32, #tpu.memory_space<vmem>>
      %dma_start3A_259 = tpu.memref_squeeze %dma_start3A_258 : memref<1x128xi32, #tpu.memory_space<vmem>> -> memref<128xi32, #tpu.memory_space<vmem>>
      %dma_start3A_260 = arith.constant 0 : i32
      %dma_start3A_261 = arith.constant 0 : i32
      %dma_start3A_262 = tpu.memref_slice %arg19[%dma_start3A_260, %dma_start3A_261] : memref<10240x16xf32, #tpu.memory_space<vmem_shared>> -> memref<10240x16xf32, #tpu.memory_space<vmem_shared>>
      %dma_start3A_263 = tpu.memref_slice %arg21[%dma_start3A_253] : memref<10x!tpu.dma_semaphore, #tpu.memory_space<semaphore_mem>> -> memref<1x!tpu.dma_semaphore, #tpu.memory_space<semaphore_mem>>
      %dma_start3A_264 = tpu.memref_squeeze %dma_start3A_263 : memref<1x!tpu.dma_semaphore, #tpu.memory_space<semaphore_mem>> -> memref<!tpu.dma_semaphore, #tpu.memory_space<semaphore_mem>>
      tpu.enqueue_indirect_dma source(%dma_start3A_256 : memref<128x16xf32, #tpu.memory_space<vmem>>) target(%dma_start3A_262 : memref<10240x16xf32, #tpu.memory_space<vmem_shared>>) offsets(%dma_start3A_259 : memref<128xi32, #tpu.memory_space<vmem>>) semaphore(%dma_start3A_264 : memref<!tpu.dma_semaphore, #tpu.memory_space<semaphore_mem>>) {add = true}
      %mul3A_265 = arith.constant 10 : i32
      %mul3A_266 = arith.muli %scan3A_152, %mul3A_265 : i32
      %add3A_267 = arith.constant 7 : i32
      %add3A_268 = arith.addi %mul3A_266, %add3A_267 : i32
      %dma_start3A_269 = arith.constant 0 : i32
      %dma_start3A_270 = arith.constant 0 : i32
      %dma_start3A_271 = arith.constant 0 : i32
      %dma_start3A_272 = tpu.memref_slice %arg15[%dma_start3A_270, %dma_start3A_271] : memref<320x16xf32, #tpu.memory_space<vmem>> -> memref<128x16xf32, #tpu.memory_space<vmem>>
      %dma_start3A_273 = arith.constant 0 : i32
      %dma_start3A_274 = tpu.memref_slice %arg10[%add3A_268, %dma_start3A_273] : memref<80x128xi32, #tpu.memory_space<vmem>> -> memref<1x128xi32, #tpu.memory_space<vmem>>
      %dma_start3A_275 = tpu.memref_squeeze %dma_start3A_274 : memref<1x128xi32, #tpu.memory_space<vmem>> -> memref<128xi32, #tpu.memory_space<vmem>>
      %dma_start3A_276 = arith.constant 0 : i32
      %dma_start3A_277 = arith.constant 0 : i32
      %dma_start3A_278 = tpu.memref_slice %arg19[%dma_start3A_276, %dma_start3A_277] : memref<10240x16xf32, #tpu.memory_space<vmem_shared>> -> memref<10240x16xf32, #tpu.memory_space<vmem_shared>>
      %dma_start3A_279 = tpu.memref_slice %arg21[%dma_start3A_269] : memref<10x!tpu.dma_semaphore, #tpu.memory_space<semaphore_mem>> -> memref<1x!tpu.dma_semaphore, #tpu.memory_space<semaphore_mem>>
      %dma_start3A_280 = tpu.memref_squeeze %dma_start3A_279 : memref<1x!tpu.dma_semaphore, #tpu.memory_space<semaphore_mem>> -> memref<!tpu.dma_semaphore, #tpu.memory_space<semaphore_mem>>
      tpu.enqueue_indirect_dma source(%dma_start3A_272 : memref<128x16xf32, #tpu.memory_space<vmem>>) target(%dma_start3A_278 : memref<10240x16xf32, #tpu.memory_space<vmem_shared>>) offsets(%dma_start3A_275 : memref<128xi32, #tpu.memory_space<vmem>>) semaphore(%dma_start3A_280 : memref<!tpu.dma_semaphore, #tpu.memory_space<semaphore_mem>>) {add = true}
      %mul3A_281 = arith.constant 10 : i32
      %mul3A_282 = arith.muli %scan3A_152, %mul3A_281 : i32
      %add3A_283 = arith.constant 8 : i32
      %add3A_284 = arith.addi %mul3A_282, %add3A_283 : i32
      %dma_start3A_285 = arith.constant 0 : i32
      %dma_start3A_286 = arith.constant 0 : i32
      %dma_start3A_287 = arith.constant 0 : i32
      %dma_start3A_288 = tpu.memref_slice %arg15[%dma_start3A_286, %dma_start3A_287] : memref<320x16xf32, #tpu.memory_space<vmem>> -> memref<128x16xf32, #tpu.memory_space<vmem>>
      %dma_start3A_289 = arith.constant 0 : i32
      %dma_start3A_290 = tpu.memref_slice %arg10[%add3A_284, %dma_start3A_289] : memref<80x128xi32, #tpu.memory_space<vmem>> -> memref<1x128xi32, #tpu.memory_space<vmem>>
      %dma_start3A_291 = tpu.memref_squeeze %dma_start3A_290 : memref<1x128xi32, #tpu.memory_space<vmem>> -> memref<128xi32, #tpu.memory_space<vmem>>
      %dma_start3A_292 = arith.constant 0 : i32
      %dma_start3A_293 = arith.constant 0 : i32
      %dma_start3A_294 = tpu.memref_slice %arg19[%dma_start3A_292, %dma_start3A_293] : memref<10240x16xf32, #tpu.memory_space<vmem_shared>> -> memref<10240x16xf32, #tpu.memory_space<vmem_shared>>
      %dma_start3A_295 = tpu.memref_slice %arg21[%dma_start3A_285] : memref<10x!tpu.dma_semaphore, #tpu.memory_space<semaphore_mem>> -> memref<1x!tpu.dma_semaphore, #tpu.memory_space<semaphore_mem>>
      %dma_start3A_296 = tpu.memref_squeeze %dma_start3A_295 : memref<1x!tpu.dma_semaphore, #tpu.memory_space<semaphore_mem>> -> memref<!tpu.dma_semaphore, #tpu.memory_space<semaphore_mem>>
      tpu.enqueue_indirect_dma source(%dma_start3A_288 : memref<128x16xf32, #tpu.memory_space<vmem>>) target(%dma_start3A_294 : memref<10240x16xf32, #tpu.memory_space<vmem_shared>>) offsets(%dma_start3A_291 : memref<128xi32, #tpu.memory_space<vmem>>) semaphore(%dma_start3A_296 : memref<!tpu.dma_semaphore, #tpu.memory_space<semaphore_mem>>) {add = true}
      %mul3A_297 = arith.constant 10 : i32
      %mul3A_298 = arith.muli %scan3A_152, %mul3A_297 : i32
      %add3A_299 = arith.constant 9 : i32
      %add3A_300 = arith.addi %mul3A_298, %add3A_299 : i32
      %dma_start3A_301 = arith.constant 0 : i32
      %dma_start3A_302 = arith.constant 0 : i32
      %dma_start3A_303 = arith.constant 0 : i32
      %dma_start3A_304 = tpu.memref_slice %arg15[%dma_start3A_302, %dma_start3A_303] : memref<320x16xf32, #tpu.memory_space<vmem>> -> memref<128x16xf32, #tpu.memory_space<vmem>>
      %dma_start3A_305 = arith.constant 0 : i32
      %dma_start3A_306 = tpu.memref_slice %arg10[%add3A_300, %dma_start3A_305] : memref<80x128xi32, #tpu.memory_space<vmem>> -> memref<1x128xi32, #tpu.memory_space<vmem>>
      %dma_start3A_307 = tpu.memref_squeeze %dma_start3A_306 : memref<1x128xi32, #tpu.memory_space<vmem>> -> memref<128xi32, #tpu.memory_space<vmem>>
      %dma_start3A_308 = arith.constant 0 : i32
      %dma_start3A_309 = arith.constant 0 : i32
      %dma_start3A_310 = tpu.memref_slice %arg19[%dma_start3A_308, %dma_start3A_309] : memref<10240x16xf32, #tpu.memory_space<vmem_shared>> -> memref<10240x16xf32, #tpu.memory_space<vmem_shared>>
      %dma_start3A_311 = tpu.memref_slice %arg21[%dma_start3A_301] : memref<10x!tpu.dma_semaphore, #tpu.memory_space<semaphore_mem>> -> memref<1x!tpu.dma_semaphore, #tpu.memory_space<semaphore_mem>>
      %dma_start3A_312 = tpu.memref_squeeze %dma_start3A_311 : memref<1x!tpu.dma_semaphore, #tpu.memory_space<semaphore_mem>> -> memref<!tpu.dma_semaphore, #tpu.memory_space<semaphore_mem>>
      tpu.enqueue_indirect_dma source(%dma_start3A_304 : memref<128x16xf32, #tpu.memory_space<vmem>>) target(%dma_start3A_310 : memref<10240x16xf32, #tpu.memory_space<vmem_shared>>) offsets(%dma_start3A_307 : memref<128xi32, #tpu.memory_space<vmem>>) semaphore(%dma_start3A_312 : memref<!tpu.dma_semaphore, #tpu.memory_space<semaphore_mem>>) {add = true}
      %mul3A_313 = arith.constant 10 : i32
      %mul3A_314 = arith.muli %scan3A_152, %mul3A_313 : i32
      %add3A_315 = arith.constant 0 : i32
      %add3A_316 = arith.addi %mul3A_314, %add3A_315 : i32
      %dma_wait3A_317 = arith.constant 0 : i32
      %dma_wait3A_318 = arith.constant 0 : i32
      %dma_wait3A_319 = arith.constant 0 : i32
      %dma_wait3A_320 = tpu.memref_slice %arg15[%dma_wait3A_318, %dma_wait3A_319] : memref<320x16xf32, #tpu.memory_space<vmem>> -> memref<128x16xf32, #tpu.memory_space<vmem>>
      %dma_wait3A_321 = arith.constant 0 : i32
      %dma_wait3A_322 = tpu.memref_slice %arg10[%add3A_316, %dma_wait3A_321] : memref<80x128xi32, #tpu.memory_space<vmem>> -> memref<1x128xi32, #tpu.memory_space<vmem>>
      %dma_wait3A_323 = tpu.memref_squeeze %dma_wait3A_322 : memref<1x128xi32, #tpu.memory_space<vmem>> -> memref<128xi32, #tpu.memory_space<vmem>>
      %dma_wait3A_324 = arith.constant 0 : i32
      %dma_wait3A_325 = arith.constant 0 : i32
      %dma_wait3A_326 = tpu.memref_slice %arg19[%dma_wait3A_324, %dma_wait3A_325] : memref<10240x16xf32, #tpu.memory_space<vmem_shared>> -> memref<10240x16xf32, #tpu.memory_space<vmem_shared>>
      %dma_wait3A_327 = tpu.memref_slice %arg21[%dma_wait3A_317] : memref<10x!tpu.dma_semaphore, #tpu.memory_space<semaphore_mem>> -> memref<1x!tpu.dma_semaphore, #tpu.memory_space<semaphore_mem>>
      %dma_wait3A_328 = tpu.memref_squeeze %dma_wait3A_327 : memref<1x!tpu.dma_semaphore, #tpu.memory_space<semaphore_mem>> -> memref<!tpu.dma_semaphore, #tpu.memory_space<semaphore_mem>>
      tpu.wait_indirect_dma semaphore(%dma_wait3A_328 : memref<!tpu.dma_semaphore, #tpu.memory_space<semaphore_mem>>) src(%dma_wait3A_320 : memref<128x16xf32, #tpu.memory_space<vmem>>) dst(%dma_wait3A_326 : memref<10240x16xf32, #tpu.memory_space<vmem_shared>>)
      %mul3A_329 = arith.constant 10 : i32
      %mul3A_330 = arith.muli %scan3A_152, %mul3A_329 : i32
      %add3A_331 = arith.constant 1 : i32
      %add3A_332 = arith.addi %mul3A_330, %add3A_331 : i32
      %dma_wait3A_333 = arith.constant 0 : i32
      %dma_wait3A_334 = arith.constant 0 : i32
      %dma_wait3A_335 = arith.constant 0 : i32
      %dma_wait3A_336 = tpu.memref_slice %arg15[%dma_wait3A_334, %dma_wait3A_335] : memref<320x16xf32, #tpu.memory_space<vmem>> -> memref<128x16xf32, #tpu.memory_space<vmem>>
      %dma_wait3A_337 = arith.constant 0 : i32
      %dma_wait3A_338 = tpu.memref_slice %arg10[%add3A_332, %dma_wait3A_337] : memref<80x128xi32, #tpu.memory_space<vmem>> -> memref<1x128xi32, #tpu.memory_space<vmem>>
      %dma_wait3A_339 = tpu.memref_squeeze %dma_wait3A_338 : memref<1x128xi32, #tpu.memory_space<vmem>> -> memref<128xi32, #tpu.memory_space<vmem>>
      %dma_wait3A_340 = arith.constant 0 : i32
      %dma_wait3A_341 = arith.constant 0 : i32
      %dma_wait3A_342 = tpu.memref_slice %arg19[%dma_wait3A_340, %dma_wait3A_341] : memref<10240x16xf32, #tpu.memory_space<vmem_shared>> -> memref<10240x16xf32, #tpu.memory_space<vmem_shared>>
      %dma_wait3A_343 = tpu.memref_slice %arg21[%dma_wait3A_333] : memref<10x!tpu.dma_semaphore, #tpu.memory_space<semaphore_mem>> -> memref<1x!tpu.dma_semaphore, #tpu.memory_space<semaphore_mem>>
      %dma_wait3A_344 = tpu.memref_squeeze %dma_wait3A_343 : memref<1x!tpu.dma_semaphore, #tpu.memory_space<semaphore_mem>> -> memref<!tpu.dma_semaphore, #tpu.memory_space<semaphore_mem>>
      tpu.wait_indirect_dma semaphore(%dma_wait3A_344 : memref<!tpu.dma_semaphore, #tpu.memory_space<semaphore_mem>>) src(%dma_wait3A_336 : memref<128x16xf32, #tpu.memory_space<vmem>>) dst(%dma_wait3A_342 : memref<10240x16xf32, #tpu.memory_space<vmem_shared>>)
      %mul3A_345 = arith.constant 10 : i32
      %mul3A_346 = arith.muli %scan3A_152, %mul3A_345 : i32
      %add3A_347 = arith.constant 2 : i32
      %add3A_348 = arith.addi %mul3A_346, %add3A_347 : i32
      %dma_wait3A_349 = arith.constant 0 : i32
      %dma_wait3A_350 = arith.constant 0 : i32
      %dma_wait3A_351 = arith.constant 0 : i32
      %dma_wait3A_352 = tpu.memref_slice %arg15[%dma_wait3A_350, %dma_wait3A_351] : memref<320x16xf32, #tpu.memory_space<vmem>> -> memref<128x16xf32, #tpu.memory_space<vmem>>
      %dma_wait3A_353 = arith.constant 0 : i32
      %dma_wait3A_354 = tpu.memref_slice %arg10[%add3A_348, %dma_wait3A_353] : memref<80x128xi32, #tpu.memory_space<vmem>> -> memref<1x128xi32, #tpu.memory_space<vmem>>
      %dma_wait3A_355 = tpu.memref_squeeze %dma_wait3A_354 : memref<1x128xi32, #tpu.memory_space<vmem>> -> memref<128xi32, #tpu.memory_space<vmem>>
      %dma_wait3A_356 = arith.constant 0 : i32
      %dma_wait3A_357 = arith.constant 0 : i32
      %dma_wait3A_358 = tpu.memref_slice %arg19[%dma_wait3A_356, %dma_wait3A_357] : memref<10240x16xf32, #tpu.memory_space<vmem_shared>> -> memref<10240x16xf32, #tpu.memory_space<vmem_shared>>
      %dma_wait3A_359 = tpu.memref_slice %arg21[%dma_wait3A_349] : memref<10x!tpu.dma_semaphore, #tpu.memory_space<semaphore_mem>> -> memref<1x!tpu.dma_semaphore, #tpu.memory_space<semaphore_mem>>
      %dma_wait3A_360 = tpu.memref_squeeze %dma_wait3A_359 : memref<1x!tpu.dma_semaphore, #tpu.memory_space<semaphore_mem>> -> memref<!tpu.dma_semaphore, #tpu.memory_space<semaphore_mem>>
      tpu.wait_indirect_dma semaphore(%dma_wait3A_360 : memref<!tpu.dma_semaphore, #tpu.memory_space<semaphore_mem>>) src(%dma_wait3A_352 : memref<128x16xf32, #tpu.memory_space<vmem>>) dst(%dma_wait3A_358 : memref<10240x16xf32, #tpu.memory_space<vmem_shared>>)
      %mul3A_361 = arith.constant 10 : i32
      %mul3A_362 = arith.muli %scan3A_152, %mul3A_361 : i32
      %add3A_363 = arith.constant 3 : i32
      %add3A_364 = arith.addi %mul3A_362, %add3A_363 : i32
      %dma_wait3A_365 = arith.constant 0 : i32
      %dma_wait3A_366 = arith.constant 0 : i32
      %dma_wait3A_367 = arith.constant 0 : i32
      %dma_wait3A_368 = tpu.memref_slice %arg15[%dma_wait3A_366, %dma_wait3A_367] : memref<320x16xf32, #tpu.memory_space<vmem>> -> memref<128x16xf32, #tpu.memory_space<vmem>>
      %dma_wait3A_369 = arith.constant 0 : i32
      %dma_wait3A_370 = tpu.memref_slice %arg10[%add3A_364, %dma_wait3A_369] : memref<80x128xi32, #tpu.memory_space<vmem>> -> memref<1x128xi32, #tpu.memory_space<vmem>>
      %dma_wait3A_371 = tpu.memref_squeeze %dma_wait3A_370 : memref<1x128xi32, #tpu.memory_space<vmem>> -> memref<128xi32, #tpu.memory_space<vmem>>
      %dma_wait3A_372 = arith.constant 0 : i32
      %dma_wait3A_373 = arith.constant 0 : i32
      %dma_wait3A_374 = tpu.memref_slice %arg19[%dma_wait3A_372, %dma_wait3A_373] : memref<10240x16xf32, #tpu.memory_space<vmem_shared>> -> memref<10240x16xf32, #tpu.memory_space<vmem_shared>>
      %dma_wait3A_375 = tpu.memref_slice %arg21[%dma_wait3A_365] : memref<10x!tpu.dma_semaphore, #tpu.memory_space<semaphore_mem>> -> memref<1x!tpu.dma_semaphore, #tpu.memory_space<semaphore_mem>>
      %dma_wait3A_376 = tpu.memref_squeeze %dma_wait3A_375 : memref<1x!tpu.dma_semaphore, #tpu.memory_space<semaphore_mem>> -> memref<!tpu.dma_semaphore, #tpu.memory_space<semaphore_mem>>
      tpu.wait_indirect_dma semaphore(%dma_wait3A_376 : memref<!tpu.dma_semaphore, #tpu.memory_space<semaphore_mem>>) src(%dma_wait3A_368 : memref<128x16xf32, #tpu.memory_space<vmem>>) dst(%dma_wait3A_374 : memref<10240x16xf32, #tpu.memory_space<vmem_shared>>)
      %mul3A_377 = arith.constant 10 : i32
      %mul3A_378 = arith.muli %scan3A_152, %mul3A_377 : i32
      %add3A_379 = arith.constant 4 : i32
      %add3A_380 = arith.addi %mul3A_378, %add3A_379 : i32
      %dma_wait3A_381 = arith.constant 0 : i32
      %dma_wait3A_382 = arith.constant 0 : i32
      %dma_wait3A_383 = arith.constant 0 : i32
      %dma_wait3A_384 = tpu.memref_slice %arg15[%dma_wait3A_382, %dma_wait3A_383] : memref<320x16xf32, #tpu.memory_space<vmem>> -> memref<128x16xf32, #tpu.memory_space<vmem>>
      %dma_wait3A_385 = arith.constant 0 : i32
      %dma_wait3A_386 = tpu.memref_slice %arg10[%add3A_380, %dma_wait3A_385] : memref<80x128xi32, #tpu.memory_space<vmem>> -> memref<1x128xi32, #tpu.memory_space<vmem>>
      %dma_wait3A_387 = tpu.memref_squeeze %dma_wait3A_386 : memref<1x128xi32, #tpu.memory_space<vmem>> -> memref<128xi32, #tpu.memory_space<vmem>>
      %dma_wait3A_388 = arith.constant 0 : i32
      %dma_wait3A_389 = arith.constant 0 : i32
      %dma_wait3A_390 = tpu.memref_slice %arg19[%dma_wait3A_388, %dma_wait3A_389] : memref<10240x16xf32, #tpu.memory_space<vmem_shared>> -> memref<10240x16xf32, #tpu.memory_space<vmem_shared>>
      %dma_wait3A_391 = tpu.memref_slice %arg21[%dma_wait3A_381] : memref<10x!tpu.dma_semaphore, #tpu.memory_space<semaphore_mem>> -> memref<1x!tpu.dma_semaphore, #tpu.memory_space<semaphore_mem>>
      %dma_wait3A_392 = tpu.memref_squeeze %dma_wait3A_391 : memref<1x!tpu.dma_semaphore, #tpu.memory_space<semaphore_mem>> -> memref<!tpu.dma_semaphore, #tpu.memory_space<semaphore_mem>>
      tpu.wait_indirect_dma semaphore(%dma_wait3A_392 : memref<!tpu.dma_semaphore, #tpu.memory_space<semaphore_mem>>) src(%dma_wait3A_384 : memref<128x16xf32, #tpu.memory_space<vmem>>) dst(%dma_wait3A_390 : memref<10240x16xf32, #tpu.memory_space<vmem_shared>>)
      %mul3A_393 = arith.constant 10 : i32
      %mul3A_394 = arith.muli %scan3A_152, %mul3A_393 : i32
      %add3A_395 = arith.constant 5 : i32
      %add3A_396 = arith.addi %mul3A_394, %add3A_395 : i32
      %dma_wait3A_397 = arith.constant 0 : i32
      %dma_wait3A_398 = arith.constant 0 : i32
      %dma_wait3A_399 = arith.constant 0 : i32
      %dma_wait3A_400 = tpu.memref_slice %arg15[%dma_wait3A_398, %dma_wait3A_399] : memref<320x16xf32, #tpu.memory_space<vmem>> -> memref<128x16xf32, #tpu.memory_space<vmem>>
      %dma_wait3A_401 = arith.constant 0 : i32
      %dma_wait3A_402 = tpu.memref_slice %arg10[%add3A_396, %dma_wait3A_401] : memref<80x128xi32, #tpu.memory_space<vmem>> -> memref<1x128xi32, #tpu.memory_space<vmem>>
      %dma_wait3A_403 = tpu.memref_squeeze %dma_wait3A_402 : memref<1x128xi32, #tpu.memory_space<vmem>> -> memref<128xi32, #tpu.memory_space<vmem>>
      %dma_wait3A_404 = arith.constant 0 : i32
      %dma_wait3A_405 = arith.constant 0 : i32
      %dma_wait3A_406 = tpu.memref_slice %arg19[%dma_wait3A_404, %dma_wait3A_405] : memref<10240x16xf32, #tpu.memory_space<vmem_shared>> -> memref<10240x16xf32, #tpu.memory_space<vmem_shared>>
      %dma_wait3A_407 = tpu.memref_slice %arg21[%dma_wait3A_397] : memref<10x!tpu.dma_semaphore, #tpu.memory_space<semaphore_mem>> -> memref<1x!tpu.dma_semaphore, #tpu.memory_space<semaphore_mem>>
      %dma_wait3A_408 = tpu.memref_squeeze %dma_wait3A_407 : memref<1x!tpu.dma_semaphore, #tpu.memory_space<semaphore_mem>> -> memref<!tpu.dma_semaphore, #tpu.memory_space<semaphore_mem>>
      tpu.wait_indirect_dma semaphore(%dma_wait3A_408 : memref<!tpu.dma_semaphore, #tpu.memory_space<semaphore_mem>>) src(%dma_wait3A_400 : memref<128x16xf32, #tpu.memory_space<vmem>>) dst(%dma_wait3A_406 : memref<10240x16xf32, #tpu.memory_space<vmem_shared>>)
      %mul3A_409 = arith.constant 10 : i32
      %mul3A_410 = arith.muli %scan3A_152, %mul3A_409 : i32
      %add3A_411 = arith.constant 6 : i32
      %add3A_412 = arith.addi %mul3A_410, %add3A_411 : i32
      %dma_wait3A_413 = arith.constant 0 : i32
      %dma_wait3A_414 = arith.constant 0 : i32
      %dma_wait3A_415 = arith.constant 0 : i32
      %dma_wait3A_416 = tpu.memref_slice %arg15[%dma_wait3A_414, %dma_wait3A_415] : memref<320x16xf32, #tpu.memory_space<vmem>> -> memref<128x16xf32, #tpu.memory_space<vmem>>
      %dma_wait3A_417 = arith.constant 0 : i32
      %dma_wait3A_418 = tpu.memref_slice %arg10[%add3A_412, %dma_wait3A_417] : memref<80x128xi32, #tpu.memory_space<vmem>> -> memref<1x128xi32, #tpu.memory_space<vmem>>
      %dma_wait3A_419 = tpu.memref_squeeze %dma_wait3A_418 : memref<1x128xi32, #tpu.memory_space<vmem>> -> memref<128xi32, #tpu.memory_space<vmem>>
      %dma_wait3A_420 = arith.constant 0 : i32
      %dma_wait3A_421 = arith.constant 0 : i32
      %dma_wait3A_422 = tpu.memref_slice %arg19[%dma_wait3A_420, %dma_wait3A_421] : memref<10240x16xf32, #tpu.memory_space<vmem_shared>> -> memref<10240x16xf32, #tpu.memory_space<vmem_shared>>
      %dma_wait3A_423 = tpu.memref_slice %arg21[%dma_wait3A_413] : memref<10x!tpu.dma_semaphore, #tpu.memory_space<semaphore_mem>> -> memref<1x!tpu.dma_semaphore, #tpu.memory_space<semaphore_mem>>
      %dma_wait3A_424 = tpu.memref_squeeze %dma_wait3A_423 : memref<1x!tpu.dma_semaphore, #tpu.memory_space<semaphore_mem>> -> memref<!tpu.dma_semaphore, #tpu.memory_space<semaphore_mem>>
      tpu.wait_indirect_dma semaphore(%dma_wait3A_424 : memref<!tpu.dma_semaphore, #tpu.memory_space<semaphore_mem>>) src(%dma_wait3A_416 : memref<128x16xf32, #tpu.memory_space<vmem>>) dst(%dma_wait3A_422 : memref<10240x16xf32, #tpu.memory_space<vmem_shared>>)
      %mul3A_425 = arith.constant 10 : i32
      %mul3A_426 = arith.muli %scan3A_152, %mul3A_425 : i32
      %add3A_427 = arith.constant 7 : i32
      %add3A_428 = arith.addi %mul3A_426, %add3A_427 : i32
      %dma_wait3A_429 = arith.constant 0 : i32
      %dma_wait3A_430 = arith.constant 0 : i32
      %dma_wait3A_431 = arith.constant 0 : i32
      %dma_wait3A_432 = tpu.memref_slice %arg15[%dma_wait3A_430, %dma_wait3A_431] : memref<320x16xf32, #tpu.memory_space<vmem>> -> memref<128x16xf32, #tpu.memory_space<vmem>>
      %dma_wait3A_433 = arith.constant 0 : i32
      %dma_wait3A_434 = tpu.memref_slice %arg10[%add3A_428, %dma_wait3A_433] : memref<80x128xi32, #tpu.memory_space<vmem>> -> memref<1x128xi32, #tpu.memory_space<vmem>>
      %dma_wait3A_435 = tpu.memref_squeeze %dma_wait3A_434 : memref<1x128xi32, #tpu.memory_space<vmem>> -> memref<128xi32, #tpu.memory_space<vmem>>
      %dma_wait3A_436 = arith.constant 0 : i32
      %dma_wait3A_437 = arith.constant 0 : i32
      %dma_wait3A_438 = tpu.memref_slice %arg19[%dma_wait3A_436, %dma_wait3A_437] : memref<10240x16xf32, #tpu.memory_space<vmem_shared>> -> memref<10240x16xf32, #tpu.memory_space<vmem_shared>>
      %dma_wait3A_439 = tpu.memref_slice %arg21[%dma_wait3A_429] : memref<10x!tpu.dma_semaphore, #tpu.memory_space<semaphore_mem>> -> memref<1x!tpu.dma_semaphore, #tpu.memory_space<semaphore_mem>>
      %dma_wait3A_440 = tpu.memref_squeeze %dma_wait3A_439 : memref<1x!tpu.dma_semaphore, #tpu.memory_space<semaphore_mem>> -> memref<!tpu.dma_semaphore, #tpu.memory_space<semaphore_mem>>
      tpu.wait_indirect_dma semaphore(%dma_wait3A_440 : memref<!tpu.dma_semaphore, #tpu.memory_space<semaphore_mem>>) src(%dma_wait3A_432 : memref<128x16xf32, #tpu.memory_space<vmem>>) dst(%dma_wait3A_438 : memref<10240x16xf32, #tpu.memory_space<vmem_shared>>)
      %mul3A_441 = arith.constant 10 : i32
      %mul3A_442 = arith.muli %scan3A_152, %mul3A_441 : i32
      %add3A_443 = arith.constant 8 : i32
      %add3A_444 = arith.addi %mul3A_442, %add3A_443 : i32
      %dma_wait3A_445 = arith.constant 0 : i32
      %dma_wait3A_446 = arith.constant 0 : i32
      %dma_wait3A_447 = arith.constant 0 : i32
      %dma_wait3A_448 = tpu.memref_slice %arg15[%dma_wait3A_446, %dma_wait3A_447] : memref<320x16xf32, #tpu.memory_space<vmem>> -> memref<128x16xf32, #tpu.memory_space<vmem>>
      %dma_wait3A_449 = arith.constant 0 : i32
      %dma_wait3A_450 = tpu.memref_slice %arg10[%add3A_444, %dma_wait3A_449] : memref<80x128xi32, #tpu.memory_space<vmem>> -> memref<1x128xi32, #tpu.memory_space<vmem>>
      %dma_wait3A_451 = tpu.memref_squeeze %dma_wait3A_450 : memref<1x128xi32, #tpu.memory_space<vmem>> -> memref<128xi32, #tpu.memory_space<vmem>>
      %dma_wait3A_452 = arith.constant 0 : i32
      %dma_wait3A_453 = arith.constant 0 : i32
      %dma_wait3A_454 = tpu.memref_slice %arg19[%dma_wait3A_452, %dma_wait3A_453] : memref<10240x16xf32, #tpu.memory_space<vmem_shared>> -> memref<10240x16xf32, #tpu.memory_space<vmem_shared>>
      %dma_wait3A_455 = tpu.memref_slice %arg21[%dma_wait3A_445] : memref<10x!tpu.dma_semaphore, #tpu.memory_space<semaphore_mem>> -> memref<1x!tpu.dma_semaphore, #tpu.memory_space<semaphore_mem>>
      %dma_wait3A_456 = tpu.memref_squeeze %dma_wait3A_455 : memref<1x!tpu.dma_semaphore, #tpu.memory_space<semaphore_mem>> -> memref<!tpu.dma_semaphore, #tpu.memory_space<semaphore_mem>>
      tpu.wait_indirect_dma semaphore(%dma_wait3A_456 : memref<!tpu.dma_semaphore, #tpu.memory_space<semaphore_mem>>) src(%dma_wait3A_448 : memref<128x16xf32, #tpu.memory_space<vmem>>) dst(%dma_wait3A_454 : memref<10240x16xf32, #tpu.memory_space<vmem_shared>>)
      %mul3A_457 = arith.constant 10 : i32
      %mul3A_458 = arith.muli %scan3A_152, %mul3A_457 : i32
      %add3A_459 = arith.constant 9 : i32
      %add3A_460 = arith.addi %mul3A_458, %add3A_459 : i32
      %dma_wait3A_461 = arith.constant 0 : i32
      %dma_wait3A_462 = arith.constant 0 : i32
      %dma_wait3A_463 = arith.constant 0 : i32
      %dma_wait3A_464 = tpu.memref_slice %arg15[%dma_wait3A_462, %dma_wait3A_463] : memref<320x16xf32, #tpu.memory_space<vmem>> -> memref<128x16xf32, #tpu.memory_space<vmem>>
      %dma_wait3A_465 = arith.constant 0 : i32
      %dma_wait3A_466 = tpu.memref_slice %arg10[%add3A_460, %dma_wait3A_465] : memref<80x128xi32, #tpu.memory_space<vmem>> -> memref<1x128xi32, #tpu.memory_space<vmem>>
      %dma_wait3A_467 = tpu.memref_squeeze %dma_wait3A_466 : memref<1x128xi32, #tpu.memory_space<vmem>> -> memref<128xi32, #tpu.memory_space<vmem>>
      %dma_wait3A_468 = arith.constant 0 : i32
      %dma_wait3A_469 = arith.constant 0 : i32
      %dma_wait3A_470 = tpu.memref_slice %arg19[%dma_wait3A_468, %dma_wait3A_469] : memref<10240x16xf32, #tpu.memory_space<vmem_shared>> -> memref<10240x16xf32, #tpu.memory_space<vmem_shared>>
      %dma_wait3A_471 = tpu.memref_slice %arg21[%dma_wait3A_461] : memref<10x!tpu.dma_semaphore, #tpu.memory_space<semaphore_mem>> -> memref<1x!tpu.dma_semaphore, #tpu.memory_space<semaphore_mem>>
      %dma_wait3A_472 = tpu.memref_squeeze %dma_wait3A_471 : memref<1x!tpu.dma_semaphore, #tpu.memory_space<semaphore_mem>> -> memref<!tpu.dma_semaphore, #tpu.memory_space<semaphore_mem>>
      tpu.wait_indirect_dma semaphore(%dma_wait3A_472 : memref<!tpu.dma_semaphore, #tpu.memory_space<semaphore_mem>>) src(%dma_wait3A_464 : memref<128x16xf32, #tpu.memory_space<vmem>>) dst(%dma_wait3A_470 : memref<10240x16xf32, #tpu.memory_space<vmem_shared>>)
    }
    %scan3A_36 = arith.constant 8 : i32
    %barrier3A_37 = arith.constant 0 : index
    tpu.barrier barrier_id(%barrier3A_37)
    %dma_start3A = arith.constant 0 : i32
    %dma_start3A_38 = tpu.memref_slice %arg20[%dma_start3A] : memref<10x!tpu.dma_semaphore, #tpu.memory_space<semaphore_mem>> -> memref<1x!tpu.dma_semaphore, #tpu.memory_space<semaphore_mem>>
    %dma_start3A_39 = tpu.memref_squeeze %dma_start3A_38 : memref<1x!tpu.dma_semaphore, #tpu.memory_space<semaphore_mem>> -> memref<!tpu.dma_semaphore, #tpu.memory_space<semaphore_mem>>
    %dma_start3A_40 = arith.constant 0 : i32
    %dma_start3A_41 = tpu.memref_slice %arg8[%mul3A_8, %dma_start3A_40] : memref<10240x16xf32, #tpu.memory_space<hbm>> -> memref<320x16xf32, #tpu.memory_space<hbm>>
    %dma_start3A_42 = arith.constant 0 : i32
    %dma_start3A_43 = tpu.memref_slice %arg19[%mul3A_8, %dma_start3A_42] : memref<10240x16xf32, #tpu.memory_space<vmem_shared>> -> memref<320x16xf32, #tpu.memory_space<vmem_shared>>
    tpu.enqueue_dma source(%dma_start3A_43 : memref<320x16xf32, #tpu.memory_space<vmem_shared>>) target(%dma_start3A_41 : memref<320x16xf32, #tpu.memory_space<hbm>>) target_semaphore(%dma_start3A_39 : memref<!tpu.dma_semaphore, #tpu.memory_space<semaphore_mem>>)
    %dma_start3A_44 = arith.constant 1 : i32
    %dma_start3A_45 = arith.constant 0 : i32
    %dma_start3A_46 = tpu.memref_slice %arg19[%mul3A_2, %dma_start3A_45] : memref<10240x16xf32, #tpu.memory_space<vmem_shared>> -> memref<320x16xf32, #tpu.memory_space<vmem_shared>>
    %dma_start3A_47 = tpu.memref_slice %arg20[%dma_start3A_44] : memref<10x!tpu.dma_semaphore, #tpu.memory_space<semaphore_mem>> -> memref<1x!tpu.dma_semaphore, #tpu.memory_space<semaphore_mem>>
    %dma_start3A_48 = tpu.memref_squeeze %dma_start3A_47 : memref<1x!tpu.dma_semaphore, #tpu.memory_space<semaphore_mem>> -> memref<!tpu.dma_semaphore, #tpu.memory_space<semaphore_mem>>
    %dma_start3A_49 = arith.constant 0 : i32
    %dma_start3A_50 = tpu.memref_slice %arg19[%mul3A_2, %dma_start3A_49] : memref<10240x16xf32, #tpu.memory_space<vmem_shared>> -> memref<320x16xf32, #tpu.memory_space<vmem_shared>>
    tpu.enqueue_dma source(%dma_start3A_50 : memref<320x16xf32, #tpu.memory_space<vmem_shared>>) target(%arg15 : memref<320x16xf32, #tpu.memory_space<vmem>>) target_semaphore(%dma_start3A_48 : memref<!tpu.dma_semaphore, #tpu.memory_space<semaphore_mem>>)
    %dma_wait3A = arith.constant 0 : i32
    %dma_wait3A_51 = tpu.memref_slice %arg20[%dma_wait3A] : memref<10x!tpu.dma_semaphore, #tpu.memory_space<semaphore_mem>> -> memref<1x!tpu.dma_semaphore, #tpu.memory_space<semaphore_mem>>
    %dma_wait3A_52 = tpu.memref_squeeze %dma_wait3A_51 : memref<1x!tpu.dma_semaphore, #tpu.memory_space<semaphore_mem>> -> memref<!tpu.dma_semaphore, #tpu.memory_space<semaphore_mem>>
    %dma_wait3A_53 = arith.constant 0 : i32
    %dma_wait3A_54 = tpu.memref_slice %arg8[%mul3A_8, %dma_wait3A_53] : memref<10240x16xf32, #tpu.memory_space<hbm>> -> memref<320x16xf32, #tpu.memory_space<hbm>>
    %dma_wait3A_55 = arith.constant 0 : i32
    %dma_wait3A_56 = tpu.memref_slice %arg19[%mul3A_8, %dma_wait3A_55] : memref<10240x16xf32, #tpu.memory_space<vmem_shared>> -> memref<320x16xf32, #tpu.memory_space<vmem_shared>>
    tpu.wait_dma2 semaphore(%dma_wait3A_52 : memref<!tpu.dma_semaphore, #tpu.memory_space<semaphore_mem>>) src(%dma_wait3A_56 : memref<320x16xf32, #tpu.memory_space<vmem_shared>>) dst(%dma_wait3A_54 : memref<320x16xf32, #tpu.memory_space<hbm>>)
    %dma_wait3A_57 = arith.constant 1 : i32
    %dma_wait3A_58 = arith.constant 0 : i32
    %dma_wait3A_59 = tpu.memref_slice %arg19[%mul3A_2, %dma_wait3A_58] : memref<10240x16xf32, #tpu.memory_space<vmem_shared>> -> memref<320x16xf32, #tpu.memory_space<vmem_shared>>
    %dma_wait3A_60 = tpu.memref_slice %arg20[%dma_wait3A_57] : memref<10x!tpu.dma_semaphore, #tpu.memory_space<semaphore_mem>> -> memref<1x!tpu.dma_semaphore, #tpu.memory_space<semaphore_mem>>
    %dma_wait3A_61 = tpu.memref_squeeze %dma_wait3A_60 : memref<1x!tpu.dma_semaphore, #tpu.memory_space<semaphore_mem>> -> memref<!tpu.dma_semaphore, #tpu.memory_space<semaphore_mem>>
    %dma_wait3A_62 = arith.constant 0 : i32
    %dma_wait3A_63 = tpu.memref_slice %arg19[%mul3A_2, %dma_wait3A_62] : memref<10240x16xf32, #tpu.memory_space<vmem_shared>> -> memref<320x16xf32, #tpu.memory_space<vmem_shared>>
    tpu.wait_dma2 semaphore(%dma_wait3A_61 : memref<!tpu.dma_semaphore, #tpu.memory_space<semaphore_mem>>) src(%dma_wait3A_63 : memref<320x16xf32, #tpu.memory_space<vmem_shared>>) dst(%arg15 : memref<320x16xf32, #tpu.memory_space<vmem>>)
    %dma_start3A_64 = arith.constant 2 : i32
    %dma_start3A_65 = arith.constant 0 : i32
    %dma_start3A_66 = arith.constant 0 : i32
    %dma_start3A_67 = tpu.memref_slice %arg17[%dma_start3A_65, %dma_start3A_66] : memref<640x16xf32, #tpu.memory_space<vmem>> -> memref<320x16xf32, #tpu.memory_space<vmem>>
    %dma_start3A_68 = arith.constant 0 : i32
    %dma_start3A_69 = tpu.memref_slice %arg19[%mul3A_2, %dma_start3A_68] : memref<10240x16xf32, #tpu.memory_space<vmem_shared>> -> memref<320x16xf32, #tpu.memory_space<vmem_shared>>
    %dma_start3A_70 = tpu.memref_slice %arg20[%dma_start3A_64] : memref<10x!tpu.dma_semaphore, #tpu.memory_space<semaphore_mem>> -> memref<1x!tpu.dma_semaphore, #tpu.memory_space<semaphore_mem>>
    %dma_start3A_71 = tpu.memref_squeeze %dma_start3A_70 : memref<1x!tpu.dma_semaphore, #tpu.memory_space<semaphore_mem>> -> memref<!tpu.dma_semaphore, #tpu.memory_space<semaphore_mem>>
    %dma_start3A_72 = arith.constant 0 : i32
    %dma_start3A_73 = tpu.memref_slice %arg19[%mul3A_2, %dma_start3A_72] : memref<10240x16xf32, #tpu.memory_space<vmem_shared>> -> memref<320x16xf32, #tpu.memory_space<vmem_shared>>
    %dma_start3A_74 = arith.constant 0 : i32
    %dma_start3A_75 = arith.constant 0 : i32
    %dma_start3A_76 = tpu.memref_slice %arg17[%dma_start3A_74, %dma_start3A_75] : memref<640x16xf32, #tpu.memory_space<vmem>> -> memref<320x16xf32, #tpu.memory_space<vmem>>
    tpu.enqueue_dma source(%dma_start3A_76 : memref<320x16xf32, #tpu.memory_space<vmem>>) target(%dma_start3A_73 : memref<320x16xf32, #tpu.memory_space<vmem_shared>>) target_semaphore(%dma_start3A_71 : memref<!tpu.dma_semaphore, #tpu.memory_space<semaphore_mem>>)
    %dma_start3A_77 = arith.constant 3 : i32
    %dma_start3A_78 = arith.constant 0 : i32
    %dma_start3A_79 = arith.constant 0 : i32
    %dma_start3A_80 = tpu.memref_slice %arg17[%dma_start3A_78, %dma_start3A_79] : memref<640x16xf32, #tpu.memory_space<vmem>> -> memref<320x16xf32, #tpu.memory_space<vmem>>
    %dma_start3A_81 = arith.constant 0 : i32
    %dma_start3A_82 = tpu.memref_slice %arg19[%mul3A_8, %dma_start3A_81] : memref<10240x16xf32, #tpu.memory_space<vmem_shared>> -> memref<320x16xf32, #tpu.memory_space<vmem_shared>>
    %dma_start3A_83 = tpu.memref_slice %arg20[%dma_start3A_77] : memref<10x!tpu.dma_semaphore, #tpu.memory_space<semaphore_mem>> -> memref<1x!tpu.dma_semaphore, #tpu.memory_space<semaphore_mem>>
    %dma_start3A_84 = tpu.memref_squeeze %dma_start3A_83 : memref<1x!tpu.dma_semaphore, #tpu.memory_space<semaphore_mem>> -> memref<!tpu.dma_semaphore, #tpu.memory_space<semaphore_mem>>
    %dma_start3A_85 = arith.constant 0 : i32
    %dma_start3A_86 = tpu.memref_slice %arg19[%mul3A_8, %dma_start3A_85] : memref<10240x16xf32, #tpu.memory_space<vmem_shared>> -> memref<320x16xf32, #tpu.memory_space<vmem_shared>>
    %dma_start3A_87 = arith.constant 0 : i32
    %dma_start3A_88 = arith.constant 0 : i32
    %dma_start3A_89 = tpu.memref_slice %arg17[%dma_start3A_87, %dma_start3A_88] : memref<640x16xf32, #tpu.memory_space<vmem>> -> memref<320x16xf32, #tpu.memory_space<vmem>>
    tpu.enqueue_dma source(%dma_start3A_89 : memref<320x16xf32, #tpu.memory_space<vmem>>) target(%dma_start3A_86 : memref<320x16xf32, #tpu.memory_space<vmem_shared>>) target_semaphore(%dma_start3A_84 : memref<!tpu.dma_semaphore, #tpu.memory_space<semaphore_mem>>)
    %dma_wait3A_90 = arith.constant 2 : i32
    %dma_wait3A_91 = arith.constant 0 : i32
    %dma_wait3A_92 = arith.constant 0 : i32
    %dma_wait3A_93 = tpu.memref_slice %arg17[%dma_wait3A_91, %dma_wait3A_92] : memref<640x16xf32, #tpu.memory_space<vmem>> -> memref<320x16xf32, #tpu.memory_space<vmem>>
    %dma_wait3A_94 = arith.constant 0 : i32
    %dma_wait3A_95 = tpu.memref_slice %arg19[%mul3A_2, %dma_wait3A_94] : memref<10240x16xf32, #tpu.memory_space<vmem_shared>> -> memref<320x16xf32, #tpu.memory_space<vmem_shared>>
    %dma_wait3A_96 = tpu.memref_slice %arg20[%dma_wait3A_90] : memref<10x!tpu.dma_semaphore, #tpu.memory_space<semaphore_mem>> -> memref<1x!tpu.dma_semaphore, #tpu.memory_space<semaphore_mem>>
    %dma_wait3A_97 = tpu.memref_squeeze %dma_wait3A_96 : memref<1x!tpu.dma_semaphore, #tpu.memory_space<semaphore_mem>> -> memref<!tpu.dma_semaphore, #tpu.memory_space<semaphore_mem>>
    %dma_wait3A_98 = arith.constant 0 : i32
    %dma_wait3A_99 = tpu.memref_slice %arg19[%mul3A_2, %dma_wait3A_98] : memref<10240x16xf32, #tpu.memory_space<vmem_shared>> -> memref<320x16xf32, #tpu.memory_space<vmem_shared>>
    %dma_wait3A_100 = arith.constant 0 : i32
    %dma_wait3A_101 = arith.constant 0 : i32
    %dma_wait3A_102 = tpu.memref_slice %arg17[%dma_wait3A_100, %dma_wait3A_101] : memref<640x16xf32, #tpu.memory_space<vmem>> -> memref<320x16xf32, #tpu.memory_space<vmem>>
    tpu.wait_dma2 semaphore(%dma_wait3A_97 : memref<!tpu.dma_semaphore, #tpu.memory_space<semaphore_mem>>) src(%dma_wait3A_102 : memref<320x16xf32, #tpu.memory_space<vmem>>) dst(%dma_wait3A_99 : memref<320x16xf32, #tpu.memory_space<vmem_shared>>)
    %dma_wait3A_103 = arith.constant 3 : i32
    %dma_wait3A_104 = arith.constant 0 : i32
    %dma_wait3A_105 = arith.constant 0 : i32
    %dma_wait3A_106 = tpu.memref_slice %arg17[%dma_wait3A_104, %dma_wait3A_105] : memref<640x16xf32, #tpu.memory_space<vmem>> -> memref<320x16xf32, #tpu.memory_space<vmem>>
    %dma_wait3A_107 = arith.constant 0 : i32
    %dma_wait3A_108 = tpu.memref_slice %arg19[%mul3A_8, %dma_wait3A_107] : memref<10240x16xf32, #tpu.memory_space<vmem_shared>> -> memref<320x16xf32, #tpu.memory_space<vmem_shared>>
    %dma_wait3A_109 = tpu.memref_slice %arg20[%dma_wait3A_103] : memref<10x!tpu.dma_semaphore, #tpu.memory_space<semaphore_mem>> -> memref<1x!tpu.dma_semaphore, #tpu.memory_space<semaphore_mem>>
    %dma_wait3A_110 = tpu.memref_squeeze %dma_wait3A_109 : memref<1x!tpu.dma_semaphore, #tpu.memory_space<semaphore_mem>> -> memref<!tpu.dma_semaphore, #tpu.memory_space<semaphore_mem>>
    %dma_wait3A_111 = arith.constant 0 : i32
    %dma_wait3A_112 = tpu.memref_slice %arg19[%mul3A_8, %dma_wait3A_111] : memref<10240x16xf32, #tpu.memory_space<vmem_shared>> -> memref<320x16xf32, #tpu.memory_space<vmem_shared>>
    %dma_wait3A_113 = arith.constant 0 : i32
    %dma_wait3A_114 = arith.constant 0 : i32
    %dma_wait3A_115 = tpu.memref_slice %arg17[%dma_wait3A_113, %dma_wait3A_114] : memref<640x16xf32, #tpu.memory_space<vmem>> -> memref<320x16xf32, #tpu.memory_space<vmem>>
    tpu.wait_dma2 semaphore(%dma_wait3A_110 : memref<!tpu.dma_semaphore, #tpu.memory_space<semaphore_mem>>) src(%dma_wait3A_115 : memref<320x16xf32, #tpu.memory_space<vmem>>) dst(%dma_wait3A_112 : memref<320x16xf32, #tpu.memory_space<vmem_shared>>)
    %barrier3A_116 = arith.constant 0 : index
    tpu.barrier barrier_id(%barrier3A_116)
    %eq3A_117 = arith.constant 0 : i32
    %eq3A_118 = arith.cmpi eq, %arg1, %eq3A_117 : i32
    %convert_element_type3A_119 = arith.extui %eq3A_118 : i1 to i32
    %cond3A_120 = arith.constant 0 : i32
    %cond3A_121 = arith.cmpi ne, %convert_element_type3A_119, %cond3A_120 : i32
    scf.if %cond3A_121 {
      %sub3A_152 = arith.constant 1 : i32
      %sub3A_153 = arith.subi %sub3A_152, %arg0 : i32
      %semaphore_signal3A = arith.constant 1 : i32
      tpu.sem_signal %arg22, %semaphore_signal3A core_id %sub3A_153 : memref<!tpu.semaphore, #tpu.memory_space<semaphore_mem>>
      %semaphore_wait3A = arith.constant 1 : i32
      %semaphore_wait3A_154 = arith.constant true
      tpu.sem_wait %arg22, %semaphore_wait3A : memref<!tpu.semaphore, #tpu.memory_space<semaphore_mem>>
    } else {
    }
    %barrier3A_122 = arith.constant 0 : index
    tpu.barrier barrier_id(%barrier3A_122)
    "tpu.region"() ({
      %run_scoped3A = tpu.sem_alloc : memref<!tpu.dma_semaphore, #tpu.memory_space<semaphore_mem>>
      %dma_start3A_152 = arith.constant 0 : i32
      %dma_start3A_153 = tpu.memref_slice %arg8[%mul3A_2, %dma_start3A_152] : memref<10240x16xf32, #tpu.memory_space<hbm>> -> memref<320x16xf32, #tpu.memory_space<hbm>>
      %dma_start3A_154 = arith.constant 0 : i32
      %dma_start3A_155 = tpu.memref_slice %arg8[%mul3A_2, %dma_start3A_154] : memref<10240x16xf32, #tpu.memory_space<hbm>> -> memref<320x16xf32, #tpu.memory_space<hbm>>
      tpu.enqueue_dma source(%dma_start3A_155 : memref<320x16xf32, #tpu.memory_space<hbm>>) target(%arg16 : memref<320x16xf32, #tpu.memory_space<vmem>>) target_semaphore(%run_scoped3A : memref<!tpu.dma_semaphore, #tpu.memory_space<semaphore_mem>>)
      %dma_wait3A_156 = arith.constant 0 : i32
      %dma_wait3A_157 = tpu.memref_slice %arg8[%mul3A_2, %dma_wait3A_156] : memref<10240x16xf32, #tpu.memory_space<hbm>> -> memref<320x16xf32, #tpu.memory_space<hbm>>
      %dma_wait3A_158 = arith.constant 0 : i32
      %dma_wait3A_159 = tpu.memref_slice %arg8[%mul3A_2, %dma_wait3A_158] : memref<10240x16xf32, #tpu.memory_space<hbm>> -> memref<320x16xf32, #tpu.memory_space<hbm>>
      tpu.wait_dma2 semaphore(%run_scoped3A : memref<!tpu.dma_semaphore, #tpu.memory_space<semaphore_mem>>) src(%dma_wait3A_159 : memref<320x16xf32, #tpu.memory_space<hbm>>) dst(%arg16 : memref<320x16xf32, #tpu.memory_space<vmem>>)
      tpu.yield
    }) : () -> ()
    "tpu.region"() ({
      %run_scoped3A = tpu.sem_alloc : memref<!tpu.dma_semaphore, #tpu.memory_space<semaphore_mem>>
      %dma_start3A_152 = arith.constant 0 : i32
      %dma_start3A_153 = tpu.memref_slice %arg4[%mul3A_2, %dma_start3A_152] : memref<10240x16xf32, #tpu.memory_space<hbm>> -> memref<320x16xf32, #tpu.memory_space<hbm>>
      %dma_start3A_154 = arith.constant 0 : i32
      %dma_start3A_155 = tpu.memref_slice %arg4[%mul3A_2, %dma_start3A_154] : memref<10240x16xf32, #tpu.memory_space<hbm>> -> memref<320x16xf32, #tpu.memory_space<hbm>>
      tpu.enqueue_dma source(%dma_start3A_155 : memref<320x16xf32, #tpu.memory_space<hbm>>) target(%arg12 : memref<320x16xf32, #tpu.memory_space<vmem>>) target_semaphore(%run_scoped3A : memref<!tpu.dma_semaphore, #tpu.memory_space<semaphore_mem>>)
      %dma_wait3A_156 = arith.constant 0 : i32
      %dma_wait3A_157 = tpu.memref_slice %arg4[%mul3A_2, %dma_wait3A_156] : memref<10240x16xf32, #tpu.memory_space<hbm>> -> memref<320x16xf32, #tpu.memory_space<hbm>>
      %dma_wait3A_158 = arith.constant 0 : i32
      %dma_wait3A_159 = tpu.memref_slice %arg4[%mul3A_2, %dma_wait3A_158] : memref<10240x16xf32, #tpu.memory_space<hbm>> -> memref<320x16xf32, #tpu.memory_space<hbm>>
      tpu.wait_dma2 semaphore(%run_scoped3A : memref<!tpu.dma_semaphore, #tpu.memory_space<semaphore_mem>>) src(%dma_wait3A_159 : memref<320x16xf32, #tpu.memory_space<hbm>>) dst(%arg12 : memref<320x16xf32, #tpu.memory_space<vmem>>)
      tpu.yield
    }) : () -> ()
    %get3A = arith.constant 0 : i32
    %get3A_123 = arith.index_cast %get3A : i32 to index
    %get3A_124 = arith.constant 0 : index
    %get3A_125 = tpu.vector_load %arg18[%get3A_123, %get3A_124] {strides = array<i32>} : memref<16x16xf32, #tpu.memory_space<vmem>>, vector<1x16xf32>,
    %get3A_126 = vector.shape_cast %get3A_125 : vector<1x16xf32> to vector<16xf32>
    %scan3A_127 = arith.constant 0 : i32
    %scan3A_128 = arith.constant 0 : i32
    %scan3A_129 = arith.constant 320 : i32
    %scan3A_130 = arith.addi %scan3A_128, %scan3A_129 : i32
    %scan3A_131 = arith.constant 1 : i32
    scf.for %scan3A_152 = %scan3A_128 to %scan3A_130 step %scan3A_131  : i32 {
      %get3A_153 = arith.index_cast %scan3A_152 : i32 to index
      %get3A_154 = arith.constant 0 : index
      %get3A_155 = tpu.vector_load %arg15[%get3A_153, %get3A_154] {strides = array<i32>} : memref<320x16xf32, #tpu.memory_space<vmem>>, vector<1x16xf32>,
      %get3A_156 = vector.shape_cast %get3A_155 : vector<1x16xf32> to vector<16xf32>
      %get3A_157 = arith.index_cast %scan3A_152 : i32 to index
      %get3A_158 = arith.constant 0 : index
      %get3A_159 = tpu.vector_load %arg16[%get3A_157, %get3A_158] {strides = array<i32>} : memref<320x16xf32, #tpu.memory_space<vmem>>, vector<1x16xf32>,
      %get3A_160 = vector.shape_cast %get3A_159 : vector<1x16xf32> to vector<16xf32>
      %add3A_161 = arith.addf %get3A_156, %get3A_160 : vector<16xf32>
      %div3A = arith.constant 1.000000e+00 : f32
      %div3A_162 = vector.broadcast %div3A : f32 to vector<16xf32>
      %div3A_163 = arith.divf %div3A_162, %add3A_161 : vector<16xf32>
      %mul3A_164 = arith.constant 5.000000e-01 : f32
      %mul3A_165 = vector.broadcast %mul3A_164 : f32 to vector<16xf32>
      %mul3A_166 = arith.mulf %mul3A_165, %add3A_161 : vector<16xf32>
      %mul3A_167 = arith.mulf %mul3A_166, %div3A_163 : vector<16xf32>
      %mul3A_168 = arith.mulf %mul3A_167, %div3A_163 : vector<16xf32>
      %sub3A_169 = arith.constant 1.500000e+00 : f32
      %sub3A_170 = vector.broadcast %sub3A_169 : f32 to vector<16xf32>
      %sub3A_171 = arith.subf %sub3A_170, %mul3A_168 : vector<16xf32>
      %mul3A_172 = arith.mulf %div3A_163, %sub3A_171 : vector<16xf32>
      %mul3A_173 = arith.constant 5.000000e-01 : f32
      %mul3A_174 = vector.broadcast %mul3A_173 : f32 to vector<16xf32>
      %mul3A_175 = arith.mulf %mul3A_174, %add3A_161 : vector<16xf32>
      %mul3A_176 = arith.mulf %mul3A_175, %mul3A_172 : vector<16xf32>
      %mul3A_177 = arith.mulf %mul3A_176, %mul3A_172 : vector<16xf32>
      %sub3A_178 = arith.constant 1.500000e+00 : f32
      %sub3A_179 = vector.broadcast %sub3A_178 : f32 to vector<16xf32>
      %sub3A_180 = arith.subf %sub3A_179, %mul3A_177 : vector<16xf32>
      %mul3A_181 = arith.mulf %mul3A_172, %sub3A_180 : vector<16xf32>
      %mul3A_182 = arith.constant 5.000000e-01 : f32
      %mul3A_183 = vector.broadcast %mul3A_182 : f32 to vector<16xf32>
      %mul3A_184 = arith.mulf %mul3A_183, %add3A_161 : vector<16xf32>
      %mul3A_185 = arith.mulf %mul3A_184, %mul3A_181 : vector<16xf32>
      %mul3A_186 = arith.mulf %mul3A_185, %mul3A_181 : vector<16xf32>
      %sub3A_187 = arith.constant 1.500000e+00 : f32
      %sub3A_188 = vector.broadcast %sub3A_187 : f32 to vector<16xf32>
      %sub3A_189 = arith.subf %sub3A_188, %mul3A_186 : vector<16xf32>
      %mul3A_190 = arith.mulf %mul3A_181, %sub3A_189 : vector<16xf32>
      %mul3A_191 = arith.constant 5.000000e-01 : f32
      %mul3A_192 = vector.broadcast %mul3A_191 : f32 to vector<16xf32>
      %mul3A_193 = arith.mulf %mul3A_192, %add3A_161 : vector<16xf32>
      %mul3A_194 = arith.mulf %mul3A_193, %mul3A_190 : vector<16xf32>
      %mul3A_195 = arith.mulf %mul3A_194, %mul3A_190 : vector<16xf32>
      %sub3A_196 = arith.constant 1.500000e+00 : f32
      %sub3A_197 = vector.broadcast %sub3A_196 : f32 to vector<16xf32>
      %sub3A_198 = arith.subf %sub3A_197, %mul3A_195 : vector<16xf32>
      %mul3A_199 = arith.mulf %mul3A_190, %sub3A_198 : vector<16xf32>
      %mul3A_200 = arith.constant 5.000000e-01 : f32
      %mul3A_201 = vector.broadcast %mul3A_200 : f32 to vector<16xf32>
      %mul3A_202 = arith.mulf %mul3A_201, %add3A_161 : vector<16xf32>
      %mul3A_203 = arith.mulf %mul3A_202, %mul3A_199 : vector<16xf32>
      %mul3A_204 = arith.mulf %mul3A_203, %mul3A_199 : vector<16xf32>
      %sub3A_205 = arith.constant 1.500000e+00 : f32
      %sub3A_206 = vector.broadcast %sub3A_205 : f32 to vector<16xf32>
      %sub3A_207 = arith.subf %sub3A_206, %mul3A_204 : vector<16xf32>
      %mul3A_208 = arith.mulf %mul3A_199, %sub3A_207 : vector<16xf32>
      %mul3A_209 = arith.constant 5.000000e-01 : f32
      %mul3A_210 = vector.broadcast %mul3A_209 : f32 to vector<16xf32>
      %mul3A_211 = arith.mulf %mul3A_210, %add3A_161 : vector<16xf32>
      %mul3A_212 = arith.mulf %mul3A_211, %mul3A_208 : vector<16xf32>
      %mul3A_213 = arith.mulf %mul3A_212, %mul3A_208 : vector<16xf32>
      %sub3A_214 = arith.constant 1.500000e+00 : f32
      %sub3A_215 = vector.broadcast %sub3A_214 : f32 to vector<16xf32>
      %sub3A_216 = arith.subf %sub3A_215, %mul3A_213 : vector<16xf32>
      %mul3A_217 = arith.mulf %mul3A_208, %sub3A_216 : vector<16xf32>
      %mul3A_218 = arith.constant 5.000000e-01 : f32
      %mul3A_219 = vector.broadcast %mul3A_218 : f32 to vector<16xf32>
      %mul3A_220 = arith.mulf %mul3A_219, %add3A_161 : vector<16xf32>
      %mul3A_221 = arith.mulf %mul3A_220, %mul3A_217 : vector<16xf32>
      %mul3A_222 = arith.mulf %mul3A_221, %mul3A_217 : vector<16xf32>
      %sub3A_223 = arith.constant 1.500000e+00 : f32
      %sub3A_224 = vector.broadcast %sub3A_223 : f32 to vector<16xf32>
      %sub3A_225 = arith.subf %sub3A_224, %mul3A_222 : vector<16xf32>
      %mul3A_226 = arith.mulf %mul3A_217, %sub3A_225 : vector<16xf32>
      %mul3A_227 = arith.constant 5.000000e-01 : f32
      %mul3A_228 = vector.broadcast %mul3A_227 : f32 to vector<16xf32>
      %mul3A_229 = arith.mulf %mul3A_228, %add3A_161 : vector<16xf32>
      %mul3A_230 = arith.mulf %mul3A_229, %mul3A_226 : vector<16xf32>
      %mul3A_231 = arith.mulf %mul3A_230, %mul3A_226 : vector<16xf32>
      %sub3A_232 = arith.constant 1.500000e+00 : f32
      %sub3A_233 = vector.broadcast %sub3A_232 : f32 to vector<16xf32>
      %sub3A_234 = arith.subf %sub3A_233, %mul3A_231 : vector<16xf32>
      %mul3A_235 = arith.mulf %mul3A_226, %sub3A_234 : vector<16xf32>
      %mul3A_236 = arith.constant 5.000000e-01 : f32
      %mul3A_237 = vector.broadcast %mul3A_236 : f32 to vector<16xf32>
      %mul3A_238 = arith.mulf %mul3A_237, %add3A_161 : vector<16xf32>
      %mul3A_239 = arith.mulf %mul3A_238, %mul3A_235 : vector<16xf32>
      %mul3A_240 = arith.mulf %mul3A_239, %mul3A_235 : vector<16xf32>
      %sub3A_241 = arith.constant 1.500000e+00 : f32
      %sub3A_242 = vector.broadcast %sub3A_241 : f32 to vector<16xf32>
      %sub3A_243 = arith.subf %sub3A_242, %mul3A_240 : vector<16xf32>
      %mul3A_244 = arith.mulf %mul3A_235, %sub3A_243 : vector<16xf32>
      %mul3A_245 = arith.constant 5.000000e-01 : f32
      %mul3A_246 = vector.broadcast %mul3A_245 : f32 to vector<16xf32>
      %mul3A_247 = arith.mulf %mul3A_246, %add3A_161 : vector<16xf32>
      %mul3A_248 = arith.mulf %mul3A_247, %mul3A_244 : vector<16xf32>
      %mul3A_249 = arith.mulf %mul3A_248, %mul3A_244 : vector<16xf32>
      %sub3A_250 = arith.constant 1.500000e+00 : f32
      %sub3A_251 = vector.broadcast %sub3A_250 : f32 to vector<16xf32>
      %sub3A_252 = arith.subf %sub3A_251, %mul3A_249 : vector<16xf32>
      %mul3A_253 = arith.mulf %mul3A_244, %sub3A_252 : vector<16xf32>
      %mul3A_254 = arith.constant 5.000000e-01 : f32
      %mul3A_255 = vector.broadcast %mul3A_254 : f32 to vector<16xf32>
      %mul3A_256 = arith.mulf %mul3A_255, %add3A_161 : vector<16xf32>
      %mul3A_257 = arith.mulf %mul3A_256, %mul3A_253 : vector<16xf32>
      %mul3A_258 = arith.mulf %mul3A_257, %mul3A_253 : vector<16xf32>
      %sub3A_259 = arith.constant 1.500000e+00 : f32
      %sub3A_260 = vector.broadcast %sub3A_259 : f32 to vector<16xf32>
      %sub3A_261 = arith.subf %sub3A_260, %mul3A_258 : vector<16xf32>
      %mul3A_262 = arith.mulf %mul3A_253, %sub3A_261 : vector<16xf32>
      %mul3A_263 = arith.constant 5.000000e-01 : f32
      %mul3A_264 = vector.broadcast %mul3A_263 : f32 to vector<16xf32>
      %mul3A_265 = arith.mulf %mul3A_264, %add3A_161 : vector<16xf32>
      %mul3A_266 = arith.mulf %mul3A_265, %mul3A_262 : vector<16xf32>
      %mul3A_267 = arith.mulf %mul3A_266, %mul3A_262 : vector<16xf32>
      %sub3A_268 = arith.constant 1.500000e+00 : f32
      %sub3A_269 = vector.broadcast %sub3A_268 : f32 to vector<16xf32>
      %sub3A_270 = arith.subf %sub3A_269, %mul3A_267 : vector<16xf32>
      %mul3A_271 = arith.mulf %mul3A_262, %sub3A_270 : vector<16xf32>
      %mul3A_272 = arith.constant 5.000000e-01 : f32
      %mul3A_273 = vector.broadcast %mul3A_272 : f32 to vector<16xf32>
      %mul3A_274 = arith.mulf %mul3A_273, %add3A_161 : vector<16xf32>
      %mul3A_275 = arith.mulf %mul3A_274, %mul3A_271 : vector<16xf32>
      %mul3A_276 = arith.mulf %mul3A_275, %mul3A_271 : vector<16xf32>
      %sub3A_277 = arith.constant 1.500000e+00 : f32
      %sub3A_278 = vector.broadcast %sub3A_277 : f32 to vector<16xf32>
      %sub3A_279 = arith.subf %sub3A_278, %mul3A_276 : vector<16xf32>
      %mul3A_280 = arith.mulf %mul3A_271, %sub3A_279 : vector<16xf32>
      %mul3A_281 = arith.constant 5.000000e-01 : f32
      %mul3A_282 = vector.broadcast %mul3A_281 : f32 to vector<16xf32>
      %mul3A_283 = arith.mulf %mul3A_282, %add3A_161 : vector<16xf32>
      %mul3A_284 = arith.mulf %mul3A_283, %mul3A_280 : vector<16xf32>
      %mul3A_285 = arith.mulf %mul3A_284, %mul3A_280 : vector<16xf32>
      %sub3A_286 = arith.constant 1.500000e+00 : f32
      %sub3A_287 = vector.broadcast %sub3A_286 : f32 to vector<16xf32>
      %sub3A_288 = arith.subf %sub3A_287, %mul3A_285 : vector<16xf32>
      %mul3A_289 = arith.mulf %mul3A_280, %sub3A_288 : vector<16xf32>
      %mul3A_290 = arith.constant 5.000000e-01 : f32
      %mul3A_291 = vector.broadcast %mul3A_290 : f32 to vector<16xf32>
      %mul3A_292 = arith.mulf %mul3A_291, %add3A_161 : vector<16xf32>
      %mul3A_293 = arith.mulf %mul3A_292, %mul3A_289 : vector<16xf32>
      %mul3A_294 = arith.mulf %mul3A_293, %mul3A_289 : vector<16xf32>
      %sub3A_295 = arith.constant 1.500000e+00 : f32
      %sub3A_296 = vector.broadcast %sub3A_295 : f32 to vector<16xf32>
      %sub3A_297 = arith.subf %sub3A_296, %mul3A_294 : vector<16xf32>
      %mul3A_298 = arith.mulf %mul3A_289, %sub3A_297 : vector<16xf32>
      %mul3A_299 = arith.constant 5.000000e-01 : f32
      %mul3A_300 = vector.broadcast %mul3A_299 : f32 to vector<16xf32>
      %mul3A_301 = arith.mulf %mul3A_300, %add3A_161 : vector<16xf32>
      %mul3A_302 = arith.mulf %mul3A_301, %mul3A_298 : vector<16xf32>
      %mul3A_303 = arith.mulf %mul3A_302, %mul3A_298 : vector<16xf32>
      %sub3A_304 = arith.constant 1.500000e+00 : f32
      %sub3A_305 = vector.broadcast %sub3A_304 : f32 to vector<16xf32>
      %sub3A_306 = arith.subf %sub3A_305, %mul3A_303 : vector<16xf32>
      %mul3A_307 = arith.mulf %mul3A_298, %sub3A_306 : vector<16xf32>
      %mul3A_308 = arith.constant 5.000000e-01 : f32
      %mul3A_309 = vector.broadcast %mul3A_308 : f32 to vector<16xf32>
      %mul3A_310 = arith.mulf %mul3A_309, %add3A_161 : vector<16xf32>
      %mul3A_311 = arith.mulf %mul3A_310, %mul3A_307 : vector<16xf32>
      %mul3A_312 = arith.mulf %mul3A_311, %mul3A_307 : vector<16xf32>
      %sub3A_313 = arith.constant 1.500000e+00 : f32
      %sub3A_314 = vector.broadcast %sub3A_313 : f32 to vector<16xf32>
      %sub3A_315 = arith.subf %sub3A_314, %mul3A_312 : vector<16xf32>
      %mul3A_316 = arith.mulf %mul3A_307, %sub3A_315 : vector<16xf32>
      %mul3A_317 = arith.constant 5.000000e-01 : f32
      %mul3A_318 = vector.broadcast %mul3A_317 : f32 to vector<16xf32>
      %mul3A_319 = arith.mulf %mul3A_318, %add3A_161 : vector<16xf32>
      %mul3A_320 = arith.mulf %mul3A_319, %mul3A_316 : vector<16xf32>
      %mul3A_321 = arith.mulf %mul3A_320, %mul3A_316 : vector<16xf32>
      %sub3A_322 = arith.constant 1.500000e+00 : f32
      %sub3A_323 = vector.broadcast %sub3A_322 : f32 to vector<16xf32>
      %sub3A_324 = arith.subf %sub3A_323, %mul3A_321 : vector<16xf32>
      %mul3A_325 = arith.mulf %mul3A_316, %sub3A_324 : vector<16xf32>
      %mul3A_326 = arith.constant 5.000000e-01 : f32
      %mul3A_327 = vector.broadcast %mul3A_326 : f32 to vector<16xf32>
      %mul3A_328 = arith.mulf %mul3A_327, %add3A_161 : vector<16xf32>
      %mul3A_329 = arith.mulf %mul3A_328, %mul3A_325 : vector<16xf32>
      %mul3A_330 = arith.mulf %mul3A_329, %mul3A_325 : vector<16xf32>
      %sub3A_331 = arith.constant 1.500000e+00 : f32
      %sub3A_332 = vector.broadcast %sub3A_331 : f32 to vector<16xf32>
      %sub3A_333 = arith.subf %sub3A_332, %mul3A_330 : vector<16xf32>
      %mul3A_334 = arith.mulf %mul3A_325, %sub3A_333 : vector<16xf32>
      %mul3A_335 = arith.constant 5.000000e-01 : f32
      %mul3A_336 = vector.broadcast %mul3A_335 : f32 to vector<16xf32>
      %mul3A_337 = arith.mulf %mul3A_336, %add3A_161 : vector<16xf32>
      %mul3A_338 = arith.mulf %mul3A_337, %mul3A_334 : vector<16xf32>
      %mul3A_339 = arith.mulf %mul3A_338, %mul3A_334 : vector<16xf32>
      %sub3A_340 = arith.constant 1.500000e+00 : f32
      %sub3A_341 = vector.broadcast %sub3A_340 : f32 to vector<16xf32>
      %sub3A_342 = arith.subf %sub3A_341, %mul3A_339 : vector<16xf32>
      %mul3A_343 = arith.mulf %mul3A_334, %sub3A_342 : vector<16xf32>
      %mul3A_344 = arith.mulf %mul3A_343, %mul3A_343 : vector<16xf32>
      %swap3A = arith.index_cast %scan3A_152 : i32 to index
      %swap3A_345 = arith.constant 0 : index
      %swap3A_346 = tpu.vector_load %arg14[%swap3A, %swap3A_345] {strides = array<i32>} : memref<320x16xf32, #tpu.memory_space<vmem>>, vector<1x16xf32>,
      %swap3A_347 = vector.shape_cast %swap3A_346 : vector<1x16xf32> to vector<16xf32>
      %swap3A_348 = vector.shape_cast %mul3A_344 : vector<16xf32> to vector<1x16xf32>
      tpu.vector_store %arg14[%swap3A, %swap3A_345], %swap3A_348 {strides = array<i32>} : memref<320x16xf32, #tpu.memory_space<vmem>>, vector<1x16xf32>,
      %get3A_349 = arith.index_cast %scan3A_152 : i32 to index
      %get3A_350 = arith.constant 0 : index
      %get3A_351 = tpu.vector_load %arg12[%get3A_349, %get3A_350] {strides = array<i32>} : memref<320x16xf32, #tpu.memory_space<vmem>>, vector<1x16xf32>,
      %get3A_352 = vector.shape_cast %get3A_351 : vector<1x16xf32> to vector<16xf32>
      %mul3A_353 = arith.mulf %mul3A_343, %get3A_352 : vector<16xf32>
      %swap3A_354 = arith.index_cast %scan3A_152 : i32 to index
      %swap3A_355 = arith.constant 0 : index
      %swap3A_356 = tpu.vector_load %arg12[%swap3A_354, %swap3A_355] {strides = array<i32>} : memref<320x16xf32, #tpu.memory_space<vmem>>, vector<1x16xf32>,
      %swap3A_357 = vector.shape_cast %swap3A_356 : vector<1x16xf32> to vector<16xf32>
      %swap3A_358 = vector.shape_cast %mul3A_353 : vector<16xf32> to vector<1x16xf32>
      tpu.vector_store %arg12[%swap3A_354, %swap3A_355], %swap3A_358 {strides = array<i32>} : memref<320x16xf32, #tpu.memory_space<vmem>>, vector<1x16xf32>,
      %mul3A_359 = arith.mulf %get3A_126, %mul3A_353 : vector<16xf32>
      %swap3A_360 = arith.index_cast %scan3A_152 : i32 to index
      %swap3A_361 = arith.constant 0 : index
      %swap3A_362 = tpu.vector_load %arg13[%swap3A_360, %swap3A_361] {strides = array<i32>} : memref<320x16xf32, #tpu.memory_space<vmem>>, vector<1x16xf32>,
      %swap3A_363 = vector.shape_cast %swap3A_362 : vector<1x16xf32> to vector<16xf32>
      %swap3A_364 = vector.shape_cast %mul3A_359 : vector<16xf32> to vector<1x16xf32>
      tpu.vector_store %arg13[%swap3A_360, %swap3A_361], %swap3A_364 {strides = array<i32>} : memref<320x16xf32, #tpu.memory_space<vmem>>, vector<1x16xf32>,
    }
    %scan3A_132 = arith.constant 320 : i32
    "tpu.region"() ({
      %run_scoped3A = tpu.sem_alloc : memref<!tpu.dma_semaphore, #tpu.memory_space<semaphore_mem>>
      %dma_start3A_152 = arith.constant 0 : i32
      %dma_start3A_153 = tpu.memref_slice %arg7[%mul3A_2, %dma_start3A_152] : memref<10240x16xf32, #tpu.memory_space<hbm>> -> memref<320x16xf32, #tpu.memory_space<hbm>>
      %dma_start3A_154 = arith.constant 0 : i32
      %dma_start3A_155 = tpu.memref_slice %arg7[%mul3A_2, %dma_start3A_154] : memref<10240x16xf32, #tpu.memory_space<hbm>> -> memref<320x16xf32, #tpu.memory_space<hbm>>
      tpu.enqueue_dma source(%arg12 : memref<320x16xf32, #tpu.memory_space<vmem>>) target(%dma_start3A_155 : memref<320x16xf32, #tpu.memory_space<hbm>>) target_semaphore(%run_scoped3A : memref<!tpu.dma_semaphore, #tpu.memory_space<semaphore_mem>>)
      %dma_wait3A_156 = arith.constant 0 : i32
      %dma_wait3A_157 = tpu.memref_slice %arg7[%mul3A_2, %dma_wait3A_156] : memref<10240x16xf32, #tpu.memory_space<hbm>> -> memref<320x16xf32, #tpu.memory_space<hbm>>
      %dma_wait3A_158 = arith.constant 0 : i32
      %dma_wait3A_159 = tpu.memref_slice %arg7[%mul3A_2, %dma_wait3A_158] : memref<10240x16xf32, #tpu.memory_space<hbm>> -> memref<320x16xf32, #tpu.memory_space<hbm>>
      tpu.wait_dma2 semaphore(%run_scoped3A : memref<!tpu.dma_semaphore, #tpu.memory_space<semaphore_mem>>) src(%arg12 : memref<320x16xf32, #tpu.memory_space<vmem>>) dst(%dma_wait3A_159 : memref<320x16xf32, #tpu.memory_space<hbm>>)
      tpu.yield
    }) : () -> ()
    %barrier3A_133 = arith.constant 0 : index
    tpu.barrier barrier_id(%barrier3A_133)
    %eq3A_134 = arith.constant 0 : i32
    %eq3A_135 = arith.cmpi eq, %arg1, %eq3A_134 : i32
    %convert_element_type3A_136 = arith.extui %eq3A_135 : i1 to i32
    %cond3A_137 = arith.constant 0 : i32
    %cond3A_138 = arith.cmpi ne, %convert_element_type3A_136, %cond3A_137 : i32
    scf.if %cond3A_138 {
      %sub3A_152 = arith.constant 1 : i32
      %sub3A_153 = arith.subi %sub3A_152, %arg0 : i32
      %semaphore_signal3A = arith.constant 1 : i32
      tpu.sem_signal %arg22, %semaphore_signal3A core_id %sub3A_153 : memref<!tpu.semaphore, #tpu.memory_space<semaphore_mem>>
      %semaphore_wait3A = arith.constant 1 : i32
      %semaphore_wait3A_154 = arith.constant true
      tpu.sem_wait %arg22, %semaphore_wait3A : memref<!tpu.semaphore, #tpu.memory_space<semaphore_mem>>
    } else {
    }
    %barrier3A_139 = arith.constant 0 : index
    tpu.barrier barrier_id(%barrier3A_139)
    %scan3A_140 = arith.constant 0 : i32
    %scan3A_141 = arith.constant 0 : i32
    %scan3A_142 = arith.constant 10 : i32
    %scan3A_143 = arith.addi %scan3A_141, %scan3A_142 : i32
    %scan3A_144 = arith.constant 1 : i32
    scf.for %scan3A_152 = %scan3A_141 to %scan3A_143 step %scan3A_144  : i32 {
      %dma_start3A_153 = arith.constant 0 : i32
      %dma_start3A_154 = arith.constant 0 : i32
      %dma_start3A_155 = arith.constant 0 : i32
      %dma_start3A_156 = arith.constant 0 : i32
      %dma_start3A_157 = arith.constant 0 : i32
      %dma_start3A_158 = tpu.memref_slice %arg11[%dma_start3A_154, %dma_start3A_156, %dma_start3A_157] : memref<10x128x16xf32, #tpu.memory_space<vmem>> -> memref<1x128x16xf32, #tpu.memory_space<vmem>>
      %dma_start3A_159 = tpu.memref_squeeze %dma_start3A_158 : memref<1x128x16xf32, #tpu.memory_space<vmem>> -> memref<128x16xf32, #tpu.memory_space<vmem>>
      %dma_start3A_160 = arith.constant 0 : i32
      %dma_start3A_161 = tpu.memref_slice %arg9[%dma_start3A_153, %dma_start3A_160] : memref<80x128xi32, #tpu.memory_space<vmem>> -> memref<1x128xi32, #tpu.memory_space<vmem>>
      %dma_start3A_162 = tpu.memref_squeeze %dma_start3A_161 : memref<1x128xi32, #tpu.memory_space<vmem>> -> memref<128xi32, #tpu.memory_space<vmem>>
      %dma_start3A_163 = arith.constant 0 : i32
      %dma_start3A_164 = arith.constant 0 : i32
      %dma_start3A_165 = tpu.memref_slice %arg7[%dma_start3A_163, %dma_start3A_164] : memref<10240x16xf32, #tpu.memory_space<hbm>> -> memref<10240x16xf32, #tpu.memory_space<hbm>>
      %dma_start3A_166 = tpu.memref_slice %arg20[%dma_start3A_155] : memref<10x!tpu.dma_semaphore, #tpu.memory_space<semaphore_mem>> -> memref<1x!tpu.dma_semaphore, #tpu.memory_space<semaphore_mem>>
      %dma_start3A_167 = tpu.memref_squeeze %dma_start3A_166 : memref<1x!tpu.dma_semaphore, #tpu.memory_space<semaphore_mem>> -> memref<!tpu.dma_semaphore, #tpu.memory_space<semaphore_mem>>
      tpu.enqueue_indirect_dma source(%dma_start3A_165 : memref<10240x16xf32, #tpu.memory_space<hbm>>) target(%dma_start3A_159 : memref<128x16xf32, #tpu.memory_space<vmem>>) offsets(%dma_start3A_162 : memref<128xi32, #tpu.memory_space<vmem>>) semaphore(%dma_start3A_167 : memref<!tpu.dma_semaphore, #tpu.memory_space<semaphore_mem>>)
      %dma_start3A_168 = arith.constant 1 : i32
      %dma_start3A_169 = arith.constant 1 : i32
      %dma_start3A_170 = arith.constant 1 : i32
      %dma_start3A_171 = arith.constant 0 : i32
      %dma_start3A_172 = arith.constant 0 : i32
      %dma_start3A_173 = tpu.memref_slice %arg11[%dma_start3A_169, %dma_start3A_171, %dma_start3A_172] : memref<10x128x16xf32, #tpu.memory_space<vmem>> -> memref<1x128x16xf32, #tpu.memory_space<vmem>>
      %dma_start3A_174 = tpu.memref_squeeze %dma_start3A_173 : memref<1x128x16xf32, #tpu.memory_space<vmem>> -> memref<128x16xf32, #tpu.memory_space<vmem>>
      %dma_start3A_175 = arith.constant 0 : i32
      %dma_start3A_176 = tpu.memref_slice %arg9[%dma_start3A_168, %dma_start3A_175] : memref<80x128xi32, #tpu.memory_space<vmem>> -> memref<1x128xi32, #tpu.memory_space<vmem>>
      %dma_start3A_177 = tpu.memref_squeeze %dma_start3A_176 : memref<1x128xi32, #tpu.memory_space<vmem>> -> memref<128xi32, #tpu.memory_space<vmem>>
      %dma_start3A_178 = arith.constant 0 : i32
      %dma_start3A_179 = arith.constant 0 : i32
      %dma_start3A_180 = tpu.memref_slice %arg7[%dma_start3A_178, %dma_start3A_179] : memref<10240x16xf32, #tpu.memory_space<hbm>> -> memref<10240x16xf32, #tpu.memory_space<hbm>>
      %dma_start3A_181 = tpu.memref_slice %arg20[%dma_start3A_170] : memref<10x!tpu.dma_semaphore, #tpu.memory_space<semaphore_mem>> -> memref<1x!tpu.dma_semaphore, #tpu.memory_space<semaphore_mem>>
      %dma_start3A_182 = tpu.memref_squeeze %dma_start3A_181 : memref<1x!tpu.dma_semaphore, #tpu.memory_space<semaphore_mem>> -> memref<!tpu.dma_semaphore, #tpu.memory_space<semaphore_mem>>
      tpu.enqueue_indirect_dma source(%dma_start3A_180 : memref<10240x16xf32, #tpu.memory_space<hbm>>) target(%dma_start3A_174 : memref<128x16xf32, #tpu.memory_space<vmem>>) offsets(%dma_start3A_177 : memref<128xi32, #tpu.memory_space<vmem>>) semaphore(%dma_start3A_182 : memref<!tpu.dma_semaphore, #tpu.memory_space<semaphore_mem>>)
      %dma_start3A_183 = arith.constant 2 : i32
      %dma_start3A_184 = arith.constant 2 : i32
      %dma_start3A_185 = arith.constant 2 : i32
      %dma_start3A_186 = arith.constant 0 : i32
      %dma_start3A_187 = arith.constant 0 : i32
      %dma_start3A_188 = tpu.memref_slice %arg11[%dma_start3A_184, %dma_start3A_186, %dma_start3A_187] : memref<10x128x16xf32, #tpu.memory_space<vmem>> -> memref<1x128x16xf32, #tpu.memory_space<vmem>>
      %dma_start3A_189 = tpu.memref_squeeze %dma_start3A_188 : memref<1x128x16xf32, #tpu.memory_space<vmem>> -> memref<128x16xf32, #tpu.memory_space<vmem>>
      %dma_start3A_190 = arith.constant 0 : i32
      %dma_start3A_191 = tpu.memref_slice %arg9[%dma_start3A_183, %dma_start3A_190] : memref<80x128xi32, #tpu.memory_space<vmem>> -> memref<1x128xi32, #tpu.memory_space<vmem>>
      %dma_start3A_192 = tpu.memref_squeeze %dma_start3A_191 : memref<1x128xi32, #tpu.memory_space<vmem>> -> memref<128xi32, #tpu.memory_space<vmem>>
      %dma_start3A_193 = arith.constant 0 : i32
      %dma_start3A_194 = arith.constant 0 : i32
      %dma_start3A_195 = tpu.memref_slice %arg7[%dma_start3A_193, %dma_start3A_194] : memref<10240x16xf32, #tpu.memory_space<hbm>> -> memref<10240x16xf32, #tpu.memory_space<hbm>>
      %dma_start3A_196 = tpu.memref_slice %arg20[%dma_start3A_185] : memref<10x!tpu.dma_semaphore, #tpu.memory_space<semaphore_mem>> -> memref<1x!tpu.dma_semaphore, #tpu.memory_space<semaphore_mem>>
      %dma_start3A_197 = tpu.memref_squeeze %dma_start3A_196 : memref<1x!tpu.dma_semaphore, #tpu.memory_space<semaphore_mem>> -> memref<!tpu.dma_semaphore, #tpu.memory_space<semaphore_mem>>
      tpu.enqueue_indirect_dma source(%dma_start3A_195 : memref<10240x16xf32, #tpu.memory_space<hbm>>) target(%dma_start3A_189 : memref<128x16xf32, #tpu.memory_space<vmem>>) offsets(%dma_start3A_192 : memref<128xi32, #tpu.memory_space<vmem>>) semaphore(%dma_start3A_197 : memref<!tpu.dma_semaphore, #tpu.memory_space<semaphore_mem>>)
      %dma_start3A_198 = arith.constant 3 : i32
      %dma_start3A_199 = arith.constant 3 : i32
      %dma_start3A_200 = arith.constant 3 : i32
      %dma_start3A_201 = arith.constant 0 : i32
      %dma_start3A_202 = arith.constant 0 : i32
      %dma_start3A_203 = tpu.memref_slice %arg11[%dma_start3A_199, %dma_start3A_201, %dma_start3A_202] : memref<10x128x16xf32, #tpu.memory_space<vmem>> -> memref<1x128x16xf32, #tpu.memory_space<vmem>>
      %dma_start3A_204 = tpu.memref_squeeze %dma_start3A_203 : memref<1x128x16xf32, #tpu.memory_space<vmem>> -> memref<128x16xf32, #tpu.memory_space<vmem>>
      %dma_start3A_205 = arith.constant 0 : i32
      %dma_start3A_206 = tpu.memref_slice %arg9[%dma_start3A_198, %dma_start3A_205] : memref<80x128xi32, #tpu.memory_space<vmem>> -> memref<1x128xi32, #tpu.memory_space<vmem>>
      %dma_start3A_207 = tpu.memref_squeeze %dma_start3A_206 : memref<1x128xi32, #tpu.memory_space<vmem>> -> memref<128xi32, #tpu.memory_space<vmem>>
      %dma_start3A_208 = arith.constant 0 : i32
      %dma_start3A_209 = arith.constant 0 : i32
      %dma_start3A_210 = tpu.memref_slice %arg7[%dma_start3A_208, %dma_start3A_209] : memref<10240x16xf32, #tpu.memory_space<hbm>> -> memref<10240x16xf32, #tpu.memory_space<hbm>>
      %dma_start3A_211 = tpu.memref_slice %arg20[%dma_start3A_200] : memref<10x!tpu.dma_semaphore, #tpu.memory_space<semaphore_mem>> -> memref<1x!tpu.dma_semaphore, #tpu.memory_space<semaphore_mem>>
      %dma_start3A_212 = tpu.memref_squeeze %dma_start3A_211 : memref<1x!tpu.dma_semaphore, #tpu.memory_space<semaphore_mem>> -> memref<!tpu.dma_semaphore, #tpu.memory_space<semaphore_mem>>
      tpu.enqueue_indirect_dma source(%dma_start3A_210 : memref<10240x16xf32, #tpu.memory_space<hbm>>) target(%dma_start3A_204 : memref<128x16xf32, #tpu.memory_space<vmem>>) offsets(%dma_start3A_207 : memref<128xi32, #tpu.memory_space<vmem>>) semaphore(%dma_start3A_212 : memref<!tpu.dma_semaphore, #tpu.memory_space<semaphore_mem>>)
      %dma_start3A_213 = arith.constant 4 : i32
      %dma_start3A_214 = arith.constant 4 : i32
      %dma_start3A_215 = arith.constant 4 : i32
      %dma_start3A_216 = arith.constant 0 : i32
      %dma_start3A_217 = arith.constant 0 : i32
      %dma_start3A_218 = tpu.memref_slice %arg11[%dma_start3A_214, %dma_start3A_216, %dma_start3A_217] : memref<10x128x16xf32, #tpu.memory_space<vmem>> -> memref<1x128x16xf32, #tpu.memory_space<vmem>>
      %dma_start3A_219 = tpu.memref_squeeze %dma_start3A_218 : memref<1x128x16xf32, #tpu.memory_space<vmem>> -> memref<128x16xf32, #tpu.memory_space<vmem>>
      %dma_start3A_220 = arith.constant 0 : i32
      %dma_start3A_221 = tpu.memref_slice %arg9[%dma_start3A_213, %dma_start3A_220] : memref<80x128xi32, #tpu.memory_space<vmem>> -> memref<1x128xi32, #tpu.memory_space<vmem>>
      %dma_start3A_222 = tpu.memref_squeeze %dma_start3A_221 : memref<1x128xi32, #tpu.memory_space<vmem>> -> memref<128xi32, #tpu.memory_space<vmem>>
      %dma_start3A_223 = arith.constant 0 : i32
      %dma_start3A_224 = arith.constant 0 : i32
      %dma_start3A_225 = tpu.memref_slice %arg7[%dma_start3A_223, %dma_start3A_224] : memref<10240x16xf32, #tpu.memory_space<hbm>> -> memref<10240x16xf32, #tpu.memory_space<hbm>>
      %dma_start3A_226 = tpu.memref_slice %arg20[%dma_start3A_215] : memref<10x!tpu.dma_semaphore, #tpu.memory_space<semaphore_mem>> -> memref<1x!tpu.dma_semaphore, #tpu.memory_space<semaphore_mem>>
      %dma_start3A_227 = tpu.memref_squeeze %dma_start3A_226 : memref<1x!tpu.dma_semaphore, #tpu.memory_space<semaphore_mem>> -> memref<!tpu.dma_semaphore, #tpu.memory_space<semaphore_mem>>
      tpu.enqueue_indirect_dma source(%dma_start3A_225 : memref<10240x16xf32, #tpu.memory_space<hbm>>) target(%dma_start3A_219 : memref<128x16xf32, #tpu.memory_space<vmem>>) offsets(%dma_start3A_222 : memref<128xi32, #tpu.memory_space<vmem>>) semaphore(%dma_start3A_227 : memref<!tpu.dma_semaphore, #tpu.memory_space<semaphore_mem>>)
      %dma_start3A_228 = arith.constant 5 : i32
      %dma_start3A_229 = arith.constant 5 : i32
      %dma_start3A_230 = arith.constant 5 : i32
      %dma_start3A_231 = arith.constant 0 : i32
      %dma_start3A_232 = arith.constant 0 : i32
      %dma_start3A_233 = tpu.memref_slice %arg11[%dma_start3A_229, %dma_start3A_231, %dma_start3A_232] : memref<10x128x16xf32, #tpu.memory_space<vmem>> -> memref<1x128x16xf32, #tpu.memory_space<vmem>>
      %dma_start3A_234 = tpu.memref_squeeze %dma_start3A_233 : memref<1x128x16xf32, #tpu.memory_space<vmem>> -> memref<128x16xf32, #tpu.memory_space<vmem>>
      %dma_start3A_235 = arith.constant 0 : i32
      %dma_start3A_236 = tpu.memref_slice %arg9[%dma_start3A_228, %dma_start3A_235] : memref<80x128xi32, #tpu.memory_space<vmem>> -> memref<1x128xi32, #tpu.memory_space<vmem>>
      %dma_start3A_237 = tpu.memref_squeeze %dma_start3A_236 : memref<1x128xi32, #tpu.memory_space<vmem>> -> memref<128xi32, #tpu.memory_space<vmem>>
      %dma_start3A_238 = arith.constant 0 : i32
      %dma_start3A_239 = arith.constant 0 : i32
      %dma_start3A_240 = tpu.memref_slice %arg7[%dma_start3A_238, %dma_start3A_239] : memref<10240x16xf32, #tpu.memory_space<hbm>> -> memref<10240x16xf32, #tpu.memory_space<hbm>>
      %dma_start3A_241 = tpu.memref_slice %arg20[%dma_start3A_230] : memref<10x!tpu.dma_semaphore, #tpu.memory_space<semaphore_mem>> -> memref<1x!tpu.dma_semaphore, #tpu.memory_space<semaphore_mem>>
      %dma_start3A_242 = tpu.memref_squeeze %dma_start3A_241 : memref<1x!tpu.dma_semaphore, #tpu.memory_space<semaphore_mem>> -> memref<!tpu.dma_semaphore, #tpu.memory_space<semaphore_mem>>
      tpu.enqueue_indirect_dma source(%dma_start3A_240 : memref<10240x16xf32, #tpu.memory_space<hbm>>) target(%dma_start3A_234 : memref<128x16xf32, #tpu.memory_space<vmem>>) offsets(%dma_start3A_237 : memref<128xi32, #tpu.memory_space<vmem>>) semaphore(%dma_start3A_242 : memref<!tpu.dma_semaphore, #tpu.memory_space<semaphore_mem>>)
      %dma_start3A_243 = arith.constant 6 : i32
      %dma_start3A_244 = arith.constant 6 : i32
      %dma_start3A_245 = arith.constant 6 : i32
      %dma_start3A_246 = arith.constant 0 : i32
      %dma_start3A_247 = arith.constant 0 : i32
      %dma_start3A_248 = tpu.memref_slice %arg11[%dma_start3A_244, %dma_start3A_246, %dma_start3A_247] : memref<10x128x16xf32, #tpu.memory_space<vmem>> -> memref<1x128x16xf32, #tpu.memory_space<vmem>>
      %dma_start3A_249 = tpu.memref_squeeze %dma_start3A_248 : memref<1x128x16xf32, #tpu.memory_space<vmem>> -> memref<128x16xf32, #tpu.memory_space<vmem>>
      %dma_start3A_250 = arith.constant 0 : i32
      %dma_start3A_251 = tpu.memref_slice %arg9[%dma_start3A_243, %dma_start3A_250] : memref<80x128xi32, #tpu.memory_space<vmem>> -> memref<1x128xi32, #tpu.memory_space<vmem>>
      %dma_start3A_252 = tpu.memref_squeeze %dma_start3A_251 : memref<1x128xi32, #tpu.memory_space<vmem>> -> memref<128xi32, #tpu.memory_space<vmem>>
      %dma_start3A_253 = arith.constant 0 : i32
      %dma_start3A_254 = arith.constant 0 : i32
      %dma_start3A_255 = tpu.memref_slice %arg7[%dma_start3A_253, %dma_start3A_254] : memref<10240x16xf32, #tpu.memory_space<hbm>> -> memref<10240x16xf32, #tpu.memory_space<hbm>>
      %dma_start3A_256 = tpu.memref_slice %arg20[%dma_start3A_245] : memref<10x!tpu.dma_semaphore, #tpu.memory_space<semaphore_mem>> -> memref<1x!tpu.dma_semaphore, #tpu.memory_space<semaphore_mem>>
      %dma_start3A_257 = tpu.memref_squeeze %dma_start3A_256 : memref<1x!tpu.dma_semaphore, #tpu.memory_space<semaphore_mem>> -> memref<!tpu.dma_semaphore, #tpu.memory_space<semaphore_mem>>
      tpu.enqueue_indirect_dma source(%dma_start3A_255 : memref<10240x16xf32, #tpu.memory_space<hbm>>) target(%dma_start3A_249 : memref<128x16xf32, #tpu.memory_space<vmem>>) offsets(%dma_start3A_252 : memref<128xi32, #tpu.memory_space<vmem>>) semaphore(%dma_start3A_257 : memref<!tpu.dma_semaphore, #tpu.memory_space<semaphore_mem>>)
      %dma_start3A_258 = arith.constant 7 : i32
      %dma_start3A_259 = arith.constant 7 : i32
      %dma_start3A_260 = arith.constant 7 : i32
      %dma_start3A_261 = arith.constant 0 : i32
      %dma_start3A_262 = arith.constant 0 : i32
      %dma_start3A_263 = tpu.memref_slice %arg11[%dma_start3A_259, %dma_start3A_261, %dma_start3A_262] : memref<10x128x16xf32, #tpu.memory_space<vmem>> -> memref<1x128x16xf32, #tpu.memory_space<vmem>>
      %dma_start3A_264 = tpu.memref_squeeze %dma_start3A_263 : memref<1x128x16xf32, #tpu.memory_space<vmem>> -> memref<128x16xf32, #tpu.memory_space<vmem>>
      %dma_start3A_265 = arith.constant 0 : i32
      %dma_start3A_266 = tpu.memref_slice %arg9[%dma_start3A_258, %dma_start3A_265] : memref<80x128xi32, #tpu.memory_space<vmem>> -> memref<1x128xi32, #tpu.memory_space<vmem>>
      %dma_start3A_267 = tpu.memref_squeeze %dma_start3A_266 : memref<1x128xi32, #tpu.memory_space<vmem>> -> memref<128xi32, #tpu.memory_space<vmem>>
      %dma_start3A_268 = arith.constant 0 : i32
      %dma_start3A_269 = arith.constant 0 : i32
      %dma_start3A_270 = tpu.memref_slice %arg7[%dma_start3A_268, %dma_start3A_269] : memref<10240x16xf32, #tpu.memory_space<hbm>> -> memref<10240x16xf32, #tpu.memory_space<hbm>>
      %dma_start3A_271 = tpu.memref_slice %arg20[%dma_start3A_260] : memref<10x!tpu.dma_semaphore, #tpu.memory_space<semaphore_mem>> -> memref<1x!tpu.dma_semaphore, #tpu.memory_space<semaphore_mem>>
      %dma_start3A_272 = tpu.memref_squeeze %dma_start3A_271 : memref<1x!tpu.dma_semaphore, #tpu.memory_space<semaphore_mem>> -> memref<!tpu.dma_semaphore, #tpu.memory_space<semaphore_mem>>
      tpu.enqueue_indirect_dma source(%dma_start3A_270 : memref<10240x16xf32, #tpu.memory_space<hbm>>) target(%dma_start3A_264 : memref<128x16xf32, #tpu.memory_space<vmem>>) offsets(%dma_start3A_267 : memref<128xi32, #tpu.memory_space<vmem>>) semaphore(%dma_start3A_272 : memref<!tpu.dma_semaphore, #tpu.memory_space<semaphore_mem>>)
      %dma_start3A_273 = arith.constant 8 : i32
      %dma_start3A_274 = arith.constant 8 : i32
      %dma_start3A_275 = arith.constant 8 : i32
      %dma_start3A_276 = arith.constant 0 : i32
      %dma_start3A_277 = arith.constant 0 : i32
      %dma_start3A_278 = tpu.memref_slice %arg11[%dma_start3A_274, %dma_start3A_276, %dma_start3A_277] : memref<10x128x16xf32, #tpu.memory_space<vmem>> -> memref<1x128x16xf32, #tpu.memory_space<vmem>>
      %dma_start3A_279 = tpu.memref_squeeze %dma_start3A_278 : memref<1x128x16xf32, #tpu.memory_space<vmem>> -> memref<128x16xf32, #tpu.memory_space<vmem>>
      %dma_start3A_280 = arith.constant 0 : i32
      %dma_start3A_281 = tpu.memref_slice %arg9[%dma_start3A_273, %dma_start3A_280] : memref<80x128xi32, #tpu.memory_space<vmem>> -> memref<1x128xi32, #tpu.memory_space<vmem>>
      %dma_start3A_282 = tpu.memref_squeeze %dma_start3A_281 : memref<1x128xi32, #tpu.memory_space<vmem>> -> memref<128xi32, #tpu.memory_space<vmem>>
      %dma_start3A_283 = arith.constant 0 : i32
      %dma_start3A_284 = arith.constant 0 : i32
      %dma_start3A_285 = tpu.memref_slice %arg7[%dma_start3A_283, %dma_start3A_284] : memref<10240x16xf32, #tpu.memory_space<hbm>> -> memref<10240x16xf32, #tpu.memory_space<hbm>>
      %dma_start3A_286 = tpu.memref_slice %arg20[%dma_start3A_275] : memref<10x!tpu.dma_semaphore, #tpu.memory_space<semaphore_mem>> -> memref<1x!tpu.dma_semaphore, #tpu.memory_space<semaphore_mem>>
      %dma_start3A_287 = tpu.memref_squeeze %dma_start3A_286 : memref<1x!tpu.dma_semaphore, #tpu.memory_space<semaphore_mem>> -> memref<!tpu.dma_semaphore, #tpu.memory_space<semaphore_mem>>
      tpu.enqueue_indirect_dma source(%dma_start3A_285 : memref<10240x16xf32, #tpu.memory_space<hbm>>) target(%dma_start3A_279 : memref<128x16xf32, #tpu.memory_space<vmem>>) offsets(%dma_start3A_282 : memref<128xi32, #tpu.memory_space<vmem>>) semaphore(%dma_start3A_287 : memref<!tpu.dma_semaphore, #tpu.memory_space<semaphore_mem>>)
      %dma_start3A_288 = arith.constant 9 : i32
      %dma_start3A_289 = arith.constant 9 : i32
      %dma_start3A_290 = arith.constant 9 : i32
      %dma_start3A_291 = arith.constant 0 : i32
      %dma_start3A_292 = arith.constant 0 : i32
      %dma_start3A_293 = tpu.memref_slice %arg11[%dma_start3A_289, %dma_start3A_291, %dma_start3A_292] : memref<10x128x16xf32, #tpu.memory_space<vmem>> -> memref<1x128x16xf32, #tpu.memory_space<vmem>>
      %dma_start3A_294 = tpu.memref_squeeze %dma_start3A_293 : memref<1x128x16xf32, #tpu.memory_space<vmem>> -> memref<128x16xf32, #tpu.memory_space<vmem>>
      %dma_start3A_295 = arith.constant 0 : i32
      %dma_start3A_296 = tpu.memref_slice %arg9[%dma_start3A_288, %dma_start3A_295] : memref<80x128xi32, #tpu.memory_space<vmem>> -> memref<1x128xi32, #tpu.memory_space<vmem>>
      %dma_start3A_297 = tpu.memref_squeeze %dma_start3A_296 : memref<1x128xi32, #tpu.memory_space<vmem>> -> memref<128xi32, #tpu.memory_space<vmem>>
      %dma_start3A_298 = arith.constant 0 : i32
      %dma_start3A_299 = arith.constant 0 : i32
      %dma_start3A_300 = tpu.memref_slice %arg7[%dma_start3A_298, %dma_start3A_299] : memref<10240x16xf32, #tpu.memory_space<hbm>> -> memref<10240x16xf32, #tpu.memory_space<hbm>>
      %dma_start3A_301 = tpu.memref_slice %arg20[%dma_start3A_290] : memref<10x!tpu.dma_semaphore, #tpu.memory_space<semaphore_mem>> -> memref<1x!tpu.dma_semaphore, #tpu.memory_space<semaphore_mem>>
      %dma_start3A_302 = tpu.memref_squeeze %dma_start3A_301 : memref<1x!tpu.dma_semaphore, #tpu.memory_space<semaphore_mem>> -> memref<!tpu.dma_semaphore, #tpu.memory_space<semaphore_mem>>
      tpu.enqueue_indirect_dma source(%dma_start3A_300 : memref<10240x16xf32, #tpu.memory_space<hbm>>) target(%dma_start3A_294 : memref<128x16xf32, #tpu.memory_space<vmem>>) offsets(%dma_start3A_297 : memref<128xi32, #tpu.memory_space<vmem>>) semaphore(%dma_start3A_302 : memref<!tpu.dma_semaphore, #tpu.memory_space<semaphore_mem>>)
      %scan3A_303 = arith.constant 0 : i32
      %scan3A_304 = arith.constant 0 : i32
      %scan3A_305 = arith.constant 8 : i32
      %scan3A_306 = arith.addi %scan3A_304, %scan3A_305 : i32
      %scan3A_307 = arith.constant 1 : i32
      scf.for %scan3A_566 = %scan3A_304 to %scan3A_306 step %scan3A_307  : i32 {
        %mul3A_567 = arith.constant 10 : i32
        %mul3A_568 = arith.muli %scan3A_566, %mul3A_567 : i32
        %add3A_569 = arith.constant 0 : i32
        %add3A_570 = arith.addi %mul3A_568, %add3A_569 : i32
        %dma_wait3A_571 = arith.constant 0 : i32
        %dma_wait3A_572 = arith.constant 0 : i32
        %dma_wait3A_573 = arith.constant 0 : i32
        %dma_wait3A_574 = arith.constant 0 : i32
        %dma_wait3A_575 = tpu.memref_slice %arg11[%dma_wait3A_571, %dma_wait3A_573, %dma_wait3A_574] : memref<10x128x16xf32, #tpu.memory_space<vmem>> -> memref<1x128x16xf32, #tpu.memory_space<vmem>>
        %dma_wait3A_576 = tpu.memref_squeeze %dma_wait3A_575 : memref<1x128x16xf32, #tpu.memory_space<vmem>> -> memref<128x16xf32, #tpu.memory_space<vmem>>
        %dma_wait3A_577 = arith.constant 0 : i32
        %dma_wait3A_578 = tpu.memref_slice %arg9[%add3A_570, %dma_wait3A_577] : memref<80x128xi32, #tpu.memory_space<vmem>> -> memref<1x128xi32, #tpu.memory_space<vmem>>
        %dma_wait3A_579 = tpu.memref_squeeze %dma_wait3A_578 : memref<1x128xi32, #tpu.memory_space<vmem>> -> memref<128xi32, #tpu.memory_space<vmem>>
        %dma_wait3A_580 = arith.constant 0 : i32
        %dma_wait3A_581 = arith.constant 0 : i32
        %dma_wait3A_582 = tpu.memref_slice %arg7[%dma_wait3A_580, %dma_wait3A_581] : memref<10240x16xf32, #tpu.memory_space<hbm>> -> memref<10240x16xf32, #tpu.memory_space<hbm>>
        %dma_wait3A_583 = tpu.memref_slice %arg20[%dma_wait3A_572] : memref<10x!tpu.dma_semaphore, #tpu.memory_space<semaphore_mem>> -> memref<1x!tpu.dma_semaphore, #tpu.memory_space<semaphore_mem>>
        %dma_wait3A_584 = tpu.memref_squeeze %dma_wait3A_583 : memref<1x!tpu.dma_semaphore, #tpu.memory_space<semaphore_mem>> -> memref<!tpu.dma_semaphore, #tpu.memory_space<semaphore_mem>>
        tpu.wait_indirect_dma semaphore(%dma_wait3A_584 : memref<!tpu.dma_semaphore, #tpu.memory_space<semaphore_mem>>) src(%dma_wait3A_582 : memref<10240x16xf32, #tpu.memory_space<hbm>>) dst(%dma_wait3A_576 : memref<128x16xf32, #tpu.memory_space<vmem>>)
        %dma_start3A_585 = arith.constant 0 : i32
        %dma_start3A_586 = arith.constant 0 : i32
        %dma_start3A_587 = arith.constant 0 : i32
        %dma_start3A_588 = arith.constant 0 : i32
        %dma_start3A_589 = tpu.memref_slice %arg11[%dma_start3A_585, %dma_start3A_587, %dma_start3A_588] : memref<10x128x16xf32, #tpu.memory_space<vmem>> -> memref<1x128x16xf32, #tpu.memory_space<vmem>>
        %dma_start3A_590 = tpu.memref_squeeze %dma_start3A_589 : memref<1x128x16xf32, #tpu.memory_space<vmem>> -> memref<128x16xf32, #tpu.memory_space<vmem>>
        %dma_start3A_591 = arith.constant 0 : i32
        %dma_start3A_592 = tpu.memref_slice %arg10[%add3A_570, %dma_start3A_591] : memref<80x128xi32, #tpu.memory_space<vmem>> -> memref<1x128xi32, #tpu.memory_space<vmem>>
        %dma_start3A_593 = tpu.memref_squeeze %dma_start3A_592 : memref<1x128xi32, #tpu.memory_space<vmem>> -> memref<128xi32, #tpu.memory_space<vmem>>
        %dma_start3A_594 = arith.constant 0 : i32
        %dma_start3A_595 = arith.constant 0 : i32
        %dma_start3A_596 = tpu.memref_slice %arg19[%dma_start3A_594, %dma_start3A_595] : memref<10240x16xf32, #tpu.memory_space<vmem_shared>> -> memref<10240x16xf32, #tpu.memory_space<vmem_shared>>
        %dma_start3A_597 = tpu.memref_slice %arg21[%dma_start3A_586] : memref<10x!tpu.dma_semaphore, #tpu.memory_space<semaphore_mem>> -> memref<1x!tpu.dma_semaphore, #tpu.memory_space<semaphore_mem>>
        %dma_start3A_598 = tpu.memref_squeeze %dma_start3A_597 : memref<1x!tpu.dma_semaphore, #tpu.memory_space<semaphore_mem>> -> memref<!tpu.dma_semaphore, #tpu.memory_space<semaphore_mem>>
        tpu.enqueue_indirect_dma source(%dma_start3A_590 : memref<128x16xf32, #tpu.memory_space<vmem>>) target(%dma_start3A_596 : memref<10240x16xf32, #tpu.memory_space<vmem_shared>>) offsets(%dma_start3A_593 : memref<128xi32, #tpu.memory_space<vmem>>) semaphore(%dma_start3A_598 : memref<!tpu.dma_semaphore, #tpu.memory_space<semaphore_mem>>) {add = true}
        %mul3A_599 = arith.constant 10 : i32
        %mul3A_600 = arith.muli %scan3A_566, %mul3A_599 : i32
        %add3A_601 = arith.constant 1 : i32
        %add3A_602 = arith.addi %mul3A_600, %add3A_601 : i32
        %dma_wait3A_603 = arith.constant 1 : i32
        %dma_wait3A_604 = arith.constant 1 : i32
        %dma_wait3A_605 = arith.constant 0 : i32
        %dma_wait3A_606 = arith.constant 0 : i32
        %dma_wait3A_607 = tpu.memref_slice %arg11[%dma_wait3A_603, %dma_wait3A_605, %dma_wait3A_606] : memref<10x128x16xf32, #tpu.memory_space<vmem>> -> memref<1x128x16xf32, #tpu.memory_space<vmem>>
        %dma_wait3A_608 = tpu.memref_squeeze %dma_wait3A_607 : memref<1x128x16xf32, #tpu.memory_space<vmem>> -> memref<128x16xf32, #tpu.memory_space<vmem>>
        %dma_wait3A_609 = arith.constant 0 : i32
        %dma_wait3A_610 = tpu.memref_slice %arg9[%add3A_602, %dma_wait3A_609] : memref<80x128xi32, #tpu.memory_space<vmem>> -> memref<1x128xi32, #tpu.memory_space<vmem>>
        %dma_wait3A_611 = tpu.memref_squeeze %dma_wait3A_610 : memref<1x128xi32, #tpu.memory_space<vmem>> -> memref<128xi32, #tpu.memory_space<vmem>>
        %dma_wait3A_612 = arith.constant 0 : i32
        %dma_wait3A_613 = arith.constant 0 : i32
        %dma_wait3A_614 = tpu.memref_slice %arg7[%dma_wait3A_612, %dma_wait3A_613] : memref<10240x16xf32, #tpu.memory_space<hbm>> -> memref<10240x16xf32, #tpu.memory_space<hbm>>
        %dma_wait3A_615 = tpu.memref_slice %arg20[%dma_wait3A_604] : memref<10x!tpu.dma_semaphore, #tpu.memory_space<semaphore_mem>> -> memref<1x!tpu.dma_semaphore, #tpu.memory_space<semaphore_mem>>
        %dma_wait3A_616 = tpu.memref_squeeze %dma_wait3A_615 : memref<1x!tpu.dma_semaphore, #tpu.memory_space<semaphore_mem>> -> memref<!tpu.dma_semaphore, #tpu.memory_space<semaphore_mem>>
        tpu.wait_indirect_dma semaphore(%dma_wait3A_616 : memref<!tpu.dma_semaphore, #tpu.memory_space<semaphore_mem>>) src(%dma_wait3A_614 : memref<10240x16xf32, #tpu.memory_space<hbm>>) dst(%dma_wait3A_608 : memref<128x16xf32, #tpu.memory_space<vmem>>)
        %dma_start3A_617 = arith.constant 1 : i32
        %dma_start3A_618 = arith.constant 1 : i32
        %dma_start3A_619 = arith.constant 0 : i32
        %dma_start3A_620 = arith.constant 0 : i32
        %dma_start3A_621 = tpu.memref_slice %arg11[%dma_start3A_617, %dma_start3A_619, %dma_start3A_620] : memref<10x128x16xf32, #tpu.memory_space<vmem>> -> memref<1x128x16xf32, #tpu.memory_space<vmem>>
        %dma_start3A_622 = tpu.memref_squeeze %dma_start3A_621 : memref<1x128x16xf32, #tpu.memory_space<vmem>> -> memref<128x16xf32, #tpu.memory_space<vmem>>
        %dma_start3A_623 = arith.constant 0 : i32
        %dma_start3A_624 = tpu.memref_slice %arg10[%add3A_602, %dma_start3A_623] : memref<80x128xi32, #tpu.memory_space<vmem>> -> memref<1x128xi32, #tpu.memory_space<vmem>>
        %dma_start3A_625 = tpu.memref_squeeze %dma_start3A_624 : memref<1x128xi32, #tpu.memory_space<vmem>> -> memref<128xi32, #tpu.memory_space<vmem>>
        %dma_start3A_626 = arith.constant 0 : i32
        %dma_start3A_627 = arith.constant 0 : i32
        %dma_start3A_628 = tpu.memref_slice %arg19[%dma_start3A_626, %dma_start3A_627] : memref<10240x16xf32, #tpu.memory_space<vmem_shared>> -> memref<10240x16xf32, #tpu.memory_space<vmem_shared>>
        %dma_start3A_629 = tpu.memref_slice %arg21[%dma_start3A_618] : memref<10x!tpu.dma_semaphore, #tpu.memory_space<semaphore_mem>> -> memref<1x!tpu.dma_semaphore, #tpu.memory_space<semaphore_mem>>
        %dma_start3A_630 = tpu.memref_squeeze %dma_start3A_629 : memref<1x!tpu.dma_semaphore, #tpu.memory_space<semaphore_mem>> -> memref<!tpu.dma_semaphore, #tpu.memory_space<semaphore_mem>>
        tpu.enqueue_indirect_dma source(%dma_start3A_622 : memref<128x16xf32, #tpu.memory_space<vmem>>) target(%dma_start3A_628 : memref<10240x16xf32, #tpu.memory_space<vmem_shared>>) offsets(%dma_start3A_625 : memref<128xi32, #tpu.memory_space<vmem>>) semaphore(%dma_start3A_630 : memref<!tpu.dma_semaphore, #tpu.memory_space<semaphore_mem>>) {add = true}
        %mul3A_631 = arith.constant 10 : i32
        %mul3A_632 = arith.muli %scan3A_566, %mul3A_631 : i32
        %add3A_633 = arith.constant 2 : i32
        %add3A_634 = arith.addi %mul3A_632, %add3A_633 : i32
        %dma_wait3A_635 = arith.constant 2 : i32
        %dma_wait3A_636 = arith.constant 2 : i32
        %dma_wait3A_637 = arith.constant 0 : i32
        %dma_wait3A_638 = arith.constant 0 : i32
        %dma_wait3A_639 = tpu.memref_slice %arg11[%dma_wait3A_635, %dma_wait3A_637, %dma_wait3A_638] : memref<10x128x16xf32, #tpu.memory_space<vmem>> -> memref<1x128x16xf32, #tpu.memory_space<vmem>>
        %dma_wait3A_640 = tpu.memref_squeeze %dma_wait3A_639 : memref<1x128x16xf32, #tpu.memory_space<vmem>> -> memref<128x16xf32, #tpu.memory_space<vmem>>
        %dma_wait3A_641 = arith.constant 0 : i32
        %dma_wait3A_642 = tpu.memref_slice %arg9[%add3A_634, %dma_wait3A_641] : memref<80x128xi32, #tpu.memory_space<vmem>> -> memref<1x128xi32, #tpu.memory_space<vmem>>
        %dma_wait3A_643 = tpu.memref_squeeze %dma_wait3A_642 : memref<1x128xi32, #tpu.memory_space<vmem>> -> memref<128xi32, #tpu.memory_space<vmem>>
        %dma_wait3A_644 = arith.constant 0 : i32
        %dma_wait3A_645 = arith.constant 0 : i32
        %dma_wait3A_646 = tpu.memref_slice %arg7[%dma_wait3A_644, %dma_wait3A_645] : memref<10240x16xf32, #tpu.memory_space<hbm>> -> memref<10240x16xf32, #tpu.memory_space<hbm>>
        %dma_wait3A_647 = tpu.memref_slice %arg20[%dma_wait3A_636] : memref<10x!tpu.dma_semaphore, #tpu.memory_space<semaphore_mem>> -> memref<1x!tpu.dma_semaphore, #tpu.memory_space<semaphore_mem>>
        %dma_wait3A_648 = tpu.memref_squeeze %dma_wait3A_647 : memref<1x!tpu.dma_semaphore, #tpu.memory_space<semaphore_mem>> -> memref<!tpu.dma_semaphore, #tpu.memory_space<semaphore_mem>>
        tpu.wait_indirect_dma semaphore(%dma_wait3A_648 : memref<!tpu.dma_semaphore, #tpu.memory_space<semaphore_mem>>) src(%dma_wait3A_646 : memref<10240x16xf32, #tpu.memory_space<hbm>>) dst(%dma_wait3A_640 : memref<128x16xf32, #tpu.memory_space<vmem>>)
        %dma_start3A_649 = arith.constant 2 : i32
        %dma_start3A_650 = arith.constant 2 : i32
        %dma_start3A_651 = arith.constant 0 : i32
        %dma_start3A_652 = arith.constant 0 : i32
        %dma_start3A_653 = tpu.memref_slice %arg11[%dma_start3A_649, %dma_start3A_651, %dma_start3A_652] : memref<10x128x16xf32, #tpu.memory_space<vmem>> -> memref<1x128x16xf32, #tpu.memory_space<vmem>>
        %dma_start3A_654 = tpu.memref_squeeze %dma_start3A_653 : memref<1x128x16xf32, #tpu.memory_space<vmem>> -> memref<128x16xf32, #tpu.memory_space<vmem>>
        %dma_start3A_655 = arith.constant 0 : i32
        %dma_start3A_656 = tpu.memref_slice %arg10[%add3A_634, %dma_start3A_655] : memref<80x128xi32, #tpu.memory_space<vmem>> -> memref<1x128xi32, #tpu.memory_space<vmem>>
        %dma_start3A_657 = tpu.memref_squeeze %dma_start3A_656 : memref<1x128xi32, #tpu.memory_space<vmem>> -> memref<128xi32, #tpu.memory_space<vmem>>
        %dma_start3A_658 = arith.constant 0 : i32
        %dma_start3A_659 = arith.constant 0 : i32
        %dma_start3A_660 = tpu.memref_slice %arg19[%dma_start3A_658, %dma_start3A_659] : memref<10240x16xf32, #tpu.memory_space<vmem_shared>> -> memref<10240x16xf32, #tpu.memory_space<vmem_shared>>
        %dma_start3A_661 = tpu.memref_slice %arg21[%dma_start3A_650] : memref<10x!tpu.dma_semaphore, #tpu.memory_space<semaphore_mem>> -> memref<1x!tpu.dma_semaphore, #tpu.memory_space<semaphore_mem>>
        %dma_start3A_662 = tpu.memref_squeeze %dma_start3A_661 : memref<1x!tpu.dma_semaphore, #tpu.memory_space<semaphore_mem>> -> memref<!tpu.dma_semaphore, #tpu.memory_space<semaphore_mem>>
        tpu.enqueue_indirect_dma source(%dma_start3A_654 : memref<128x16xf32, #tpu.memory_space<vmem>>) target(%dma_start3A_660 : memref<10240x16xf32, #tpu.memory_space<vmem_shared>>) offsets(%dma_start3A_657 : memref<128xi32, #tpu.memory_space<vmem>>) semaphore(%dma_start3A_662 : memref<!tpu.dma_semaphore, #tpu.memory_space<semaphore_mem>>) {add = true}
        %mul3A_663 = arith.constant 10 : i32
        %mul3A_664 = arith.muli %scan3A_566, %mul3A_663 : i32
        %add3A_665 = arith.constant 3 : i32
        %add3A_666 = arith.addi %mul3A_664, %add3A_665 : i32
        %dma_wait3A_667 = arith.constant 3 : i32
        %dma_wait3A_668 = arith.constant 3 : i32
        %dma_wait3A_669 = arith.constant 0 : i32
        %dma_wait3A_670 = arith.constant 0 : i32
        %dma_wait3A_671 = tpu.memref_slice %arg11[%dma_wait3A_667, %dma_wait3A_669, %dma_wait3A_670] : memref<10x128x16xf32, #tpu.memory_space<vmem>> -> memref<1x128x16xf32, #tpu.memory_space<vmem>>
        %dma_wait3A_672 = tpu.memref_squeeze %dma_wait3A_671 : memref<1x128x16xf32, #tpu.memory_space<vmem>> -> memref<128x16xf32, #tpu.memory_space<vmem>>
        %dma_wait3A_673 = arith.constant 0 : i32
        %dma_wait3A_674 = tpu.memref_slice %arg9[%add3A_666, %dma_wait3A_673] : memref<80x128xi32, #tpu.memory_space<vmem>> -> memref<1x128xi32, #tpu.memory_space<vmem>>
        %dma_wait3A_675 = tpu.memref_squeeze %dma_wait3A_674 : memref<1x128xi32, #tpu.memory_space<vmem>> -> memref<128xi32, #tpu.memory_space<vmem>>
        %dma_wait3A_676 = arith.constant 0 : i32
        %dma_wait3A_677 = arith.constant 0 : i32
        %dma_wait3A_678 = tpu.memref_slice %arg7[%dma_wait3A_676, %dma_wait3A_677] : memref<10240x16xf32, #tpu.memory_space<hbm>> -> memref<10240x16xf32, #tpu.memory_space<hbm>>
        %dma_wait3A_679 = tpu.memref_slice %arg20[%dma_wait3A_668] : memref<10x!tpu.dma_semaphore, #tpu.memory_space<semaphore_mem>> -> memref<1x!tpu.dma_semaphore, #tpu.memory_space<semaphore_mem>>
        %dma_wait3A_680 = tpu.memref_squeeze %dma_wait3A_679 : memref<1x!tpu.dma_semaphore, #tpu.memory_space<semaphore_mem>> -> memref<!tpu.dma_semaphore, #tpu.memory_space<semaphore_mem>>
        tpu.wait_indirect_dma semaphore(%dma_wait3A_680 : memref<!tpu.dma_semaphore, #tpu.memory_space<semaphore_mem>>) src(%dma_wait3A_678 : memref<10240x16xf32, #tpu.memory_space<hbm>>) dst(%dma_wait3A_672 : memref<128x16xf32, #tpu.memory_space<vmem>>)
        %dma_start3A_681 = arith.constant 3 : i32
        %dma_start3A_682 = arith.constant 3 : i32
        %dma_start3A_683 = arith.constant 0 : i32
        %dma_start3A_684 = arith.constant 0 : i32
        %dma_start3A_685 = tpu.memref_slice %arg11[%dma_start3A_681, %dma_start3A_683, %dma_start3A_684] : memref<10x128x16xf32, #tpu.memory_space<vmem>> -> memref<1x128x16xf32, #tpu.memory_space<vmem>>
        %dma_start3A_686 = tpu.memref_squeeze %dma_start3A_685 : memref<1x128x16xf32, #tpu.memory_space<vmem>> -> memref<128x16xf32, #tpu.memory_space<vmem>>
        %dma_start3A_687 = arith.constant 0 : i32
        %dma_start3A_688 = tpu.memref_slice %arg10[%add3A_666, %dma_start3A_687] : memref<80x128xi32, #tpu.memory_space<vmem>> -> memref<1x128xi32, #tpu.memory_space<vmem>>
        %dma_start3A_689 = tpu.memref_squeeze %dma_start3A_688 : memref<1x128xi32, #tpu.memory_space<vmem>> -> memref<128xi32, #tpu.memory_space<vmem>>
        %dma_start3A_690 = arith.constant 0 : i32
        %dma_start3A_691 = arith.constant 0 : i32
        %dma_start3A_692 = tpu.memref_slice %arg19[%dma_start3A_690, %dma_start3A_691] : memref<10240x16xf32, #tpu.memory_space<vmem_shared>> -> memref<10240x16xf32, #tpu.memory_space<vmem_shared>>
        %dma_start3A_693 = tpu.memref_slice %arg21[%dma_start3A_682] : memref<10x!tpu.dma_semaphore, #tpu.memory_space<semaphore_mem>> -> memref<1x!tpu.dma_semaphore, #tpu.memory_space<semaphore_mem>>
        %dma_start3A_694 = tpu.memref_squeeze %dma_start3A_693 : memref<1x!tpu.dma_semaphore, #tpu.memory_space<semaphore_mem>> -> memref<!tpu.dma_semaphore, #tpu.memory_space<semaphore_mem>>
        tpu.enqueue_indirect_dma source(%dma_start3A_686 : memref<128x16xf32, #tpu.memory_space<vmem>>) target(%dma_start3A_692 : memref<10240x16xf32, #tpu.memory_space<vmem_shared>>) offsets(%dma_start3A_689 : memref<128xi32, #tpu.memory_space<vmem>>) semaphore(%dma_start3A_694 : memref<!tpu.dma_semaphore, #tpu.memory_space<semaphore_mem>>) {add = true}
        %mul3A_695 = arith.constant 10 : i32
        %mul3A_696 = arith.muli %scan3A_566, %mul3A_695 : i32
        %add3A_697 = arith.constant 4 : i32
        %add3A_698 = arith.addi %mul3A_696, %add3A_697 : i32
        %dma_wait3A_699 = arith.constant 4 : i32
        %dma_wait3A_700 = arith.constant 4 : i32
        %dma_wait3A_701 = arith.constant 0 : i32
        %dma_wait3A_702 = arith.constant 0 : i32
        %dma_wait3A_703 = tpu.memref_slice %arg11[%dma_wait3A_699, %dma_wait3A_701, %dma_wait3A_702] : memref<10x128x16xf32, #tpu.memory_space<vmem>> -> memref<1x128x16xf32, #tpu.memory_space<vmem>>
        %dma_wait3A_704 = tpu.memref_squeeze %dma_wait3A_703 : memref<1x128x16xf32, #tpu.memory_space<vmem>> -> memref<128x16xf32, #tpu.memory_space<vmem>>
        %dma_wait3A_705 = arith.constant 0 : i32
        %dma_wait3A_706 = tpu.memref_slice %arg9[%add3A_698, %dma_wait3A_705] : memref<80x128xi32, #tpu.memory_space<vmem>> -> memref<1x128xi32, #tpu.memory_space<vmem>>
        %dma_wait3A_707 = tpu.memref_squeeze %dma_wait3A_706 : memref<1x128xi32, #tpu.memory_space<vmem>> -> memref<128xi32, #tpu.memory_space<vmem>>
        %dma_wait3A_708 = arith.constant 0 : i32
        %dma_wait3A_709 = arith.constant 0 : i32
        %dma_wait3A_710 = tpu.memref_slice %arg7[%dma_wait3A_708, %dma_wait3A_709] : memref<10240x16xf32, #tpu.memory_space<hbm>> -> memref<10240x16xf32, #tpu.memory_space<hbm>>
        %dma_wait3A_711 = tpu.memref_slice %arg20[%dma_wait3A_700] : memref<10x!tpu.dma_semaphore, #tpu.memory_space<semaphore_mem>> -> memref<1x!tpu.dma_semaphore, #tpu.memory_space<semaphore_mem>>
        %dma_wait3A_712 = tpu.memref_squeeze %dma_wait3A_711 : memref<1x!tpu.dma_semaphore, #tpu.memory_space<semaphore_mem>> -> memref<!tpu.dma_semaphore, #tpu.memory_space<semaphore_mem>>
        tpu.wait_indirect_dma semaphore(%dma_wait3A_712 : memref<!tpu.dma_semaphore, #tpu.memory_space<semaphore_mem>>) src(%dma_wait3A_710 : memref<10240x16xf32, #tpu.memory_space<hbm>>) dst(%dma_wait3A_704 : memref<128x16xf32, #tpu.memory_space<vmem>>)
        %dma_start3A_713 = arith.constant 4 : i32
        %dma_start3A_714 = arith.constant 4 : i32
        %dma_start3A_715 = arith.constant 0 : i32
        %dma_start3A_716 = arith.constant 0 : i32
        %dma_start3A_717 = tpu.memref_slice %arg11[%dma_start3A_713, %dma_start3A_715, %dma_start3A_716] : memref<10x128x16xf32, #tpu.memory_space<vmem>> -> memref<1x128x16xf32, #tpu.memory_space<vmem>>
        %dma_start3A_718 = tpu.memref_squeeze %dma_start3A_717 : memref<1x128x16xf32, #tpu.memory_space<vmem>> -> memref<128x16xf32, #tpu.memory_space<vmem>>
        %dma_start3A_719 = arith.constant 0 : i32
        %dma_start3A_720 = tpu.memref_slice %arg10[%add3A_698, %dma_start3A_719] : memref<80x128xi32, #tpu.memory_space<vmem>> -> memref<1x128xi32, #tpu.memory_space<vmem>>
        %dma_start3A_721 = tpu.memref_squeeze %dma_start3A_720 : memref<1x128xi32, #tpu.memory_space<vmem>> -> memref<128xi32, #tpu.memory_space<vmem>>
        %dma_start3A_722 = arith.constant 0 : i32
        %dma_start3A_723 = arith.constant 0 : i32
        %dma_start3A_724 = tpu.memref_slice %arg19[%dma_start3A_722, %dma_start3A_723] : memref<10240x16xf32, #tpu.memory_space<vmem_shared>> -> memref<10240x16xf32, #tpu.memory_space<vmem_shared>>
        %dma_start3A_725 = tpu.memref_slice %arg21[%dma_start3A_714] : memref<10x!tpu.dma_semaphore, #tpu.memory_space<semaphore_mem>> -> memref<1x!tpu.dma_semaphore, #tpu.memory_space<semaphore_mem>>
        %dma_start3A_726 = tpu.memref_squeeze %dma_start3A_725 : memref<1x!tpu.dma_semaphore, #tpu.memory_space<semaphore_mem>> -> memref<!tpu.dma_semaphore, #tpu.memory_space<semaphore_mem>>
        tpu.enqueue_indirect_dma source(%dma_start3A_718 : memref<128x16xf32, #tpu.memory_space<vmem>>) target(%dma_start3A_724 : memref<10240x16xf32, #tpu.memory_space<vmem_shared>>) offsets(%dma_start3A_721 : memref<128xi32, #tpu.memory_space<vmem>>) semaphore(%dma_start3A_726 : memref<!tpu.dma_semaphore, #tpu.memory_space<semaphore_mem>>) {add = true}
        %mul3A_727 = arith.constant 10 : i32
        %mul3A_728 = arith.muli %scan3A_566, %mul3A_727 : i32
        %add3A_729 = arith.constant 5 : i32
        %add3A_730 = arith.addi %mul3A_728, %add3A_729 : i32
        %dma_wait3A_731 = arith.constant 5 : i32
        %dma_wait3A_732 = arith.constant 5 : i32
        %dma_wait3A_733 = arith.constant 0 : i32
        %dma_wait3A_734 = arith.constant 0 : i32
        %dma_wait3A_735 = tpu.memref_slice %arg11[%dma_wait3A_731, %dma_wait3A_733, %dma_wait3A_734] : memref<10x128x16xf32, #tpu.memory_space<vmem>> -> memref<1x128x16xf32, #tpu.memory_space<vmem>>
        %dma_wait3A_736 = tpu.memref_squeeze %dma_wait3A_735 : memref<1x128x16xf32, #tpu.memory_space<vmem>> -> memref<128x16xf32, #tpu.memory_space<vmem>>
        %dma_wait3A_737 = arith.constant 0 : i32
        %dma_wait3A_738 = tpu.memref_slice %arg9[%add3A_730, %dma_wait3A_737] : memref<80x128xi32, #tpu.memory_space<vmem>> -> memref<1x128xi32, #tpu.memory_space<vmem>>
        %dma_wait3A_739 = tpu.memref_squeeze %dma_wait3A_738 : memref<1x128xi32, #tpu.memory_space<vmem>> -> memref<128xi32, #tpu.memory_space<vmem>>
        %dma_wait3A_740 = arith.constant 0 : i32
        %dma_wait3A_741 = arith.constant 0 : i32
        %dma_wait3A_742 = tpu.memref_slice %arg7[%dma_wait3A_740, %dma_wait3A_741] : memref<10240x16xf32, #tpu.memory_space<hbm>> -> memref<10240x16xf32, #tpu.memory_space<hbm>>
        %dma_wait3A_743 = tpu.memref_slice %arg20[%dma_wait3A_732] : memref<10x!tpu.dma_semaphore, #tpu.memory_space<semaphore_mem>> -> memref<1x!tpu.dma_semaphore, #tpu.memory_space<semaphore_mem>>
        %dma_wait3A_744 = tpu.memref_squeeze %dma_wait3A_743 : memref<1x!tpu.dma_semaphore, #tpu.memory_space<semaphore_mem>> -> memref<!tpu.dma_semaphore, #tpu.memory_space<semaphore_mem>>
        tpu.wait_indirect_dma semaphore(%dma_wait3A_744 : memref<!tpu.dma_semaphore, #tpu.memory_space<semaphore_mem>>) src(%dma_wait3A_742 : memref<10240x16xf32, #tpu.memory_space<hbm>>) dst(%dma_wait3A_736 : memref<128x16xf32, #tpu.memory_space<vmem>>)
        %dma_start3A_745 = arith.constant 5 : i32
        %dma_start3A_746 = arith.constant 5 : i32
        %dma_start3A_747 = arith.constant 0 : i32
        %dma_start3A_748 = arith.constant 0 : i32
        %dma_start3A_749 = tpu.memref_slice %arg11[%dma_start3A_745, %dma_start3A_747, %dma_start3A_748] : memref<10x128x16xf32, #tpu.memory_space<vmem>> -> memref<1x128x16xf32, #tpu.memory_space<vmem>>
        %dma_start3A_750 = tpu.memref_squeeze %dma_start3A_749 : memref<1x128x16xf32, #tpu.memory_space<vmem>> -> memref<128x16xf32, #tpu.memory_space<vmem>>
        %dma_start3A_751 = arith.constant 0 : i32
        %dma_start3A_752 = tpu.memref_slice %arg10[%add3A_730, %dma_start3A_751] : memref<80x128xi32, #tpu.memory_space<vmem>> -> memref<1x128xi32, #tpu.memory_space<vmem>>
        %dma_start3A_753 = tpu.memref_squeeze %dma_start3A_752 : memref<1x128xi32, #tpu.memory_space<vmem>> -> memref<128xi32, #tpu.memory_space<vmem>>
        %dma_start3A_754 = arith.constant 0 : i32
        %dma_start3A_755 = arith.constant 0 : i32
        %dma_start3A_756 = tpu.memref_slice %arg19[%dma_start3A_754, %dma_start3A_755] : memref<10240x16xf32, #tpu.memory_space<vmem_shared>> -> memref<10240x16xf32, #tpu.memory_space<vmem_shared>>
        %dma_start3A_757 = tpu.memref_slice %arg21[%dma_start3A_746] : memref<10x!tpu.dma_semaphore, #tpu.memory_space<semaphore_mem>> -> memref<1x!tpu.dma_semaphore, #tpu.memory_space<semaphore_mem>>
        %dma_start3A_758 = tpu.memref_squeeze %dma_start3A_757 : memref<1x!tpu.dma_semaphore, #tpu.memory_space<semaphore_mem>> -> memref<!tpu.dma_semaphore, #tpu.memory_space<semaphore_mem>>
        tpu.enqueue_indirect_dma source(%dma_start3A_750 : memref<128x16xf32, #tpu.memory_space<vmem>>) target(%dma_start3A_756 : memref<10240x16xf32, #tpu.memory_space<vmem_shared>>) offsets(%dma_start3A_753 : memref<128xi32, #tpu.memory_space<vmem>>) semaphore(%dma_start3A_758 : memref<!tpu.dma_semaphore, #tpu.memory_space<semaphore_mem>>) {add = true}
        %mul3A_759 = arith.constant 10 : i32
        %mul3A_760 = arith.muli %scan3A_566, %mul3A_759 : i32
        %add3A_761 = arith.constant 6 : i32
        %add3A_762 = arith.addi %mul3A_760, %add3A_761 : i32
        %dma_wait3A_763 = arith.constant 6 : i32
        %dma_wait3A_764 = arith.constant 6 : i32
        %dma_wait3A_765 = arith.constant 0 : i32
        %dma_wait3A_766 = arith.constant 0 : i32
        %dma_wait3A_767 = tpu.memref_slice %arg11[%dma_wait3A_763, %dma_wait3A_765, %dma_wait3A_766] : memref<10x128x16xf32, #tpu.memory_space<vmem>> -> memref<1x128x16xf32, #tpu.memory_space<vmem>>
        %dma_wait3A_768 = tpu.memref_squeeze %dma_wait3A_767 : memref<1x128x16xf32, #tpu.memory_space<vmem>> -> memref<128x16xf32, #tpu.memory_space<vmem>>
        %dma_wait3A_769 = arith.constant 0 : i32
        %dma_wait3A_770 = tpu.memref_slice %arg9[%add3A_762, %dma_wait3A_769] : memref<80x128xi32, #tpu.memory_space<vmem>> -> memref<1x128xi32, #tpu.memory_space<vmem>>
        %dma_wait3A_771 = tpu.memref_squeeze %dma_wait3A_770 : memref<1x128xi32, #tpu.memory_space<vmem>> -> memref<128xi32, #tpu.memory_space<vmem>>
        %dma_wait3A_772 = arith.constant 0 : i32
        %dma_wait3A_773 = arith.constant 0 : i32
        %dma_wait3A_774 = tpu.memref_slice %arg7[%dma_wait3A_772, %dma_wait3A_773] : memref<10240x16xf32, #tpu.memory_space<hbm>> -> memref<10240x16xf32, #tpu.memory_space<hbm>>
        %dma_wait3A_775 = tpu.memref_slice %arg20[%dma_wait3A_764] : memref<10x!tpu.dma_semaphore, #tpu.memory_space<semaphore_mem>> -> memref<1x!tpu.dma_semaphore, #tpu.memory_space<semaphore_mem>>
        %dma_wait3A_776 = tpu.memref_squeeze %dma_wait3A_775 : memref<1x!tpu.dma_semaphore, #tpu.memory_space<semaphore_mem>> -> memref<!tpu.dma_semaphore, #tpu.memory_space<semaphore_mem>>
        tpu.wait_indirect_dma semaphore(%dma_wait3A_776 : memref<!tpu.dma_semaphore, #tpu.memory_space<semaphore_mem>>) src(%dma_wait3A_774 : memref<10240x16xf32, #tpu.memory_space<hbm>>) dst(%dma_wait3A_768 : memref<128x16xf32, #tpu.memory_space<vmem>>)
        %dma_start3A_777 = arith.constant 6 : i32
        %dma_start3A_778 = arith.constant 6 : i32
        %dma_start3A_779 = arith.constant 0 : i32
        %dma_start3A_780 = arith.constant 0 : i32
        %dma_start3A_781 = tpu.memref_slice %arg11[%dma_start3A_777, %dma_start3A_779, %dma_start3A_780] : memref<10x128x16xf32, #tpu.memory_space<vmem>> -> memref<1x128x16xf32, #tpu.memory_space<vmem>>
        %dma_start3A_782 = tpu.memref_squeeze %dma_start3A_781 : memref<1x128x16xf32, #tpu.memory_space<vmem>> -> memref<128x16xf32, #tpu.memory_space<vmem>>
        %dma_start3A_783 = arith.constant 0 : i32
        %dma_start3A_784 = tpu.memref_slice %arg10[%add3A_762, %dma_start3A_783] : memref<80x128xi32, #tpu.memory_space<vmem>> -> memref<1x128xi32, #tpu.memory_space<vmem>>
        %dma_start3A_785 = tpu.memref_squeeze %dma_start3A_784 : memref<1x128xi32, #tpu.memory_space<vmem>> -> memref<128xi32, #tpu.memory_space<vmem>>
        %dma_start3A_786 = arith.constant 0 : i32
        %dma_start3A_787 = arith.constant 0 : i32
        %dma_start3A_788 = tpu.memref_slice %arg19[%dma_start3A_786, %dma_start3A_787] : memref<10240x16xf32, #tpu.memory_space<vmem_shared>> -> memref<10240x16xf32, #tpu.memory_space<vmem_shared>>
        %dma_start3A_789 = tpu.memref_slice %arg21[%dma_start3A_778] : memref<10x!tpu.dma_semaphore, #tpu.memory_space<semaphore_mem>> -> memref<1x!tpu.dma_semaphore, #tpu.memory_space<semaphore_mem>>
        %dma_start3A_790 = tpu.memref_squeeze %dma_start3A_789 : memref<1x!tpu.dma_semaphore, #tpu.memory_space<semaphore_mem>> -> memref<!tpu.dma_semaphore, #tpu.memory_space<semaphore_mem>>
        tpu.enqueue_indirect_dma source(%dma_start3A_782 : memref<128x16xf32, #tpu.memory_space<vmem>>) target(%dma_start3A_788 : memref<10240x16xf32, #tpu.memory_space<vmem_shared>>) offsets(%dma_start3A_785 : memref<128xi32, #tpu.memory_space<vmem>>) semaphore(%dma_start3A_790 : memref<!tpu.dma_semaphore, #tpu.memory_space<semaphore_mem>>) {add = true}
        %mul3A_791 = arith.constant 10 : i32
        %mul3A_792 = arith.muli %scan3A_566, %mul3A_791 : i32
        %add3A_793 = arith.constant 7 : i32
        %add3A_794 = arith.addi %mul3A_792, %add3A_793 : i32
        %dma_wait3A_795 = arith.constant 7 : i32
        %dma_wait3A_796 = arith.constant 7 : i32
        %dma_wait3A_797 = arith.constant 0 : i32
        %dma_wait3A_798 = arith.constant 0 : i32
        %dma_wait3A_799 = tpu.memref_slice %arg11[%dma_wait3A_795, %dma_wait3A_797, %dma_wait3A_798] : memref<10x128x16xf32, #tpu.memory_space<vmem>> -> memref<1x128x16xf32, #tpu.memory_space<vmem>>
        %dma_wait3A_800 = tpu.memref_squeeze %dma_wait3A_799 : memref<1x128x16xf32, #tpu.memory_space<vmem>> -> memref<128x16xf32, #tpu.memory_space<vmem>>
        %dma_wait3A_801 = arith.constant 0 : i32
        %dma_wait3A_802 = tpu.memref_slice %arg9[%add3A_794, %dma_wait3A_801] : memref<80x128xi32, #tpu.memory_space<vmem>> -> memref<1x128xi32, #tpu.memory_space<vmem>>
        %dma_wait3A_803 = tpu.memref_squeeze %dma_wait3A_802 : memref<1x128xi32, #tpu.memory_space<vmem>> -> memref<128xi32, #tpu.memory_space<vmem>>
        %dma_wait3A_804 = arith.constant 0 : i32
        %dma_wait3A_805 = arith.constant 0 : i32
        %dma_wait3A_806 = tpu.memref_slice %arg7[%dma_wait3A_804, %dma_wait3A_805] : memref<10240x16xf32, #tpu.memory_space<hbm>> -> memref<10240x16xf32, #tpu.memory_space<hbm>>
        %dma_wait3A_807 = tpu.memref_slice %arg20[%dma_wait3A_796] : memref<10x!tpu.dma_semaphore, #tpu.memory_space<semaphore_mem>> -> memref<1x!tpu.dma_semaphore, #tpu.memory_space<semaphore_mem>>
        %dma_wait3A_808 = tpu.memref_squeeze %dma_wait3A_807 : memref<1x!tpu.dma_semaphore, #tpu.memory_space<semaphore_mem>> -> memref<!tpu.dma_semaphore, #tpu.memory_space<semaphore_mem>>
        tpu.wait_indirect_dma semaphore(%dma_wait3A_808 : memref<!tpu.dma_semaphore, #tpu.memory_space<semaphore_mem>>) src(%dma_wait3A_806 : memref<10240x16xf32, #tpu.memory_space<hbm>>) dst(%dma_wait3A_800 : memref<128x16xf32, #tpu.memory_space<vmem>>)
        %dma_start3A_809 = arith.constant 7 : i32
        %dma_start3A_810 = arith.constant 7 : i32
        %dma_start3A_811 = arith.constant 0 : i32
        %dma_start3A_812 = arith.constant 0 : i32
        %dma_start3A_813 = tpu.memref_slice %arg11[%dma_start3A_809, %dma_start3A_811, %dma_start3A_812] : memref<10x128x16xf32, #tpu.memory_space<vmem>> -> memref<1x128x16xf32, #tpu.memory_space<vmem>>
        %dma_start3A_814 = tpu.memref_squeeze %dma_start3A_813 : memref<1x128x16xf32, #tpu.memory_space<vmem>> -> memref<128x16xf32, #tpu.memory_space<vmem>>
        %dma_start3A_815 = arith.constant 0 : i32
        %dma_start3A_816 = tpu.memref_slice %arg10[%add3A_794, %dma_start3A_815] : memref<80x128xi32, #tpu.memory_space<vmem>> -> memref<1x128xi32, #tpu.memory_space<vmem>>
        %dma_start3A_817 = tpu.memref_squeeze %dma_start3A_816 : memref<1x128xi32, #tpu.memory_space<vmem>> -> memref<128xi32, #tpu.memory_space<vmem>>
        %dma_start3A_818 = arith.constant 0 : i32
        %dma_start3A_819 = arith.constant 0 : i32
        %dma_start3A_820 = tpu.memref_slice %arg19[%dma_start3A_818, %dma_start3A_819] : memref<10240x16xf32, #tpu.memory_space<vmem_shared>> -> memref<10240x16xf32, #tpu.memory_space<vmem_shared>>
        %dma_start3A_821 = tpu.memref_slice %arg21[%dma_start3A_810] : memref<10x!tpu.dma_semaphore, #tpu.memory_space<semaphore_mem>> -> memref<1x!tpu.dma_semaphore, #tpu.memory_space<semaphore_mem>>
        %dma_start3A_822 = tpu.memref_squeeze %dma_start3A_821 : memref<1x!tpu.dma_semaphore, #tpu.memory_space<semaphore_mem>> -> memref<!tpu.dma_semaphore, #tpu.memory_space<semaphore_mem>>
        tpu.enqueue_indirect_dma source(%dma_start3A_814 : memref<128x16xf32, #tpu.memory_space<vmem>>) target(%dma_start3A_820 : memref<10240x16xf32, #tpu.memory_space<vmem_shared>>) offsets(%dma_start3A_817 : memref<128xi32, #tpu.memory_space<vmem>>) semaphore(%dma_start3A_822 : memref<!tpu.dma_semaphore, #tpu.memory_space<semaphore_mem>>) {add = true}
        %mul3A_823 = arith.constant 10 : i32
        %mul3A_824 = arith.muli %scan3A_566, %mul3A_823 : i32
        %add3A_825 = arith.constant 8 : i32
        %add3A_826 = arith.addi %mul3A_824, %add3A_825 : i32
        %dma_wait3A_827 = arith.constant 8 : i32
        %dma_wait3A_828 = arith.constant 8 : i32
        %dma_wait3A_829 = arith.constant 0 : i32
        %dma_wait3A_830 = arith.constant 0 : i32
        %dma_wait3A_831 = tpu.memref_slice %arg11[%dma_wait3A_827, %dma_wait3A_829, %dma_wait3A_830] : memref<10x128x16xf32, #tpu.memory_space<vmem>> -> memref<1x128x16xf32, #tpu.memory_space<vmem>>
        %dma_wait3A_832 = tpu.memref_squeeze %dma_wait3A_831 : memref<1x128x16xf32, #tpu.memory_space<vmem>> -> memref<128x16xf32, #tpu.memory_space<vmem>>
        %dma_wait3A_833 = arith.constant 0 : i32
        %dma_wait3A_834 = tpu.memref_slice %arg9[%add3A_826, %dma_wait3A_833] : memref<80x128xi32, #tpu.memory_space<vmem>> -> memref<1x128xi32, #tpu.memory_space<vmem>>
        %dma_wait3A_835 = tpu.memref_squeeze %dma_wait3A_834 : memref<1x128xi32, #tpu.memory_space<vmem>> -> memref<128xi32, #tpu.memory_space<vmem>>
        %dma_wait3A_836 = arith.constant 0 : i32
        %dma_wait3A_837 = arith.constant 0 : i32
        %dma_wait3A_838 = tpu.memref_slice %arg7[%dma_wait3A_836, %dma_wait3A_837] : memref<10240x16xf32, #tpu.memory_space<hbm>> -> memref<10240x16xf32, #tpu.memory_space<hbm>>
        %dma_wait3A_839 = tpu.memref_slice %arg20[%dma_wait3A_828] : memref<10x!tpu.dma_semaphore, #tpu.memory_space<semaphore_mem>> -> memref<1x!tpu.dma_semaphore, #tpu.memory_space<semaphore_mem>>
        %dma_wait3A_840 = tpu.memref_squeeze %dma_wait3A_839 : memref<1x!tpu.dma_semaphore, #tpu.memory_space<semaphore_mem>> -> memref<!tpu.dma_semaphore, #tpu.memory_space<semaphore_mem>>
        tpu.wait_indirect_dma semaphore(%dma_wait3A_840 : memref<!tpu.dma_semaphore, #tpu.memory_space<semaphore_mem>>) src(%dma_wait3A_838 : memref<10240x16xf32, #tpu.memory_space<hbm>>) dst(%dma_wait3A_832 : memref<128x16xf32, #tpu.memory_space<vmem>>)
        %dma_start3A_841 = arith.constant 8 : i32
        %dma_start3A_842 = arith.constant 8 : i32
        %dma_start3A_843 = arith.constant 0 : i32
        %dma_start3A_844 = arith.constant 0 : i32
        %dma_start3A_845 = tpu.memref_slice %arg11[%dma_start3A_841, %dma_start3A_843, %dma_start3A_844] : memref<10x128x16xf32, #tpu.memory_space<vmem>> -> memref<1x128x16xf32, #tpu.memory_space<vmem>>
        %dma_start3A_846 = tpu.memref_squeeze %dma_start3A_845 : memref<1x128x16xf32, #tpu.memory_space<vmem>> -> memref<128x16xf32, #tpu.memory_space<vmem>>
        %dma_start3A_847 = arith.constant 0 : i32
        %dma_start3A_848 = tpu.memref_slice %arg10[%add3A_826, %dma_start3A_847] : memref<80x128xi32, #tpu.memory_space<vmem>> -> memref<1x128xi32, #tpu.memory_space<vmem>>
        %dma_start3A_849 = tpu.memref_squeeze %dma_start3A_848 : memref<1x128xi32, #tpu.memory_space<vmem>> -> memref<128xi32, #tpu.memory_space<vmem>>
        %dma_start3A_850 = arith.constant 0 : i32
        %dma_start3A_851 = arith.constant 0 : i32
        %dma_start3A_852 = tpu.memref_slice %arg19[%dma_start3A_850, %dma_start3A_851] : memref<10240x16xf32, #tpu.memory_space<vmem_shared>> -> memref<10240x16xf32, #tpu.memory_space<vmem_shared>>
        %dma_start3A_853 = tpu.memref_slice %arg21[%dma_start3A_842] : memref<10x!tpu.dma_semaphore, #tpu.memory_space<semaphore_mem>> -> memref<1x!tpu.dma_semaphore, #tpu.memory_space<semaphore_mem>>
        %dma_start3A_854 = tpu.memref_squeeze %dma_start3A_853 : memref<1x!tpu.dma_semaphore, #tpu.memory_space<semaphore_mem>> -> memref<!tpu.dma_semaphore, #tpu.memory_space<semaphore_mem>>
        tpu.enqueue_indirect_dma source(%dma_start3A_846 : memref<128x16xf32, #tpu.memory_space<vmem>>) target(%dma_start3A_852 : memref<10240x16xf32, #tpu.memory_space<vmem_shared>>) offsets(%dma_start3A_849 : memref<128xi32, #tpu.memory_space<vmem>>) semaphore(%dma_start3A_854 : memref<!tpu.dma_semaphore, #tpu.memory_space<semaphore_mem>>) {add = true}
        %mul3A_855 = arith.constant 10 : i32
        %mul3A_856 = arith.muli %scan3A_566, %mul3A_855 : i32
        %add3A_857 = arith.constant 9 : i32
        %add3A_858 = arith.addi %mul3A_856, %add3A_857 : i32
        %dma_wait3A_859 = arith.constant 9 : i32
        %dma_wait3A_860 = arith.constant 9 : i32
        %dma_wait3A_861 = arith.constant 0 : i32
        %dma_wait3A_862 = arith.constant 0 : i32
        %dma_wait3A_863 = tpu.memref_slice %arg11[%dma_wait3A_859, %dma_wait3A_861, %dma_wait3A_862] : memref<10x128x16xf32, #tpu.memory_space<vmem>> -> memref<1x128x16xf32, #tpu.memory_space<vmem>>
        %dma_wait3A_864 = tpu.memref_squeeze %dma_wait3A_863 : memref<1x128x16xf32, #tpu.memory_space<vmem>> -> memref<128x16xf32, #tpu.memory_space<vmem>>
        %dma_wait3A_865 = arith.constant 0 : i32
        %dma_wait3A_866 = tpu.memref_slice %arg9[%add3A_858, %dma_wait3A_865] : memref<80x128xi32, #tpu.memory_space<vmem>> -> memref<1x128xi32, #tpu.memory_space<vmem>>
        %dma_wait3A_867 = tpu.memref_squeeze %dma_wait3A_866 : memref<1x128xi32, #tpu.memory_space<vmem>> -> memref<128xi32, #tpu.memory_space<vmem>>
        %dma_wait3A_868 = arith.constant 0 : i32
        %dma_wait3A_869 = arith.constant 0 : i32
        %dma_wait3A_870 = tpu.memref_slice %arg7[%dma_wait3A_868, %dma_wait3A_869] : memref<10240x16xf32, #tpu.memory_space<hbm>> -> memref<10240x16xf32, #tpu.memory_space<hbm>>
        %dma_wait3A_871 = tpu.memref_slice %arg20[%dma_wait3A_860] : memref<10x!tpu.dma_semaphore, #tpu.memory_space<semaphore_mem>> -> memref<1x!tpu.dma_semaphore, #tpu.memory_space<semaphore_mem>>
        %dma_wait3A_872 = tpu.memref_squeeze %dma_wait3A_871 : memref<1x!tpu.dma_semaphore, #tpu.memory_space<semaphore_mem>> -> memref<!tpu.dma_semaphore, #tpu.memory_space<semaphore_mem>>
        tpu.wait_indirect_dma semaphore(%dma_wait3A_872 : memref<!tpu.dma_semaphore, #tpu.memory_space<semaphore_mem>>) src(%dma_wait3A_870 : memref<10240x16xf32, #tpu.memory_space<hbm>>) dst(%dma_wait3A_864 : memref<128x16xf32, #tpu.memory_space<vmem>>)
        %dma_start3A_873 = arith.constant 9 : i32
        %dma_start3A_874 = arith.constant 9 : i32
        %dma_start3A_875 = arith.constant 0 : i32
        %dma_start3A_876 = arith.constant 0 : i32
        %dma_start3A_877 = tpu.memref_slice %arg11[%dma_start3A_873, %dma_start3A_875, %dma_start3A_876] : memref<10x128x16xf32, #tpu.memory_space<vmem>> -> memref<1x128x16xf32, #tpu.memory_space<vmem>>
        %dma_start3A_878 = tpu.memref_squeeze %dma_start3A_877 : memref<1x128x16xf32, #tpu.memory_space<vmem>> -> memref<128x16xf32, #tpu.memory_space<vmem>>
        %dma_start3A_879 = arith.constant 0 : i32
        %dma_start3A_880 = tpu.memref_slice %arg10[%add3A_858, %dma_start3A_879] : memref<80x128xi32, #tpu.memory_space<vmem>> -> memref<1x128xi32, #tpu.memory_space<vmem>>
        %dma_start3A_881 = tpu.memref_squeeze %dma_start3A_880 : memref<1x128xi32, #tpu.memory_space<vmem>> -> memref<128xi32, #tpu.memory_space<vmem>>
        %dma_start3A_882 = arith.constant 0 : i32
        %dma_start3A_883 = arith.constant 0 : i32
        %dma_start3A_884 = tpu.memref_slice %arg19[%dma_start3A_882, %dma_start3A_883] : memref<10240x16xf32, #tpu.memory_space<vmem_shared>> -> memref<10240x16xf32, #tpu.memory_space<vmem_shared>>
        %dma_start3A_885 = tpu.memref_slice %arg21[%dma_start3A_874] : memref<10x!tpu.dma_semaphore, #tpu.memory_space<semaphore_mem>> -> memref<1x!tpu.dma_semaphore, #tpu.memory_space<semaphore_mem>>
        %dma_start3A_886 = tpu.memref_squeeze %dma_start3A_885 : memref<1x!tpu.dma_semaphore, #tpu.memory_space<semaphore_mem>> -> memref<!tpu.dma_semaphore, #tpu.memory_space<semaphore_mem>>
        tpu.enqueue_indirect_dma source(%dma_start3A_878 : memref<128x16xf32, #tpu.memory_space<vmem>>) target(%dma_start3A_884 : memref<10240x16xf32, #tpu.memory_space<vmem_shared>>) offsets(%dma_start3A_881 : memref<128xi32, #tpu.memory_space<vmem>>) semaphore(%dma_start3A_886 : memref<!tpu.dma_semaphore, #tpu.memory_space<semaphore_mem>>) {add = true}
        %mul3A_887 = arith.constant 10 : i32
        %mul3A_888 = arith.muli %scan3A_566, %mul3A_887 : i32
        %add3A_889 = arith.constant 0 : i32
        %add3A_890 = arith.addi %mul3A_888, %add3A_889 : i32
        %lt3A = arith.constant 7 : i32
        %lt3A_891 = arith.cmpi slt, %scan3A_566, %lt3A : i32
        %convert_element_type3A_892 = arith.extui %lt3A_891 : i1 to i32
        %cond3A_893 = arith.constant 0 : i32
        %cond3A_894 = arith.cmpi ne, %convert_element_type3A_892, %cond3A_893 : i32
        scf.if %cond3A_894 {
          %dma_wait3A_976 = arith.constant 0 : i32
          %dma_wait3A_977 = arith.constant 0 : i32
          %dma_wait3A_978 = arith.constant 0 : i32
          %dma_wait3A_979 = arith.constant 0 : i32
          %dma_wait3A_980 = tpu.memref_slice %arg11[%dma_wait3A_976, %dma_wait3A_978, %dma_wait3A_979] : memref<10x128x16xf32, #tpu.memory_space<vmem>> -> memref<1x128x16xf32, #tpu.memory_space<vmem>>
          %dma_wait3A_981 = tpu.memref_squeeze %dma_wait3A_980 : memref<1x128x16xf32, #tpu.memory_space<vmem>> -> memref<128x16xf32, #tpu.memory_space<vmem>>
          %dma_wait3A_982 = arith.constant 0 : i32
          %dma_wait3A_983 = tpu.memref_slice %arg10[%add3A_890, %dma_wait3A_982] : memref<80x128xi32, #tpu.memory_space<vmem>> -> memref<1x128xi32, #tpu.memory_space<vmem>>
          %dma_wait3A_984 = tpu.memref_squeeze %dma_wait3A_983 : memref<1x128xi32, #tpu.memory_space<vmem>> -> memref<128xi32, #tpu.memory_space<vmem>>
          %dma_wait3A_985 = arith.constant 0 : i32
          %dma_wait3A_986 = arith.constant 0 : i32
          %dma_wait3A_987 = tpu.memref_slice %arg19[%dma_wait3A_985, %dma_wait3A_986] : memref<10240x16xf32, #tpu.memory_space<vmem_shared>> -> memref<10240x16xf32, #tpu.memory_space<vmem_shared>>
          %dma_wait3A_988 = tpu.memref_slice %arg21[%dma_wait3A_977] : memref<10x!tpu.dma_semaphore, #tpu.memory_space<semaphore_mem>> -> memref<1x!tpu.dma_semaphore, #tpu.memory_space<semaphore_mem>>
          %dma_wait3A_989 = tpu.memref_squeeze %dma_wait3A_988 : memref<1x!tpu.dma_semaphore, #tpu.memory_space<semaphore_mem>> -> memref<!tpu.dma_semaphore, #tpu.memory_space<semaphore_mem>>
          tpu.wait_indirect_dma semaphore(%dma_wait3A_989 : memref<!tpu.dma_semaphore, #tpu.memory_space<semaphore_mem>>) src(%dma_wait3A_981 : memref<128x16xf32, #tpu.memory_space<vmem>>) dst(%dma_wait3A_987 : memref<10240x16xf32, #tpu.memory_space<vmem_shared>>)
          %add3A_990 = arith.constant 10 : i32
          %add3A_991 = arith.addi %add3A_890, %add3A_990 : i32
          %dma_start3A_992 = arith.constant 0 : i32
          %dma_start3A_993 = arith.constant 0 : i32
          %dma_start3A_994 = arith.constant 0 : i32
          %dma_start3A_995 = arith.constant 0 : i32
          %dma_start3A_996 = tpu.memref_slice %arg11[%dma_start3A_992, %dma_start3A_994, %dma_start3A_995] : memref<10x128x16xf32, #tpu.memory_space<vmem>> -> memref<1x128x16xf32, #tpu.memory_space<vmem>>
          %dma_start3A_997 = tpu.memref_squeeze %dma_start3A_996 : memref<1x128x16xf32, #tpu.memory_space<vmem>> -> memref<128x16xf32, #tpu.memory_space<vmem>>
          %dma_start3A_998 = arith.constant 0 : i32
          %dma_start3A_999 = tpu.memref_slice %arg9[%add3A_991, %dma_start3A_998] : memref<80x128xi32, #tpu.memory_space<vmem>> -> memref<1x128xi32, #tpu.memory_space<vmem>>
          %dma_start3A_1000 = tpu.memref_squeeze %dma_start3A_999 : memref<1x128xi32, #tpu.memory_space<vmem>> -> memref<128xi32, #tpu.memory_space<vmem>>
          %dma_start3A_1001 = arith.constant 0 : i32
          %dma_start3A_1002 = arith.constant 0 : i32
          %dma_start3A_1003 = tpu.memref_slice %arg7[%dma_start3A_1001, %dma_start3A_1002] : memref<10240x16xf32, #tpu.memory_space<hbm>> -> memref<10240x16xf32, #tpu.memory_space<hbm>>
          %dma_start3A_1004 = tpu.memref_slice %arg20[%dma_start3A_993] : memref<10x!tpu.dma_semaphore, #tpu.memory_space<semaphore_mem>> -> memref<1x!tpu.dma_semaphore, #tpu.memory_space<semaphore_mem>>
          %dma_start3A_1005 = tpu.memref_squeeze %dma_start3A_1004 : memref<1x!tpu.dma_semaphore, #tpu.memory_space<semaphore_mem>> -> memref<!tpu.dma_semaphore, #tpu.memory_space<semaphore_mem>>
          tpu.enqueue_indirect_dma source(%dma_start3A_1003 : memref<10240x16xf32, #tpu.memory_space<hbm>>) target(%dma_start3A_997 : memref<128x16xf32, #tpu.memory_space<vmem>>) offsets(%dma_start3A_1000 : memref<128xi32, #tpu.memory_space<vmem>>) semaphore(%dma_start3A_1005 : memref<!tpu.dma_semaphore, #tpu.memory_space<semaphore_mem>>)
        } else {
        }
        %mul3A_895 = arith.constant 10 : i32
        %mul3A_896 = arith.muli %scan3A_566, %mul3A_895 : i32
        %add3A_897 = arith.constant 1 : i32
        %add3A_898 = arith.addi %mul3A_896, %add3A_897 : i32
        %lt3A_899 = arith.constant 7 : i32
        %lt3A_900 = arith.cmpi slt, %scan3A_566, %lt3A_899 : i32
        %convert_element_type3A_901 = arith.extui %lt3A_900 : i1 to i32
        %cond3A_902 = arith.constant 0 : i32
        %cond3A_903 = arith.cmpi ne, %convert_element_type3A_901, %cond3A_902 : i32
        scf.if %cond3A_903 {
          %dma_wait3A_976 = arith.constant 1 : i32
          %dma_wait3A_977 = arith.constant 1 : i32
          %dma_wait3A_978 = arith.constant 0 : i32
          %dma_wait3A_979 = arith.constant 0 : i32
          %dma_wait3A_980 = tpu.memref_slice %arg11[%dma_wait3A_976, %dma_wait3A_978, %dma_wait3A_979] : memref<10x128x16xf32, #tpu.memory_space<vmem>> -> memref<1x128x16xf32, #tpu.memory_space<vmem>>
          %dma_wait3A_981 = tpu.memref_squeeze %dma_wait3A_980 : memref<1x128x16xf32, #tpu.memory_space<vmem>> -> memref<128x16xf32, #tpu.memory_space<vmem>>
          %dma_wait3A_982 = arith.constant 0 : i32
          %dma_wait3A_983 = tpu.memref_slice %arg10[%add3A_898, %dma_wait3A_982] : memref<80x128xi32, #tpu.memory_space<vmem>> -> memref<1x128xi32, #tpu.memory_space<vmem>>
          %dma_wait3A_984 = tpu.memref_squeeze %dma_wait3A_983 : memref<1x128xi32, #tpu.memory_space<vmem>> -> memref<128xi32, #tpu.memory_space<vmem>>
          %dma_wait3A_985 = arith.constant 0 : i32
          %dma_wait3A_986 = arith.constant 0 : i32
          %dma_wait3A_987 = tpu.memref_slice %arg19[%dma_wait3A_985, %dma_wait3A_986] : memref<10240x16xf32, #tpu.memory_space<vmem_shared>> -> memref<10240x16xf32, #tpu.memory_space<vmem_shared>>
          %dma_wait3A_988 = tpu.memref_slice %arg21[%dma_wait3A_977] : memref<10x!tpu.dma_semaphore, #tpu.memory_space<semaphore_mem>> -> memref<1x!tpu.dma_semaphore, #tpu.memory_space<semaphore_mem>>
          %dma_wait3A_989 = tpu.memref_squeeze %dma_wait3A_988 : memref<1x!tpu.dma_semaphore, #tpu.memory_space<semaphore_mem>> -> memref<!tpu.dma_semaphore, #tpu.memory_space<semaphore_mem>>
          tpu.wait_indirect_dma semaphore(%dma_wait3A_989 : memref<!tpu.dma_semaphore, #tpu.memory_space<semaphore_mem>>) src(%dma_wait3A_981 : memref<128x16xf32, #tpu.memory_space<vmem>>) dst(%dma_wait3A_987 : memref<10240x16xf32, #tpu.memory_space<vmem_shared>>)
          %add3A_990 = arith.constant 10 : i32
          %add3A_991 = arith.addi %add3A_898, %add3A_990 : i32
          %dma_start3A_992 = arith.constant 1 : i32
          %dma_start3A_993 = arith.constant 1 : i32
          %dma_start3A_994 = arith.constant 0 : i32
          %dma_start3A_995 = arith.constant 0 : i32
          %dma_start3A_996 = tpu.memref_slice %arg11[%dma_start3A_992, %dma_start3A_994, %dma_start3A_995] : memref<10x128x16xf32, #tpu.memory_space<vmem>> -> memref<1x128x16xf32, #tpu.memory_space<vmem>>
          %dma_start3A_997 = tpu.memref_squeeze %dma_start3A_996 : memref<1x128x16xf32, #tpu.memory_space<vmem>> -> memref<128x16xf32, #tpu.memory_space<vmem>>
          %dma_start3A_998 = arith.constant 0 : i32
          %dma_start3A_999 = tpu.memref_slice %arg9[%add3A_991, %dma_start3A_998] : memref<80x128xi32, #tpu.memory_space<vmem>> -> memref<1x128xi32, #tpu.memory_space<vmem>>
          %dma_start3A_1000 = tpu.memref_squeeze %dma_start3A_999 : memref<1x128xi32, #tpu.memory_space<vmem>> -> memref<128xi32, #tpu.memory_space<vmem>>
          %dma_start3A_1001 = arith.constant 0 : i32
          %dma_start3A_1002 = arith.constant 0 : i32
          %dma_start3A_1003 = tpu.memref_slice %arg7[%dma_start3A_1001, %dma_start3A_1002] : memref<10240x16xf32, #tpu.memory_space<hbm>> -> memref<10240x16xf32, #tpu.memory_space<hbm>>
          %dma_start3A_1004 = tpu.memref_slice %arg20[%dma_start3A_993] : memref<10x!tpu.dma_semaphore, #tpu.memory_space<semaphore_mem>> -> memref<1x!tpu.dma_semaphore, #tpu.memory_space<semaphore_mem>>
          %dma_start3A_1005 = tpu.memref_squeeze %dma_start3A_1004 : memref<1x!tpu.dma_semaphore, #tpu.memory_space<semaphore_mem>> -> memref<!tpu.dma_semaphore, #tpu.memory_space<semaphore_mem>>
          tpu.enqueue_indirect_dma source(%dma_start3A_1003 : memref<10240x16xf32, #tpu.memory_space<hbm>>) target(%dma_start3A_997 : memref<128x16xf32, #tpu.memory_space<vmem>>) offsets(%dma_start3A_1000 : memref<128xi32, #tpu.memory_space<vmem>>) semaphore(%dma_start3A_1005 : memref<!tpu.dma_semaphore, #tpu.memory_space<semaphore_mem>>)
        } else {
        }
        %mul3A_904 = arith.constant 10 : i32
        %mul3A_905 = arith.muli %scan3A_566, %mul3A_904 : i32
        %add3A_906 = arith.constant 2 : i32
        %add3A_907 = arith.addi %mul3A_905, %add3A_906 : i32
        %lt3A_908 = arith.constant 7 : i32
        %lt3A_909 = arith.cmpi slt, %scan3A_566, %lt3A_908 : i32
        %convert_element_type3A_910 = arith.extui %lt3A_909 : i1 to i32
        %cond3A_911 = arith.constant 0 : i32
        %cond3A_912 = arith.cmpi ne, %convert_element_type3A_910, %cond3A_911 : i32
        scf.if %cond3A_912 {
          %dma_wait3A_976 = arith.constant 2 : i32
          %dma_wait3A_977 = arith.constant 2 : i32
          %dma_wait3A_978 = arith.constant 0 : i32
          %dma_wait3A_979 = arith.constant 0 : i32
          %dma_wait3A_980 = tpu.memref_slice %arg11[%dma_wait3A_976, %dma_wait3A_978, %dma_wait3A_979] : memref<10x128x16xf32, #tpu.memory_space<vmem>> -> memref<1x128x16xf32, #tpu.memory_space<vmem>>
          %dma_wait3A_981 = tpu.memref_squeeze %dma_wait3A_980 : memref<1x128x16xf32, #tpu.memory_space<vmem>> -> memref<128x16xf32, #tpu.memory_space<vmem>>
          %dma_wait3A_982 = arith.constant 0 : i32
          %dma_wait3A_983 = tpu.memref_slice %arg10[%add3A_907, %dma_wait3A_982] : memref<80x128xi32, #tpu.memory_space<vmem>> -> memref<1x128xi32, #tpu.memory_space<vmem>>
          %dma_wait3A_984 = tpu.memref_squeeze %dma_wait3A_983 : memref<1x128xi32, #tpu.memory_space<vmem>> -> memref<128xi32, #tpu.memory_space<vmem>>
          %dma_wait3A_985 = arith.constant 0 : i32
          %dma_wait3A_986 = arith.constant 0 : i32
          %dma_wait3A_987 = tpu.memref_slice %arg19[%dma_wait3A_985, %dma_wait3A_986] : memref<10240x16xf32, #tpu.memory_space<vmem_shared>> -> memref<10240x16xf32, #tpu.memory_space<vmem_shared>>
          %dma_wait3A_988 = tpu.memref_slice %arg21[%dma_wait3A_977] : memref<10x!tpu.dma_semaphore, #tpu.memory_space<semaphore_mem>> -> memref<1x!tpu.dma_semaphore, #tpu.memory_space<semaphore_mem>>
          %dma_wait3A_989 = tpu.memref_squeeze %dma_wait3A_988 : memref<1x!tpu.dma_semaphore, #tpu.memory_space<semaphore_mem>> -> memref<!tpu.dma_semaphore, #tpu.memory_space<semaphore_mem>>
          tpu.wait_indirect_dma semaphore(%dma_wait3A_989 : memref<!tpu.dma_semaphore, #tpu.memory_space<semaphore_mem>>) src(%dma_wait3A_981 : memref<128x16xf32, #tpu.memory_space<vmem>>) dst(%dma_wait3A_987 : memref<10240x16xf32, #tpu.memory_space<vmem_shared>>)
          %add3A_990 = arith.constant 10 : i32
          %add3A_991 = arith.addi %add3A_907, %add3A_990 : i32
          %dma_start3A_992 = arith.constant 2 : i32
          %dma_start3A_993 = arith.constant 2 : i32
          %dma_start3A_994 = arith.constant 0 : i32
          %dma_start3A_995 = arith.constant 0 : i32
          %dma_start3A_996 = tpu.memref_slice %arg11[%dma_start3A_992, %dma_start3A_994, %dma_start3A_995] : memref<10x128x16xf32, #tpu.memory_space<vmem>> -> memref<1x128x16xf32, #tpu.memory_space<vmem>>
          %dma_start3A_997 = tpu.memref_squeeze %dma_start3A_996 : memref<1x128x16xf32, #tpu.memory_space<vmem>> -> memref<128x16xf32, #tpu.memory_space<vmem>>
          %dma_start3A_998 = arith.constant 0 : i32
          %dma_start3A_999 = tpu.memref_slice %arg9[%add3A_991, %dma_start3A_998] : memref<80x128xi32, #tpu.memory_space<vmem>> -> memref<1x128xi32, #tpu.memory_space<vmem>>
          %dma_start3A_1000 = tpu.memref_squeeze %dma_start3A_999 : memref<1x128xi32, #tpu.memory_space<vmem>> -> memref<128xi32, #tpu.memory_space<vmem>>
          %dma_start3A_1001 = arith.constant 0 : i32
          %dma_start3A_1002 = arith.constant 0 : i32
          %dma_start3A_1003 = tpu.memref_slice %arg7[%dma_start3A_1001, %dma_start3A_1002] : memref<10240x16xf32, #tpu.memory_space<hbm>> -> memref<10240x16xf32, #tpu.memory_space<hbm>>
          %dma_start3A_1004 = tpu.memref_slice %arg20[%dma_start3A_993] : memref<10x!tpu.dma_semaphore, #tpu.memory_space<semaphore_mem>> -> memref<1x!tpu.dma_semaphore, #tpu.memory_space<semaphore_mem>>
          %dma_start3A_1005 = tpu.memref_squeeze %dma_start3A_1004 : memref<1x!tpu.dma_semaphore, #tpu.memory_space<semaphore_mem>> -> memref<!tpu.dma_semaphore, #tpu.memory_space<semaphore_mem>>
          tpu.enqueue_indirect_dma source(%dma_start3A_1003 : memref<10240x16xf32, #tpu.memory_space<hbm>>) target(%dma_start3A_997 : memref<128x16xf32, #tpu.memory_space<vmem>>) offsets(%dma_start3A_1000 : memref<128xi32, #tpu.memory_space<vmem>>) semaphore(%dma_start3A_1005 : memref<!tpu.dma_semaphore, #tpu.memory_space<semaphore_mem>>)
        } else {
        }
        %mul3A_913 = arith.constant 10 : i32
        %mul3A_914 = arith.muli %scan3A_566, %mul3A_913 : i32
        %add3A_915 = arith.constant 3 : i32
        %add3A_916 = arith.addi %mul3A_914, %add3A_915 : i32
        %lt3A_917 = arith.constant 7 : i32
        %lt3A_918 = arith.cmpi slt, %scan3A_566, %lt3A_917 : i32
        %convert_element_type3A_919 = arith.extui %lt3A_918 : i1 to i32
        %cond3A_920 = arith.constant 0 : i32
        %cond3A_921 = arith.cmpi ne, %convert_element_type3A_919, %cond3A_920 : i32
        scf.if %cond3A_921 {
          %dma_wait3A_976 = arith.constant 3 : i32
          %dma_wait3A_977 = arith.constant 3 : i32
          %dma_wait3A_978 = arith.constant 0 : i32
          %dma_wait3A_979 = arith.constant 0 : i32
          %dma_wait3A_980 = tpu.memref_slice %arg11[%dma_wait3A_976, %dma_wait3A_978, %dma_wait3A_979] : memref<10x128x16xf32, #tpu.memory_space<vmem>> -> memref<1x128x16xf32, #tpu.memory_space<vmem>>
          %dma_wait3A_981 = tpu.memref_squeeze %dma_wait3A_980 : memref<1x128x16xf32, #tpu.memory_space<vmem>> -> memref<128x16xf32, #tpu.memory_space<vmem>>
          %dma_wait3A_982 = arith.constant 0 : i32
          %dma_wait3A_983 = tpu.memref_slice %arg10[%add3A_916, %dma_wait3A_982] : memref<80x128xi32, #tpu.memory_space<vmem>> -> memref<1x128xi32, #tpu.memory_space<vmem>>
          %dma_wait3A_984 = tpu.memref_squeeze %dma_wait3A_983 : memref<1x128xi32, #tpu.memory_space<vmem>> -> memref<128xi32, #tpu.memory_space<vmem>>
          %dma_wait3A_985 = arith.constant 0 : i32
          %dma_wait3A_986 = arith.constant 0 : i32
          %dma_wait3A_987 = tpu.memref_slice %arg19[%dma_wait3A_985, %dma_wait3A_986] : memref<10240x16xf32, #tpu.memory_space<vmem_shared>> -> memref<10240x16xf32, #tpu.memory_space<vmem_shared>>
          %dma_wait3A_988 = tpu.memref_slice %arg21[%dma_wait3A_977] : memref<10x!tpu.dma_semaphore, #tpu.memory_space<semaphore_mem>> -> memref<1x!tpu.dma_semaphore, #tpu.memory_space<semaphore_mem>>
          %dma_wait3A_989 = tpu.memref_squeeze %dma_wait3A_988 : memref<1x!tpu.dma_semaphore, #tpu.memory_space<semaphore_mem>> -> memref<!tpu.dma_semaphore, #tpu.memory_space<semaphore_mem>>
          tpu.wait_indirect_dma semaphore(%dma_wait3A_989 : memref<!tpu.dma_semaphore, #tpu.memory_space<semaphore_mem>>) src(%dma_wait3A_981 : memref<128x16xf32, #tpu.memory_space<vmem>>) dst(%dma_wait3A_987 : memref<10240x16xf32, #tpu.memory_space<vmem_shared>>)
          %add3A_990 = arith.constant 10 : i32
          %add3A_991 = arith.addi %add3A_916, %add3A_990 : i32
          %dma_start3A_992 = arith.constant 3 : i32
          %dma_start3A_993 = arith.constant 3 : i32
          %dma_start3A_994 = arith.constant 0 : i32
          %dma_start3A_995 = arith.constant 0 : i32
          %dma_start3A_996 = tpu.memref_slice %arg11[%dma_start3A_992, %dma_start3A_994, %dma_start3A_995] : memref<10x128x16xf32, #tpu.memory_space<vmem>> -> memref<1x128x16xf32, #tpu.memory_space<vmem>>
          %dma_start3A_997 = tpu.memref_squeeze %dma_start3A_996 : memref<1x128x16xf32, #tpu.memory_space<vmem>> -> memref<128x16xf32, #tpu.memory_space<vmem>>
          %dma_start3A_998 = arith.constant 0 : i32
          %dma_start3A_999 = tpu.memref_slice %arg9[%add3A_991, %dma_start3A_998] : memref<80x128xi32, #tpu.memory_space<vmem>> -> memref<1x128xi32, #tpu.memory_space<vmem>>
          %dma_start3A_1000 = tpu.memref_squeeze %dma_start3A_999 : memref<1x128xi32, #tpu.memory_space<vmem>> -> memref<128xi32, #tpu.memory_space<vmem>>
          %dma_start3A_1001 = arith.constant 0 : i32
          %dma_start3A_1002 = arith.constant 0 : i32
          %dma_start3A_1003 = tpu.memref_slice %arg7[%dma_start3A_1001, %dma_start3A_1002] : memref<10240x16xf32, #tpu.memory_space<hbm>> -> memref<10240x16xf32, #tpu.memory_space<hbm>>
          %dma_start3A_1004 = tpu.memref_slice %arg20[%dma_start3A_993] : memref<10x!tpu.dma_semaphore, #tpu.memory_space<semaphore_mem>> -> memref<1x!tpu.dma_semaphore, #tpu.memory_space<semaphore_mem>>
          %dma_start3A_1005 = tpu.memref_squeeze %dma_start3A_1004 : memref<1x!tpu.dma_semaphore, #tpu.memory_space<semaphore_mem>> -> memref<!tpu.dma_semaphore, #tpu.memory_space<semaphore_mem>>
          tpu.enqueue_indirect_dma source(%dma_start3A_1003 : memref<10240x16xf32, #tpu.memory_space<hbm>>) target(%dma_start3A_997 : memref<128x16xf32, #tpu.memory_space<vmem>>) offsets(%dma_start3A_1000 : memref<128xi32, #tpu.memory_space<vmem>>) semaphore(%dma_start3A_1005 : memref<!tpu.dma_semaphore, #tpu.memory_space<semaphore_mem>>)
        } else {
        }
        %mul3A_922 = arith.constant 10 : i32
        %mul3A_923 = arith.muli %scan3A_566, %mul3A_922 : i32
        %add3A_924 = arith.constant 4 : i32
        %add3A_925 = arith.addi %mul3A_923, %add3A_924 : i32
        %lt3A_926 = arith.constant 7 : i32
        %lt3A_927 = arith.cmpi slt, %scan3A_566, %lt3A_926 : i32
        %convert_element_type3A_928 = arith.extui %lt3A_927 : i1 to i32
        %cond3A_929 = arith.constant 0 : i32
        %cond3A_930 = arith.cmpi ne, %convert_element_type3A_928, %cond3A_929 : i32
        scf.if %cond3A_930 {
          %dma_wait3A_976 = arith.constant 4 : i32
          %dma_wait3A_977 = arith.constant 4 : i32
          %dma_wait3A_978 = arith.constant 0 : i32
          %dma_wait3A_979 = arith.constant 0 : i32
          %dma_wait3A_980 = tpu.memref_slice %arg11[%dma_wait3A_976, %dma_wait3A_978, %dma_wait3A_979] : memref<10x128x16xf32, #tpu.memory_space<vmem>> -> memref<1x128x16xf32, #tpu.memory_space<vmem>>
          %dma_wait3A_981 = tpu.memref_squeeze %dma_wait3A_980 : memref<1x128x16xf32, #tpu.memory_space<vmem>> -> memref<128x16xf32, #tpu.memory_space<vmem>>
          %dma_wait3A_982 = arith.constant 0 : i32
          %dma_wait3A_983 = tpu.memref_slice %arg10[%add3A_925, %dma_wait3A_982] : memref<80x128xi32, #tpu.memory_space<vmem>> -> memref<1x128xi32, #tpu.memory_space<vmem>>
          %dma_wait3A_984 = tpu.memref_squeeze %dma_wait3A_983 : memref<1x128xi32, #tpu.memory_space<vmem>> -> memref<128xi32, #tpu.memory_space<vmem>>
          %dma_wait3A_985 = arith.constant 0 : i32
          %dma_wait3A_986 = arith.constant 0 : i32
          %dma_wait3A_987 = tpu.memref_slice %arg19[%dma_wait3A_985, %dma_wait3A_986] : memref<10240x16xf32, #tpu.memory_space<vmem_shared>> -> memref<10240x16xf32, #tpu.memory_space<vmem_shared>>
          %dma_wait3A_988 = tpu.memref_slice %arg21[%dma_wait3A_977] : memref<10x!tpu.dma_semaphore, #tpu.memory_space<semaphore_mem>> -> memref<1x!tpu.dma_semaphore, #tpu.memory_space<semaphore_mem>>
          %dma_wait3A_989 = tpu.memref_squeeze %dma_wait3A_988 : memref<1x!tpu.dma_semaphore, #tpu.memory_space<semaphore_mem>> -> memref<!tpu.dma_semaphore, #tpu.memory_space<semaphore_mem>>
          tpu.wait_indirect_dma semaphore(%dma_wait3A_989 : memref<!tpu.dma_semaphore, #tpu.memory_space<semaphore_mem>>) src(%dma_wait3A_981 : memref<128x16xf32, #tpu.memory_space<vmem>>) dst(%dma_wait3A_987 : memref<10240x16xf32, #tpu.memory_space<vmem_shared>>)
          %add3A_990 = arith.constant 10 : i32
          %add3A_991 = arith.addi %add3A_925, %add3A_990 : i32
          %dma_start3A_992 = arith.constant 4 : i32
          %dma_start3A_993 = arith.constant 4 : i32
          %dma_start3A_994 = arith.constant 0 : i32
          %dma_start3A_995 = arith.constant 0 : i32
          %dma_start3A_996 = tpu.memref_slice %arg11[%dma_start3A_992, %dma_start3A_994, %dma_start3A_995] : memref<10x128x16xf32, #tpu.memory_space<vmem>> -> memref<1x128x16xf32, #tpu.memory_space<vmem>>
          %dma_start3A_997 = tpu.memref_squeeze %dma_start3A_996 : memref<1x128x16xf32, #tpu.memory_space<vmem>> -> memref<128x16xf32, #tpu.memory_space<vmem>>
          %dma_start3A_998 = arith.constant 0 : i32
          %dma_start3A_999 = tpu.memref_slice %arg9[%add3A_991, %dma_start3A_998] : memref<80x128xi32, #tpu.memory_space<vmem>> -> memref<1x128xi32, #tpu.memory_space<vmem>>
          %dma_start3A_1000 = tpu.memref_squeeze %dma_start3A_999 : memref<1x128xi32, #tpu.memory_space<vmem>> -> memref<128xi32, #tpu.memory_space<vmem>>
          %dma_start3A_1001 = arith.constant 0 : i32
          %dma_start3A_1002 = arith.constant 0 : i32
          %dma_start3A_1003 = tpu.memref_slice %arg7[%dma_start3A_1001, %dma_start3A_1002] : memref<10240x16xf32, #tpu.memory_space<hbm>> -> memref<10240x16xf32, #tpu.memory_space<hbm>>
          %dma_start3A_1004 = tpu.memref_slice %arg20[%dma_start3A_993] : memref<10x!tpu.dma_semaphore, #tpu.memory_space<semaphore_mem>> -> memref<1x!tpu.dma_semaphore, #tpu.memory_space<semaphore_mem>>
          %dma_start3A_1005 = tpu.memref_squeeze %dma_start3A_1004 : memref<1x!tpu.dma_semaphore, #tpu.memory_space<semaphore_mem>> -> memref<!tpu.dma_semaphore, #tpu.memory_space<semaphore_mem>>
          tpu.enqueue_indirect_dma source(%dma_start3A_1003 : memref<10240x16xf32, #tpu.memory_space<hbm>>) target(%dma_start3A_997 : memref<128x16xf32, #tpu.memory_space<vmem>>) offsets(%dma_start3A_1000 : memref<128xi32, #tpu.memory_space<vmem>>) semaphore(%dma_start3A_1005 : memref<!tpu.dma_semaphore, #tpu.memory_space<semaphore_mem>>)
        } else {
        }
        %mul3A_931 = arith.constant 10 : i32
        %mul3A_932 = arith.muli %scan3A_566, %mul3A_931 : i32
        %add3A_933 = arith.constant 5 : i32
        %add3A_934 = arith.addi %mul3A_932, %add3A_933 : i32
        %lt3A_935 = arith.constant 7 : i32
        %lt3A_936 = arith.cmpi slt, %scan3A_566, %lt3A_935 : i32
        %convert_element_type3A_937 = arith.extui %lt3A_936 : i1 to i32
        %cond3A_938 = arith.constant 0 : i32
        %cond3A_939 = arith.cmpi ne, %convert_element_type3A_937, %cond3A_938 : i32
        scf.if %cond3A_939 {
          %dma_wait3A_976 = arith.constant 5 : i32
          %dma_wait3A_977 = arith.constant 5 : i32
          %dma_wait3A_978 = arith.constant 0 : i32
          %dma_wait3A_979 = arith.constant 0 : i32
          %dma_wait3A_980 = tpu.memref_slice %arg11[%dma_wait3A_976, %dma_wait3A_978, %dma_wait3A_979] : memref<10x128x16xf32, #tpu.memory_space<vmem>> -> memref<1x128x16xf32, #tpu.memory_space<vmem>>
          %dma_wait3A_981 = tpu.memref_squeeze %dma_wait3A_980 : memref<1x128x16xf32, #tpu.memory_space<vmem>> -> memref<128x16xf32, #tpu.memory_space<vmem>>
          %dma_wait3A_982 = arith.constant 0 : i32
          %dma_wait3A_983 = tpu.memref_slice %arg10[%add3A_934, %dma_wait3A_982] : memref<80x128xi32, #tpu.memory_space<vmem>> -> memref<1x128xi32, #tpu.memory_space<vmem>>
          %dma_wait3A_984 = tpu.memref_squeeze %dma_wait3A_983 : memref<1x128xi32, #tpu.memory_space<vmem>> -> memref<128xi32, #tpu.memory_space<vmem>>
          %dma_wait3A_985 = arith.constant 0 : i32
          %dma_wait3A_986 = arith.constant 0 : i32
          %dma_wait3A_987 = tpu.memref_slice %arg19[%dma_wait3A_985, %dma_wait3A_986] : memref<10240x16xf32, #tpu.memory_space<vmem_shared>> -> memref<10240x16xf32, #tpu.memory_space<vmem_shared>>
          %dma_wait3A_988 = tpu.memref_slice %arg21[%dma_wait3A_977] : memref<10x!tpu.dma_semaphore, #tpu.memory_space<semaphore_mem>> -> memref<1x!tpu.dma_semaphore, #tpu.memory_space<semaphore_mem>>
          %dma_wait3A_989 = tpu.memref_squeeze %dma_wait3A_988 : memref<1x!tpu.dma_semaphore, #tpu.memory_space<semaphore_mem>> -> memref<!tpu.dma_semaphore, #tpu.memory_space<semaphore_mem>>
          tpu.wait_indirect_dma semaphore(%dma_wait3A_989 : memref<!tpu.dma_semaphore, #tpu.memory_space<semaphore_mem>>) src(%dma_wait3A_981 : memref<128x16xf32, #tpu.memory_space<vmem>>) dst(%dma_wait3A_987 : memref<10240x16xf32, #tpu.memory_space<vmem_shared>>)
          %add3A_990 = arith.constant 10 : i32
          %add3A_991 = arith.addi %add3A_934, %add3A_990 : i32
          %dma_start3A_992 = arith.constant 5 : i32
          %dma_start3A_993 = arith.constant 5 : i32
          %dma_start3A_994 = arith.constant 0 : i32
          %dma_start3A_995 = arith.constant 0 : i32
          %dma_start3A_996 = tpu.memref_slice %arg11[%dma_start3A_992, %dma_start3A_994, %dma_start3A_995] : memref<10x128x16xf32, #tpu.memory_space<vmem>> -> memref<1x128x16xf32, #tpu.memory_space<vmem>>
          %dma_start3A_997 = tpu.memref_squeeze %dma_start3A_996 : memref<1x128x16xf32, #tpu.memory_space<vmem>> -> memref<128x16xf32, #tpu.memory_space<vmem>>
          %dma_start3A_998 = arith.constant 0 : i32
          %dma_start3A_999 = tpu.memref_slice %arg9[%add3A_991, %dma_start3A_998] : memref<80x128xi32, #tpu.memory_space<vmem>> -> memref<1x128xi32, #tpu.memory_space<vmem>>
          %dma_start3A_1000 = tpu.memref_squeeze %dma_start3A_999 : memref<1x128xi32, #tpu.memory_space<vmem>> -> memref<128xi32, #tpu.memory_space<vmem>>
          %dma_start3A_1001 = arith.constant 0 : i32
          %dma_start3A_1002 = arith.constant 0 : i32
          %dma_start3A_1003 = tpu.memref_slice %arg7[%dma_start3A_1001, %dma_start3A_1002] : memref<10240x16xf32, #tpu.memory_space<hbm>> -> memref<10240x16xf32, #tpu.memory_space<hbm>>
          %dma_start3A_1004 = tpu.memref_slice %arg20[%dma_start3A_993] : memref<10x!tpu.dma_semaphore, #tpu.memory_space<semaphore_mem>> -> memref<1x!tpu.dma_semaphore, #tpu.memory_space<semaphore_mem>>
          %dma_start3A_1005 = tpu.memref_squeeze %dma_start3A_1004 : memref<1x!tpu.dma_semaphore, #tpu.memory_space<semaphore_mem>> -> memref<!tpu.dma_semaphore, #tpu.memory_space<semaphore_mem>>
          tpu.enqueue_indirect_dma source(%dma_start3A_1003 : memref<10240x16xf32, #tpu.memory_space<hbm>>) target(%dma_start3A_997 : memref<128x16xf32, #tpu.memory_space<vmem>>) offsets(%dma_start3A_1000 : memref<128xi32, #tpu.memory_space<vmem>>) semaphore(%dma_start3A_1005 : memref<!tpu.dma_semaphore, #tpu.memory_space<semaphore_mem>>)
        } else {
        }
        %mul3A_940 = arith.constant 10 : i32
        %mul3A_941 = arith.muli %scan3A_566, %mul3A_940 : i32
        %add3A_942 = arith.constant 6 : i32
        %add3A_943 = arith.addi %mul3A_941, %add3A_942 : i32
        %lt3A_944 = arith.constant 7 : i32
        %lt3A_945 = arith.cmpi slt, %scan3A_566, %lt3A_944 : i32
        %convert_element_type3A_946 = arith.extui %lt3A_945 : i1 to i32
        %cond3A_947 = arith.constant 0 : i32
        %cond3A_948 = arith.cmpi ne, %convert_element_type3A_946, %cond3A_947 : i32
        scf.if %cond3A_948 {
          %dma_wait3A_976 = arith.constant 6 : i32
          %dma_wait3A_977 = arith.constant 6 : i32
          %dma_wait3A_978 = arith.constant 0 : i32
          %dma_wait3A_979 = arith.constant 0 : i32
          %dma_wait3A_980 = tpu.memref_slice %arg11[%dma_wait3A_976, %dma_wait3A_978, %dma_wait3A_979] : memref<10x128x16xf32, #tpu.memory_space<vmem>> -> memref<1x128x16xf32, #tpu.memory_space<vmem>>
          %dma_wait3A_981 = tpu.memref_squeeze %dma_wait3A_980 : memref<1x128x16xf32, #tpu.memory_space<vmem>> -> memref<128x16xf32, #tpu.memory_space<vmem>>
          %dma_wait3A_982 = arith.constant 0 : i32
          %dma_wait3A_983 = tpu.memref_slice %arg10[%add3A_943, %dma_wait3A_982] : memref<80x128xi32, #tpu.memory_space<vmem>> -> memref<1x128xi32, #tpu.memory_space<vmem>>
          %dma_wait3A_984 = tpu.memref_squeeze %dma_wait3A_983 : memref<1x128xi32, #tpu.memory_space<vmem>> -> memref<128xi32, #tpu.memory_space<vmem>>
          %dma_wait3A_985 = arith.constant 0 : i32
          %dma_wait3A_986 = arith.constant 0 : i32
          %dma_wait3A_987 = tpu.memref_slice %arg19[%dma_wait3A_985, %dma_wait3A_986] : memref<10240x16xf32, #tpu.memory_space<vmem_shared>> -> memref<10240x16xf32, #tpu.memory_space<vmem_shared>>
          %dma_wait3A_988 = tpu.memref_slice %arg21[%dma_wait3A_977] : memref<10x!tpu.dma_semaphore, #tpu.memory_space<semaphore_mem>> -> memref<1x!tpu.dma_semaphore, #tpu.memory_space<semaphore_mem>>
          %dma_wait3A_989 = tpu.memref_squeeze %dma_wait3A_988 : memref<1x!tpu.dma_semaphore, #tpu.memory_space<semaphore_mem>> -> memref<!tpu.dma_semaphore, #tpu.memory_space<semaphore_mem>>
          tpu.wait_indirect_dma semaphore(%dma_wait3A_989 : memref<!tpu.dma_semaphore, #tpu.memory_space<semaphore_mem>>) src(%dma_wait3A_981 : memref<128x16xf32, #tpu.memory_space<vmem>>) dst(%dma_wait3A_987 : memref<10240x16xf32, #tpu.memory_space<vmem_shared>>)
          %add3A_990 = arith.constant 10 : i32
          %add3A_991 = arith.addi %add3A_943, %add3A_990 : i32
          %dma_start3A_992 = arith.constant 6 : i32
          %dma_start3A_993 = arith.constant 6 : i32
          %dma_start3A_994 = arith.constant 0 : i32
          %dma_start3A_995 = arith.constant 0 : i32
          %dma_start3A_996 = tpu.memref_slice %arg11[%dma_start3A_992, %dma_start3A_994, %dma_start3A_995] : memref<10x128x16xf32, #tpu.memory_space<vmem>> -> memref<1x128x16xf32, #tpu.memory_space<vmem>>
          %dma_start3A_997 = tpu.memref_squeeze %dma_start3A_996 : memref<1x128x16xf32, #tpu.memory_space<vmem>> -> memref<128x16xf32, #tpu.memory_space<vmem>>
          %dma_start3A_998 = arith.constant 0 : i32
          %dma_start3A_999 = tpu.memref_slice %arg9[%add3A_991, %dma_start3A_998] : memref<80x128xi32, #tpu.memory_space<vmem>> -> memref<1x128xi32, #tpu.memory_space<vmem>>
          %dma_start3A_1000 = tpu.memref_squeeze %dma_start3A_999 : memref<1x128xi32, #tpu.memory_space<vmem>> -> memref<128xi32, #tpu.memory_space<vmem>>
          %dma_start3A_1001 = arith.constant 0 : i32
          %dma_start3A_1002 = arith.constant 0 : i32
          %dma_start3A_1003 = tpu.memref_slice %arg7[%dma_start3A_1001, %dma_start3A_1002] : memref<10240x16xf32, #tpu.memory_space<hbm>> -> memref<10240x16xf32, #tpu.memory_space<hbm>>
          %dma_start3A_1004 = tpu.memref_slice %arg20[%dma_start3A_993] : memref<10x!tpu.dma_semaphore, #tpu.memory_space<semaphore_mem>> -> memref<1x!tpu.dma_semaphore, #tpu.memory_space<semaphore_mem>>
          %dma_start3A_1005 = tpu.memref_squeeze %dma_start3A_1004 : memref<1x!tpu.dma_semaphore, #tpu.memory_space<semaphore_mem>> -> memref<!tpu.dma_semaphore, #tpu.memory_space<semaphore_mem>>
          tpu.enqueue_indirect_dma source(%dma_start3A_1003 : memref<10240x16xf32, #tpu.memory_space<hbm>>) target(%dma_start3A_997 : memref<128x16xf32, #tpu.memory_space<vmem>>) offsets(%dma_start3A_1000 : memref<128xi32, #tpu.memory_space<vmem>>) semaphore(%dma_start3A_1005 : memref<!tpu.dma_semaphore, #tpu.memory_space<semaphore_mem>>)
        } else {
        }
        %mul3A_949 = arith.constant 10 : i32
        %mul3A_950 = arith.muli %scan3A_566, %mul3A_949 : i32
        %add3A_951 = arith.constant 7 : i32
        %add3A_952 = arith.addi %mul3A_950, %add3A_951 : i32
        %lt3A_953 = arith.constant 7 : i32
        %lt3A_954 = arith.cmpi slt, %scan3A_566, %lt3A_953 : i32
        %convert_element_type3A_955 = arith.extui %lt3A_954 : i1 to i32
        %cond3A_956 = arith.constant 0 : i32
        %cond3A_957 = arith.cmpi ne, %convert_element_type3A_955, %cond3A_956 : i32
        scf.if %cond3A_957 {
          %dma_wait3A_976 = arith.constant 7 : i32
          %dma_wait3A_977 = arith.constant 7 : i32
          %dma_wait3A_978 = arith.constant 0 : i32
          %dma_wait3A_979 = arith.constant 0 : i32
          %dma_wait3A_980 = tpu.memref_slice %arg11[%dma_wait3A_976, %dma_wait3A_978, %dma_wait3A_979] : memref<10x128x16xf32, #tpu.memory_space<vmem>> -> memref<1x128x16xf32, #tpu.memory_space<vmem>>
          %dma_wait3A_981 = tpu.memref_squeeze %dma_wait3A_980 : memref<1x128x16xf32, #tpu.memory_space<vmem>> -> memref<128x16xf32, #tpu.memory_space<vmem>>
          %dma_wait3A_982 = arith.constant 0 : i32
          %dma_wait3A_983 = tpu.memref_slice %arg10[%add3A_952, %dma_wait3A_982] : memref<80x128xi32, #tpu.memory_space<vmem>> -> memref<1x128xi32, #tpu.memory_space<vmem>>
          %dma_wait3A_984 = tpu.memref_squeeze %dma_wait3A_983 : memref<1x128xi32, #tpu.memory_space<vmem>> -> memref<128xi32, #tpu.memory_space<vmem>>
          %dma_wait3A_985 = arith.constant 0 : i32
          %dma_wait3A_986 = arith.constant 0 : i32
          %dma_wait3A_987 = tpu.memref_slice %arg19[%dma_wait3A_985, %dma_wait3A_986] : memref<10240x16xf32, #tpu.memory_space<vmem_shared>> -> memref<10240x16xf32, #tpu.memory_space<vmem_shared>>
          %dma_wait3A_988 = tpu.memref_slice %arg21[%dma_wait3A_977] : memref<10x!tpu.dma_semaphore, #tpu.memory_space<semaphore_mem>> -> memref<1x!tpu.dma_semaphore, #tpu.memory_space<semaphore_mem>>
          %dma_wait3A_989 = tpu.memref_squeeze %dma_wait3A_988 : memref<1x!tpu.dma_semaphore, #tpu.memory_space<semaphore_mem>> -> memref<!tpu.dma_semaphore, #tpu.memory_space<semaphore_mem>>
          tpu.wait_indirect_dma semaphore(%dma_wait3A_989 : memref<!tpu.dma_semaphore, #tpu.memory_space<semaphore_mem>>) src(%dma_wait3A_981 : memref<128x16xf32, #tpu.memory_space<vmem>>) dst(%dma_wait3A_987 : memref<10240x16xf32, #tpu.memory_space<vmem_shared>>)
          %add3A_990 = arith.constant 10 : i32
          %add3A_991 = arith.addi %add3A_952, %add3A_990 : i32
          %dma_start3A_992 = arith.constant 7 : i32
          %dma_start3A_993 = arith.constant 7 : i32
          %dma_start3A_994 = arith.constant 0 : i32
          %dma_start3A_995 = arith.constant 0 : i32
          %dma_start3A_996 = tpu.memref_slice %arg11[%dma_start3A_992, %dma_start3A_994, %dma_start3A_995] : memref<10x128x16xf32, #tpu.memory_space<vmem>> -> memref<1x128x16xf32, #tpu.memory_space<vmem>>
          %dma_start3A_997 = tpu.memref_squeeze %dma_start3A_996 : memref<1x128x16xf32, #tpu.memory_space<vmem>> -> memref<128x16xf32, #tpu.memory_space<vmem>>
          %dma_start3A_998 = arith.constant 0 : i32
          %dma_start3A_999 = tpu.memref_slice %arg9[%add3A_991, %dma_start3A_998] : memref<80x128xi32, #tpu.memory_space<vmem>> -> memref<1x128xi32, #tpu.memory_space<vmem>>
          %dma_start3A_1000 = tpu.memref_squeeze %dma_start3A_999 : memref<1x128xi32, #tpu.memory_space<vmem>> -> memref<128xi32, #tpu.memory_space<vmem>>
          %dma_start3A_1001 = arith.constant 0 : i32
          %dma_start3A_1002 = arith.constant 0 : i32
          %dma_start3A_1003 = tpu.memref_slice %arg7[%dma_start3A_1001, %dma_start3A_1002] : memref<10240x16xf32, #tpu.memory_space<hbm>> -> memref<10240x16xf32, #tpu.memory_space<hbm>>
          %dma_start3A_1004 = tpu.memref_slice %arg20[%dma_start3A_993] : memref<10x!tpu.dma_semaphore, #tpu.memory_space<semaphore_mem>> -> memref<1x!tpu.dma_semaphore, #tpu.memory_space<semaphore_mem>>
          %dma_start3A_1005 = tpu.memref_squeeze %dma_start3A_1004 : memref<1x!tpu.dma_semaphore, #tpu.memory_space<semaphore_mem>> -> memref<!tpu.dma_semaphore, #tpu.memory_space<semaphore_mem>>
          tpu.enqueue_indirect_dma source(%dma_start3A_1003 : memref<10240x16xf32, #tpu.memory_space<hbm>>) target(%dma_start3A_997 : memref<128x16xf32, #tpu.memory_space<vmem>>) offsets(%dma_start3A_1000 : memref<128xi32, #tpu.memory_space<vmem>>) semaphore(%dma_start3A_1005 : memref<!tpu.dma_semaphore, #tpu.memory_space<semaphore_mem>>)
        } else {
        }
        %mul3A_958 = arith.constant 10 : i32
        %mul3A_959 = arith.muli %scan3A_566, %mul3A_958 : i32
        %add3A_960 = arith.constant 8 : i32
        %add3A_961 = arith.addi %mul3A_959, %add3A_960 : i32
        %lt3A_962 = arith.constant 7 : i32
        %lt3A_963 = arith.cmpi slt, %scan3A_566, %lt3A_962 : i32
        %convert_element_type3A_964 = arith.extui %lt3A_963 : i1 to i32
        %cond3A_965 = arith.constant 0 : i32
        %cond3A_966 = arith.cmpi ne, %convert_element_type3A_964, %cond3A_965 : i32
        scf.if %cond3A_966 {
          %dma_wait3A_976 = arith.constant 8 : i32
          %dma_wait3A_977 = arith.constant 8 : i32
          %dma_wait3A_978 = arith.constant 0 : i32
          %dma_wait3A_979 = arith.constant 0 : i32
          %dma_wait3A_980 = tpu.memref_slice %arg11[%dma_wait3A_976, %dma_wait3A_978, %dma_wait3A_979] : memref<10x128x16xf32, #tpu.memory_space<vmem>> -> memref<1x128x16xf32, #tpu.memory_space<vmem>>
          %dma_wait3A_981 = tpu.memref_squeeze %dma_wait3A_980 : memref<1x128x16xf32, #tpu.memory_space<vmem>> -> memref<128x16xf32, #tpu.memory_space<vmem>>
          %dma_wait3A_982 = arith.constant 0 : i32
          %dma_wait3A_983 = tpu.memref_slice %arg10[%add3A_961, %dma_wait3A_982] : memref<80x128xi32, #tpu.memory_space<vmem>> -> memref<1x128xi32, #tpu.memory_space<vmem>>
          %dma_wait3A_984 = tpu.memref_squeeze %dma_wait3A_983 : memref<1x128xi32, #tpu.memory_space<vmem>> -> memref<128xi32, #tpu.memory_space<vmem>>
          %dma_wait3A_985 = arith.constant 0 : i32
          %dma_wait3A_986 = arith.constant 0 : i32
          %dma_wait3A_987 = tpu.memref_slice %arg19[%dma_wait3A_985, %dma_wait3A_986] : memref<10240x16xf32, #tpu.memory_space<vmem_shared>> -> memref<10240x16xf32, #tpu.memory_space<vmem_shared>>
          %dma_wait3A_988 = tpu.memref_slice %arg21[%dma_wait3A_977] : memref<10x!tpu.dma_semaphore, #tpu.memory_space<semaphore_mem>> -> memref<1x!tpu.dma_semaphore, #tpu.memory_space<semaphore_mem>>
          %dma_wait3A_989 = tpu.memref_squeeze %dma_wait3A_988 : memref<1x!tpu.dma_semaphore, #tpu.memory_space<semaphore_mem>> -> memref<!tpu.dma_semaphore, #tpu.memory_space<semaphore_mem>>
          tpu.wait_indirect_dma semaphore(%dma_wait3A_989 : memref<!tpu.dma_semaphore, #tpu.memory_space<semaphore_mem>>) src(%dma_wait3A_981 : memref<128x16xf32, #tpu.memory_space<vmem>>) dst(%dma_wait3A_987 : memref<10240x16xf32, #tpu.memory_space<vmem_shared>>)
          %add3A_990 = arith.constant 10 : i32
          %add3A_991 = arith.addi %add3A_961, %add3A_990 : i32
          %dma_start3A_992 = arith.constant 8 : i32
          %dma_start3A_993 = arith.constant 8 : i32
          %dma_start3A_994 = arith.constant 0 : i32
          %dma_start3A_995 = arith.constant 0 : i32
          %dma_start3A_996 = tpu.memref_slice %arg11[%dma_start3A_992, %dma_start3A_994, %dma_start3A_995] : memref<10x128x16xf32, #tpu.memory_space<vmem>> -> memref<1x128x16xf32, #tpu.memory_space<vmem>>
          %dma_start3A_997 = tpu.memref_squeeze %dma_start3A_996 : memref<1x128x16xf32, #tpu.memory_space<vmem>> -> memref<128x16xf32, #tpu.memory_space<vmem>>
          %dma_start3A_998 = arith.constant 0 : i32
          %dma_start3A_999 = tpu.memref_slice %arg9[%add3A_991, %dma_start3A_998] : memref<80x128xi32, #tpu.memory_space<vmem>> -> memref<1x128xi32, #tpu.memory_space<vmem>>
          %dma_start3A_1000 = tpu.memref_squeeze %dma_start3A_999 : memref<1x128xi32, #tpu.memory_space<vmem>> -> memref<128xi32, #tpu.memory_space<vmem>>
          %dma_start3A_1001 = arith.constant 0 : i32
          %dma_start3A_1002 = arith.constant 0 : i32
          %dma_start3A_1003 = tpu.memref_slice %arg7[%dma_start3A_1001, %dma_start3A_1002] : memref<10240x16xf32, #tpu.memory_space<hbm>> -> memref<10240x16xf32, #tpu.memory_space<hbm>>
          %dma_start3A_1004 = tpu.memref_slice %arg20[%dma_start3A_993] : memref<10x!tpu.dma_semaphore, #tpu.memory_space<semaphore_mem>> -> memref<1x!tpu.dma_semaphore, #tpu.memory_space<semaphore_mem>>
          %dma_start3A_1005 = tpu.memref_squeeze %dma_start3A_1004 : memref<1x!tpu.dma_semaphore, #tpu.memory_space<semaphore_mem>> -> memref<!tpu.dma_semaphore, #tpu.memory_space<semaphore_mem>>
          tpu.enqueue_indirect_dma source(%dma_start3A_1003 : memref<10240x16xf32, #tpu.memory_space<hbm>>) target(%dma_start3A_997 : memref<128x16xf32, #tpu.memory_space<vmem>>) offsets(%dma_start3A_1000 : memref<128xi32, #tpu.memory_space<vmem>>) semaphore(%dma_start3A_1005 : memref<!tpu.dma_semaphore, #tpu.memory_space<semaphore_mem>>)
        } else {
        }
        %mul3A_967 = arith.constant 10 : i32
        %mul3A_968 = arith.muli %scan3A_566, %mul3A_967 : i32
        %add3A_969 = arith.constant 9 : i32
        %add3A_970 = arith.addi %mul3A_968, %add3A_969 : i32
        %lt3A_971 = arith.constant 7 : i32
        %lt3A_972 = arith.cmpi slt, %scan3A_566, %lt3A_971 : i32
        %convert_element_type3A_973 = arith.extui %lt3A_972 : i1 to i32
        %cond3A_974 = arith.constant 0 : i32
        %cond3A_975 = arith.cmpi ne, %convert_element_type3A_973, %cond3A_974 : i32
        scf.if %cond3A_975 {
          %dma_wait3A_976 = arith.constant 9 : i32
          %dma_wait3A_977 = arith.constant 9 : i32
          %dma_wait3A_978 = arith.constant 0 : i32
          %dma_wait3A_979 = arith.constant 0 : i32
          %dma_wait3A_980 = tpu.memref_slice %arg11[%dma_wait3A_976, %dma_wait3A_978, %dma_wait3A_979] : memref<10x128x16xf32, #tpu.memory_space<vmem>> -> memref<1x128x16xf32, #tpu.memory_space<vmem>>
          %dma_wait3A_981 = tpu.memref_squeeze %dma_wait3A_980 : memref<1x128x16xf32, #tpu.memory_space<vmem>> -> memref<128x16xf32, #tpu.memory_space<vmem>>
          %dma_wait3A_982 = arith.constant 0 : i32
          %dma_wait3A_983 = tpu.memref_slice %arg10[%add3A_970, %dma_wait3A_982] : memref<80x128xi32, #tpu.memory_space<vmem>> -> memref<1x128xi32, #tpu.memory_space<vmem>>
          %dma_wait3A_984 = tpu.memref_squeeze %dma_wait3A_983 : memref<1x128xi32, #tpu.memory_space<vmem>> -> memref<128xi32, #tpu.memory_space<vmem>>
          %dma_wait3A_985 = arith.constant 0 : i32
          %dma_wait3A_986 = arith.constant 0 : i32
          %dma_wait3A_987 = tpu.memref_slice %arg19[%dma_wait3A_985, %dma_wait3A_986] : memref<10240x16xf32, #tpu.memory_space<vmem_shared>> -> memref<10240x16xf32, #tpu.memory_space<vmem_shared>>
          %dma_wait3A_988 = tpu.memref_slice %arg21[%dma_wait3A_977] : memref<10x!tpu.dma_semaphore, #tpu.memory_space<semaphore_mem>> -> memref<1x!tpu.dma_semaphore, #tpu.memory_space<semaphore_mem>>
          %dma_wait3A_989 = tpu.memref_squeeze %dma_wait3A_988 : memref<1x!tpu.dma_semaphore, #tpu.memory_space<semaphore_mem>> -> memref<!tpu.dma_semaphore, #tpu.memory_space<semaphore_mem>>
          tpu.wait_indirect_dma semaphore(%dma_wait3A_989 : memref<!tpu.dma_semaphore, #tpu.memory_space<semaphore_mem>>) src(%dma_wait3A_981 : memref<128x16xf32, #tpu.memory_space<vmem>>) dst(%dma_wait3A_987 : memref<10240x16xf32, #tpu.memory_space<vmem_shared>>)
          %add3A_990 = arith.constant 10 : i32
          %add3A_991 = arith.addi %add3A_970, %add3A_990 : i32
          %dma_start3A_992 = arith.constant 9 : i32
          %dma_start3A_993 = arith.constant 9 : i32
          %dma_start3A_994 = arith.constant 0 : i32
          %dma_start3A_995 = arith.constant 0 : i32
          %dma_start3A_996 = tpu.memref_slice %arg11[%dma_start3A_992, %dma_start3A_994, %dma_start3A_995] : memref<10x128x16xf32, #tpu.memory_space<vmem>> -> memref<1x128x16xf32, #tpu.memory_space<vmem>>
          %dma_start3A_997 = tpu.memref_squeeze %dma_start3A_996 : memref<1x128x16xf32, #tpu.memory_space<vmem>> -> memref<128x16xf32, #tpu.memory_space<vmem>>
          %dma_start3A_998 = arith.constant 0 : i32
          %dma_start3A_999 = tpu.memref_slice %arg9[%add3A_991, %dma_start3A_998] : memref<80x128xi32, #tpu.memory_space<vmem>> -> memref<1x128xi32, #tpu.memory_space<vmem>>
          %dma_start3A_1000 = tpu.memref_squeeze %dma_start3A_999 : memref<1x128xi32, #tpu.memory_space<vmem>> -> memref<128xi32, #tpu.memory_space<vmem>>
          %dma_start3A_1001 = arith.constant 0 : i32
          %dma_start3A_1002 = arith.constant 0 : i32
          %dma_start3A_1003 = tpu.memref_slice %arg7[%dma_start3A_1001, %dma_start3A_1002] : memref<10240x16xf32, #tpu.memory_space<hbm>> -> memref<10240x16xf32, #tpu.memory_space<hbm>>
          %dma_start3A_1004 = tpu.memref_slice %arg20[%dma_start3A_993] : memref<10x!tpu.dma_semaphore, #tpu.memory_space<semaphore_mem>> -> memref<1x!tpu.dma_semaphore, #tpu.memory_space<semaphore_mem>>
          %dma_start3A_1005 = tpu.memref_squeeze %dma_start3A_1004 : memref<1x!tpu.dma_semaphore, #tpu.memory_space<semaphore_mem>> -> memref<!tpu.dma_semaphore, #tpu.memory_space<semaphore_mem>>
          tpu.enqueue_indirect_dma source(%dma_start3A_1003 : memref<10240x16xf32, #tpu.memory_space<hbm>>) target(%dma_start3A_997 : memref<128x16xf32, #tpu.memory_space<vmem>>) offsets(%dma_start3A_1000 : memref<128xi32, #tpu.memory_space<vmem>>) semaphore(%dma_start3A_1005 : memref<!tpu.dma_semaphore, #tpu.memory_space<semaphore_mem>>)
        } else {
        }
      }
      %scan3A_308 = arith.constant 8 : i32
      %dma_wait3A_309 = arith.constant 0 : i32
      %dma_wait3A_310 = arith.constant 70 : i32
      %dma_wait3A_311 = arith.constant 0 : i32
      %dma_wait3A_312 = arith.constant 0 : i32
      %dma_wait3A_313 = arith.constant 0 : i32
      %dma_wait3A_314 = tpu.memref_slice %arg11[%dma_wait3A_309, %dma_wait3A_312, %dma_wait3A_313] : memref<10x128x16xf32, #tpu.memory_space<vmem>> -> memref<1x128x16xf32, #tpu.memory_space<vmem>>
      %dma_wait3A_315 = tpu.memref_squeeze %dma_wait3A_314 : memref<1x128x16xf32, #tpu.memory_space<vmem>> -> memref<128x16xf32, #tpu.memory_space<vmem>>
      %dma_wait3A_316 = arith.constant 0 : i32
      %dma_wait3A_317 = tpu.memref_slice %arg10[%dma_wait3A_310, %dma_wait3A_316] : memref<80x128xi32, #tpu.memory_space<vmem>> -> memref<1x128xi32, #tpu.memory_space<vmem>>
      %dma_wait3A_318 = tpu.memref_squeeze %dma_wait3A_317 : memref<1x128xi32, #tpu.memory_space<vmem>> -> memref<128xi32, #tpu.memory_space<vmem>>
      %dma_wait3A_319 = arith.constant 0 : i32
      %dma_wait3A_320 = arith.constant 0 : i32
      %dma_wait3A_321 = tpu.memref_slice %arg19[%dma_wait3A_319, %dma_wait3A_320] : memref<10240x16xf32, #tpu.memory_space<vmem_shared>> -> memref<10240x16xf32, #tpu.memory_space<vmem_shared>>
      %dma_wait3A_322 = tpu.memref_slice %arg21[%dma_wait3A_311] : memref<10x!tpu.dma_semaphore, #tpu.memory_space<semaphore_mem>> -> memref<1x!tpu.dma_semaphore, #tpu.memory_space<semaphore_mem>>
      %dma_wait3A_323 = tpu.memref_squeeze %dma_wait3A_322 : memref<1x!tpu.dma_semaphore, #tpu.memory_space<semaphore_mem>> -> memref<!tpu.dma_semaphore, #tpu.memory_space<semaphore_mem>>
      tpu.wait_indirect_dma semaphore(%dma_wait3A_323 : memref<!tpu.dma_semaphore, #tpu.memory_space<semaphore_mem>>) src(%dma_wait3A_315 : memref<128x16xf32, #tpu.memory_space<vmem>>) dst(%dma_wait3A_321 : memref<10240x16xf32, #tpu.memory_space<vmem_shared>>)
      %dma_wait3A_324 = arith.constant 1 : i32
      %dma_wait3A_325 = arith.constant 71 : i32
      %dma_wait3A_326 = arith.constant 1 : i32
      %dma_wait3A_327 = arith.constant 0 : i32
      %dma_wait3A_328 = arith.constant 0 : i32
      %dma_wait3A_329 = tpu.memref_slice %arg11[%dma_wait3A_324, %dma_wait3A_327, %dma_wait3A_328] : memref<10x128x16xf32, #tpu.memory_space<vmem>> -> memref<1x128x16xf32, #tpu.memory_space<vmem>>
      %dma_wait3A_330 = tpu.memref_squeeze %dma_wait3A_329 : memref<1x128x16xf32, #tpu.memory_space<vmem>> -> memref<128x16xf32, #tpu.memory_space<vmem>>
      %dma_wait3A_331 = arith.constant 0 : i32
      %dma_wait3A_332 = tpu.memref_slice %arg10[%dma_wait3A_325, %dma_wait3A_331] : memref<80x128xi32, #tpu.memory_space<vmem>> -> memref<1x128xi32, #tpu.memory_space<vmem>>
      %dma_wait3A_333 = tpu.memref_squeeze %dma_wait3A_332 : memref<1x128xi32, #tpu.memory_space<vmem>> -> memref<128xi32, #tpu.memory_space<vmem>>
      %dma_wait3A_334 = arith.constant 0 : i32
      %dma_wait3A_335 = arith.constant 0 : i32
      %dma_wait3A_336 = tpu.memref_slice %arg19[%dma_wait3A_334, %dma_wait3A_335] : memref<10240x16xf32, #tpu.memory_space<vmem_shared>> -> memref<10240x16xf32, #tpu.memory_space<vmem_shared>>
      %dma_wait3A_337 = tpu.memref_slice %arg21[%dma_wait3A_326] : memref<10x!tpu.dma_semaphore, #tpu.memory_space<semaphore_mem>> -> memref<1x!tpu.dma_semaphore, #tpu.memory_space<semaphore_mem>>
      %dma_wait3A_338 = tpu.memref_squeeze %dma_wait3A_337 : memref<1x!tpu.dma_semaphore, #tpu.memory_space<semaphore_mem>> -> memref<!tpu.dma_semaphore, #tpu.memory_space<semaphore_mem>>
      tpu.wait_indirect_dma semaphore(%dma_wait3A_338 : memref<!tpu.dma_semaphore, #tpu.memory_space<semaphore_mem>>) src(%dma_wait3A_330 : memref<128x16xf32, #tpu.memory_space<vmem>>) dst(%dma_wait3A_336 : memref<10240x16xf32, #tpu.memory_space<vmem_shared>>)
      %dma_wait3A_339 = arith.constant 2 : i32
      %dma_wait3A_340 = arith.constant 72 : i32
      %dma_wait3A_341 = arith.constant 2 : i32
      %dma_wait3A_342 = arith.constant 0 : i32
      %dma_wait3A_343 = arith.constant 0 : i32
      %dma_wait3A_344 = tpu.memref_slice %arg11[%dma_wait3A_339, %dma_wait3A_342, %dma_wait3A_343] : memref<10x128x16xf32, #tpu.memory_space<vmem>> -> memref<1x128x16xf32, #tpu.memory_space<vmem>>
      %dma_wait3A_345 = tpu.memref_squeeze %dma_wait3A_344 : memref<1x128x16xf32, #tpu.memory_space<vmem>> -> memref<128x16xf32, #tpu.memory_space<vmem>>
      %dma_wait3A_346 = arith.constant 0 : i32
      %dma_wait3A_347 = tpu.memref_slice %arg10[%dma_wait3A_340, %dma_wait3A_346] : memref<80x128xi32, #tpu.memory_space<vmem>> -> memref<1x128xi32, #tpu.memory_space<vmem>>
      %dma_wait3A_348 = tpu.memref_squeeze %dma_wait3A_347 : memref<1x128xi32, #tpu.memory_space<vmem>> -> memref<128xi32, #tpu.memory_space<vmem>>
      %dma_wait3A_349 = arith.constant 0 : i32
      %dma_wait3A_350 = arith.constant 0 : i32
      %dma_wait3A_351 = tpu.memref_slice %arg19[%dma_wait3A_349, %dma_wait3A_350] : memref<10240x16xf32, #tpu.memory_space<vmem_shared>> -> memref<10240x16xf32, #tpu.memory_space<vmem_shared>>
      %dma_wait3A_352 = tpu.memref_slice %arg21[%dma_wait3A_341] : memref<10x!tpu.dma_semaphore, #tpu.memory_space<semaphore_mem>> -> memref<1x!tpu.dma_semaphore, #tpu.memory_space<semaphore_mem>>
      %dma_wait3A_353 = tpu.memref_squeeze %dma_wait3A_352 : memref<1x!tpu.dma_semaphore, #tpu.memory_space<semaphore_mem>> -> memref<!tpu.dma_semaphore, #tpu.memory_space<semaphore_mem>>
      tpu.wait_indirect_dma semaphore(%dma_wait3A_353 : memref<!tpu.dma_semaphore, #tpu.memory_space<semaphore_mem>>) src(%dma_wait3A_345 : memref<128x16xf32, #tpu.memory_space<vmem>>) dst(%dma_wait3A_351 : memref<10240x16xf32, #tpu.memory_space<vmem_shared>>)
      %dma_wait3A_354 = arith.constant 3 : i32
      %dma_wait3A_355 = arith.constant 73 : i32
      %dma_wait3A_356 = arith.constant 3 : i32
      %dma_wait3A_357 = arith.constant 0 : i32
      %dma_wait3A_358 = arith.constant 0 : i32
      %dma_wait3A_359 = tpu.memref_slice %arg11[%dma_wait3A_354, %dma_wait3A_357, %dma_wait3A_358] : memref<10x128x16xf32, #tpu.memory_space<vmem>> -> memref<1x128x16xf32, #tpu.memory_space<vmem>>
      %dma_wait3A_360 = tpu.memref_squeeze %dma_wait3A_359 : memref<1x128x16xf32, #tpu.memory_space<vmem>> -> memref<128x16xf32, #tpu.memory_space<vmem>>
      %dma_wait3A_361 = arith.constant 0 : i32
      %dma_wait3A_362 = tpu.memref_slice %arg10[%dma_wait3A_355, %dma_wait3A_361] : memref<80x128xi32, #tpu.memory_space<vmem>> -> memref<1x128xi32, #tpu.memory_space<vmem>>
      %dma_wait3A_363 = tpu.memref_squeeze %dma_wait3A_362 : memref<1x128xi32, #tpu.memory_space<vmem>> -> memref<128xi32, #tpu.memory_space<vmem>>
      %dma_wait3A_364 = arith.constant 0 : i32
      %dma_wait3A_365 = arith.constant 0 : i32
      %dma_wait3A_366 = tpu.memref_slice %arg19[%dma_wait3A_364, %dma_wait3A_365] : memref<10240x16xf32, #tpu.memory_space<vmem_shared>> -> memref<10240x16xf32, #tpu.memory_space<vmem_shared>>
      %dma_wait3A_367 = tpu.memref_slice %arg21[%dma_wait3A_356] : memref<10x!tpu.dma_semaphore, #tpu.memory_space<semaphore_mem>> -> memref<1x!tpu.dma_semaphore, #tpu.memory_space<semaphore_mem>>
      %dma_wait3A_368 = tpu.memref_squeeze %dma_wait3A_367 : memref<1x!tpu.dma_semaphore, #tpu.memory_space<semaphore_mem>> -> memref<!tpu.dma_semaphore, #tpu.memory_space<semaphore_mem>>
      tpu.wait_indirect_dma semaphore(%dma_wait3A_368 : memref<!tpu.dma_semaphore, #tpu.memory_space<semaphore_mem>>) src(%dma_wait3A_360 : memref<128x16xf32, #tpu.memory_space<vmem>>) dst(%dma_wait3A_366 : memref<10240x16xf32, #tpu.memory_space<vmem_shared>>)
      %dma_wait3A_369 = arith.constant 4 : i32
      %dma_wait3A_370 = arith.constant 74 : i32
      %dma_wait3A_371 = arith.constant 4 : i32
      %dma_wait3A_372 = arith.constant 0 : i32
      %dma_wait3A_373 = arith.constant 0 : i32
      %dma_wait3A_374 = tpu.memref_slice %arg11[%dma_wait3A_369, %dma_wait3A_372, %dma_wait3A_373] : memref<10x128x16xf32, #tpu.memory_space<vmem>> -> memref<1x128x16xf32, #tpu.memory_space<vmem>>
      %dma_wait3A_375 = tpu.memref_squeeze %dma_wait3A_374 : memref<1x128x16xf32, #tpu.memory_space<vmem>> -> memref<128x16xf32, #tpu.memory_space<vmem>>
      %dma_wait3A_376 = arith.constant 0 : i32
      %dma_wait3A_377 = tpu.memref_slice %arg10[%dma_wait3A_370, %dma_wait3A_376] : memref<80x128xi32, #tpu.memory_space<vmem>> -> memref<1x128xi32, #tpu.memory_space<vmem>>
      %dma_wait3A_378 = tpu.memref_squeeze %dma_wait3A_377 : memref<1x128xi32, #tpu.memory_space<vmem>> -> memref<128xi32, #tpu.memory_space<vmem>>
      %dma_wait3A_379 = arith.constant 0 : i32
      %dma_wait3A_380 = arith.constant 0 : i32
      %dma_wait3A_381 = tpu.memref_slice %arg19[%dma_wait3A_379, %dma_wait3A_380] : memref<10240x16xf32, #tpu.memory_space<vmem_shared>> -> memref<10240x16xf32, #tpu.memory_space<vmem_shared>>
      %dma_wait3A_382 = tpu.memref_slice %arg21[%dma_wait3A_371] : memref<10x!tpu.dma_semaphore, #tpu.memory_space<semaphore_mem>> -> memref<1x!tpu.dma_semaphore, #tpu.memory_space<semaphore_mem>>
      %dma_wait3A_383 = tpu.memref_squeeze %dma_wait3A_382 : memref<1x!tpu.dma_semaphore, #tpu.memory_space<semaphore_mem>> -> memref<!tpu.dma_semaphore, #tpu.memory_space<semaphore_mem>>
      tpu.wait_indirect_dma semaphore(%dma_wait3A_383 : memref<!tpu.dma_semaphore, #tpu.memory_space<semaphore_mem>>) src(%dma_wait3A_375 : memref<128x16xf32, #tpu.memory_space<vmem>>) dst(%dma_wait3A_381 : memref<10240x16xf32, #tpu.memory_space<vmem_shared>>)
      %dma_wait3A_384 = arith.constant 5 : i32
      %dma_wait3A_385 = arith.constant 75 : i32
      %dma_wait3A_386 = arith.constant 5 : i32
      %dma_wait3A_387 = arith.constant 0 : i32
      %dma_wait3A_388 = arith.constant 0 : i32
      %dma_wait3A_389 = tpu.memref_slice %arg11[%dma_wait3A_384, %dma_wait3A_387, %dma_wait3A_388] : memref<10x128x16xf32, #tpu.memory_space<vmem>> -> memref<1x128x16xf32, #tpu.memory_space<vmem>>
      %dma_wait3A_390 = tpu.memref_squeeze %dma_wait3A_389 : memref<1x128x16xf32, #tpu.memory_space<vmem>> -> memref<128x16xf32, #tpu.memory_space<vmem>>
      %dma_wait3A_391 = arith.constant 0 : i32
      %dma_wait3A_392 = tpu.memref_slice %arg10[%dma_wait3A_385, %dma_wait3A_391] : memref<80x128xi32, #tpu.memory_space<vmem>> -> memref<1x128xi32, #tpu.memory_space<vmem>>
      %dma_wait3A_393 = tpu.memref_squeeze %dma_wait3A_392 : memref<1x128xi32, #tpu.memory_space<vmem>> -> memref<128xi32, #tpu.memory_space<vmem>>
      %dma_wait3A_394 = arith.constant 0 : i32
      %dma_wait3A_395 = arith.constant 0 : i32
      %dma_wait3A_396 = tpu.memref_slice %arg19[%dma_wait3A_394, %dma_wait3A_395] : memref<10240x16xf32, #tpu.memory_space<vmem_shared>> -> memref<10240x16xf32, #tpu.memory_space<vmem_shared>>
      %dma_wait3A_397 = tpu.memref_slice %arg21[%dma_wait3A_386] : memref<10x!tpu.dma_semaphore, #tpu.memory_space<semaphore_mem>> -> memref<1x!tpu.dma_semaphore, #tpu.memory_space<semaphore_mem>>
      %dma_wait3A_398 = tpu.memref_squeeze %dma_wait3A_397 : memref<1x!tpu.dma_semaphore, #tpu.memory_space<semaphore_mem>> -> memref<!tpu.dma_semaphore, #tpu.memory_space<semaphore_mem>>
      tpu.wait_indirect_dma semaphore(%dma_wait3A_398 : memref<!tpu.dma_semaphore, #tpu.memory_space<semaphore_mem>>) src(%dma_wait3A_390 : memref<128x16xf32, #tpu.memory_space<vmem>>) dst(%dma_wait3A_396 : memref<10240x16xf32, #tpu.memory_space<vmem_shared>>)
      %dma_wait3A_399 = arith.constant 6 : i32
      %dma_wait3A_400 = arith.constant 76 : i32
      %dma_wait3A_401 = arith.constant 6 : i32
      %dma_wait3A_402 = arith.constant 0 : i32
      %dma_wait3A_403 = arith.constant 0 : i32
      %dma_wait3A_404 = tpu.memref_slice %arg11[%dma_wait3A_399, %dma_wait3A_402, %dma_wait3A_403] : memref<10x128x16xf32, #tpu.memory_space<vmem>> -> memref<1x128x16xf32, #tpu.memory_space<vmem>>
      %dma_wait3A_405 = tpu.memref_squeeze %dma_wait3A_404 : memref<1x128x16xf32, #tpu.memory_space<vmem>> -> memref<128x16xf32, #tpu.memory_space<vmem>>
      %dma_wait3A_406 = arith.constant 0 : i32
      %dma_wait3A_407 = tpu.memref_slice %arg10[%dma_wait3A_400, %dma_wait3A_406] : memref<80x128xi32, #tpu.memory_space<vmem>> -> memref<1x128xi32, #tpu.memory_space<vmem>>
      %dma_wait3A_408 = tpu.memref_squeeze %dma_wait3A_407 : memref<1x128xi32, #tpu.memory_space<vmem>> -> memref<128xi32, #tpu.memory_space<vmem>>
      %dma_wait3A_409 = arith.constant 0 : i32
      %dma_wait3A_410 = arith.constant 0 : i32
      %dma_wait3A_411 = tpu.memref_slice %arg19[%dma_wait3A_409, %dma_wait3A_410] : memref<10240x16xf32, #tpu.memory_space<vmem_shared>> -> memref<10240x16xf32, #tpu.memory_space<vmem_shared>>
      %dma_wait3A_412 = tpu.memref_slice %arg21[%dma_wait3A_401] : memref<10x!tpu.dma_semaphore, #tpu.memory_space<semaphore_mem>> -> memref<1x!tpu.dma_semaphore, #tpu.memory_space<semaphore_mem>>
      %dma_wait3A_413 = tpu.memref_squeeze %dma_wait3A_412 : memref<1x!tpu.dma_semaphore, #tpu.memory_space<semaphore_mem>> -> memref<!tpu.dma_semaphore, #tpu.memory_space<semaphore_mem>>
      tpu.wait_indirect_dma semaphore(%dma_wait3A_413 : memref<!tpu.dma_semaphore, #tpu.memory_space<semaphore_mem>>) src(%dma_wait3A_405 : memref<128x16xf32, #tpu.memory_space<vmem>>) dst(%dma_wait3A_411 : memref<10240x16xf32, #tpu.memory_space<vmem_shared>>)
      %dma_wait3A_414 = arith.constant 7 : i32
      %dma_wait3A_415 = arith.constant 77 : i32
      %dma_wait3A_416 = arith.constant 7 : i32
      %dma_wait3A_417 = arith.constant 0 : i32
      %dma_wait3A_418 = arith.constant 0 : i32
      %dma_wait3A_419 = tpu.memref_slice %arg11[%dma_wait3A_414, %dma_wait3A_417, %dma_wait3A_418] : memref<10x128x16xf32, #tpu.memory_space<vmem>> -> memref<1x128x16xf32, #tpu.memory_space<vmem>>
      %dma_wait3A_420 = tpu.memref_squeeze %dma_wait3A_419 : memref<1x128x16xf32, #tpu.memory_space<vmem>> -> memref<128x16xf32, #tpu.memory_space<vmem>>
      %dma_wait3A_421 = arith.constant 0 : i32
      %dma_wait3A_422 = tpu.memref_slice %arg10[%dma_wait3A_415, %dma_wait3A_421] : memref<80x128xi32, #tpu.memory_space<vmem>> -> memref<1x128xi32, #tpu.memory_space<vmem>>
      %dma_wait3A_423 = tpu.memref_squeeze %dma_wait3A_422 : memref<1x128xi32, #tpu.memory_space<vmem>> -> memref<128xi32, #tpu.memory_space<vmem>>
      %dma_wait3A_424 = arith.constant 0 : i32
      %dma_wait3A_425 = arith.constant 0 : i32
      %dma_wait3A_426 = tpu.memref_slice %arg19[%dma_wait3A_424, %dma_wait3A_425] : memref<10240x16xf32, #tpu.memory_space<vmem_shared>> -> memref<10240x16xf32, #tpu.memory_space<vmem_shared>>
      %dma_wait3A_427 = tpu.memref_slice %arg21[%dma_wait3A_416] : memref<10x!tpu.dma_semaphore, #tpu.memory_space<semaphore_mem>> -> memref<1x!tpu.dma_semaphore, #tpu.memory_space<semaphore_mem>>
      %dma_wait3A_428 = tpu.memref_squeeze %dma_wait3A_427 : memref<1x!tpu.dma_semaphore, #tpu.memory_space<semaphore_mem>> -> memref<!tpu.dma_semaphore, #tpu.memory_space<semaphore_mem>>
      tpu.wait_indirect_dma semaphore(%dma_wait3A_428 : memref<!tpu.dma_semaphore, #tpu.memory_space<semaphore_mem>>) src(%dma_wait3A_420 : memref<128x16xf32, #tpu.memory_space<vmem>>) dst(%dma_wait3A_426 : memref<10240x16xf32, #tpu.memory_space<vmem_shared>>)
      %dma_wait3A_429 = arith.constant 8 : i32
      %dma_wait3A_430 = arith.constant 78 : i32
      %dma_wait3A_431 = arith.constant 8 : i32
      %dma_wait3A_432 = arith.constant 0 : i32
      %dma_wait3A_433 = arith.constant 0 : i32
      %dma_wait3A_434 = tpu.memref_slice %arg11[%dma_wait3A_429, %dma_wait3A_432, %dma_wait3A_433] : memref<10x128x16xf32, #tpu.memory_space<vmem>> -> memref<1x128x16xf32, #tpu.memory_space<vmem>>
      %dma_wait3A_435 = tpu.memref_squeeze %dma_wait3A_434 : memref<1x128x16xf32, #tpu.memory_space<vmem>> -> memref<128x16xf32, #tpu.memory_space<vmem>>
      %dma_wait3A_436 = arith.constant 0 : i32
      %dma_wait3A_437 = tpu.memref_slice %arg10[%dma_wait3A_430, %dma_wait3A_436] : memref<80x128xi32, #tpu.memory_space<vmem>> -> memref<1x128xi32, #tpu.memory_space<vmem>>
      %dma_wait3A_438 = tpu.memref_squeeze %dma_wait3A_437 : memref<1x128xi32, #tpu.memory_space<vmem>> -> memref<128xi32, #tpu.memory_space<vmem>>
      %dma_wait3A_439 = arith.constant 0 : i32
      %dma_wait3A_440 = arith.constant 0 : i32
      %dma_wait3A_441 = tpu.memref_slice %arg19[%dma_wait3A_439, %dma_wait3A_440] : memref<10240x16xf32, #tpu.memory_space<vmem_shared>> -> memref<10240x16xf32, #tpu.memory_space<vmem_shared>>
      %dma_wait3A_442 = tpu.memref_slice %arg21[%dma_wait3A_431] : memref<10x!tpu.dma_semaphore, #tpu.memory_space<semaphore_mem>> -> memref<1x!tpu.dma_semaphore, #tpu.memory_space<semaphore_mem>>
      %dma_wait3A_443 = tpu.memref_squeeze %dma_wait3A_442 : memref<1x!tpu.dma_semaphore, #tpu.memory_space<semaphore_mem>> -> memref<!tpu.dma_semaphore, #tpu.memory_space<semaphore_mem>>
      tpu.wait_indirect_dma semaphore(%dma_wait3A_443 : memref<!tpu.dma_semaphore, #tpu.memory_space<semaphore_mem>>) src(%dma_wait3A_435 : memref<128x16xf32, #tpu.memory_space<vmem>>) dst(%dma_wait3A_441 : memref<10240x16xf32, #tpu.memory_space<vmem_shared>>)
      %dma_wait3A_444 = arith.constant 9 : i32
      %dma_wait3A_445 = arith.constant 79 : i32
      %dma_wait3A_446 = arith.constant 9 : i32
      %dma_wait3A_447 = arith.constant 0 : i32
      %dma_wait3A_448 = arith.constant 0 : i32
      %dma_wait3A_449 = tpu.memref_slice %arg11[%dma_wait3A_444, %dma_wait3A_447, %dma_wait3A_448] : memref<10x128x16xf32, #tpu.memory_space<vmem>> -> memref<1x128x16xf32, #tpu.memory_space<vmem>>
      %dma_wait3A_450 = tpu.memref_squeeze %dma_wait3A_449 : memref<1x128x16xf32, #tpu.memory_space<vmem>> -> memref<128x16xf32, #tpu.memory_space<vmem>>
      %dma_wait3A_451 = arith.constant 0 : i32
      %dma_wait3A_452 = tpu.memref_slice %arg10[%dma_wait3A_445, %dma_wait3A_451] : memref<80x128xi32, #tpu.memory_space<vmem>> -> memref<1x128xi32, #tpu.memory_space<vmem>>
      %dma_wait3A_453 = tpu.memref_squeeze %dma_wait3A_452 : memref<1x128xi32, #tpu.memory_space<vmem>> -> memref<128xi32, #tpu.memory_space<vmem>>
      %dma_wait3A_454 = arith.constant 0 : i32
      %dma_wait3A_455 = arith.constant 0 : i32
      %dma_wait3A_456 = tpu.memref_slice %arg19[%dma_wait3A_454, %dma_wait3A_455] : memref<10240x16xf32, #tpu.memory_space<vmem_shared>> -> memref<10240x16xf32, #tpu.memory_space<vmem_shared>>
      %dma_wait3A_457 = tpu.memref_slice %arg21[%dma_wait3A_446] : memref<10x!tpu.dma_semaphore, #tpu.memory_space<semaphore_mem>> -> memref<1x!tpu.dma_semaphore, #tpu.memory_space<semaphore_mem>>
      %dma_wait3A_458 = tpu.memref_squeeze %dma_wait3A_457 : memref<1x!tpu.dma_semaphore, #tpu.memory_space<semaphore_mem>> -> memref<!tpu.dma_semaphore, #tpu.memory_space<semaphore_mem>>
      tpu.wait_indirect_dma semaphore(%dma_wait3A_458 : memref<!tpu.dma_semaphore, #tpu.memory_space<semaphore_mem>>) src(%dma_wait3A_450 : memref<128x16xf32, #tpu.memory_space<vmem>>) dst(%dma_wait3A_456 : memref<10240x16xf32, #tpu.memory_space<vmem_shared>>)
      %barrier3A_459 = arith.constant 0 : index
      tpu.barrier barrier_id(%barrier3A_459)
      %dma_start3A_460 = arith.constant 0 : i32
      %dma_start3A_461 = tpu.memref_slice %arg20[%dma_start3A_460] : memref<10x!tpu.dma_semaphore, #tpu.memory_space<semaphore_mem>> -> memref<1x!tpu.dma_semaphore, #tpu.memory_space<semaphore_mem>>
      %dma_start3A_462 = tpu.memref_squeeze %dma_start3A_461 : memref<1x!tpu.dma_semaphore, #tpu.memory_space<semaphore_mem>> -> memref<!tpu.dma_semaphore, #tpu.memory_space<semaphore_mem>>
      %dma_start3A_463 = arith.constant 0 : i32
      %dma_start3A_464 = tpu.memref_slice %arg8[%mul3A_8, %dma_start3A_463] : memref<10240x16xf32, #tpu.memory_space<hbm>> -> memref<320x16xf32, #tpu.memory_space<hbm>>
      %dma_start3A_465 = arith.constant 0 : i32
      %dma_start3A_466 = tpu.memref_slice %arg19[%mul3A_8, %dma_start3A_465] : memref<10240x16xf32, #tpu.memory_space<vmem_shared>> -> memref<320x16xf32, #tpu.memory_space<vmem_shared>>
      tpu.enqueue_dma source(%dma_start3A_466 : memref<320x16xf32, #tpu.memory_space<vmem_shared>>) target(%dma_start3A_464 : memref<320x16xf32, #tpu.memory_space<hbm>>) target_semaphore(%dma_start3A_462 : memref<!tpu.dma_semaphore, #tpu.memory_space<semaphore_mem>>)
      %dma_start3A_467 = arith.constant 1 : i32
      %dma_start3A_468 = arith.constant 0 : i32
      %dma_start3A_469 = tpu.memref_slice %arg19[%mul3A_2, %dma_start3A_468] : memref<10240x16xf32, #tpu.memory_space<vmem_shared>> -> memref<320x16xf32, #tpu.memory_space<vmem_shared>>
      %dma_start3A_470 = tpu.memref_slice %arg20[%dma_start3A_467] : memref<10x!tpu.dma_semaphore, #tpu.memory_space<semaphore_mem>> -> memref<1x!tpu.dma_semaphore, #tpu.memory_space<semaphore_mem>>
      %dma_start3A_471 = tpu.memref_squeeze %dma_start3A_470 : memref<1x!tpu.dma_semaphore, #tpu.memory_space<semaphore_mem>> -> memref<!tpu.dma_semaphore, #tpu.memory_space<semaphore_mem>>
      %dma_start3A_472 = arith.constant 0 : i32
      %dma_start3A_473 = tpu.memref_slice %arg19[%mul3A_2, %dma_start3A_472] : memref<10240x16xf32, #tpu.memory_space<vmem_shared>> -> memref<320x16xf32, #tpu.memory_space<vmem_shared>>
      tpu.enqueue_dma source(%dma_start3A_473 : memref<320x16xf32, #tpu.memory_space<vmem_shared>>) target(%arg15 : memref<320x16xf32, #tpu.memory_space<vmem>>) target_semaphore(%dma_start3A_471 : memref<!tpu.dma_semaphore, #tpu.memory_space<semaphore_mem>>)
      %dma_wait3A_474 = arith.constant 0 : i32
      %dma_wait3A_475 = tpu.memref_slice %arg20[%dma_wait3A_474] : memref<10x!tpu.dma_semaphore, #tpu.memory_space<semaphore_mem>> -> memref<1x!tpu.dma_semaphore, #tpu.memory_space<semaphore_mem>>
      %dma_wait3A_476 = tpu.memref_squeeze %dma_wait3A_475 : memref<1x!tpu.dma_semaphore, #tpu.memory_space<semaphore_mem>> -> memref<!tpu.dma_semaphore, #tpu.memory_space<semaphore_mem>>
      %dma_wait3A_477 = arith.constant 0 : i32
      %dma_wait3A_478 = tpu.memref_slice %arg8[%mul3A_8, %dma_wait3A_477] : memref<10240x16xf32, #tpu.memory_space<hbm>> -> memref<320x16xf32, #tpu.memory_space<hbm>>
      %dma_wait3A_479 = arith.constant 0 : i32
      %dma_wait3A_480 = tpu.memref_slice %arg19[%mul3A_8, %dma_wait3A_479] : memref<10240x16xf32, #tpu.memory_space<vmem_shared>> -> memref<320x16xf32, #tpu.memory_space<vmem_shared>>
      tpu.wait_dma2 semaphore(%dma_wait3A_476 : memref<!tpu.dma_semaphore, #tpu.memory_space<semaphore_mem>>) src(%dma_wait3A_480 : memref<320x16xf32, #tpu.memory_space<vmem_shared>>) dst(%dma_wait3A_478 : memref<320x16xf32, #tpu.memory_space<hbm>>)
      %dma_wait3A_481 = arith.constant 1 : i32
      %dma_wait3A_482 = arith.constant 0 : i32
      %dma_wait3A_483 = tpu.memref_slice %arg19[%mul3A_2, %dma_wait3A_482] : memref<10240x16xf32, #tpu.memory_space<vmem_shared>> -> memref<320x16xf32, #tpu.memory_space<vmem_shared>>
      %dma_wait3A_484 = tpu.memref_slice %arg20[%dma_wait3A_481] : memref<10x!tpu.dma_semaphore, #tpu.memory_space<semaphore_mem>> -> memref<1x!tpu.dma_semaphore, #tpu.memory_space<semaphore_mem>>
      %dma_wait3A_485 = tpu.memref_squeeze %dma_wait3A_484 : memref<1x!tpu.dma_semaphore, #tpu.memory_space<semaphore_mem>> -> memref<!tpu.dma_semaphore, #tpu.memory_space<semaphore_mem>>
      %dma_wait3A_486 = arith.constant 0 : i32
      %dma_wait3A_487 = tpu.memref_slice %arg19[%mul3A_2, %dma_wait3A_486] : memref<10240x16xf32, #tpu.memory_space<vmem_shared>> -> memref<320x16xf32, #tpu.memory_space<vmem_shared>>
      tpu.wait_dma2 semaphore(%dma_wait3A_485 : memref<!tpu.dma_semaphore, #tpu.memory_space<semaphore_mem>>) src(%dma_wait3A_487 : memref<320x16xf32, #tpu.memory_space<vmem_shared>>) dst(%arg15 : memref<320x16xf32, #tpu.memory_space<vmem>>)
      %dma_start3A_488 = arith.constant 2 : i32
      %dma_start3A_489 = arith.constant 0 : i32
      %dma_start3A_490 = arith.constant 0 : i32
      %dma_start3A_491 = tpu.memref_slice %arg17[%dma_start3A_489, %dma_start3A_490] : memref<640x16xf32, #tpu.memory_space<vmem>> -> memref<320x16xf32, #tpu.memory_space<vmem>>
      %dma_start3A_492 = arith.constant 0 : i32
      %dma_start3A_493 = tpu.memref_slice %arg19[%mul3A_2, %dma_start3A_492] : memref<10240x16xf32, #tpu.memory_space<vmem_shared>> -> memref<320x16xf32, #tpu.memory_space<vmem_shared>>
      %dma_start3A_494 = tpu.memref_slice %arg20[%dma_start3A_488] : memref<10x!tpu.dma_semaphore, #tpu.memory_space<semaphore_mem>> -> memref<1x!tpu.dma_semaphore, #tpu.memory_space<semaphore_mem>>
      %dma_start3A_495 = tpu.memref_squeeze %dma_start3A_494 : memref<1x!tpu.dma_semaphore, #tpu.memory_space<semaphore_mem>> -> memref<!tpu.dma_semaphore, #tpu.memory_space<semaphore_mem>>
      %dma_start3A_496 = arith.constant 0 : i32
      %dma_start3A_497 = tpu.memref_slice %arg19[%mul3A_2, %dma_start3A_496] : memref<10240x16xf32, #tpu.memory_space<vmem_shared>> -> memref<320x16xf32, #tpu.memory_space<vmem_shared>>
      %dma_start3A_498 = arith.constant 0 : i32
      %dma_start3A_499 = arith.constant 0 : i32
      %dma_start3A_500 = tpu.memref_slice %arg17[%dma_start3A_498, %dma_start3A_499] : memref<640x16xf32, #tpu.memory_space<vmem>> -> memref<320x16xf32, #tpu.memory_space<vmem>>
      tpu.enqueue_dma source(%dma_start3A_500 : memref<320x16xf32, #tpu.memory_space<vmem>>) target(%dma_start3A_497 : memref<320x16xf32, #tpu.memory_space<vmem_shared>>) target_semaphore(%dma_start3A_495 : memref<!tpu.dma_semaphore, #tpu.memory_space<semaphore_mem>>)
      %dma_start3A_501 = arith.constant 3 : i32
      %dma_start3A_502 = arith.constant 0 : i32
      %dma_start3A_503 = arith.constant 0 : i32
      %dma_start3A_504 = tpu.memref_slice %arg17[%dma_start3A_502, %dma_start3A_503] : memref<640x16xf32, #tpu.memory_space<vmem>> -> memref<320x16xf32, #tpu.memory_space<vmem>>
      %dma_start3A_505 = arith.constant 0 : i32
      %dma_start3A_506 = tpu.memref_slice %arg19[%mul3A_8, %dma_start3A_505] : memref<10240x16xf32, #tpu.memory_space<vmem_shared>> -> memref<320x16xf32, #tpu.memory_space<vmem_shared>>
      %dma_start3A_507 = tpu.memref_slice %arg20[%dma_start3A_501] : memref<10x!tpu.dma_semaphore, #tpu.memory_space<semaphore_mem>> -> memref<1x!tpu.dma_semaphore, #tpu.memory_space<semaphore_mem>>
      %dma_start3A_508 = tpu.memref_squeeze %dma_start3A_507 : memref<1x!tpu.dma_semaphore, #tpu.memory_space<semaphore_mem>> -> memref<!tpu.dma_semaphore, #tpu.memory_space<semaphore_mem>>
      %dma_start3A_509 = arith.constant 0 : i32
      %dma_start3A_510 = tpu.memref_slice %arg19[%mul3A_8, %dma_start3A_509] : memref<10240x16xf32, #tpu.memory_space<vmem_shared>> -> memref<320x16xf32, #tpu.memory_space<vmem_shared>>
      %dma_start3A_511 = arith.constant 0 : i32
      %dma_start3A_512 = arith.constant 0 : i32
      %dma_start3A_513 = tpu.memref_slice %arg17[%dma_start3A_511, %dma_start3A_512] : memref<640x16xf32, #tpu.memory_space<vmem>> -> memref<320x16xf32, #tpu.memory_space<vmem>>
      tpu.enqueue_dma source(%dma_start3A_513 : memref<320x16xf32, #tpu.memory_space<vmem>>) target(%dma_start3A_510 : memref<320x16xf32, #tpu.memory_space<vmem_shared>>) target_semaphore(%dma_start3A_508 : memref<!tpu.dma_semaphore, #tpu.memory_space<semaphore_mem>>)
      %dma_wait3A_514 = arith.constant 2 : i32
      %dma_wait3A_515 = arith.constant 0 : i32
      %dma_wait3A_516 = arith.constant 0 : i32
      %dma_wait3A_517 = tpu.memref_slice %arg17[%dma_wait3A_515, %dma_wait3A_516] : memref<640x16xf32, #tpu.memory_space<vmem>> -> memref<320x16xf32, #tpu.memory_space<vmem>>
      %dma_wait3A_518 = arith.constant 0 : i32
      %dma_wait3A_519 = tpu.memref_slice %arg19[%mul3A_2, %dma_wait3A_518] : memref<10240x16xf32, #tpu.memory_space<vmem_shared>> -> memref<320x16xf32, #tpu.memory_space<vmem_shared>>
      %dma_wait3A_520 = tpu.memref_slice %arg20[%dma_wait3A_514] : memref<10x!tpu.dma_semaphore, #tpu.memory_space<semaphore_mem>> -> memref<1x!tpu.dma_semaphore, #tpu.memory_space<semaphore_mem>>
      %dma_wait3A_521 = tpu.memref_squeeze %dma_wait3A_520 : memref<1x!tpu.dma_semaphore, #tpu.memory_space<semaphore_mem>> -> memref<!tpu.dma_semaphore, #tpu.memory_space<semaphore_mem>>
      %dma_wait3A_522 = arith.constant 0 : i32
      %dma_wait3A_523 = tpu.memref_slice %arg19[%mul3A_2, %dma_wait3A_522] : memref<10240x16xf32, #tpu.memory_space<vmem_shared>> -> memref<320x16xf32, #tpu.memory_space<vmem_shared>>
      %dma_wait3A_524 = arith.constant 0 : i32
      %dma_wait3A_525 = arith.constant 0 : i32
      %dma_wait3A_526 = tpu.memref_slice %arg17[%dma_wait3A_524, %dma_wait3A_525] : memref<640x16xf32, #tpu.memory_space<vmem>> -> memref<320x16xf32, #tpu.memory_space<vmem>>
      tpu.wait_dma2 semaphore(%dma_wait3A_521 : memref<!tpu.dma_semaphore, #tpu.memory_space<semaphore_mem>>) src(%dma_wait3A_526 : memref<320x16xf32, #tpu.memory_space<vmem>>) dst(%dma_wait3A_523 : memref<320x16xf32, #tpu.memory_space<vmem_shared>>)
      %dma_wait3A_527 = arith.constant 3 : i32
      %dma_wait3A_528 = arith.constant 0 : i32
      %dma_wait3A_529 = arith.constant 0 : i32
      %dma_wait3A_530 = tpu.memref_slice %arg17[%dma_wait3A_528, %dma_wait3A_529] : memref<640x16xf32, #tpu.memory_space<vmem>> -> memref<320x16xf32, #tpu.memory_space<vmem>>
      %dma_wait3A_531 = arith.constant 0 : i32
      %dma_wait3A_532 = tpu.memref_slice %arg19[%mul3A_8, %dma_wait3A_531] : memref<10240x16xf32, #tpu.memory_space<vmem_shared>> -> memref<320x16xf32, #tpu.memory_space<vmem_shared>>
      %dma_wait3A_533 = tpu.memref_slice %arg20[%dma_wait3A_527] : memref<10x!tpu.dma_semaphore, #tpu.memory_space<semaphore_mem>> -> memref<1x!tpu.dma_semaphore, #tpu.memory_space<semaphore_mem>>
      %dma_wait3A_534 = tpu.memref_squeeze %dma_wait3A_533 : memref<1x!tpu.dma_semaphore, #tpu.memory_space<semaphore_mem>> -> memref<!tpu.dma_semaphore, #tpu.memory_space<semaphore_mem>>
      %dma_wait3A_535 = arith.constant 0 : i32
      %dma_wait3A_536 = tpu.memref_slice %arg19[%mul3A_8, %dma_wait3A_535] : memref<10240x16xf32, #tpu.memory_space<vmem_shared>> -> memref<320x16xf32, #tpu.memory_space<vmem_shared>>
      %dma_wait3A_537 = arith.constant 0 : i32
      %dma_wait3A_538 = arith.constant 0 : i32
      %dma_wait3A_539 = tpu.memref_slice %arg17[%dma_wait3A_537, %dma_wait3A_538] : memref<640x16xf32, #tpu.memory_space<vmem>> -> memref<320x16xf32, #tpu.memory_space<vmem>>
      tpu.wait_dma2 semaphore(%dma_wait3A_534 : memref<!tpu.dma_semaphore, #tpu.memory_space<semaphore_mem>>) src(%dma_wait3A_539 : memref<320x16xf32, #tpu.memory_space<vmem>>) dst(%dma_wait3A_536 : memref<320x16xf32, #tpu.memory_space<vmem_shared>>)
      %barrier3A_540 = arith.constant 0 : index
      tpu.barrier barrier_id(%barrier3A_540)
      %eq3A_541 = arith.constant 0 : i32
      %eq3A_542 = arith.cmpi eq, %arg1, %eq3A_541 : i32
      %convert_element_type3A_543 = arith.extui %eq3A_542 : i1 to i32
      %cond3A_544 = arith.constant 0 : i32
      %cond3A_545 = arith.cmpi ne, %convert_element_type3A_543, %cond3A_544 : i32
      scf.if %cond3A_545 {
        %sub3A_566 = arith.constant 1 : i32
        %sub3A_567 = arith.subi %sub3A_566, %arg0 : i32
        %semaphore_signal3A = arith.constant 1 : i32
        tpu.sem_signal %arg22, %semaphore_signal3A core_id %sub3A_567 : memref<!tpu.semaphore, #tpu.memory_space<semaphore_mem>>
        %semaphore_wait3A = arith.constant 1 : i32
        %semaphore_wait3A_568 = arith.constant true
        tpu.sem_wait %arg22, %semaphore_wait3A : memref<!tpu.semaphore, #tpu.memory_space<semaphore_mem>>
      } else {
      }
      %barrier3A_546 = arith.constant 0 : index
      tpu.barrier barrier_id(%barrier3A_546)
      "tpu.region"() ({
        %run_scoped3A = tpu.sem_alloc : memref<!tpu.dma_semaphore, #tpu.memory_space<semaphore_mem>>
        %dma_start3A_566 = arith.constant 0 : i32
        %dma_start3A_567 = tpu.memref_slice %arg8[%mul3A_2, %dma_start3A_566] : memref<10240x16xf32, #tpu.memory_space<hbm>> -> memref<320x16xf32, #tpu.memory_space<hbm>>
        %dma_start3A_568 = arith.constant 0 : i32
        %dma_start3A_569 = tpu.memref_slice %arg8[%mul3A_2, %dma_start3A_568] : memref<10240x16xf32, #tpu.memory_space<hbm>> -> memref<320x16xf32, #tpu.memory_space<hbm>>
        tpu.enqueue_dma source(%dma_start3A_569 : memref<320x16xf32, #tpu.memory_space<hbm>>) target(%arg16 : memref<320x16xf32, #tpu.memory_space<vmem>>) target_semaphore(%run_scoped3A : memref<!tpu.dma_semaphore, #tpu.memory_space<semaphore_mem>>)
        %dma_wait3A_570 = arith.constant 0 : i32
        %dma_wait3A_571 = tpu.memref_slice %arg8[%mul3A_2, %dma_wait3A_570] : memref<10240x16xf32, #tpu.memory_space<hbm>> -> memref<320x16xf32, #tpu.memory_space<hbm>>
        %dma_wait3A_572 = arith.constant 0 : i32
        %dma_wait3A_573 = tpu.memref_slice %arg8[%mul3A_2, %dma_wait3A_572] : memref<10240x16xf32, #tpu.memory_space<hbm>> -> memref<320x16xf32, #tpu.memory_space<hbm>>
        tpu.wait_dma2 semaphore(%run_scoped3A : memref<!tpu.dma_semaphore, #tpu.memory_space<semaphore_mem>>) src(%dma_wait3A_573 : memref<320x16xf32, #tpu.memory_space<hbm>>) dst(%arg16 : memref<320x16xf32, #tpu.memory_space<vmem>>)
        tpu.yield
      }) : () -> ()
      %add3A_547 = arith.constant 1 : i32
      %add3A_548 = arith.addi %scan3A_152, %add3A_547 : i32
      %get3A_549 = arith.index_cast %add3A_548 : i32 to index
      %get3A_550 = arith.constant 0 : index
      %get3A_551 = tpu.vector_load %arg18[%get3A_549, %get3A_550] {strides = array<i32>} : memref<16x16xf32, #tpu.memory_space<vmem>>, vector<1x16xf32>,
      %get3A_552 = vector.shape_cast %get3A_551 : vector<1x16xf32> to vector<16xf32>
      %scan3A_553 = arith.constant 0 : i32
      %scan3A_554 = arith.constant 0 : i32
      %scan3A_555 = arith.constant 320 : i32
      %scan3A_556 = arith.addi %scan3A_554, %scan3A_555 : i32
      %scan3A_557 = arith.constant 1 : i32
      scf.for %scan3A_566 = %scan3A_554 to %scan3A_556 step %scan3A_557  : i32 {
        %get3A_567 = arith.index_cast %scan3A_566 : i32 to index
        %get3A_568 = arith.constant 0 : index
        %get3A_569 = tpu.vector_load %arg14[%get3A_567, %get3A_568] {strides = array<i32>} : memref<320x16xf32, #tpu.memory_space<vmem>>, vector<1x16xf32>,
        %get3A_570 = vector.shape_cast %get3A_569 : vector<1x16xf32> to vector<16xf32>
        %get3A_571 = arith.index_cast %scan3A_566 : i32 to index
        %get3A_572 = arith.constant 0 : index
        %get3A_573 = tpu.vector_load %arg15[%get3A_571, %get3A_572] {strides = array<i32>} : memref<320x16xf32, #tpu.memory_space<vmem>>, vector<1x16xf32>,
        %get3A_574 = vector.shape_cast %get3A_573 : vector<1x16xf32> to vector<16xf32>
        %get3A_575 = arith.index_cast %scan3A_566 : i32 to index
        %get3A_576 = arith.constant 0 : index
        %get3A_577 = tpu.vector_load %arg16[%get3A_575, %get3A_576] {strides = array<i32>} : memref<320x16xf32, #tpu.memory_space<vmem>>, vector<1x16xf32>,
        %get3A_578 = vector.shape_cast %get3A_577 : vector<1x16xf32> to vector<16xf32>
        %add3A_579 = arith.addf %get3A_574, %get3A_578 : vector<16xf32>
        %get3A_580 = arith.index_cast %scan3A_566 : i32 to index
        %get3A_581 = arith.constant 0 : index
        %get3A_582 = tpu.vector_load %arg12[%get3A_580, %get3A_581] {strides = array<i32>} : memref<320x16xf32, #tpu.memory_space<vmem>>, vector<1x16xf32>,
        %get3A_583 = vector.shape_cast %get3A_582 : vector<1x16xf32> to vector<16xf32>
        %add3A_584 = arith.addf %add3A_579, %get3A_583 : vector<16xf32>
        %mul3A_585 = arith.mulf %get3A_570, %add3A_584 : vector<16xf32>
        %get3A_586 = arith.index_cast %scan3A_566 : i32 to index
        %get3A_587 = arith.constant 0 : index
        %get3A_588 = tpu.vector_load %arg13[%get3A_586, %get3A_587] {strides = array<i32>} : memref<320x16xf32, #tpu.memory_space<vmem>>, vector<1x16xf32>,
        %get3A_589 = vector.shape_cast %get3A_588 : vector<1x16xf32> to vector<16xf32>
        %mul3A_590 = arith.mulf %get3A_552, %mul3A_585 : vector<16xf32>
        %add3A_591 = arith.addf %get3A_589, %mul3A_590 : vector<16xf32>
        %swap3A = arith.index_cast %scan3A_566 : i32 to index
        %swap3A_592 = arith.constant 0 : index
        %swap3A_593 = tpu.vector_load %arg13[%swap3A, %swap3A_592] {strides = array<i32>} : memref<320x16xf32, #tpu.memory_space<vmem>>, vector<1x16xf32>,
        %swap3A_594 = vector.shape_cast %swap3A_593 : vector<1x16xf32> to vector<16xf32>
        %swap3A_595 = vector.shape_cast %add3A_591 : vector<16xf32> to vector<1x16xf32>
        tpu.vector_store %arg13[%swap3A, %swap3A_592], %swap3A_595 {strides = array<i32>} : memref<320x16xf32, #tpu.memory_space<vmem>>, vector<1x16xf32>,
        %swap3A_596 = arith.index_cast %scan3A_566 : i32 to index
        %swap3A_597 = arith.constant 0 : index
        %swap3A_598 = tpu.vector_load %arg12[%swap3A_596, %swap3A_597] {strides = array<i32>} : memref<320x16xf32, #tpu.memory_space<vmem>>, vector<1x16xf32>,
        %swap3A_599 = vector.shape_cast %swap3A_598 : vector<1x16xf32> to vector<16xf32>
        %swap3A_600 = vector.shape_cast %mul3A_585 : vector<16xf32> to vector<1x16xf32>
        tpu.vector_store %arg12[%swap3A_596, %swap3A_597], %swap3A_600 {strides = array<i32>} : memref<320x16xf32, #tpu.memory_space<vmem>>, vector<1x16xf32>,
      }
      %scan3A_558 = arith.constant 320 : i32
      "tpu.region"() ({
        %run_scoped3A = tpu.sem_alloc : memref<!tpu.dma_semaphore, #tpu.memory_space<semaphore_mem>>
        %dma_start3A_566 = arith.constant 0 : i32
        %dma_start3A_567 = tpu.memref_slice %arg7[%mul3A_2, %dma_start3A_566] : memref<10240x16xf32, #tpu.memory_space<hbm>> -> memref<320x16xf32, #tpu.memory_space<hbm>>
        %dma_start3A_568 = arith.constant 0 : i32
        %dma_start3A_569 = tpu.memref_slice %arg7[%mul3A_2, %dma_start3A_568] : memref<10240x16xf32, #tpu.memory_space<hbm>> -> memref<320x16xf32, #tpu.memory_space<hbm>>
        tpu.enqueue_dma source(%arg12 : memref<320x16xf32, #tpu.memory_space<vmem>>) target(%dma_start3A_569 : memref<320x16xf32, #tpu.memory_space<hbm>>) target_semaphore(%run_scoped3A : memref<!tpu.dma_semaphore, #tpu.memory_space<semaphore_mem>>)
        %dma_wait3A_570 = arith.constant 0 : i32
        %dma_wait3A_571 = tpu.memref_slice %arg7[%mul3A_2, %dma_wait3A_570] : memref<10240x16xf32, #tpu.memory_space<hbm>> -> memref<320x16xf32, #tpu.memory_space<hbm>>
        %dma_wait3A_572 = arith.constant 0 : i32
        %dma_wait3A_573 = tpu.memref_slice %arg7[%mul3A_2, %dma_wait3A_572] : memref<10240x16xf32, #tpu.memory_space<hbm>> -> memref<320x16xf32, #tpu.memory_space<hbm>>
        tpu.wait_dma2 semaphore(%run_scoped3A : memref<!tpu.dma_semaphore, #tpu.memory_space<semaphore_mem>>) src(%arg12 : memref<320x16xf32, #tpu.memory_space<vmem>>) dst(%dma_wait3A_573 : memref<320x16xf32, #tpu.memory_space<hbm>>)
        tpu.yield
      }) : () -> ()
      %barrier3A_559 = arith.constant 0 : index
      tpu.barrier barrier_id(%barrier3A_559)
      %eq3A_560 = arith.constant 0 : i32
      %eq3A_561 = arith.cmpi eq, %arg1, %eq3A_560 : i32
      %convert_element_type3A_562 = arith.extui %eq3A_561 : i1 to i32
      %cond3A_563 = arith.constant 0 : i32
      %cond3A_564 = arith.cmpi ne, %convert_element_type3A_562, %cond3A_563 : i32
      scf.if %cond3A_564 {
        %sub3A_566 = arith.constant 1 : i32
        %sub3A_567 = arith.subi %sub3A_566, %arg0 : i32
        %semaphore_signal3A = arith.constant 1 : i32
        tpu.sem_signal %arg22, %semaphore_signal3A core_id %sub3A_567 : memref<!tpu.semaphore, #tpu.memory_space<semaphore_mem>>
        %semaphore_wait3A = arith.constant 1 : i32
        %semaphore_wait3A_568 = arith.constant true
        tpu.sem_wait %arg22, %semaphore_wait3A : memref<!tpu.semaphore, #tpu.memory_space<semaphore_mem>>
      } else {
      }
      %barrier3A_565 = arith.constant 0 : index
      tpu.barrier barrier_id(%barrier3A_565)
    }
    %scan3A_145 = arith.constant 10 : i32
    %scan3A_146 = arith.constant 0 : i32
    %scan3A_147 = arith.constant 0 : i32
    %scan3A_148 = arith.constant 320 : i32
    %scan3A_149 = arith.addi %scan3A_147, %scan3A_148 : i32
    %scan3A_150 = arith.constant 1 : i32
    scf.for %scan3A_152 = %scan3A_147 to %scan3A_149 step %scan3A_150  : i32 {
      %get3A_153 = arith.index_cast %scan3A_152 : i32 to index
      %get3A_154 = arith.constant 0 : index
      %get3A_155 = tpu.vector_load %arg14[%get3A_153, %get3A_154] {strides = array<i32>} : memref<320x16xf32, #tpu.memory_space<vmem>>, vector<1x16xf32>,
      %get3A_156 = vector.shape_cast %get3A_155 : vector<1x16xf32> to vector<16xf32>
      %broadcast_in_dim3A_157 = arith.constant 1.000000e+00 : f32
      %broadcast_in_dim3A_158 = vector.broadcast %broadcast_in_dim3A_157 : f32 to vector<16xf32>
      %mul3A_159 = arith.constant 5.000000e-01 : f32
      %mul3A_160 = vector.broadcast %mul3A_159 : f32 to vector<16xf32>
      %mul3A_161 = arith.mulf %mul3A_160, %get3A_156 : vector<16xf32>
      %mul3A_162 = arith.mulf %mul3A_161, %broadcast_in_dim3A_158 : vector<16xf32>
      %mul3A_163 = arith.mulf %mul3A_162, %broadcast_in_dim3A_158 : vector<16xf32>
      %sub3A_164 = arith.constant 1.500000e+00 : f32
      %sub3A_165 = vector.broadcast %sub3A_164 : f32 to vector<16xf32>
      %sub3A_166 = arith.subf %sub3A_165, %mul3A_163 : vector<16xf32>
      %mul3A_167 = arith.mulf %broadcast_in_dim3A_158, %sub3A_166 : vector<16xf32>
      %mul3A_168 = arith.constant 5.000000e-01 : f32
      %mul3A_169 = vector.broadcast %mul3A_168 : f32 to vector<16xf32>
      %mul3A_170 = arith.mulf %mul3A_169, %get3A_156 : vector<16xf32>
      %mul3A_171 = arith.mulf %mul3A_170, %mul3A_167 : vector<16xf32>
      %mul3A_172 = arith.mulf %mul3A_171, %mul3A_167 : vector<16xf32>
      %sub3A_173 = arith.constant 1.500000e+00 : f32
      %sub3A_174 = vector.broadcast %sub3A_173 : f32 to vector<16xf32>
      %sub3A_175 = arith.subf %sub3A_174, %mul3A_172 : vector<16xf32>
      %mul3A_176 = arith.mulf %mul3A_167, %sub3A_175 : vector<16xf32>
      %mul3A_177 = arith.constant 5.000000e-01 : f32
      %mul3A_178 = vector.broadcast %mul3A_177 : f32 to vector<16xf32>
      %mul3A_179 = arith.mulf %mul3A_178, %get3A_156 : vector<16xf32>
      %mul3A_180 = arith.mulf %mul3A_179, %mul3A_176 : vector<16xf32>
      %mul3A_181 = arith.mulf %mul3A_180, %mul3A_176 : vector<16xf32>
      %sub3A_182 = arith.constant 1.500000e+00 : f32
      %sub3A_183 = vector.broadcast %sub3A_182 : f32 to vector<16xf32>
      %sub3A_184 = arith.subf %sub3A_183, %mul3A_181 : vector<16xf32>
      %mul3A_185 = arith.mulf %mul3A_176, %sub3A_184 : vector<16xf32>
      %mul3A_186 = arith.constant 5.000000e-01 : f32
      %mul3A_187 = vector.broadcast %mul3A_186 : f32 to vector<16xf32>
      %mul3A_188 = arith.mulf %mul3A_187, %get3A_156 : vector<16xf32>
      %mul3A_189 = arith.mulf %mul3A_188, %mul3A_185 : vector<16xf32>
      %mul3A_190 = arith.mulf %mul3A_189, %mul3A_185 : vector<16xf32>
      %sub3A_191 = arith.constant 1.500000e+00 : f32
      %sub3A_192 = vector.broadcast %sub3A_191 : f32 to vector<16xf32>
      %sub3A_193 = arith.subf %sub3A_192, %mul3A_190 : vector<16xf32>
      %mul3A_194 = arith.mulf %mul3A_185, %sub3A_193 : vector<16xf32>
      %mul3A_195 = arith.constant 5.000000e-01 : f32
      %mul3A_196 = vector.broadcast %mul3A_195 : f32 to vector<16xf32>
      %mul3A_197 = arith.mulf %mul3A_196, %get3A_156 : vector<16xf32>
      %mul3A_198 = arith.mulf %mul3A_197, %mul3A_194 : vector<16xf32>
      %mul3A_199 = arith.mulf %mul3A_198, %mul3A_194 : vector<16xf32>
      %sub3A_200 = arith.constant 1.500000e+00 : f32
      %sub3A_201 = vector.broadcast %sub3A_200 : f32 to vector<16xf32>
      %sub3A_202 = arith.subf %sub3A_201, %mul3A_199 : vector<16xf32>
      %mul3A_203 = arith.mulf %mul3A_194, %sub3A_202 : vector<16xf32>
      %mul3A_204 = arith.constant 5.000000e-01 : f32
      %mul3A_205 = vector.broadcast %mul3A_204 : f32 to vector<16xf32>
      %mul3A_206 = arith.mulf %mul3A_205, %get3A_156 : vector<16xf32>
      %mul3A_207 = arith.mulf %mul3A_206, %mul3A_203 : vector<16xf32>
      %mul3A_208 = arith.mulf %mul3A_207, %mul3A_203 : vector<16xf32>
      %sub3A_209 = arith.constant 1.500000e+00 : f32
      %sub3A_210 = vector.broadcast %sub3A_209 : f32 to vector<16xf32>
      %sub3A_211 = arith.subf %sub3A_210, %mul3A_208 : vector<16xf32>
      %mul3A_212 = arith.mulf %mul3A_203, %sub3A_211 : vector<16xf32>
      %mul3A_213 = arith.constant 5.000000e-01 : f32
      %mul3A_214 = vector.broadcast %mul3A_213 : f32 to vector<16xf32>
      %mul3A_215 = arith.mulf %mul3A_214, %get3A_156 : vector<16xf32>
      %mul3A_216 = arith.mulf %mul3A_215, %mul3A_212 : vector<16xf32>
      %mul3A_217 = arith.mulf %mul3A_216, %mul3A_212 : vector<16xf32>
      %sub3A_218 = arith.constant 1.500000e+00 : f32
      %sub3A_219 = vector.broadcast %sub3A_218 : f32 to vector<16xf32>
      %sub3A_220 = arith.subf %sub3A_219, %mul3A_217 : vector<16xf32>
      %mul3A_221 = arith.mulf %mul3A_212, %sub3A_220 : vector<16xf32>
      %mul3A_222 = arith.constant 5.000000e-01 : f32
      %mul3A_223 = vector.broadcast %mul3A_222 : f32 to vector<16xf32>
      %mul3A_224 = arith.mulf %mul3A_223, %get3A_156 : vector<16xf32>
      %mul3A_225 = arith.mulf %mul3A_224, %mul3A_221 : vector<16xf32>
      %mul3A_226 = arith.mulf %mul3A_225, %mul3A_221 : vector<16xf32>
      %sub3A_227 = arith.constant 1.500000e+00 : f32
      %sub3A_228 = vector.broadcast %sub3A_227 : f32 to vector<16xf32>
      %sub3A_229 = arith.subf %sub3A_228, %mul3A_226 : vector<16xf32>
      %mul3A_230 = arith.mulf %mul3A_221, %sub3A_229 : vector<16xf32>
      %mul3A_231 = arith.constant 5.000000e-01 : f32
      %mul3A_232 = vector.broadcast %mul3A_231 : f32 to vector<16xf32>
      %mul3A_233 = arith.mulf %mul3A_232, %get3A_156 : vector<16xf32>
      %mul3A_234 = arith.mulf %mul3A_233, %mul3A_230 : vector<16xf32>
      %mul3A_235 = arith.mulf %mul3A_234, %mul3A_230 : vector<16xf32>
      %sub3A_236 = arith.constant 1.500000e+00 : f32
      %sub3A_237 = vector.broadcast %sub3A_236 : f32 to vector<16xf32>
      %sub3A_238 = arith.subf %sub3A_237, %mul3A_235 : vector<16xf32>
      %mul3A_239 = arith.mulf %mul3A_230, %sub3A_238 : vector<16xf32>
      %mul3A_240 = arith.constant 5.000000e-01 : f32
      %mul3A_241 = vector.broadcast %mul3A_240 : f32 to vector<16xf32>
      %mul3A_242 = arith.mulf %mul3A_241, %get3A_156 : vector<16xf32>
      %mul3A_243 = arith.mulf %mul3A_242, %mul3A_239 : vector<16xf32>
      %mul3A_244 = arith.mulf %mul3A_243, %mul3A_239 : vector<16xf32>
      %sub3A_245 = arith.constant 1.500000e+00 : f32
      %sub3A_246 = vector.broadcast %sub3A_245 : f32 to vector<16xf32>
      %sub3A_247 = arith.subf %sub3A_246, %mul3A_244 : vector<16xf32>
      %mul3A_248 = arith.mulf %mul3A_239, %sub3A_247 : vector<16xf32>
      %mul3A_249 = arith.constant 5.000000e-01 : f32
      %mul3A_250 = vector.broadcast %mul3A_249 : f32 to vector<16xf32>
      %mul3A_251 = arith.mulf %mul3A_250, %get3A_156 : vector<16xf32>
      %mul3A_252 = arith.mulf %mul3A_251, %mul3A_248 : vector<16xf32>
      %mul3A_253 = arith.mulf %mul3A_252, %mul3A_248 : vector<16xf32>
      %sub3A_254 = arith.constant 1.500000e+00 : f32
      %sub3A_255 = vector.broadcast %sub3A_254 : f32 to vector<16xf32>
      %sub3A_256 = arith.subf %sub3A_255, %mul3A_253 : vector<16xf32>
      %mul3A_257 = arith.mulf %mul3A_248, %sub3A_256 : vector<16xf32>
      %mul3A_258 = arith.constant 5.000000e-01 : f32
      %mul3A_259 = vector.broadcast %mul3A_258 : f32 to vector<16xf32>
      %mul3A_260 = arith.mulf %mul3A_259, %get3A_156 : vector<16xf32>
      %mul3A_261 = arith.mulf %mul3A_260, %mul3A_257 : vector<16xf32>
      %mul3A_262 = arith.mulf %mul3A_261, %mul3A_257 : vector<16xf32>
      %sub3A_263 = arith.constant 1.500000e+00 : f32
      %sub3A_264 = vector.broadcast %sub3A_263 : f32 to vector<16xf32>
      %sub3A_265 = arith.subf %sub3A_264, %mul3A_262 : vector<16xf32>
      %mul3A_266 = arith.mulf %mul3A_257, %sub3A_265 : vector<16xf32>
      %mul3A_267 = arith.constant 5.000000e-01 : f32
      %mul3A_268 = vector.broadcast %mul3A_267 : f32 to vector<16xf32>
      %mul3A_269 = arith.mulf %mul3A_268, %get3A_156 : vector<16xf32>
      %mul3A_270 = arith.mulf %mul3A_269, %mul3A_266 : vector<16xf32>
      %mul3A_271 = arith.mulf %mul3A_270, %mul3A_266 : vector<16xf32>
      %sub3A_272 = arith.constant 1.500000e+00 : f32
      %sub3A_273 = vector.broadcast %sub3A_272 : f32 to vector<16xf32>
      %sub3A_274 = arith.subf %sub3A_273, %mul3A_271 : vector<16xf32>
      %mul3A_275 = arith.mulf %mul3A_266, %sub3A_274 : vector<16xf32>
      %mul3A_276 = arith.constant 5.000000e-01 : f32
      %mul3A_277 = vector.broadcast %mul3A_276 : f32 to vector<16xf32>
      %mul3A_278 = arith.mulf %mul3A_277, %get3A_156 : vector<16xf32>
      %mul3A_279 = arith.mulf %mul3A_278, %mul3A_275 : vector<16xf32>
      %mul3A_280 = arith.mulf %mul3A_279, %mul3A_275 : vector<16xf32>
      %sub3A_281 = arith.constant 1.500000e+00 : f32
      %sub3A_282 = vector.broadcast %sub3A_281 : f32 to vector<16xf32>
      %sub3A_283 = arith.subf %sub3A_282, %mul3A_280 : vector<16xf32>
      %mul3A_284 = arith.mulf %mul3A_275, %sub3A_283 : vector<16xf32>
      %mul3A_285 = arith.constant 5.000000e-01 : f32
      %mul3A_286 = vector.broadcast %mul3A_285 : f32 to vector<16xf32>
      %mul3A_287 = arith.mulf %mul3A_286, %get3A_156 : vector<16xf32>
      %mul3A_288 = arith.mulf %mul3A_287, %mul3A_284 : vector<16xf32>
      %mul3A_289 = arith.mulf %mul3A_288, %mul3A_284 : vector<16xf32>
      %sub3A_290 = arith.constant 1.500000e+00 : f32
      %sub3A_291 = vector.broadcast %sub3A_290 : f32 to vector<16xf32>
      %sub3A_292 = arith.subf %sub3A_291, %mul3A_289 : vector<16xf32>
      %mul3A_293 = arith.mulf %mul3A_284, %sub3A_292 : vector<16xf32>
      %mul3A_294 = arith.constant 5.000000e-01 : f32
      %mul3A_295 = vector.broadcast %mul3A_294 : f32 to vector<16xf32>
      %mul3A_296 = arith.mulf %mul3A_295, %get3A_156 : vector<16xf32>
      %mul3A_297 = arith.mulf %mul3A_296, %mul3A_293 : vector<16xf32>
      %mul3A_298 = arith.mulf %mul3A_297, %mul3A_293 : vector<16xf32>
      %sub3A_299 = arith.constant 1.500000e+00 : f32
      %sub3A_300 = vector.broadcast %sub3A_299 : f32 to vector<16xf32>
      %sub3A_301 = arith.subf %sub3A_300, %mul3A_298 : vector<16xf32>
      %mul3A_302 = arith.mulf %mul3A_293, %sub3A_301 : vector<16xf32>
      %mul3A_303 = arith.constant 5.000000e-01 : f32
      %mul3A_304 = vector.broadcast %mul3A_303 : f32 to vector<16xf32>
      %mul3A_305 = arith.mulf %mul3A_304, %get3A_156 : vector<16xf32>
      %mul3A_306 = arith.mulf %mul3A_305, %mul3A_302 : vector<16xf32>
      %mul3A_307 = arith.mulf %mul3A_306, %mul3A_302 : vector<16xf32>
      %sub3A_308 = arith.constant 1.500000e+00 : f32
      %sub3A_309 = vector.broadcast %sub3A_308 : f32 to vector<16xf32>
      %sub3A_310 = arith.subf %sub3A_309, %mul3A_307 : vector<16xf32>
      %mul3A_311 = arith.mulf %mul3A_302, %sub3A_310 : vector<16xf32>
      %mul3A_312 = arith.constant 5.000000e-01 : f32
      %mul3A_313 = vector.broadcast %mul3A_312 : f32 to vector<16xf32>
      %mul3A_314 = arith.mulf %mul3A_313, %get3A_156 : vector<16xf32>
      %mul3A_315 = arith.mulf %mul3A_314, %mul3A_311 : vector<16xf32>
      %mul3A_316 = arith.mulf %mul3A_315, %mul3A_311 : vector<16xf32>
      %sub3A_317 = arith.constant 1.500000e+00 : f32
      %sub3A_318 = vector.broadcast %sub3A_317 : f32 to vector<16xf32>
      %sub3A_319 = arith.subf %sub3A_318, %mul3A_316 : vector<16xf32>
      %mul3A_320 = arith.mulf %mul3A_311, %sub3A_319 : vector<16xf32>
      %mul3A_321 = arith.constant 5.000000e-01 : f32
      %mul3A_322 = vector.broadcast %mul3A_321 : f32 to vector<16xf32>
      %mul3A_323 = arith.mulf %mul3A_322, %get3A_156 : vector<16xf32>
      %mul3A_324 = arith.mulf %mul3A_323, %mul3A_320 : vector<16xf32>
      %mul3A_325 = arith.mulf %mul3A_324, %mul3A_320 : vector<16xf32>
      %sub3A_326 = arith.constant 1.500000e+00 : f32
      %sub3A_327 = vector.broadcast %sub3A_326 : f32 to vector<16xf32>
      %sub3A_328 = arith.subf %sub3A_327, %mul3A_325 : vector<16xf32>
      %mul3A_329 = arith.mulf %mul3A_320, %sub3A_328 : vector<16xf32>
      %mul3A_330 = arith.constant 5.000000e-01 : f32
      %mul3A_331 = vector.broadcast %mul3A_330 : f32 to vector<16xf32>
      %mul3A_332 = arith.mulf %mul3A_331, %get3A_156 : vector<16xf32>
      %mul3A_333 = arith.mulf %mul3A_332, %mul3A_329 : vector<16xf32>
      %mul3A_334 = arith.mulf %mul3A_333, %mul3A_329 : vector<16xf32>
      %sub3A_335 = arith.constant 1.500000e+00 : f32
      %sub3A_336 = vector.broadcast %sub3A_335 : f32 to vector<16xf32>
      %sub3A_337 = arith.subf %sub3A_336, %mul3A_334 : vector<16xf32>
      %mul3A_338 = arith.mulf %mul3A_329, %sub3A_337 : vector<16xf32>
      %get3A_339 = arith.index_cast %scan3A_152 : i32 to index
      %get3A_340 = arith.constant 0 : index
      %get3A_341 = tpu.vector_load %arg13[%get3A_339, %get3A_340] {strides = array<i32>} : memref<320x16xf32, #tpu.memory_space<vmem>>, vector<1x16xf32>,
      %get3A_342 = vector.shape_cast %get3A_341 : vector<1x16xf32> to vector<16xf32>
      %mul3A_343 = arith.mulf %mul3A_338, %get3A_342 : vector<16xf32>
      %swap3A = arith.index_cast %scan3A_152 : i32 to index
      %swap3A_344 = arith.constant 0 : index
      %swap3A_345 = tpu.vector_load %arg13[%swap3A, %swap3A_344] {strides = array<i32>} : memref<320x16xf32, #tpu.memory_space<vmem>>, vector<1x16xf32>,
      %swap3A_346 = vector.shape_cast %swap3A_345 : vector<1x16xf32> to vector<16xf32>
      %swap3A_347 = vector.shape_cast %mul3A_343 : vector<16xf32> to vector<1x16xf32>
      tpu.vector_store %arg13[%swap3A, %swap3A_344], %swap3A_347 {strides = array<i32>} : memref<320x16xf32, #tpu.memory_space<vmem>>, vector<1x16xf32>,
    }
    %scan3A_151 = arith.constant 320 : i32
    "tpu.region"() ({
      %run_scoped3A = tpu.sem_alloc : memref<!tpu.dma_semaphore, #tpu.memory_space<semaphore_mem>>
      %dma_start3A_152 = arith.constant 0 : i32
      %dma_start3A_153 = tpu.memref_slice %arg6[%mul3A_2, %dma_start3A_152] : memref<10240x16xf32, #tpu.memory_space<hbm>> -> memref<320x16xf32, #tpu.memory_space<hbm>>
      %dma_start3A_154 = arith.constant 0 : i32
      %dma_start3A_155 = tpu.memref_slice %arg6[%mul3A_2, %dma_start3A_154] : memref<10240x16xf32, #tpu.memory_space<hbm>> -> memref<320x16xf32, #tpu.memory_space<hbm>>
      tpu.enqueue_dma source(%arg13 : memref<320x16xf32, #tpu.memory_space<vmem>>) target(%dma_start3A_155 : memref<320x16xf32, #tpu.memory_space<hbm>>) target_semaphore(%run_scoped3A : memref<!tpu.dma_semaphore, #tpu.memory_space<semaphore_mem>>)
      %dma_wait3A_156 = arith.constant 0 : i32
      %dma_wait3A_157 = tpu.memref_slice %arg6[%mul3A_2, %dma_wait3A_156] : memref<10240x16xf32, #tpu.memory_space<hbm>> -> memref<320x16xf32, #tpu.memory_space<hbm>>
      %dma_wait3A_158 = arith.constant 0 : i32
      %dma_wait3A_159 = tpu.memref_slice %arg6[%mul3A_2, %dma_wait3A_158] : memref<10240x16xf32, #tpu.memory_space<hbm>> -> memref<320x16xf32, #tpu.memory_space<hbm>>
      tpu.wait_dma2 semaphore(%run_scoped3A : memref<!tpu.dma_semaphore, #tpu.memory_space<semaphore_mem>>) src(%arg13 : memref<320x16xf32, #tpu.memory_space<vmem>>) dst(%dma_wait3A_159 : memref<320x16xf32, #tpu.memory_space<hbm>>)
      tpu.yield
    }) : () -> ()
    return
  }
}

module attributes {stable_mosaic.version = 14 : i64} {
  func.func @_mlp_body(%arg0: i32, %arg1: memref<1024x128xf32, #tpu.memory_space<vmem>>, %arg2: memref<128x256xf32, #tpu.memory_space<vmem>>, %arg3: memref<1x256xf32, #tpu.memory_space<vmem>>, %arg4: memref<256x16xf32, #tpu.memory_space<vmem>>, %arg5: memref<1x16xf32, #tpu.memory_space<vmem>>, %arg6: memref<1024x16xf32, #tpu.memory_space<vmem>>) attributes {dimension_semantics = [#tpu.dimension_semantics<arbitrary>], iteration_bounds = array<i64: 10>, scalar_prefetch = 0 : i64, scratch_operands = 0 : i64, tpu.core_type = #tpu.core_type<tc>, window_params = [{transform_indices = @transform_0, window_bounds = array<i64: 1024, 128>}, {pipeline_mode = #tpu.pipeline_mode<synchronous>, transform_indices = @transform_1, window_bounds = array<i64: 128, 256>}, {pipeline_mode = #tpu.pipeline_mode<synchronous>, transform_indices = @transform_2, window_bounds = array<i64: 1, 256>}, {pipeline_mode = #tpu.pipeline_mode<synchronous>, transform_indices = @transform_3, window_bounds = array<i64: 256, 16>}, {pipeline_mode = #tpu.pipeline_mode<synchronous>, transform_indices = @transform_4, window_bounds = array<i64: 1, 16>}, {transform_indices = @transform_5, window_bounds = array<i64: 1024, 16>}]} {
    %get3A = arith.constant 0 : index
    %get3A_0 = arith.constant 0 : index
    %get3A_1 = vector.load %arg1[%get3A, %get3A_0] : memref<1024x128xf32, #tpu.memory_space<vmem>>, vector<1024x128xf32>
    %get3A_2 = arith.constant 0 : index
    %get3A_3 = arith.constant 0 : index
    %get3A_4 = vector.load %arg2[%get3A_2, %get3A_3] : memref<128x256xf32, #tpu.memory_space<vmem>>, vector<128x256xf32>
    %dot_general3A = arith.constant dense<0.000000e+00> : vector<1024x256xf32>
    %dot_general3A_5 = tpu.matmul %get3A_1, %get3A_4, %dot_general3A {dimension_numbers = #tpu.dot_dimension_numbers<[1], [0], [0], [1], [0, 0, 1, 1], [], []>, transpose_lhs_hint = false} : vector<1024x128xf32>, vector<128x256xf32>, vector<1024x256xf32> -> vector<1024x256xf32>
    %get3A_6 = arith.constant 0 : index
    %get3A_7 = arith.constant 0 : index
    %get3A_8 = vector.load %arg3[%get3A_6, %get3A_7] : memref<1x256xf32, #tpu.memory_space<vmem>>, vector<1x256xf32>
    %add3A = vector.broadcast %get3A_8 : vector<1x256xf32> to vector<1024x256xf32>
    %add3A_9 = arith.addf %dot_general3A_5, %add3A : vector<1024x256xf32>
    %max3A = arith.constant 0.000000e+00 : f32
    %max3A_10 = vector.broadcast %max3A : f32 to vector<1024x256xf32>
    %max3A_11 = arith.maximumf %add3A_9, %max3A_10 : vector<1024x256xf32>
    %get3A_12 = arith.constant 0 : index
    %get3A_13 = arith.constant 0 : index
    %get3A_14 = vector.load %arg4[%get3A_12, %get3A_13] : memref<256x16xf32, #tpu.memory_space<vmem>>, vector<256x16xf32>
    %dot_general3A_15 = arith.constant dense<0.000000e+00> : vector<1024x16xf32>
    %dot_general3A_16 = tpu.matmul %max3A_11, %get3A_14, %dot_general3A_15 {dimension_numbers = #tpu.dot_dimension_numbers<[1], [0], [0], [1], [0, 0, 1, 1], [], []>, transpose_lhs_hint = false} : vector<1024x256xf32>, vector<256x16xf32>, vector<1024x16xf32> -> vector<1024x16xf32>
    %get3A_17 = arith.constant 0 : index
    %get3A_18 = arith.constant 0 : index
    %get3A_19 = vector.load %arg5[%get3A_17, %get3A_18] : memref<1x16xf32, #tpu.memory_space<vmem>>, vector<1x16xf32>
    %add3A_20 = vector.broadcast %get3A_19 : vector<1x16xf32> to vector<1024x16xf32>
    %add3A_21 = arith.addf %dot_general3A_16, %add3A_20 : vector<1024x16xf32>
    %swap3A = arith.constant 0 : index
    %swap3A_22 = arith.constant 0 : index
    %swap3A_23 = vector.load %arg6[%swap3A, %swap3A_22] : memref<1024x16xf32, #tpu.memory_space<vmem>>, vector<1024x16xf32>
    tpu.vector_store %arg6[%swap3A, %swap3A_22], %add3A_21 {strides = array<i32>} : memref<1024x16xf32, #tpu.memory_space<vmem>>, vector<1024x16xf32>,
    return
  }
  func.func @transform_0(%arg0: i32) -> (i32, i32) {
    %c0_i32 = arith.constant 0 : i32
    %c0_i32_0 = arith.constant 0 : i32
    return %arg0, %c0_i32 : i32, i32
  }
  func.func @transform_1(%arg0: i32) -> (i32, i32) {
    %c0_i32 = arith.constant 0 : i32
    %c0_i32_0 = arith.constant 0 : i32
    %c0_i32_1 = arith.constant 0 : i32
    return %c0_i32, %c0_i32_0 : i32, i32
  }
  func.func @transform_2(%arg0: i32) -> (i32, i32) {
    %c0_i32 = arith.constant 0 : i32
    %c0_i32_0 = arith.constant 0 : i32
    %c0_i32_1 = arith.constant 0 : i32
    return %c0_i32, %c0_i32_0 : i32, i32
  }
  func.func @transform_3(%arg0: i32) -> (i32, i32) {
    %c0_i32 = arith.constant 0 : i32
    %c0_i32_0 = arith.constant 0 : i32
    %c0_i32_1 = arith.constant 0 : i32
    return %c0_i32, %c0_i32_0 : i32, i32
  }
  func.func @transform_4(%arg0: i32) -> (i32, i32) {
    %c0_i32 = arith.constant 0 : i32
    %c0_i32_0 = arith.constant 0 : i32
    %c0_i32_1 = arith.constant 0 : i32
    return %c0_i32, %c0_i32_0 : i32, i32
  }
  func.func @transform_5(%arg0: i32) -> (i32, i32) {
    %c0_i32 = arith.constant 0 : i32
    %c0_i32_0 = arith.constant 0 : i32
    return %arg0, %c0_i32 : i32, i32
  }
}

module attributes {stable_mosaic.version = 14 : i64} {
  func.func @_lsm_body(%arg0: i32, %arg1: memref<2000x16xf32, #tpu.memory_space<vmem>>, %arg2: memref<2000x16xf32, #tpu.memory_space<vmem>>) attributes {dimension_semantics = [#tpu.dimension_semantics<arbitrary>], iteration_bounds = array<i64: 5>, scalar_prefetch = 0 : i64, scratch_operands = 0 : i64, tpu.core_type = #tpu.core_type<tc>, window_params = [{transform_indices = @transform_0, window_bounds = array<i64: 2000, 16>}, {transform_indices = @transform_1, window_bounds = array<i64: 2000, 16>}]} {
    %get3A = arith.constant 0 : index
    %get3A_0 = arith.constant 0 : index
    %get3A_1 = vector.load %arg1[%get3A, %get3A_0] : memref<2000x16xf32, #tpu.memory_space<vmem>>, vector<2000x16xf32>
    %reduce_max3A = arith.constant dense<0xFF800000> : vector<2000xf32>
    %reduce_max3A_2 = vector.multi_reduction <maximumf>, %get3A_1, %reduce_max3A [1] : vector<2000x16xf32> to vector<2000xf32>
    %broadcast_in_dim3A = vector.shape_cast %reduce_max3A_2 : vector<2000xf32> to vector<2000x1xf32>
    %sub3A = vector.broadcast %broadcast_in_dim3A : vector<2000x1xf32> to vector<2000x16xf32>
    %sub3A_3 = arith.subf %get3A_1, %sub3A : vector<2000x16xf32>
    %exp3A = math.exp %sub3A_3 : vector<2000x16xf32>
    %reduce_sum3A = arith.constant dense<0.000000e+00> : vector<2000xf32>
    %reduce_sum3A_4 = vector.multi_reduction <add>, %exp3A, %reduce_sum3A [1] : vector<2000x16xf32> to vector<2000xf32>
    %broadcast_in_dim3A_5 = vector.shape_cast %reduce_sum3A_4 : vector<2000xf32> to vector<2000x1xf32>
    %sub3A_6 = vector.broadcast %broadcast_in_dim3A : vector<2000x1xf32> to vector<2000x16xf32>
    %sub3A_7 = arith.subf %get3A_1, %sub3A_6 : vector<2000x16xf32>
    %log3A = math.log %broadcast_in_dim3A_5 : vector<2000x1xf32>
    %sub3A_8 = vector.broadcast %log3A : vector<2000x1xf32> to vector<2000x16xf32>
    %sub3A_9 = arith.subf %sub3A_7, %sub3A_8 : vector<2000x16xf32>
    %swap3A = arith.constant 0 : index
    %swap3A_10 = arith.constant 0 : index
    %swap3A_11 = vector.load %arg2[%swap3A, %swap3A_10] : memref<2000x16xf32, #tpu.memory_space<vmem>>, vector<2000x16xf32>
    tpu.vector_store %arg2[%swap3A, %swap3A_10], %sub3A_9 {strides = array<i32>} : memref<2000x16xf32, #tpu.memory_space<vmem>>, vector<2000x16xf32>,
    return
  }
  func.func @transform_0(%arg0: i32) -> (i32, i32) {
    %c0_i32 = arith.constant 0 : i32
    %c0_i32_0 = arith.constant 0 : i32
    return %arg0, %c0_i32 : i32, i32
  }
  func.func @transform_1(%arg0: i32) -> (i32, i32) {
    %c0_i32 = arith.constant 0 : i32
    %c0_i32_0 = arith.constant 0 : i32
    return %arg0, %c0_i32 : i32, i32
  }
}

</mosaic_0001>

<sc_bundles>
// kernel: kernel.5.cloned.1.call-start
scs
__scs_entry_jumppad:
0x0: {  	(pc) =	sbr.rel $0x88, $3  }
0x1: {  	(tag) =	ssettag $0x0;
	lr =	simm.s32 $0x1  }
0x2: {  	[smem:$0x3F9A] =	sst lr;
	_ =	strace $0xD0000000  }
0x3: {  	_ = 	snop  }
0x4: {  	_ = 	snop  }
0x5: {  	_ = 	snop  }
0x6: {  	_ = 	snop  }
0x7: {  	_ = 	snop  }
__scs_overlays_trampoline_lowered:
0x8: {  	[smem:$0x3FA9] =	sst s0  }
0x9: {  	[smem:$0x3FAA] =	sst s1  }
0xa: {  	[smem:$0x3FAB] =	sst s2  }
0xb: {  	[smem:$0x3FAC] =	sst s3  }
0xc: {  	[smem:$0x3FAD] =	sst s4  }
0xd: {  	[smem:$0x3FAE] =	sst s5  }
0xe: {  	[smem:$0x3FAF] =	sst s6  }
0xf: {  	[smem:$0x3FB0] =	sst s7  }
0x10: {  	[smem:$0x3FB1] =	sst s8  }
0x11: {  	[smem:$0x3FB2] =	sst s9;
	s0 =	simm.s32 @!p0 $0x0  }
0x12: {  	s1 =	sld [smem:$0x3F98];
	s0 =	simm.s32 @p0 $0x1  }
0x13: {  	[smem:$0x3FB3] =	sst s0;
	s0 =	simm.s32 @!p1 $0x0  }
0x14: {  	s2 =	sld [smem:$0x3F97];
	s0 =	simm.s32 @p1 $0x1  }
0x15: {  	[smem:$0x3FB4] =	sst s0;
	s0 =	simm.s32 @!p2 $0x0  }
0x16: {  	s3 =	sld [smem:$0x3FDB];
	s0 =	simm.s32 @p2 $0x1  }
0x17: {  	s4 =	simm.s32 $0x1BF5;
	[smem:$0x3FB6] =	sst s0  }
0x18: {  	s0 =	sld [smem:$0x3F99];
	_ =	swait.ge [sflag:s4], $0x0  }
0x19: {  	s7 =	sld [smem:$0x3F9A]  }
0x1a: {  	s8 =	sadd.s32 $0xFFFFE003, lr  }
0x1b: {  	s9 =	sadd.s32 $0xFFFFFEF7, lr;
	s5 =	simm.s32 $0xFFFFFFFF;
	p2 =	slt.u32 s8, $0xFFFFF086  }
0x1c: {  	p1 =	slt.u32 s9, $0xF7A;
	s5 =	simm.s32 @!p2 $0x0  }
0x1d: {  	s5 =	simm.s32 @p1 $0x1;
	p0 =	seq.s32 s7, s2  }
0x1e: {  	s7 =	smul.u32 @!p0 $0xF7A, s2;
	p2 =	seq.s32 @!p0 s5, $0x0  }
0x1f: {  	s9 =	smul.u32 $0xF7A, s1;
	s8 =	simm.s32 @!p0 $0x1BF5;
	p2 =	por !p2, p0  }
0x20: {  	[sflag:s8] =	ssyncset.s32 @!p0 $0xFFFFF086;
	s6 =	sadd.s32 @!p0 s3, s7;
	s7 =	simm.s32 @!p0 $0x108  }
0x21: {  	s3 =	sadd.s32 s3, s9;
	s6 =	sadd.s32 @!p0 $0x88, s6;
	s7 =	simm.s32 @p2 $0x1082  }
0x22: {  	[simem:s7], [sflag:s8] =	dma.local @!p0 [hbm:s6], $0xF7A  }
0x23: {  	s9 =	sor.u32 $0xD0000000, s2;
	s6 =	simm.s32 $0x108;
	_ =	swait.ge @!p0 [sflag:s8], $0x0  }
0x24: {  	s3 =	sadd.s32 $0x88, s3;
	s6 =	simm.s32 @!p1 $0x1082;
	[sflag:s4] =	ssyncset.s32 $0xFFFFF086  }
0x25: {  	[simem:s6], [sflag:s4] =	dma.local [hbm:s3], $0xF7A  }
0x26: {  	[smem:$0x3F9A] =	sst s1;
	(tag) =	ssettag s2;
	_ =	strace s9  }
0x27: {  	s1 =	sld [smem:$0x3FAA]  }
0x28: {  	s2 =	sld [smem:$0x3FAB]  }
0x29: {  	s4 =	sld [smem:$0x3FAD]  }
0x2a: {  	p0 =	seq.s32 s5, $0x0;
	s5 =	sld [smem:$0x3FAE]  }
0x2b: {  	s6 =	sld [smem:$0x3FAF]  }
0x2c: {  	s7 =	sld [smem:$0x3FB0]  }
0x2d: {  	s3 =	simm.s32 $0x108;
	s8 =	sld [smem:$0x3FB1]  }
0x2e: {  	s3 =	simm.s32 @!p0 $0x1082;
	s9 =	sld [smem:$0x3FB2]  }
0x2f: {  	lr =	sadd.s32 s0, s3;
	s0 =	sld [smem:$0x3FA9]  }
0x30: {  	s3 =	sld [smem:$0x3FAC]  }
0x31: {  	[smem:$0x3FB5] =	sst s10  }
0x32: {  	s10 =	sld [smem:$0x3FB3];
	_ =	sdelay $0x3  }
0x33: {  	p0 =	seq.s32 s10, $0x1;
	s10 =	sld [smem:$0x3FB5];
	_ =	sdelay $0x3  }
0x34: {  	[smem:$0x3FB5] =	sst s10  }
0x35: {  	s10 =	sld [smem:$0x3FB4];
	_ =	sdelay $0x3  }
0x36: {  	p1 =	seq.s32 s10, $0x1;
	s10 =	sld [smem:$0x3FB5];
	_ =	sdelay $0x3  }
0x37: {  	[smem:$0x3FB5] =	sst s10  }
0x38: {  	s10 =	sld [smem:$0x3FB6]  }
0x39: {  	_ = 	snop;
	(pc) =	sbr.ind lr, $3  }
0x3a: {  	_ = 	snop  }
0x3b: {  	_ = 	snop  }
0x3c: {  	p2 =	seq.s32 s10, $0x1;
	s10 =	sld [smem:$0x3FB5]  }
0x3d: {  	_ =	shalt  }
0x3e: {  	_ =	shalt  }
0x3f: {  	_ =	shalt  }
0x40: {  	_ =	shalt  }
0x41: {  	_ =	shalt  }
0x42: {  	_ =	shalt  }
0x43: {  	_ =	shalt  }
0x44: {  	_ =	shalt  }
0x45: {  	_ =	shalt  }
0x46: {  	_ =	shalt  }
0x47: {  	_ =	shalt  }
0x48: {  	_ =	shalt  }
0x49: {  	_ =	shalt  }
0x4a: {  	_ =	shalt  }
0x4b: {  	_ =	shalt  }
0x4c: {  	_ =	shalt  }
0x4d: {  	_ =	shalt  }
0x4e: {  	_ =	shalt  }
0x4f: {  	_ =	shalt  }
0x50: {  	_ =	shalt  }
0x51: {  	_ =	shalt  }
0x52: {  	_ =	shalt  }
0x53: {  	_ =	shalt  }
0x54: {  	_ =	shalt  }
0x55: {  	_ =	shalt  }
0x56: {  	_ =	shalt  }
0x57: {  	_ =	shalt  }
0x58: {  	_ =	shalt  }
0x59: {  	_ =	shalt  }
0x5a: {  	_ =	shalt  }
0x5b: {  	_ =	shalt  }
0x5c: {  	_ =	shalt  }
0x5d: {  	_ =	shalt  }
0x5e: {  	_ =	shalt  }
0x5f: {  	_ =	shalt  }
0x60: {  	_ =	shalt  }
0x61: {  	_ =	shalt  }
0x62: {  	_ =	shalt  }
0x63: {  	_ =	shalt  }
0x64: {  	_ =	shalt  }
0x65: {  	_ =	shalt  }
0x66: {  	_ =	shalt  }
0x67: {  	_ =	shalt  }
0x68: {  	_ =	shalt  }
0x69: {  	_ =	shalt  }
0x6a: {  	_ =	shalt  }
0x6b: {  	_ =	shalt  }
0x6c: {  	_ =	shalt  }
0x6d: {  	_ =	shalt  }
0x6e: {  	_ =	shalt  }
0x6f: {  	_ =	shalt  }
0x70: {  	_ =	shalt  }
0x71: {  	_ =	shalt  }
0x72: {  	_ =	shalt  }
0x73: {  	_ =	shalt  }
0x74: {  	_ =	shalt  }
0x75: {  	_ =	shalt  }
0x76: {  	_ =	shalt  }
0x77: {  	_ =	shalt  }
0x78: {  	_ =	shalt  }
0x79: {  	_ =	shalt  }
0x7a: {  	_ =	shalt  }
0x7b: {  	_ =	shalt  }
0x7c: {  	_ =	shalt  }
0x7d: {  	_ =	shalt  }
0x7e: {  	_ =	shalt  }
0x7f: {  	_ =	shalt  }
0x80: {  	_ =	shalt  }
0x81: {  	_ =	shalt  }
0x82: {  	_ =	shalt  }
0x83: {  	_ =	shalt  }
0x84: {  	_ =	shalt  }
0x85: {  	_ =	shalt  }
0x86: {  	_ =	shalt  }
0x87: {  	_ =	shalt  }
.Lfunc_end0:
.L_simem_size_0:
called_computation_lowered:
.L_overlay_start_0:
0x88: {  	s2 =	sld [smem:$0x3FD9]  }
0x89: {  	s3 =	sld [smem:$0x3FFE];
	_ =	sdelay $0x1  }
0x8a: {  	s1 =	srdreg.scid  }
0x8b: {  	s0 =	sand.u32 $0x1, s1  }
0x8c: {  	s17 =	sshll.u32 s0, $0xA;
	s2 =	sadd.s32 s3, s2  }
0x8d: {  	s2 =	sadd.s32 s2, s17  }
0x8e: {  	[smem:$0x3FC1] =	sst s2  }
0x8f: {  	_ = 	snop  }
0x90: {  	s2 =	sld [smem:$0x3FD0];
	(tm) =	ssettm $0x1  }
0x91: {  	s18 =	sld [smem:$0x3FFB];
	_ =	sdelay $0x3  }
0x92: {  	_ =	strace s18  }
0x93: {  	s3 =	sld [smem:$0x3FFC];
	_ =	sdelay $0x3  }
0x94: {  	_ =	strace s3  }
0x95: {  	s3 =	sld [smem:$0x3FFD];
	_ =	sdelay $0x3  }
0x96: {  	_ =	strace s3  }
0x97: {  	_ =	strace $0x8FFFFFFF  }
0x98: {  	s19 =	sld [smem:$0x3FDB];
	_ =	sdelay $0x1  }
0x99: {  	s4 =	simm.s32 $_scs_section_size  }
0x9a: {  	s5 =	simm.s32 $_size__tile_overlayer_lowered;
	s6 =	simm.s32 $_tile_overlayer_lowered  }
0x9b: {  	s22 =	simm.s32 $0x1BFF;
	s21 =	sshll.u32 s6, $0x1;
	s3 =	sadd.s32 s4, s19  }
0x9c: {  	s7 =	simm.s32 $0x0;
	s20 =	sshll.u32 s5, $0x1;
	s5 =	sadd.s32 s21, s3  }
0x9d: {  	[timem:s7], [sflag:s22] =	dma.local [hbm:s5], s20  }
0x9e: {  	_ =	swait.ge [sflag:s22], s20  }
0x9f: {  	s4 =	ssub.s32 $0x0, s20;
	[sflag:s22] =	ssyncset.done $0x0  }
0xa0: {  	[sflag:s22] =	ssyncadd.s32 s4;
	_ =	sdelay $0x1  }
0xa1: {  	s23 =	simm.s32 $0x1B8B  }
0xa2: {  	_ =	swait.ge [sflag:s23], $0x1  }
0xa3: {  	[sflag:s23] =	ssyncset.done $0x0  }
0xa4: {  	s25 =	simm.s32 $0x1B8E;
	s24 =	sld [smem:$0x3FFE];
	[sflag:s23] =	ssyncadd.s32 $0xFFFFFFFF  }
0xa5: {  	s26 =	simm.s32 $execute0_lowered;
	[smem:$0x3FD2] =	sst s25  }
0xa6: {  	s5 =	sshll.u32 s26, $0x1;
	_ =	strace $0x80000046;
	[dreg:$0x1] =	wrdreg $0xFFFFFFFF  }
0xa7: {  	s28 =	simm.s32 $_size_execute0_lowered;
	s3 =	sadd.s32 s3, s5;
	[dreg:$0x0] =	wrdreg $0x0  }
0xa8: {  	s5 =	sshll.u32 s28, $0x1;
	[dreg:$0x2] =	wrdreg s3  }
0xa9: {  	[dreg:$0x3] =	wrdreg s5  }
0xaa: {  	[dreg:$0x4] =	wrdreg $0xC0  }
0xab: {  	_ =	task [dreg:s7], $0x5FFFF  }
0xac: {  	[dreg:$0x1] =	wrdreg $0xFFFFFFFF  }
0xad: {  	[dreg:$0x0] =	wrdreg $0x60  }
0xae: {  	[dreg:$0x2] =	wrdreg s24  }
0xaf: {  	[dreg:$0x3] =	wrdreg s2  }
0xb0: {  	[dreg:$0x4] =	wrdreg $0x12D000  }
0xb1: {  	[dreg:$0x5] =	wrdreg $0x9  }
0xb2: {  	_ =	task.clear_ibuf [dreg:s7], $0x6FFFF;
	_ =	strace $0x90000046  }
0xb3: {  	s29 =	simm.s32 $0x9;
	_ =	strace $0x80000048  }
0xb4: {  	_ =	swait.ge [sflag:s29], $0x1  }
0xb5: {  	[sflag:s29] =	ssyncadd.s32 $0xFFFFFFFF  }
0xb6: {  	_ =	strace $0x90000048  }
0xb7: {  	_ =	sfence  }
0xb8: {  	s30 =	sld [smem:$0x0];
	_ =	sdelay $0x2  }
0xb9: {  	s31 =	sshll.u32 s1, $0xD;
	s1 =	sshrl.u32 s1, $0x2  }
0xba: {  	s3 =	sand.u32 $0x4000, s31;
	s1 =	sadd.s32 s1, s30  }
0xbb: {  	s0 =	sor.u32 s3, s0;
	s1 =	sshll.u32 s1, $0x11  }
0xbc: {  	s0 =	sor.u32 s1, s0  }
0xbd: {  	s0 =	sadd.s32 $0x8F2B, s0  }
0xbe: {  	[sflag:s0] =	ssyncadd.remote.s32 $0x1  }
0xbf: {  	_ =	sfence.sel $0xFFFF  }
0xc0: {  	[dreg:$0x0] =	wrdreg $0xFFFFFFFF;
	(pc) =	sbr.abs _section_cstart, $3  }
0xc1: {  	[dreg:$0x1] =	wrdreg $0xFFFFFFFF  }
0xc2: {  	_ =	task.clear_ibuf [dreg:s7], $0x2FFFF;
	_ =	strace $0x9FFFFFFF  }
0xc3: {  	(tm) =	ssettm $0x7FFFFFFF  }
tec
execute0_lowered:
.L_overlay_start_1:
0x0: {  	(tag) =	ssettag $0x1  }
0x1: {  	s0 =	srdreg.scid  }
0x2: {  	s1 =	rddreg [dreg:$0x0];
	s14 =	stileid.u32  }
0x3: {  	s3 =	rddreg [dreg:$0x2];
	s15 =	simm.s32 $0x0;
	s28 =	simm.s32 $0x2  }
0x4: {  	s29 =	simm.s32 $0x3;
	s30 =	simm.s32 $0x4;
	s31 =	simm.s32 $0x7000  }
0x5: {  	s16 =	simm.s32 $0x9800;
	s2 =	sand.u32 $0x1, s0;
	[smem:$0x7FF] =	sst s15  }
0x6: {  	s12 =	smul.u32 $0xA000, s14;
	s20 =	sand.u32 $0x2, s0;
	s0 =	sshrl.u32 s0, $0x2  }
0x7: {  	p0 =	sne.s32 s14, $0x0;
	s4 =	sshll.u32 s2, $0x4;
	_ =	strace $0x80000047  }
0x8: {  	s8 =	sxor.u32 $0x1, s2;
	s10 =	ssub.s32 $0x2, s2;
	[dreg:$0xa] =	wrdreg s0  }
0x9: {  	p1 =	sne.s32 s2, $0x0;
	s2 =	simm.s32 $0x14;
	s0 =	simm.s32 $0x0  }
0xa: {  	s4 =	sor.u32 s14, s4;
	s5 =	sshll.u32 s8, $0x4;
	s13 =	sshrl.u32 s10, $0x1  }
0xb: {  	s18 =	sshrl.u32 s12, $0x2;
	s12 =	simm.s32 $0x10;
	s6 =	smul.u32 $0x1400, s4  }
0xc: {  	s4 =	smul.u32 $0x500, s4;
	s11 =	sor.u32 s14, s5;
	s5 =	sadd.s32 $0x1A400, s1  }
0xd: {  	s10 =	ssub.s32 s10, s13;
	s13 =	simm.s32 $0x16;
	s14 =	simm.s32 $0x9000  }
0xe: {  	s11 =	smul.u32 $0x1400, s11;
	s26 =	smax.u32 s10, $0x1;
	s10 =	simm.s32 $0xE  }
0xf: {  	s7 =	sshrl.u32 s6, $0x3;
	s4 =	sadd.s32 s4, s1;
	s6 =	sadd.s32 s6, s3  }
0x10: {  	[dreg:$0x10] =	wrdreg s26;
	s26 =	simm.s32 $0x1;
	s9 =	sadd.s32 s7, s1  }
0x11: {  	s1 =	sadd.s32 $0x1F400, s1;
	s17 =	sadd.s32 $0xB400, s4;
	[dreg:$0x9] =	wrdreg s6  }
0x12: {  	s4 =	sadd.s32 $0x1400, s4;
	s19 =	sshrl.u32 s11, $0x3;
	[dreg:$0x4] =	wrdreg s17  }
0x13: {  	s11 =	sadd.s32 s11, s3;
	s24 =	sadd.s32 s5, s7;
	[dreg:$0x5] =	wrdreg s4  }
0x14: {  	s4 =	sadd.s32 s18, s3;
	s18 =	sadd.s32 s1, s19;
	[dreg:$0x8] =	wrdreg s11  }
0x15: {  	s22 =	sadd.s32 s1, s7;
	s23 =	sadd.s32 $0x15400, s9;
	[dreg:$0xe] =	wrdreg s24  }
0x16: {  	s25 =	sadd.s32 $0x24400, s9;
	s24 =	simm.s32 $0xDC00;
	[dreg:$0x6] =	wrdreg s4  }
0x17: {  	s11 =	simm.s32 $0xF;
	s19 =	simm.s32 $0x11;
	[dreg:$0xc] =	wrdreg s22  }
0x18: {  	s1 =	simm.s32 $0x12;
	s9 =	simm.s32 $0x8800;
	[dreg:$0xd] =	wrdreg s23  }
0x19: {  	s4 =	sor.u32 s8, s20;
	[dreg:$0xf] =	wrdreg s25;
	s23 =	simm.s32 $0x80  }
0x1a: {  	s25 =	simm.s32 $0xB;
	[dreg:$0x7] =	wrdreg s18;
	s21 =	sor.u32 $0x4, s4  }
0x1b: {  	v0 =	vimm.f32 $1.000000000e+00;
	v1 =	vimm.f32 $0.0e+00;
	s22 =	simm.s32 $0xD;
	s20 =	simm.s32 $0x13;
	[dreg:$0xb] =	wrdreg s21  }
.LBB2_1:
0x1c: {  	s6 =	rddreg [dreg:$0x4]  }
0x1d: {  	[tilespmem:s15], [sflag:$0x16] =	stream.linear.gather [hbm4b:s6+s15], $0x2800, $0x38;
	[tilespmem:$0x15500] =	vst v63  }
0x1e: {  	_ =	swait.ge [sflag:s13], $0x2800  }
0x1f: {  	[sflag:s13] =	ssyncset.done $0x0  }
0x20: {  	s7 =	simm.s32 $0x2800;
	s8 =	rddreg [dreg:$0x5];
	[sflag:s13] =	ssyncadd.s32 $0xFFFFD800  }
0x21: {  	[tilespmem:s7], [sflag:$0x16] =	stream.linear.gather [hbm4b:s8+s15], $0x2800, $0x38;
	[tilespmem:$0x15500] =	vst v63  }
0x22: {  	_ =	swait.ge [sflag:s13], $0x2800  }
0x23: {  	[sflag:s13] =	ssyncset.done $0x0  }
0x24: {  	[sflag:s13] =	ssyncadd.s32 $0xFFFFD800  }
0x25: {  	s21 =	simm.s32 $0x12C00;
	s17 =	rddreg [dreg:$0x1]  }
0x26: {  	[tilespmem:s21], [sflag:$0x16] =	stream.linear.gather [hbm4b:s17+s15], $0x100, $0x38;
	[tilespmem:$0x15500] =	vst v63  }
0x27: {  	_ =	swait.ge [sflag:s13], $0x100  }
0x28: {  	[sflag:s13] =	ssyncset.done $0x0  }
0x29: {  	s7 =	simm.s32 $0x40;
	s8 =	simm.s32 $0x0;
	[sflag:s13] =	ssyncadd.s32 $0xFFFFFF00  }
.LBB2_2:
0x2a: {  	p2 =	sne.s32 s7, $0x1FC0;
	[tilespmem:s8+$0xDC00] =	vst v0;
	s8 =	smov.u32 s7;
	s7 =	sadd.s32 $0x40, s7  }
.Ltmp0:
0x2b: {  	(pc) =	sbr.rel @p2 .LBB2_2-.Ltmp0, $2  }
0x2c: {  	_ =	sdelay $0x2  }
0x2d: {  	s8 =	sshra.s32 s8, $0x2  }
.Ltmp1:
0x2e: {  	(pc) =	sbr.rel @p1 .LBB2_8-.Ltmp1, $2  }
0x2f: {  	_ =	sdelay $0x2  }
0x30: {  	[tilespmem:s8+$0xDC00] =	vst v0;
	s7 =	simm.s32 $0x40;
	s8 =	simm.s32 $0x0  }
.LBB2_4:
0x31: {  	p2 =	seq.s32 s7, $0x9FC0;
	[tilespmem:s8+$0x10400] =	vst v0;
	s8 =	smov.u32 s7;
	s7 =	sadd.s32 $0x40, s7  }
.Ltmp2:
0x32: {  	(pc) =	sbr.rel @!p2 .LBB2_4-.Ltmp2, $2  }
0x33: {  	_ =	sdelay $0x2  }
0x34: {  	s8 =	sshra.s32 s8, $0x2  }
0x35: {  	[tilespmem:s8+$0x10400] =	vst v0;
	s6 =	rddreg [dreg:$0x6];
	s7 =	simm.s32 $0x10400  }
0x36: {  	[spmem:s6] =	stream.linear.scatter [tilespmem:s7], [sflag:$0x16], $0x2800, $0x38;
	[tilespmem:$0x15500] =	vst v63  }
0x37: {  	_ =	swait.ge [sflag:s13], $0x2800  }
0x38: {  	[sflag:s13] =	ssyncset.done $0x0  }
0x39: {  	s8 =	simm.s32 $0x0;
	s7 =	simm.s32 $0x40;
	[sflag:s13] =	ssyncadd.s32 $0xFFFFD800  }
.LBB2_6:
0x3a: {  	p2 =	sne.s32 s7, $0x9FC0;
	[tilespmem:s8+$0x10400] =	vst v1;
	s8 =	smov.u32 s7;
	s7 =	sadd.s32 $0x40, s7  }
.Ltmp3:
0x3b: {  	(pc) =	sbr.rel @p2 .LBB2_6-.Ltmp3, $2  }
0x3c: {  	_ =	sdelay $0x2  }
0x3d: {  	s8 =	sshra.s32 s8, $0x2  }
.Ltmp4:
0x3e: {  	(pc) =	sbr.rel .LBB2_10-.Ltmp4, $2  }
0x3f: {  	_ =	sdelay $0x2  }
0x40: {  	[tilespmem:s8+$0x10400] =	vst v1  }
.LBB2_8:
0x41: {  	p2 =	sne.s32 s7, $0x9FC0;
	[tilespmem:s8+$0x10400] =	vst v1;
	s8 =	smov.u32 s7;
	s7 =	sadd.s32 $0x40, s7  }
.Ltmp5:
0x42: {  	(pc) =	sbr.rel @p2 .LBB2_8-.Ltmp5, $2  }
0x43: {  	_ =	sdelay $0x2  }
0x44: {  	s8 =	sshra.s32 s8, $0x2  }
0x45: {  	[tilespmem:s8+$0x10400] =	vst v1;
	s6 =	rddreg [dreg:$0x6];
	s7 =	simm.s32 $0x10400  }
0x46: {  	[spmem:s6] =	stream.linear.scatter [tilespmem:s7], [sflag:$0x16], $0x2800, $0x38;
	[tilespmem:$0x15500] =	vst v63  }
0x47: {  	_ =	swait.ge [sflag:s13], $0x2800  }
0x48: {  	[sflag:s13] =	ssyncset.done $0x0  }
0x49: {  	[sflag:s13] =	ssyncadd.s32 $0xFFFFD800  }
.LBB2_10:
0x4a: {  	[bflag:$0x0] =	sbarrier.arrive $0xFFFF;
	s7 =	simm.s32 $0x2800  }
0x4b: {  	[spmem:s3] =	stream.indirect.scatter.add.f32 [tilespmem:s24], [sflag:$0xB], $0x10, s7, s23, $0xb8;
	[tilespmem:$0x15500] =	vst v63  }
0x4c: {  	s17 =	simm.s32 $0x2880  }
0x4d: {  	[spmem:s3] =	stream.indirect.scatter.add.f32 [tilespmem:s24], [sflag:$0xB], $0x10, s17, s23, $0xb8;
	[tilespmem:$0x15500] =	vst v63  }
0x4e: {  	s21 =	simm.s32 $0x2900  }
0x4f: {  	[spmem:s3] =	stream.indirect.scatter.add.f32 [tilespmem:s24], [sflag:$0xB], $0x10, s21, s23, $0xb8;
	[tilespmem:$0x15500] =	vst v63  }
0x50: {  	s4 =	simm.s32 $0x2980  }
0x51: {  	[spmem:s3] =	stream.indirect.scatter.add.f32 [tilespmem:s24], [sflag:$0xB], $0x10, s4, s23, $0xb8;
	[tilespmem:$0x15500] =	vst v63  }
0x52: {  	s6 =	simm.s32 $0x2A00  }
0x53: {  	[spmem:s3] =	stream.indirect.scatter.add.f32 [tilespmem:s24], [sflag:$0xB], $0x10, s6, s23, $0xb8;
	[tilespmem:$0x15500] =	vst v63  }
0x54: {  	s8 =	simm.s32 $0x2A80  }
0x55: {  	[spmem:s3] =	stream.indirect.scatter.add.f32 [tilespmem:s24], [sflag:$0xB], $0x10, s8, s23, $0xb8;
	[tilespmem:$0x15500] =	vst v63  }
0x56: {  	s13 =	simm.s32 $0x2B00  }
0x57: {  	[spmem:s3] =	stream.indirect.scatter.add.f32 [tilespmem:s24], [sflag:$0xB], $0x10, s13, s23, $0xb8;
	[tilespmem:$0x15500] =	vst v63  }
0x58: {  	s15 =	simm.s32 $0x2B80  }
0x59: {  	[spmem:s3] =	stream.indirect.scatter.add.f32 [tilespmem:s24], [sflag:$0xB], $0x10, s15, s23, $0xb8;
	[tilespmem:$0x15500] =	vst v63  }
0x5a: {  	s17 =	simm.s32 $0x2C00  }
0x5b: {  	[spmem:s3] =	stream.indirect.scatter.add.f32 [tilespmem:s24], [sflag:$0xB], $0x10, s17, s23, $0xb8;
	[tilespmem:$0x15500] =	vst v63  }
0x5c: {  	s21 =	simm.s32 $0x2C80  }
0x5d: {  	[spmem:s3] =	stream.indirect.scatter.add.f32 [tilespmem:s24], [sflag:$0xB], $0x10, s21, s23, $0xb8;
	[tilespmem:$0x15500] =	vst v63  }
0x5e: {  	_ =	swait.ge [sflag:s25], $0x800  }
0x5f: {  	[sflag:s25] =	ssyncset.done $0x0  }
0x60: {  	[sflag:s25] =	ssyncadd.s32 $0xFFFFF800  }
0x61: {  	_ =	swait.ge [sflag:s25], $0x800  }
0x62: {  	[sflag:s25] =	ssyncset.done $0x0  }
0x63: {  	[sflag:s25] =	ssyncadd.s32 $0xFFFFF800  }
0x64: {  	_ =	swait.ge [sflag:s25], $0x800  }
0x65: {  	[sflag:s25] =	ssyncset.done $0x0  }
0x66: {  	[sflag:s25] =	ssyncadd.s32 $0xFFFFF800  }
0x67: {  	_ =	swait.ge [sflag:s25], $0x800  }
0x68: {  	[sflag:s25] =	ssyncset.done $0x0  }
0x69: {  	[sflag:s25] =	ssyncadd.s32 $0xFFFFF800  }
0x6a: {  	_ =	swait.ge [sflag:s25], $0x800  }
0x6b: {  	[sflag:s25] =	ssyncset.done $0x0  }
0x6c: {  	[sflag:s25] =	ssyncadd.s32 $0xFFFFF800  }
0x6d: {  	_ =	swait.ge [sflag:s25], $0x800  }
0x6e: {  	[sflag:s25] =	ssyncset.done $0x0  }
0x6f: {  	[sflag:s25] =	ssyncadd.s32 $0xFFFFF800  }
0x70: {  	_ =	swait.ge [sflag:s25], $0x800  }
0x71: {  	[sflag:s25] =	ssyncset.done $0x0  }
0x72: {  	[sflag:s25] =	ssyncadd.s32 $0xFFFFF800  }
0x73: {  	_ =	swait.ge [sflag:s25], $0x800  }
0x74: {  	[sflag:s25] =	ssyncset.done $0x0  }
0x75: {  	[sflag:s25] =	ssyncadd.s32 $0xFFFFF800  }
0x76: {  	_ =	swait.ge [sflag:s25], $0x800  }
0x77: {  	[sflag:s25] =	ssyncset.done $0x0  }
0x78: {  	[sflag:s25] =	ssyncadd.s32 $0xFFFFF800  }
0x79: {  	_ =	swait.ge [sflag:s25], $0x800  }
0x7a: {  	s13 =	simm.s32 $0x500;
	s15 =	simm.s32 $0x2800;
	[sflag:s25] =	ssyncset.done $0x0  }
.LBB2_11:
0x7b: {  	s17 =	sadd.s32 $0x2800, s13  }
0x7c: {  	[sflag:s25] =	ssyncadd.s32 $0xFFFFF800;
	s8 =	smov.u32 s15;
	s7 =	sadd.s32 $0x1400, s15  }
0x7d: {  	[spmem:s3] =	stream.indirect.scatter.add.f32 [tilespmem:s24], [sflag:$0xB], $0x10, s17, s23, $0xb8;
	[tilespmem:$0x15500] =	vst v63  }
0x7e: {  	p2 =	sne.s32 s15, $0x8C00;
	s15 =	sadd.s32 $0x2880, s13  }
0x7f: {  	[spmem:s3] =	stream.indirect.scatter.add.f32 [tilespmem:s24], [sflag:$0xB], $0x10, s15, s23, $0xb8;
	[tilespmem:$0x15500] =	vst v63  }
0x80: {  	s15 =	sadd.s32 $0x2900, s13  }
0x81: {  	[spmem:s3] =	stream.indirect.scatter.add.f32 [tilespmem:s24], [sflag:$0xB], $0x10, s15, s23, $0xb8;
	[tilespmem:$0x15500] =	vst v63  }
0x82: {  	s15 =	sadd.s32 $0x2980, s13  }
0x83: {  	[spmem:s3] =	stream.indirect.scatter.add.f32 [tilespmem:s24], [sflag:$0xB], $0x10, s15, s23, $0xb8;
	[tilespmem:$0x15500] =	vst v63  }
0x84: {  	s15 =	sadd.s32 $0x2A00, s13  }
0x85: {  	[spmem:s3] =	stream.indirect.scatter.add.f32 [tilespmem:s24], [sflag:$0xB], $0x10, s15, s23, $0xb8;
	[tilespmem:$0x15500] =	vst v63  }
0x86: {  	s15 =	sadd.s32 $0x2A80, s13  }
0x87: {  	[spmem:s3] =	stream.indirect.scatter.add.f32 [tilespmem:s24], [sflag:$0xB], $0x10, s15, s23, $0xb8;
	[tilespmem:$0x15500] =	vst v63  }
0x88: {  	s15 =	sadd.s32 $0x2B00, s13  }
0x89: {  	[spmem:s3] =	stream.indirect.scatter.add.f32 [tilespmem:s24], [sflag:$0xB], $0x10, s15, s23, $0xb8;
	[tilespmem:$0x15500] =	vst v63  }
0x8a: {  	s15 =	sadd.s32 $0x2B80, s13  }
0x8b: {  	[spmem:s3] =	stream.indirect.scatter.add.f32 [tilespmem:s24], [sflag:$0xB], $0x10, s15, s23, $0xb8;
	[tilespmem:$0x15500] =	vst v63  }
0x8c: {  	s15 =	sadd.s32 $0x2C00, s13  }
0x8d: {  	[spmem:s3] =	stream.indirect.scatter.add.f32 [tilespmem:s24], [sflag:$0xB], $0x10, s15, s23, $0xb8;
	[tilespmem:$0x15500] =	vst v63  }
0x8e: {  	s13 =	sadd.s32 $0x2C80, s13  }
0x8f: {  	[spmem:s3] =	stream.indirect.scatter.add.f32 [tilespmem:s24], [sflag:$0xB], $0x10, s13, s23, $0xb8;
	[tilespmem:$0x15500] =	vst v63  }
0x90: {  	_ =	swait.ge [sflag:s25], $0x800  }
0x91: {  	[sflag:s25] =	ssyncset.done $0x0  }
0x92: {  	[sflag:s25] =	ssyncadd.s32 $0xFFFFF800  }
0x93: {  	_ =	swait.ge [sflag:s25], $0x800  }
0x94: {  	[sflag:s25] =	ssyncset.done $0x0  }
0x95: {  	[sflag:s25] =	ssyncadd.s32 $0xFFFFF800  }
0x96: {  	_ =	swait.ge [sflag:s25], $0x800  }
0x97: {  	[sflag:s25] =	ssyncset.done $0x0  }
0x98: {  	[sflag:s25] =	ssyncadd.s32 $0xFFFFF800  }
0x99: {  	_ =	swait.ge [sflag:s25], $0x800  }
0x9a: {  	[sflag:s25] =	ssyncset.done $0x0  }
0x9b: {  	[sflag:s25] =	ssyncadd.s32 $0xFFFFF800  }
0x9c: {  	_ =	swait.ge [sflag:s25], $0x800  }
0x9d: {  	[sflag:s25] =	ssyncset.done $0x0  }
0x9e: {  	[sflag:s25] =	ssyncadd.s32 $0xFFFFF800  }
0x9f: {  	_ =	swait.ge [sflag:s25], $0x800  }
0xa0: {  	[sflag:s25] =	ssyncset.done $0x0  }
0xa1: {  	[sflag:s25] =	ssyncadd.s32 $0xFFFFF800  }
0xa2: {  	_ =	swait.ge [sflag:s25], $0x800  }
0xa3: {  	[sflag:s25] =	ssyncset.done $0x0  }
0xa4: {  	[sflag:s25] =	ssyncadd.s32 $0xFFFFF800  }
0xa5: {  	_ =	swait.ge [sflag:s25], $0x800  }
0xa6: {  	[sflag:s25] =	ssyncset.done $0x0  }
0xa7: {  	[sflag:s25] =	ssyncadd.s32 $0xFFFFF800  }
.Ltmp6:
0xa8: {  	_ =	swait.ge [sflag:s25], $0x800;
	(pc) =	sbr.rel @p2 .LBB2_11-.Ltmp6, $4  }
0xa9: {  	[sflag:s25] =	ssyncset.done $0x0  }
0xaa: {  	[sflag:s25] =	ssyncadd.s32 $0xFFFFF800  }
0xab: {  	_ =	swait.ge [sflag:s25], $0x800  }
0xac: {  	s15 =	smov.u32 s7;
	s13 =	sshra.s32 s8, $0x2;
	[sflag:s25] =	ssyncset.done $0x0  }
0xad: {  	s7 =	sadd.s32 $0x2800, s13;
	[sflag:s25] =	ssyncadd.s32 $0xFFFFF800  }
0xae: {  	[spmem:s3] =	stream.indirect.scatter.add.f32 [tilespmem:s24], [sflag:$0xB], $0x10, s7, s23, $0xb8;
	[tilespmem:$0x15500] =	vst v63  }
0xaf: {  	s8 =	sadd.s32 $0x2880, s13  }
0xb0: {  	[spmem:s3] =	stream.indirect.scatter.add.f32 [tilespmem:s24], [sflag:$0xB], $0x10, s8, s23, $0xb8;
	[tilespmem:$0x15500] =	vst v63  }
0xb1: {  	s15 =	sadd.s32 $0x2900, s13  }
0xb2: {  	[spmem:s3] =	stream.indirect.scatter.add.f32 [tilespmem:s24], [sflag:$0xB], $0x10, s15, s23, $0xb8;
	[tilespmem:$0x15500] =	vst v63  }
0xb3: {  	s17 =	sadd.s32 $0x2980, s13  }
0xb4: {  	[spmem:s3] =	stream.indirect.scatter.add.f32 [tilespmem:s24], [sflag:$0xB], $0x10, s17, s23, $0xb8;
	[tilespmem:$0x15500] =	vst v63  }
0xb5: {  	s21 =	sadd.s32 $0x2A00, s13  }
0xb6: {  	[spmem:s3] =	stream.indirect.scatter.add.f32 [tilespmem:s24], [sflag:$0xB], $0x10, s21, s23, $0xb8;
	[tilespmem:$0x15500] =	vst v63  }
0xb7: {  	[dreg:$0x11] =	wrdreg s0;
	s0 =	sadd.s32 $0x2A80, s13  }
0xb8: {  	[spmem:s3] =	stream.indirect.scatter.add.f32 [tilespmem:s24], [sflag:$0xB], $0x10, s0, s23, $0xb8;
	[tilespmem:$0x15500] =	vst v63  }
0xb9: {  	s4 =	sadd.s32 $0x2B00, s13  }
0xba: {  	[spmem:s3] =	stream.indirect.scatter.add.f32 [tilespmem:s24], [sflag:$0xB], $0x10, s4, s23, $0xb8;
	[tilespmem:$0x15500] =	vst v63  }
0xbb: {  	s6 =	sadd.s32 $0x2B80, s13  }
0xbc: {  	[spmem:s3] =	stream.indirect.scatter.add.f32 [tilespmem:s24], [sflag:$0xB], $0x10, s6, s23, $0xb8;
	[tilespmem:$0x15500] =	vst v63  }
0xbd: {  	s8 =	sadd.s32 $0x2C00, s13  }
0xbe: {  	[spmem:s3] =	stream.indirect.scatter.add.f32 [tilespmem:s24], [sflag:$0xB], $0x10, s8, s23, $0xb8;
	[tilespmem:$0x15500] =	vst v63  }
0xbf: {  	s13 =	sadd.s32 $0x2C80, s13  }
0xc0: {  	[spmem:s3] =	stream.indirect.scatter.add.f32 [tilespmem:s24], [sflag:$0xB], $0x10, s13, s23, $0xb8;
	[tilespmem:$0x15500] =	vst v63  }
0xc1: {  	_ =	swait.ge [sflag:s25], $0x800  }
0xc2: {  	[sflag:s25] =	ssyncset.done $0x0  }
0xc3: {  	[sflag:s25] =	ssyncadd.s32 $0xFFFFF800  }
0xc4: {  	_ =	swait.ge [sflag:s25], $0x800  }
0xc5: {  	[sflag:s25] =	ssyncset.done $0x0  }
0xc6: {  	[sflag:s25] =	ssyncadd.s32 $0xFFFFF800  }
0xc7: {  	_ =	swait.ge [sflag:s25], $0x800  }
0xc8: {  	[sflag:s25] =	ssyncset.done $0x0  }
0xc9: {  	[sflag:s25] =	ssyncadd.s32 $0xFFFFF800  }
0xca: {  	_ =	swait.ge [sflag:s25], $0x800  }
0xcb: {  	[sflag:s25] =	ssyncset.done $0x0  }
0xcc: {  	[sflag:s25] =	ssyncadd.s32 $0xFFFFF800  }
0xcd: {  	_ =	swait.ge [sflag:s25], $0x800  }
0xce: {  	[sflag:s25] =	ssyncset.done $0x0  }
0xcf: {  	[sflag:s25] =	ssyncadd.s32 $0xFFFFF800  }
0xd0: {  	_ =	swait.ge [sflag:s25], $0x800  }
0xd1: {  	[sflag:s25] =	ssyncset.done $0x0  }
0xd2: {  	[sflag:s25] =	ssyncadd.s32 $0xFFFFF800  }
0xd3: {  	_ =	swait.ge [sflag:s25], $0x800  }
0xd4: {  	[sflag:s25] =	ssyncset.done $0x0  }
0xd5: {  	[sflag:s25] =	ssyncadd.s32 $0xFFFFF800  }
0xd6: {  	_ =	swait.ge [sflag:s25], $0x800  }
0xd7: {  	[sflag:s25] =	ssyncset.done $0x0  }
0xd8: {  	[sflag:s25] =	ssyncadd.s32 $0xFFFFF800  }
0xd9: {  	_ =	swait.ge [sflag:s25], $0x800  }
0xda: {  	[sflag:s25] =	ssyncset.done $0x0  }
0xdb: {  	[sflag:s25] =	ssyncadd.s32 $0xFFFFF800  }
0xdc: {  	_ =	swait.ge [sflag:s25], $0x800  }
0xdd: {  	[sflag:s25] =	ssyncset.done $0x0  }
0xde: {  	s6 =	stileid.u32;
	[sflag:s25] =	ssyncadd.s32 $0xFFFFF800  }
0xdf: {  	s15 =	sshll.u32 s6, $0x6;
	[bflag:$0x0] =	sbarrier.arrive $0xFFFF  }
0xe0: {  	s17 =	sor.u32 $0x1C01, s15;
	s21 =	rddreg [dreg:$0x8]  }
0xe1: {  	[dreg:$0x12] =	wrdreg s17;
	s4 =	sshrl.u32 s21, $0x3  }
0xe2: {  	[dreg:$0x13] =	wrdreg s4  }
0xe3: {  	[hbm:s18], [sflag:s17] =	dma.local [spmem:s4], $0x280  }
0xe4: {  	s0 =	rddreg [dreg:$0x9]  }
0xe5: {  	[tilespmem:s24], [sflag:$0x2] =	stream.linear.gather [spmem:s0], $0x1400, $0x38;
	[tilespmem:$0x15500] =	vst v63  }
0xe6: {  	_ =	swait.ge [sflag:s26], $0x280  }
0xe7: {  	[sflag:s26] =	ssyncset.done $0x0  }
0xe8: {  	[sflag:s26] =	ssyncadd.s32 $0xFFFFFD80  }
0xe9: {  	_ =	swait.ge [sflag:s28], $0x1400  }
0xea: {  	[sflag:s28] =	ssyncset.done $0x0  }
0xeb: {  	s8 =	simm.s32 $0x10400;
	[sflag:s28] =	ssyncadd.s32 $0xFFFFEC00  }
0xec: {  	[spmem:s0] =	stream.linear.scatter [tilespmem:s8], [sflag:$0x3], $0x1400, $0x38;
	[tilespmem:$0x15500] =	vst v63  }
0xed: {  	_ = 	snop  }
0xee: {  	[spmem:s21] =	stream.linear.scatter [tilespmem:s8], [sflag:$0x4], $0x1400, $0x38;
	[tilespmem:$0x15500] =	vst v63  }
0xef: {  	_ =	swait.ge [sflag:s29], $0x1400  }
0xf0: {  	[sflag:s29] =	ssyncset.done $0x0  }
0xf1: {  	[sflag:s29] =	ssyncadd.s32 $0xFFFFEC00  }
0xf2: {  	_ =	swait.ge [sflag:s30], $0x1400  }
0xf3: {  	[sflag:s30] =	ssyncset.done $0x0  }
0xf4: {  	[sflag:s30] =	ssyncadd.s32 $0xFFFFEC00  }
0xf5: {  	s7 =	simm.s32 @!p0 $0x100000;
	[bflag:$0x0] =	sbarrier.arrive $0xFFFF  }
0xf6: {  	[smem:s7], [sflag:$0x0] =	smem.add.s32 @!p0 $0x0;
	s7 =	simm.s32 @!p0 $0x0  }
0xf7: {  	_ =	swait.done @!p0 [sflag:s7]  }
0xf8: {  	s8 =	ssyncread @!p0 [sflag:$0x0];
	_ =	sdelay $0x1  }
0xf9: {  	s6 =	rddreg [dreg:$0xa]  }
0xfa: {  	s8 =	sadd.s32 @!p0 s6, s8;
	s6 =	rddreg [dreg:$0xb]  }
0xfb: {  	s0 =	sshll.u32 @!p0 s6, $0xE;
	s8 =	sshll.u32 @!p0 s8, $0x11  }
0xfc: {  	[sflag:s7] =	ssyncset.s32 @!p0 $0x0;
	s8 =	sor.u32 @!p0 s8, s0  }
0xfd: {  	[sflag:s7] =	ssyncset.done @!p0 $0x0;
	s7 =	sor.u32 @!p0 $0x1C15, s8  }
0xfe: {  	[sflag:s7] =	ssyncadd.remote.s32 @!p0 $0x1;
	s7 =	simm.s32 @!p0 $0x15  }
0xff: {  	_ =	swait.ge @!p0 [sflag:s7], $0x1  }
0x100: {  	[sflag:s7] =	ssyncset.done @!p0 $0x0  }
0x101: {  	[sflag:s7] =	ssyncadd.s32 @!p0 $0xFFFFFFFF  }
0x102: {  	s15 =	simm.s32 $0xF000;
	[bflag:$0x0] =	sbarrier.arrive $0xFFFF  }
0x103: {  	s4 =	simm.s32 $0x0;
	s17 =	simm.s32 $0x16;
	s13 =	rddreg [dreg:$0xc]  }
0x104: {  	[tilespmem:s15], [sflag:$0x16] =	stream.linear.gather [hbm4b:s13+s4], $0x1400, $0x38;
	[tilespmem:$0x15500] =	vst v63  }
0x105: {  	_ =	swait.ge [sflag:s17], $0x1400  }
0x106: {  	[sflag:s17] =	ssyncset.done $0x0  }
0x107: {  	s21 =	simm.s32 $0xA000;
	s18 =	rddreg [dreg:$0xd];
	[sflag:s17] =	ssyncadd.s32 $0xFFFFEC00  }
0x108: {  	[tilespmem:s21], [sflag:$0x16] =	stream.linear.gather [hbm4b:s18+s4], $0x1400, $0x38;
	[tilespmem:$0x15500] =	vst v63  }
0x109: {  	_ =	swait.ge [sflag:s17], $0x1400  }
0x10a: {  	[sflag:s17] =	ssyncset.done $0x0  }
0x10b: {  	[sflag:s17] =	ssyncadd.s32 $0xFFFFEC00;
	s17 =	simm.s32 $0x0  }
0x10c: {  	v2 =	vld [tilespmem:s17+$0xDC00]  }
0x10d: {  	v3 =	vld [tilespmem:s17+$0xF000];
	_ =	sdelay $0x4  }
0x10e: {  	v2 =	vadd.f32 v3, v2;
	_ =	sdelay $0x1  }
0x10f: {  	(erf) = vrcp.f32 v2;
	_ =	sdelay $0x7  }
0x110: {  	v5 =	vmul.f32 $5.000000000e-01, v2  }
0x111: {  	v2 =	vpop (erf)  }
0x112: {  	v3 =	vmul.f32 v2, v5;
	_ =	sdelay $0x1  }
0x113: {  	v3 =	vmul.f32 v3, v2;
	_ =	sdelay $0x1  }
0x114: {  	v3 =	vsub.f32 $1.500000000e+00, v3;
	_ =	sdelay $0x1  }
0x115: {  	v2 =	vmul.f32 v3, v2;
	_ =	sdelay $0x1  }
0x116: {  	v3 =	vmul.f32 v2, v5;
	_ =	sdelay $0x1  }
0x117: {  	v3 =	vmul.f32 v3, v2;
	_ =	sdelay $0x1  }
0x118: {  	v3 =	vsub.f32 $1.500000000e+00, v3;
	_ =	sdelay $0x1  }
0x119: {  	s7 =	simm.s32 $0x10;
	v2 =	vmul.f32 v3, v2  }
0x11a: {  	v6 =	vld [tilespmem:s7+$0xF000]  }
0x11b: {  	v3 =	vld [tilespmem:s7+$0xDC00];
	v4 =	vmul.f32 v2, v5;
	_ =	sdelay $0x1  }
0x11c: {  	v4 =	vmul.f32 v4, v2;
	_ =	sdelay $0x1  }
0x11d: {  	v4 =	vsub.f32 $1.500000000e+00, v4  }
0x11e: {  	v3 =	vadd.f32 v6, v3  }
0x11f: {  	v2 =	vmul.f32 v4, v2  }
0x120: {  	(erf) = vrcp.f32 v3  }
0x121: {  	v4 =	vmul.f32 v2, v5;
	_ =	sdelay $0x1  }
0x122: {  	v4 =	vmul.f32 v4, v2;
	_ =	sdelay $0x1  }
0x123: {  	v4 =	vsub.f32 $1.500000000e+00, v4;
	_ =	sdelay $0x1  }
0x124: {  	v2 =	vmul.f32 v4, v2  }
0x125: {  	v3 =	vmul.f32 $5.000000000e-01, v3  }
0x126: {  	v6 =	vpop (erf);
	v4 =	vmul.f32 v2, v5  }
0x127: {  	v7 =	vmul.f32 v6, v3  }
0x128: {  	v4 =	vmul.f32 v4, v2  }
0x129: {  	v7 =	vmul.f32 v7, v6  }
0x12a: {  	v4 =	vsub.f32 $1.500000000e+00, v4  }
0x12b: {  	v7 =	vsub.f32 $1.500000000e+00, v7  }
0x12c: {  	v2 =	vmul.f32 v4, v2  }
0x12d: {  	v4 =	vmul.f32 v7, v6  }
0x12e: {  	v6 =	vmul.f32 v2, v5  }
0x12f: {  	v7 =	vmul.f32 v4, v3  }
0x130: {  	v6 =	vmul.f32 v6, v2  }
0x131: {  	v7 =	vmul.f32 v7, v4  }
0x132: {  	v6 =	vsub.f32 $1.500000000e+00, v6  }
0x133: {  	v7 =	vsub.f32 $1.500000000e+00, v7  }
0x134: {  	v2 =	vmul.f32 v6, v2  }
0x135: {  	v4 =	vmul.f32 v7, v4  }
0x136: {  	s13 =	simm.s32 $0x20;
	v6 =	vmul.f32 v2, v5  }
0x137: {  	v8 =	vld [tilespmem:s13+$0xF000];
	v9 =	vmul.f32 v4, v3  }
0x138: {  	v7 =	vld [tilespmem:s13+$0xDC00];
	v6 =	vmul.f32 v6, v2  }
0x139: {  	v9 =	vmul.f32 v9, v4  }
0x13a: {  	v6 =	vsub.f32 $1.500000000e+00, v6  }
0x13b: {  	v9 =	vsub.f32 $1.500000000e+00, v9  }
0x13c: {  	v2 =	vmul.f32 v6, v2  }
0x13d: {  	v6 =	vadd.f32 v8, v7;
	v4 =	vmul.f32 v9, v4  }
0x13e: {  	v7 =	vmul.f32 v2, v5  }
0x13f: {  	(erf) = vrcp.f32 v6;
	v8 =	vmul.f32 v4, v3  }
0x140: {  	v7 =	vmul.f32 v7, v2  }
0x141: {  	v8 =	vmul.f32 v8, v4  }
0x142: {  	v7 =	vsub.f32 $1.500000000e+00, v7  }
0x143: {  	v8 =	vsub.f32 $1.500000000e+00, v8  }
0x144: {  	v7 =	vmul.f32 v7, v2  }
0x145: {  	v4 =	vmul.f32 v8, v4  }
0x146: {  	v8 =	vmul.f32 v7, v5  }
0x147: {  	v2 =	vmul.f32 $5.000000000e-01, v6;
	v9 =	vmul.f32 v4, v3  }
0x148: {  	v6 =	vpop (erf);
	v8 =	vmul.f32 v8, v7  }
0x149: {  	v10 =	vmul.f32 v6, v2;
	v9 =	vmul.f32 v9, v4  }
0x14a: {  	v8 =	vsub.f32 $1.500000000e+00, v8  }
0x14b: {  	v10 =	vmul.f32 v10, v6;
	v9 =	vsub.f32 $1.500000000e+00, v9  }
0x14c: {  	v7 =	vmul.f32 v8, v7  }
0x14d: {  	v8 =	vsub.f32 $1.500000000e+00, v10;
	v4 =	vmul.f32 v9, v4  }
0x14e: {  	v9 =	vmul.f32 v7, v5  }
0x14f: {  	v6 =	vmul.f32 v8, v6;
	v8 =	vmul.f32 v4, v3  }
0x150: {  	v9 =	vmul.f32 v9, v7  }
0x151: {  	v10 =	vmul.f32 v6, v2;
	v8 =	vmul.f32 v8, v4  }
0x152: {  	v9 =	vsub.f32 $1.500000000e+00, v9  }
0x153: {  	v10 =	vmul.f32 v10, v6;
	v8 =	vsub.f32 $1.500000000e+00, v8  }
0x154: {  	v7 =	vmul.f32 v9, v7  }
0x155: {  	v9 =	vsub.f32 $1.500000000e+00, v10;
	v4 =	vmul.f32 v8, v4  }
0x156: {  	v8 =	vmul.f32 v7, v5  }
0x157: {  	s21 =	simm.s32 $0x30;
	v6 =	vmul.f32 v9, v6;
	v9 =	vmul.f32 v4, v3  }
0x158: {  	v12 =	vld [tilespmem:s21+$0xF000];
	v8 =	vmul.f32 v8, v7  }
0x159: {  	v10 =	vld [tilespmem:s21+$0xDC00];
	v11 =	vmul.f32 v6, v2;
	v9 =	vmul.f32 v9, v4  }
0x15a: {  	v8 =	vsub.f32 $1.500000000e+00, v8  }
0x15b: {  	v11 =	vmul.f32 v11, v6;
	v9 =	vsub.f32 $1.500000000e+00, v9  }
0x15c: {  	v7 =	vmul.f32 v8, v7  }
0x15d: {  	v8 =	vsub.f32 $1.500000000e+00, v11;
	v4 =	vmul.f32 v9, v4  }
0x15e: {  	v10 =	vadd.f32 v12, v10;
	v9 =	vmul.f32 v7, v5  }
0x15f: {  	v6 =	vmul.f32 v8, v6;
	v8 =	vmul.f32 v4, v3  }
0x160: {  	(erf) = vrcp.f32 v10;
	v9 =	vmul.f32 v9, v7  }
0x161: {  	v11 =	vmul.f32 v6, v2;
	v8 =	vmul.f32 v8, v4  }
0x162: {  	v9 =	vsub.f32 $1.500000000e+00, v9  }
0x163: {  	v11 =	vmul.f32 v11, v6;
	v8 =	vsub.f32 $1.500000000e+00, v8  }
0x164: {  	v7 =	vmul.f32 v9, v7  }
0x165: {  	v9 =	vsub.f32 $1.500000000e+00, v11;
	v8 =	vmul.f32 v8, v4  }
0x166: {  	v4 =	vmul.f32 v7, v5  }
0x167: {  	v6 =	vmul.f32 v9, v6;
	v9 =	vmul.f32 v8, v3  }
0x168: {  	v11 =	vmul.f32 v4, v7;
	v4 =	vmul.f32 $5.000000000e-01, v10  }
0x169: {  	v12 =	vpop (erf);
	v10 =	vmul.f32 v6, v2;
	v9 =	vmul.f32 v9, v8  }
0x16a: {  	v11 =	vsub.f32 $1.500000000e+00, v11;
	v13 =	vmul.f32 v12, v4  }
0x16b: {  	v10 =	vmul.f32 v10, v6;
	v9 =	vsub.f32 $1.500000000e+00, v9  }
0x16c: {  	v7 =	vmul.f32 v11, v7;
	v11 =	vmul.f32 v13, v12  }
0x16d: {  	v10 =	vsub.f32 $1.500000000e+00, v10;
	v8 =	vmul.f32 v9, v8  }
0x16e: {  	v9 =	vmul.f32 v7, v5;
	v11 =	vsub.f32 $1.500000000e+00, v11  }
0x16f: {  	v6 =	vmul.f32 v10, v6;
	v10 =	vmul.f32 v8, v3  }
0x170: {  	v9 =	vmul.f32 v9, v7;
	v11 =	vmul.f32 v11, v12  }
0x171: {  	v12 =	vmul.f32 v6, v2;
	v10 =	vmul.f32 v10, v8  }
0x172: {  	v9 =	vsub.f32 $1.500000000e+00, v9;
	v13 =	vmul.f32 v11, v4  }
0x173: {  	s8 =	simm.s32 $0x40;
	v12 =	vmul.f32 v12, v6;
	v10 =	vsub.f32 $1.500000000e+00, v10  }
0x174: {  	v14 =	vld [tilespmem:s8+$0xF000];
	v7 =	vmul.f32 v9, v7;
	v13 =	vmul.f32 v13, v11  }
0x175: {  	v9 =	vld [tilespmem:s8+$0xDC00];
	v12 =	vsub.f32 $1.500000000e+00, v12;
	v8 =	vmul.f32 v10, v8  }
0x176: {  	v10 =	vmul.f32 v7, v5;
	v13 =	vsub.f32 $1.500000000e+00, v13  }
0x177: {  	v6 =	vmul.f32 v12, v6;
	v12 =	vmul.f32 v8, v3  }
0x178: {  	v10 =	vmul.f32 v10, v7;
	v11 =	vmul.f32 v13, v11  }
0x179: {  	v13 =	vmul.f32 v6, v2;
	v12 =	vmul.f32 v12, v8  }
0x17a: {  	v9 =	vadd.f32 v14, v9;
	v10 =	vsub.f32 $1.500000000e+00, v10;
	v14 =	vmul.f32 v11, v4  }
0x17b: {  	v13 =	vmul.f32 v13, v6;
	v12 =	vsub.f32 $1.500000000e+00, v12  }
0x17c: {  	v7 =	vmul.f32 v10, v7;
	v10 =	vmul.f32 v14, v11  }
0x17d: {  	v13 =	vsub.f32 $1.500000000e+00, v13;
	v8 =	vmul.f32 v12, v8  }
0x17e: {  	(erf) = vrcp.f32 v9;
	v12 =	vmul.f32 v7, v5;
	v10 =	vsub.f32 $1.500000000e+00, v10  }
0x17f: {  	v13 =	vmul.f32 v13, v6;
	v6 =	vmul.f32 v8, v3  }
0x180: {  	v12 =	vmul.f32 v12, v7;
	v10 =	vmul.f32 v10, v11  }
0x181: {  	v11 =	vmul.f32 v13, v2;
	v6 =	vmul.f32 v6, v8  }
0x182: {  	v12 =	vsub.f32 $1.500000000e+00, v12  }
0x183: {  	v14 =	vmul.f32 v10, v4;
	v11 =	vmul.f32 v11, v13;
	v15 =	vsub.f32 $1.500000000e+00, v6  }
0x184: {  	v6 =	vmul.f32 $5.000000000e-01, v9;
	v7 =	vmul.f32 v12, v7  }
0x185: {  	v9 =	vmul.f32 v14, v10;
	v11 =	vsub.f32 $1.500000000e+00, v11;
	v8 =	vmul.f32 v15, v8  }
0x186: {  	v14 =	vmul.f32 v7, v5  }
0x187: {  	v12 =	vpop (erf);
	v9 =	vsub.f32 $1.500000000e+00, v9;
	v11 =	vmul.f32 v11, v13;
	v13 =	vmul.f32 v8, v3  }
0x188: {  	v15 =	vmul.f32 v12, v6;
	v14 =	vmul.f32 v14, v7  }
0x189: {  	v9 =	vmul.f32 v9, v10;
	v10 =	vmul.f32 v11, v2  }
0x18a: {  	v13 =	vmul.f32 v13, v8;
	v15 =	vmul.f32 v15, v12;
	v14 =	vsub.f32 $1.500000000e+00, v14  }
0x18b: {  	v16 =	vmul.f32 v9, v4;
	v10 =	vmul.f32 v10, v11  }
0x18c: {  	v13 =	vsub.f32 $1.500000000e+00, v13;
	v7 =	vmul.f32 v14, v7  }
0x18d: {  	v14 =	vsub.f32 $1.500000000e+00, v15;
	v15 =	vmul.f32 v16, v9;
	v10 =	vsub.f32 $1.500000000e+00, v10  }
0x18e: {  	v8 =	vmul.f32 v13, v8;
	v13 =	vmul.f32 v7, v5  }
0x18f: {  	v12 =	vmul.f32 v14, v12;
	v14 =	vsub.f32 $1.500000000e+00, v15;
	v11 =	vmul.f32 v10, v11  }
0x190: {  	v10 =	vmul.f32 v8, v3;
	v13 =	vmul.f32 v13, v7  }
0x191: {  	v9 =	vmul.f32 v14, v9;
	v14 =	vmul.f32 v11, v2  }
0x192: {  	s18 =	simm.s32 $0x50;
	v15 =	vmul.f32 v12, v6;
	v10 =	vmul.f32 v10, v8;
	v13 =	vsub.f32 $1.500000000e+00, v13  }
0x193: {  	v18 =	vld [tilespmem:s18+$0xF000];
	v17 =	vmul.f32 v9, v4;
	v14 =	vmul.f32 v14, v11  }
0x194: {  	v16 =	vld [tilespmem:s18+$0xDC00];
	v10 =	vsub.f32 $1.500000000e+00, v10;
	v19 =	vmul.f32 v13, v7  }
0x195: {  	v7 =	vmul.f32 v15, v12;
	v13 =	vmul.f32 v17, v9;
	v14 =	vsub.f32 $1.500000000e+00, v14  }
0x196: {  	v10 =	vmul.f32 v10, v8;
	v8 =	vmul.f32 v19, v5  }
0x197: {  	v13 =	vsub.f32 $1.500000000e+00, v13;
	v11 =	vmul.f32 v14, v11  }
0x198: {  	v7 =	vsub.f32 $1.500000000e+00, v7;
	v14 =	vmul.f32 v10, v3;
	v17 =	vmul.f32 v8, v19  }
0x199: {  	v8 =	vadd.f32 v18, v16;
	v13 =	vmul.f32 v13, v9;
	v9 =	vmul.f32 v11, v2  }
0x19a: {  	v15 =	vmul.f32 v7, v12;
	v12 =	vmul.f32 v14, v10;
	v17 =	vsub.f32 $1.500000000e+00, v17  }
0x19b: {  	v16 =	vmul.f32 v13, v4;
	v14 =	vmul.f32 v9, v11  }
0x19c: {  	s15 =	simm.s32 $0x180;
	v7 =	vld [tilespmem:$0x12C00];
	(erf) = vrcp.f32 v8;
	v12 =	vsub.f32 $1.500000000e+00, v12;
	v9 =	vmul.f32 v17, v19  }
.LBB2_13:
0x19d: {  	p2 =	sne.s32 s15, $0x4FC0;
	v17 =	vmul.f32 v15, v6;
	v16 =	vmul.f32 v16, v13;
	v14 =	vsub.f32 $1.500000000e+00, v14  }
0x19e: {  	v10 =	vmul.f32 v12, v10;
	v12 =	vmul.f32 v9, v5;
	v5 =	vmovc v3;
	v3 =	vmovc v2;
	v2 =	vmov v4  }
0x19f: {  	v4 =	vmovc v6;
	v17 =	vmul.f32 v17, v15;
	v16 =	vsub.f32 $1.500000000e+00, v16;
	v11 =	vmul.f32 v14, v11  }
0x1a0: {  	v6 =	vmul.f32 v10, v5;
	v12 =	vmul.f32 v12, v9  }
0x1a1: {  	v14 =	vsub.f32 $1.500000000e+00, v17;
	v13 =	vmul.f32 v16, v13;
	v16 =	vld [tilespmem:s17+$0xA000]  }
0x1a2: {  	v17 =	vmul.f32 v11, v3;
	v6 =	vmul.f32 v6, v10;
	v18 =	vsub.f32 $1.500000000e+00, v12  }
0x1a3: {  	v14 =	vmul.f32 v14, v15;
	v15 =	vmul.f32 v13, v2  }
0x1a4: {  	v17 =	vmul.f32 v17, v11;
	v6 =	vsub.f32 $1.500000000e+00, v6;
	v9 =	vmul.f32 v18, v9  }
0x1a5: {  	v12 =	vpop (erf);
	v18 =	vmul.f32 v14, v4;
	v15 =	vmul.f32 v15, v13  }
0x1a6: {  	v17 =	vsub.f32 $1.500000000e+00, v17;
	v10 =	vmul.f32 v6, v10;
	v16 =	vmul.f32 v9, v16  }
0x1a7: {  	v6 =	vmul.f32 $5.000000000e-01, v8;
	v8 =	vmul.f32 v18, v14;
	v15 =	vsub.f32 $1.500000000e+00, v15  }
0x1a8: {  	v11 =	vmul.f32 v17, v11;
	v17 =	vmul.f32 v10, v5;
	[tilespmem:s17+$0xA000] =	vst v16  }
0x1a9: {  	v18 =	vmul.f32 v12, v6;
	v8 =	vsub.f32 $1.500000000e+00, v8;
	v13 =	vmul.f32 v15, v13  }
0x1aa: {  	v15 =	vmul.f32 v11, v3;
	v17 =	vmul.f32 v17, v10  }
0x1ab: {  	v8 =	vmul.f32 v8, v14;
	v14 =	vmul.f32 v13, v2  }
0x1ac: {  	v18 =	vmul.f32 v18, v12;
	v15 =	vmul.f32 v15, v11;
	v17 =	vsub.f32 $1.500000000e+00, v17  }
0x1ad: {  	v19 =	vmul.f32 v8, v4;
	v14 =	vmul.f32 v14, v13  }
0x1ae: {  	v16 =	vmul.f32 v16, v7;
	v15 =	vsub.f32 $1.500000000e+00, v15;
	v10 =	vmul.f32 v17, v10  }
0x1af: {  	v17 =	vsub.f32 $1.500000000e+00, v18;
	v18 =	vmul.f32 v19, v8;
	v14 =	vsub.f32 $1.500000000e+00, v14  }
0x1b0: {  	v11 =	vmul.f32 v15, v11;
	v15 =	vmul.f32 v10, v5;
	[tilespmem:s17+$0xB400] =	vst v16  }
0x1b1: {  	v12 =	vmul.f32 v17, v12;
	v16 =	vsub.f32 $1.500000000e+00, v18;
	v13 =	vmul.f32 v14, v13  }
0x1b2: {  	v14 =	vmul.f32 v11, v3;
	v15 =	vmul.f32 v15, v10  }
0x1b3: {  	v16 =	vmul.f32 v16, v8;
	v8 =	vmul.f32 v13, v2  }
0x1b4: {  	s6 =	sshra.s32 s15, $0x2;
	v17 =	vmul.f32 v12, v6;
	v14 =	vmul.f32 v14, v11;
	v15 =	vsub.f32 $1.500000000e+00, v15  }
0x1b5: {  	v18 =	vld [tilespmem:s6+$0xDC00];
	v19 =	vmul.f32 v16, v4;
	v8 =	vmul.f32 v8, v13  }
0x1b6: {  	v9 =	vmul.f32 v9, v9;
	v14 =	vsub.f32 $1.500000000e+00, v14;
	v20 =	vld [tilespmem:s6+$0xF000];
	v21 =	vmul.f32 v15, v10  }
0x1b7: {  	v15 =	vmul.f32 v17, v12;
	v17 =	vmul.f32 v19, v16;
	v8 =	vsub.f32 $1.500000000e+00, v8  }
0x1b8: {  	v10 =	vmul.f32 v14, v11;
	v14 =	vmul.f32 v21, v5;
	[tilespmem:s17+$0xC800] =	vst v9;
	s17 =	smov.u32 s7;
	s7 =	smov.u32 s13;
	s13 =	smov.u32 s21  }
0x1b9: {  	s21 =	smov.u32 s8;
	s8 =	smov.u32 s18;
	s18 =	smov.u32 s6;
	v9 =	vsub.f32 $1.500000000e+00, v17;
	v11 =	vmul.f32 v8, v13  }
.Ltmp7:
0x1ba: {  	v15 =	vsub.f32 $1.500000000e+00, v15;
	v17 =	vmul.f32 v10, v3;
	v14 =	vmul.f32 v14, v21;
	(pc) =	sbr.rel @p2 .LBB2_13-.Ltmp7, $4  }
0x1bb: {  	v8 =	vadd.f32 v20, v18;
	v13 =	vmul.f32 v9, v16;
	v9 =	vmul.f32 v11, v2  }
0x1bc: {  	v15 =	vmul.f32 v15, v12;
	v12 =	vmul.f32 v17, v10;
	v17 =	vsub.f32 $1.500000000e+00, v14  }
0x1bd: {  	v16 =	vmul.f32 v13, v4;
	v14 =	vmul.f32 v9, v11  }
0x1be: {  	s15 =	sadd.s32 $0x40, s15;
	v12 =	vsub.f32 $1.500000000e+00, v12;
	(erf) = vrcp.f32 v8;
	v9 =	vmul.f32 v17, v21  }
0x1bf: {  	_ =	sdelay $0x6  }
0x1c0: {  	v8 =	vmul.f32 $5.000000000e-01, v8  }
0x1c1: {  	v17 =	vpop (erf)  }
0x1c2: {  	v18 =	vmul.f32 v17, v8;
	_ =	sdelay $0x1  }
0x1c3: {  	v18 =	vmul.f32 v18, v17;
	_ =	sdelay $0x1  }
0x1c4: {  	v19 =	vmul.f32 v15, v6;
	v18 =	vsub.f32 $1.500000000e+00, v18;
	_ =	sdelay $0x1  }
0x1c5: {  	v19 =	vmul.f32 v19, v15;
	v17 =	vmul.f32 v18, v17;
	_ =	sdelay $0x1  }
0x1c6: {  	v25 =	vsub.f32 $1.500000000e+00, v19;
	v26 =	vmul.f32 v17, v8;
	_ =	sdelay $0x1  }
0x1c7: {  	v27 =	vmul.f32 v25, v15;
	v28 =	vmul.f32 v26, v17;
	_ =	sdelay $0x1  }
0x1c8: {  	v29 =	vmul.f32 v27, v6;
	v18 =	vsub.f32 $1.500000000e+00, v28;
	_ =	sdelay $0x1  }
0x1c9: {  	v19 =	vmul.f32 v29, v27;
	v17 =	vmul.f32 v18, v17;
	_ =	sdelay $0x1  }
0x1ca: {  	v30 =	vsub.f32 $1.500000000e+00, v19;
	v31 =	vmul.f32 v17, v8;
	_ =	sdelay $0x1  }
0x1cb: {  	v15 =	vmul.f32 v30, v27;
	v32 =	vmul.f32 v31, v17;
	_ =	sdelay $0x1  }
0x1cc: {  	v33 =	vmul.f32 v15, v6;
	v18 =	vsub.f32 $1.500000000e+00, v32;
	_ =	sdelay $0x1  }
0x1cd: {  	v19 =	vmul.f32 v33, v15;
	v17 =	vmul.f32 v18, v17;
	_ =	sdelay $0x1  }
0x1ce: {  	v34 =	vsub.f32 $1.500000000e+00, v19;
	v35 =	vmul.f32 v17, v8;
	_ =	sdelay $0x1  }
0x1cf: {  	v15 =	vmul.f32 v34, v15;
	v36 =	vmul.f32 v35, v17;
	_ =	sdelay $0x1  }
0x1d0: {  	v37 =	vmul.f32 v15, v6;
	v18 =	vsub.f32 $1.500000000e+00, v36  }
0x1d1: {  	v16 =	vmul.f32 v16, v13  }
0x1d2: {  	v19 =	vmul.f32 v37, v15;
	v17 =	vmul.f32 v18, v17  }
0x1d3: {  	v16 =	vsub.f32 $1.500000000e+00, v16  }
0x1d4: {  	v39 =	vsub.f32 $1.500000000e+00, v19;
	v18 =	vmul.f32 v17, v8  }
0x1d5: {  	v38 =	vmul.f32 v16, v13  }
0x1d6: {  	v15 =	vmul.f32 v39, v15;
	v41 =	vmul.f32 v18, v17  }
0x1d7: {  	v40 =	vmul.f32 v38, v4  }
0x1d8: {  	v43 =	vmul.f32 v15, v6;
	v16 =	vsub.f32 $1.500000000e+00, v41  }
0x1d9: {  	v42 =	vmul.f32 v40, v38  }
0x1da: {  	v19 =	vmul.f32 v43, v15;
	v16 =	vmul.f32 v16, v17  }
0x1db: {  	v18 =	vsub.f32 $1.500000000e+00, v42  }
0x1dc: {  	v44 =	vsub.f32 $1.500000000e+00, v19;
	v45 =	vmul.f32 v16, v8  }
0x1dd: {  	v13 =	vmul.f32 v18, v38  }
0x1de: {  	v15 =	vmul.f32 v44, v15;
	v47 =	vmul.f32 v45, v16  }
0x1df: {  	v46 =	vmul.f32 v13, v4  }
0x1e0: {  	v49 =	vmul.f32 v15, v6;
	v17 =	vsub.f32 $1.500000000e+00, v47  }
0x1e1: {  	v48 =	vmul.f32 v46, v13  }
0x1e2: {  	v19 =	vmul.f32 v49, v15;
	v16 =	vmul.f32 v17, v16  }
0x1e3: {  	v18 =	vsub.f32 $1.500000000e+00, v48  }
0x1e4: {  	v50 =	vsub.f32 $1.500000000e+00, v19;
	v51 =	vmul.f32 v16, v8  }
0x1e5: {  	v13 =	vmul.f32 v18, v13  }
0x1e6: {  	v15 =	vmul.f32 v50, v15;
	v53 =	vmul.f32 v51, v16  }
0x1e7: {  	v52 =	vmul.f32 v13, v4  }
0x1e8: {  	v55 =	vmul.f32 v15, v6;
	v17 =	vsub.f32 $1.500000000e+00, v53  }
0x1e9: {  	v14 =	vsub.f32 $1.500000000e+00, v14;
	v54 =	vmul.f32 v52, v13  }
0x1ea: {  	v57 =	vmul.f32 v55, v15;
	v16 =	vmul.f32 v17, v16  }
0x1eb: {  	v11 =	vmul.f32 v14, v11;
	v56 =	vsub.f32 $1.500000000e+00, v54  }
0x1ec: {  	v10 =	vmul.f32 v12, v10;
	v59 =	vsub.f32 $1.500000000e+00, v57;
	v60 =	vmul.f32 v16, v8  }
0x1ed: {  	v58 =	vmul.f32 v11, v2;
	v13 =	vmul.f32 v56, v13  }
0x1ee: {  	v14 =	vmul.f32 v59, v15;
	v62 =	vmul.f32 v60, v16  }
0x1ef: {  	v17 =	vmul.f32 v58, v11;
	v61 =	vmul.f32 v13, v4  }
0x1f0: {  	v22 =	vmul.f32 v14, v6;
	v15 =	vsub.f32 $1.500000000e+00, v62  }
0x1f1: {  	v23 =	vmul.f32 v10, v3;
	v63 =	vsub.f32 $1.500000000e+00, v17;
	v21 =	vmul.f32 v61, v13  }
0x1f2: {  	v25 =	vmul.f32 v22, v14;
	v15 =	vmul.f32 v15, v16  }
0x1f3: {  	v11 =	vmul.f32 v63, v11;
	v24 =	vsub.f32 $1.500000000e+00, v21  }
0x1f4: {  	v27 =	vmul.f32 v23, v10;
	v17 =	vsub.f32 $1.500000000e+00, v25;
	v28 =	vmul.f32 v15, v8  }
0x1f5: {  	v26 =	vmul.f32 v11, v2;
	v12 =	vmul.f32 v24, v13  }
0x1f6: {  	v14 =	vmul.f32 v17, v14;
	v30 =	vmul.f32 v28, v15  }
0x1f7: {  	v16 =	vmul.f32 v26, v11;
	v29 =	vmul.f32 v12, v4  }
0x1f8: {  	v13 =	vsub.f32 $1.500000000e+00, v27;
	v17 =	vsub.f32 $1.500000000e+00, v30  }
0x1f9: {  	v32 =	vmul.f32 v14, v6;
	v16 =	vsub.f32 $1.500000000e+00, v16;
	v31 =	vmul.f32 v29, v12  }
0x1fa: {  	v10 =	vmul.f32 v13, v10;
	v15 =	vmul.f32 v17, v15  }
0x1fb: {  	v34 =	vmul.f32 v32, v14;
	v11 =	vmul.f32 v16, v11;
	v33 =	vsub.f32 $1.500000000e+00, v31  }
0x1fc: {  	v36 =	vmul.f32 v10, v3;
	v37 =	vmul.f32 v15, v8  }
0x1fd: {  	v35 =	vmul.f32 v11, v2;
	v12 =	vmul.f32 v33, v12  }
0x1fe: {  	v16 =	vsub.f32 $1.500000000e+00, v34;
	v13 =	vmul.f32 v36, v10;
	v39 =	vmul.f32 v37, v15  }
0x1ff: {  	v17 =	vmul.f32 v35, v11;
	v38 =	vmul.f32 v12, v4  }
0x200: {  	v14 =	vmul.f32 v16, v14;
	v16 =	vsub.f32 $1.500000000e+00, v39  }
0x201: {  	v13 =	vsub.f32 $1.500000000e+00, v13;
	v17 =	vsub.f32 $1.500000000e+00, v17;
	v40 =	vmul.f32 v38, v12  }
0x202: {  	v41 =	vmul.f32 v14, v6;
	v15 =	vmul.f32 v16, v15  }
0x203: {  	v10 =	vmul.f32 v13, v10;
	v11 =	vmul.f32 v17, v11;
	v42 =	vsub.f32 $1.500000000e+00, v40  }
0x204: {  	v43 =	vmul.f32 v41, v14;
	v46 =	vmul.f32 v15, v8  }
0x205: {  	v44 =	vmul.f32 v11, v2;
	v12 =	vmul.f32 v42, v12  }
0x206: {  	v49 =	vmul.f32 v10, v3;
	v45 =	vsub.f32 $1.500000000e+00, v43;
	v48 =	vmul.f32 v46, v15  }
0x207: {  	v16 =	vmul.f32 v44, v11;
	v47 =	vmul.f32 v12, v4  }
0x208: {  	v5 =	vmul.f32 v9, v5;
	v13 =	vmul.f32 v45, v14;
	v14 =	vsub.f32 $1.500000000e+00, v48  }
0x209: {  	v17 =	vmul.f32 v49, v10;
	v16 =	vsub.f32 $1.500000000e+00, v16;
	v18 =	vmul.f32 v47, v12  }
0x20a: {  	v50 =	vmul.f32 v13, v6;
	v14 =	vmul.f32 v14, v15  }
0x20b: {  	v5 =	vmul.f32 v5, v9;
	v11 =	vmul.f32 v16, v11;
	v51 =	vsub.f32 $1.500000000e+00, v18  }
0x20c: {  	v17 =	vsub.f32 $1.500000000e+00, v17;
	v52 =	vmul.f32 v50, v13;
	v56 =	vmul.f32 v14, v8  }
0x20d: {  	v5 =	vsub.f32 $1.500000000e+00, v5;
	v54 =	vmul.f32 v11, v2;
	v12 =	vmul.f32 v51, v12  }
0x20e: {  	v10 =	vmul.f32 v17, v10;
	v55 =	vsub.f32 $1.500000000e+00, v52;
	v59 =	vmul.f32 v56, v14  }
0x20f: {  	v57 =	vmul.f32 v54, v11;
	v58 =	vmul.f32 v12, v4  }
0x210: {  	v5 =	vmul.f32 v5, v9;
	v9 =	vmul.f32 v55, v13;
	v13 =	vsub.f32 $1.500000000e+00, v59  }
0x211: {  	v53 =	vld [tilespmem:s17+$0xA000];
	v63 =	vmul.f32 v10, v3;
	v60 =	vsub.f32 $1.500000000e+00, v57;
	v61 =	vmul.f32 v58, v12  }
0x212: {  	v62 =	vmul.f32 v9, v6;
	v13 =	vmul.f32 v13, v14  }
0x213: {  	v24 =	vmul.f32 v63, v10;
	v11 =	vmul.f32 v60, v11;
	v21 =	vsub.f32 $1.500000000e+00, v61  }
0x214: {  	v22 =	vmul.f32 v62, v9;
	v25 =	vmul.f32 v13, v8  }
0x215: {  	v23 =	vmul.f32 v11, v2;
	v12 =	vmul.f32 v21, v12  }
0x216: {  	v15 =	vmul.f32 v5, v53;
	v17 =	vsub.f32 $1.500000000e+00, v22;
	v27 =	vmul.f32 v25, v13  }
0x217: {  	v16 =	vsub.f32 $1.500000000e+00, v24;
	v14 =	vmul.f32 v23, v11;
	v26 =	vmul.f32 v12, v4  }
0x218: {  	v5 =	vmul.f32 v5, v5;
	v9 =	vmul.f32 v17, v9;
	v17 =	vsub.f32 $1.500000000e+00, v27  }
0x219: {  	v10 =	vmul.f32 v16, v10;
	v14 =	vsub.f32 $1.500000000e+00, v14;
	v29 =	vmul.f32 v26, v12  }
0x21a: {  	v30 =	vmul.f32 v9, v6;
	v13 =	vmul.f32 v17, v13  }
0x21b: {  	v3 =	vmul.f32 v10, v3;
	v11 =	vmul.f32 v14, v11;
	v16 =	vsub.f32 $1.500000000e+00, v29  }
0x21c: {  	v14 =	vmul.f32 v30, v9;
	v32 =	vmul.f32 v13, v8  }
0x21d: {  	v31 =	vmul.f32 v11, v2;
	v12 =	vmul.f32 v16, v12  }
0x21e: {  	v3 =	vmul.f32 v3, v10;
	v14 =	vsub.f32 $1.500000000e+00, v14;
	v16 =	vmul.f32 v32, v13  }
0x21f: {  	v33 =	vmul.f32 v31, v11;
	v34 =	vmul.f32 v12, v4  }
0x220: {  	v28 =	vmul.f32 v15, v7;
	[tilespmem:s17+$0xA000] =	vst v15;
	v9 =	vmul.f32 v14, v9;
	v16 =	vsub.f32 $1.500000000e+00, v16  }
0x221: {  	[tilespmem:s17+$0xC800] =	vst v5;
	v3 =	vsub.f32 $1.500000000e+00, v3;
	v35 =	vsub.f32 $1.500000000e+00, v33;
	v37 =	vmul.f32 v34, v12  }
0x222: {  	[tilespmem:s17+$0xB400] =	vst v28;
	v38 =	vmul.f32 v9, v6;
	v13 =	vmul.f32 v16, v13  }
0x223: {  	v36 =	vld [tilespmem:s7+$0xA000];
	v3 =	vmul.f32 v3, v10;
	v5 =	vmul.f32 v35, v11;
	v39 =	vsub.f32 $1.500000000e+00, v37  }
0x224: {  	v11 =	vmul.f32 v38, v9;
	v41 =	vmul.f32 v13, v8  }
0x225: {  	v40 =	vmul.f32 v5, v2;
	v10 =	vmul.f32 v39, v12  }
0x226: {  	v11 =	vsub.f32 $1.500000000e+00, v11;
	v12 =	vmul.f32 v41, v13  }
0x227: {  	v15 =	vmul.f32 v40, v5;
	v42 =	vmul.f32 v10, v4  }
0x228: {  	v14 =	vmul.f32 v3, v36;
	v9 =	vmul.f32 v11, v9;
	v12 =	vsub.f32 $1.500000000e+00, v12  }
0x229: {  	v3 =	vmul.f32 v3, v3;
	v15 =	vsub.f32 $1.500000000e+00, v15;
	v16 =	vmul.f32 v42, v10  }
0x22a: {  	v44 =	vmul.f32 v9, v6;
	v12 =	vmul.f32 v12, v13  }
0x22b: {  	v43 =	vmul.f32 v14, v7;
	v5 =	vmul.f32 v15, v5;
	v16 =	vsub.f32 $1.500000000e+00, v16  }
0x22c: {  	v45 =	vmul.f32 v44, v9;
	v46 =	vmul.f32 v12, v8  }
0x22d: {  	[tilespmem:s7+$0xA000] =	vst v14;
	v2 =	vmul.f32 v5, v2;
	v10 =	vmul.f32 v16, v10  }
0x22e: {  	[tilespmem:s7+$0xC800] =	vst v3;
	v3 =	vsub.f32 $1.500000000e+00, v45;
	v11 =	vmul.f32 v46, v12  }
0x22f: {  	[tilespmem:s7+$0xB400] =	vst v43;
	v2 =	vmul.f32 v2, v5;
	v48 =	vmul.f32 v10, v4  }
0x230: {  	v47 =	vld [tilespmem:s13+$0xA000];
	v3 =	vmul.f32 v3, v9;
	v11 =	vsub.f32 $1.500000000e+00, v11  }
0x231: {  	v2 =	vsub.f32 $1.500000000e+00, v2;
	v49 =	vmul.f32 v48, v10  }
0x232: {  	v50 =	vmul.f32 v3, v6;
	v11 =	vmul.f32 v11, v12  }
0x233: {  	v2 =	vmul.f32 v2, v5;
	v9 =	vsub.f32 $1.500000000e+00, v49  }
0x234: {  	v5 =	vmul.f32 v50, v3;
	v52 =	vmul.f32 v11, v8  }
0x235: {  	v51 =	vmul.f32 v2, v47;
	v9 =	vmul.f32 v9, v10  }
0x236: {  	v2 =	vmul.f32 v2, v2;
	v5 =	vsub.f32 $1.500000000e+00, v5;
	v10 =	vmul.f32 v52, v11  }
0x237: {  	v13 =	vmul.f32 v51, v7;
	[tilespmem:s13+$0xA000] =	vst v51;
	v53 =	vmul.f32 v9, v4  }
0x238: {  	v3 =	vmul.f32 v5, v3;
	[tilespmem:s13+$0xC800] =	vst v2;
	v54 =	vsub.f32 $1.500000000e+00, v10  }
0x239: {  	[tilespmem:s13+$0xB400] =	vst v13;
	v2 =	vmul.f32 v53, v9  }
0x23a: {  	v56 =	vmul.f32 v3, v6;
	v55 =	vld [tilespmem:s21+$0xA000];
	v4 =	vmul.f32 v54, v11  }
0x23b: {  	v2 =	vsub.f32 $1.500000000e+00, v2  }
0x23c: {  	v10 =	vmul.f32 v56, v3;
	v57 =	vmul.f32 v4, v8  }
0x23d: {  	v2 =	vmul.f32 v2, v9  }
0x23e: {  	v10 =	vsub.f32 $1.500000000e+00, v10;
	v9 =	vmul.f32 v57, v4  }
0x23f: {  	v5 =	vmul.f32 v2, v55  }
0x240: {  	v3 =	vmul.f32 v10, v3;
	v9 =	vsub.f32 $1.500000000e+00, v9  }
0x241: {  	v2 =	vmul.f32 v2, v2;
	v58 =	vmul.f32 v5, v7  }
0x242: {  	[tilespmem:s21+$0xA000] =	vst v5;
	v59 =	vmul.f32 v3, v6;
	v4 =	vmul.f32 v9, v4  }
0x243: {  	[tilespmem:s21+$0xC800] =	vst v2  }
0x244: {  	[tilespmem:s21+$0xB400] =	vst v58;
	v2 =	vmul.f32 v59, v3;
	v61 =	vmul.f32 v4, v8  }
0x245: {  	v60 =	vld [tilespmem:s8+$0xA000]  }
0x246: {  	v2 =	vsub.f32 $1.500000000e+00, v2;
	v6 =	vmul.f32 v61, v4;
	_ =	sdelay $0x1  }
0x247: {  	v2 =	vmul.f32 v2, v3;
	v3 =	vsub.f32 $1.500000000e+00, v6;
	_ =	sdelay $0x1  }
0x248: {  	v5 =	vmul.f32 v2, v60;
	v3 =	vmul.f32 v3, v4  }
0x249: {  	v2 =	vmul.f32 v2, v2  }
0x24a: {  	v62 =	vmul.f32 v5, v7;
	[tilespmem:s8+$0xA000] =	vst v5;
	v63 =	vmul.f32 v3, v8  }
0x24b: {  	[tilespmem:s8+$0xC800] =	vst v2  }
0x24c: {  	[tilespmem:s8+$0xB400] =	vst v62;
	v2 =	vmul.f32 v63, v3  }
0x24d: {  	v4 =	vld [tilespmem:s18+$0xA000]  }
0x24e: {  	v2 =	vsub.f32 $1.500000000e+00, v2;
	_ =	sdelay $0x1  }
0x24f: {  	v2 =	vmul.f32 v2, v3;
	_ =	sdelay $0x1  }
0x250: {  	v3 =	vmul.f32 v2, v4  }
0x251: {  	v2 =	vmul.f32 v2, v2  }
0x252: {  	v4 =	vmul.f32 v3, v7;
	[tilespmem:s18+$0xA000] =	vst v3  }
0x253: {  	s4 =	simm.s32 $0x0;
	[tilespmem:s18+$0xC800] =	vst v2  }
0x254: {  	s6 =	rddreg [dreg:$0xe];
	s17 =	simm.s32 $0x16;
	s21 =	simm.s32 $0xA000;
	[tilespmem:s18+$0xB400] =	vst v4  }
0x255: {  	[hbm4b:s6+s4] =	stream.linear.scatter [tilespmem:s21], [sflag:$0x16], $0x1400, $0x38;
	[tilespmem:$0x15500] =	vst v63  }
0x256: {  	_ =	swait.ge [sflag:s17], $0x1400  }
0x257: {  	[sflag:s17] =	ssyncset.done $0x0  }
0x258: {  	[sflag:s17] =	ssyncadd.s32 $0xFFFFEC00  }
0x259: {  	s6 =	simm.s32 @!p0 $0x100000;
	[bflag:$0x0] =	sbarrier.arrive $0xFFFF  }
0x25a: {  	[smem:s6], [sflag:$0x0] =	smem.add.s32 @!p0 $0x0;
	s6 =	simm.s32 @!p0 $0x0  }
0x25b: {  	_ =	swait.done @!p0 [sflag:s6]  }
0x25c: {  	s7 =	ssyncread @!p0 [sflag:$0x0];
	_ =	sdelay $0x1  }
0x25d: {  	s8 =	rddreg [dreg:$0xa]  }
0x25e: {  	s7 =	sadd.s32 @!p0 s8, s7  }
0x25f: {  	s7 =	sshll.u32 @!p0 s7, $0x11  }
0x260: {  	[sflag:s6] =	ssyncset.s32 @!p0 $0x0;
	s7 =	sor.u32 @!p0 s7, s0  }
0x261: {  	[sflag:s6] =	ssyncset.done @!p0 $0x0;
	s6 =	sor.u32 @!p0 $0x1C15, s7  }
0x262: {  	[sflag:s6] =	ssyncadd.remote.s32 @!p0 $0x1;
	s6 =	simm.s32 @!p0 $0x15  }
0x263: {  	_ =	swait.ge @!p0 [sflag:s6], $0x1  }
0x264: {  	[sflag:s6] =	ssyncset.done @!p0 $0x0  }
0x265: {  	[sflag:s6] =	ssyncadd.s32 @!p0 $0xFFFFFFFF  }
0x266: {  	[bflag:$0x0] =	sbarrier.arrive $0xFFFF  }
0x267: {  	s7 =	simm.s32 $0x0;
	[dreg:$0x14] =	wrdreg s0  }
.LBB2_15:
0x268: {  	s18 =	simm.s32 $0x5000;
	s0 =	simm.s32 $0x0  }
0x269: {  	[tilespmem:s18], [sflag:$0x1] =	stream.indirect.gather [hbm4b:s5+s23], $0x10, s0, s23, $0xb8;
	[tilespmem:$0x15500] =	vst v63  }
0x26a: {  	[dreg:$0x15] =	wrdreg s7;
	s7 =	simm.s32 $0x5800  }
0x26b: {  	[tilespmem:s7], [sflag:$0x2] =	stream.indirect.gather [hbm4b:s5+s23], $0x10, s23, s23, $0xb8;
	[tilespmem:$0x15500] =	vst v63  }
0x26c: {  	s6 =	simm.s32 $0x100;
	s21 =	simm.s32 $0x6000  }
0x26d: {  	[tilespmem:s21], [sflag:$0x3] =	stream.indirect.gather [hbm4b:s5+s23], $0x10, s6, s23, $0xb8;
	[tilespmem:$0x15500] =	vst v63  }
0x26e: {  	s15 =	simm.s32 $0x180;
	s8 =	simm.s32 $0x6800  }
0x26f: {  	[tilespmem:s8], [sflag:$0x4] =	stream.indirect.gather [hbm4b:s5+s23], $0x10, s15, s23, $0xb8;
	[tilespmem:$0x15500] =	vst v63  }
0x270: {  	s0 =	simm.s32 $0x200  }
0x271: {  	[tilespmem:s31], [sflag:$0x5] =	stream.indirect.gather [hbm4b:s5+s23], $0x10, s0, s23, $0xb8;
	[tilespmem:$0x15500] =	vst v63  }
0x272: {  	s4 =	simm.s32 $0x280;
	s0 =	simm.s32 $0x7800  }
0x273: {  	[tilespmem:s0], [sflag:$0x6] =	stream.indirect.gather [hbm4b:s5+s23], $0x10, s4, s23, $0xb8;
	[tilespmem:$0x15500] =	vst v63  }
0x274: {  	s13 =	simm.s32 $0x300;
	s4 =	simm.s32 $0x8000  }
0x275: {  	[tilespmem:s4], [sflag:$0x7] =	stream.indirect.gather [hbm4b:s5+s23], $0x10, s13, s23, $0xb8;
	[tilespmem:$0x15500] =	vst v63  }
0x276: {  	s15 =	simm.s32 $0x380  }
0x277: {  	[tilespmem:s9], [sflag:$0x8] =	stream.indirect.gather [hbm4b:s5+s23], $0x10, s15, s23, $0xb8;
	[tilespmem:$0x15500] =	vst v63  }
0x278: {  	s13 =	simm.s32 $0x400  }
0x279: {  	[tilespmem:s14], [sflag:$0x9] =	stream.indirect.gather [hbm4b:s5+s23], $0x10, s13, s23, $0xb8;
	[tilespmem:$0x15500] =	vst v63  }
0x27a: {  	s15 =	simm.s32 $0x480;
	s13 =	simm.s32 $0x0  }
0x27b: {  	[tilespmem:s16], [sflag:$0xA] =	stream.indirect.gather [hbm4b:s5+s23], $0x10, s15, s23, $0xb8;
	[tilespmem:$0x15500] =	vst v63  }
.LBB2_16:
0x27c: {  	_ =	swait.ge [sflag:s26], $0x800  }
0x27d: {  	s15 =	sshra.s32 s13, $0x2;
	[sflag:s26] =	ssyncset.done $0x0  }
0x27e: {  	s6 =	sadd.s32 $0x2800, s15;
	[sflag:s26] =	ssyncadd.s32 $0xFFFFF800  }
0x27f: {  	[spmem:s3] =	stream.indirect.scatter.add.f32 [tilespmem:s18], [sflag:$0xB], $0x10, s6, s23, $0xb8;
	[tilespmem:$0x15500] =	vst v63  }
0x280: {  	_ =	swait.ge [sflag:s28], $0x800  }
0x281: {  	[sflag:s28] =	ssyncset.done $0x0  }
0x282: {  	s6 =	sadd.s32 $0x2880, s15;
	[sflag:s28] =	ssyncadd.s32 $0xFFFFF800  }
0x283: {  	[spmem:s3] =	stream.indirect.scatter.add.f32 [tilespmem:s7], [sflag:$0xC], $0x10, s6, s23, $0xb8;
	[tilespmem:$0x15500] =	vst v63  }
0x284: {  	_ =	swait.ge [sflag:s29], $0x800  }
0x285: {  	[sflag:s29] =	ssyncset.done $0x0  }
0x286: {  	s6 =	sadd.s32 $0x2900, s15;
	[sflag:s29] =	ssyncadd.s32 $0xFFFFF800  }
0x287: {  	[spmem:s3] =	stream.indirect.scatter.add.f32 [tilespmem:s21], [sflag:$0xD], $0x10, s6, s23, $0xb8;
	[tilespmem:$0x15500] =	vst v63  }
0x288: {  	_ =	swait.ge [sflag:s30], $0x800  }
0x289: {  	[sflag:s30] =	ssyncset.done $0x0  }
0x28a: {  	s6 =	sadd.s32 $0x2980, s15;
	[sflag:s30] =	ssyncadd.s32 $0xFFFFF800  }
0x28b: {  	[spmem:s3] =	stream.indirect.scatter.add.f32 [tilespmem:s8], [sflag:$0xE], $0x10, s6, s23, $0xb8;
	[tilespmem:$0x15500] =	vst v63  }
0x28c: {  	s6 =	simm.s32 $0x5  }
0x28d: {  	_ =	swait.ge [sflag:s6], $0x800  }
0x28e: {  	[sflag:s6] =	ssyncset.done $0x0  }
0x28f: {  	[sflag:s6] =	ssyncadd.s32 $0xFFFFF800;
	s6 =	sadd.s32 $0x2A00, s15  }
0x290: {  	[spmem:s3] =	stream.indirect.scatter.add.f32 [tilespmem:s31], [sflag:$0xF], $0x10, s6, s23, $0xb8;
	[tilespmem:$0x15500] =	vst v63  }
0x291: {  	s6 =	simm.s32 $0x6  }
0x292: {  	_ =	swait.ge [sflag:s6], $0x800  }
0x293: {  	[sflag:s6] =	ssyncset.done $0x0  }
0x294: {  	[sflag:s6] =	ssyncadd.s32 $0xFFFFF800;
	s6 =	sadd.s32 $0x2A80, s15  }
0x295: {  	[spmem:s3] =	stream.indirect.scatter.add.f32 [tilespmem:s0], [sflag:$0x10], $0x10, s6, s23, $0xb8;
	[tilespmem:$0x15500] =	vst v63  }
0x296: {  	s6 =	simm.s32 $0x7  }
0x297: {  	_ =	swait.ge [sflag:s6], $0x800  }
0x298: {  	[sflag:s6] =	ssyncset.done $0x0  }
0x299: {  	[sflag:s6] =	ssyncadd.s32 $0xFFFFF800;
	s6 =	sadd.s32 $0x2B00, s15  }
0x29a: {  	[spmem:s3] =	stream.indirect.scatter.add.f32 [tilespmem:s4], [sflag:$0x11], $0x10, s6, s23, $0xb8;
	[tilespmem:$0x15500] =	vst v63  }
0x29b: {  	s6 =	simm.s32 $0x8  }
0x29c: {  	_ =	swait.ge [sflag:s6], $0x800  }
0x29d: {  	[sflag:s6] =	ssyncset.done $0x0  }
0x29e: {  	[sflag:s6] =	ssyncadd.s32 $0xFFFFF800;
	s6 =	sadd.s32 $0x2B80, s15  }
0x29f: {  	[spmem:s3] =	stream.indirect.scatter.add.f32 [tilespmem:s9], [sflag:$0x12], $0x10, s6, s23, $0xb8;
	[tilespmem:$0x15500] =	vst v63  }
0x2a0: {  	s6 =	simm.s32 $0x9  }
0x2a1: {  	_ =	swait.ge [sflag:s6], $0x800  }
0x2a2: {  	[sflag:s6] =	ssyncset.done $0x0  }
0x2a3: {  	[sflag:s6] =	ssyncadd.s32 $0xFFFFF800;
	s6 =	sadd.s32 $0x2C00, s15  }
0x2a4: {  	[spmem:s3] =	stream.indirect.scatter.add.f32 [tilespmem:s14], [sflag:$0x13], $0x10, s6, s23, $0xb8;
	[tilespmem:$0x15500] =	vst v63  }
0x2a5: {  	s6 =	simm.s32 $0xA  }
0x2a6: {  	_ =	swait.ge [sflag:s6], $0x800  }
0x2a7: {  	p2 =	seq.s32 s13, $0x8C00;
	[sflag:s6] =	ssyncset.done $0x0  }
.Ltmp8:
0x2a8: {  	[sflag:s6] =	ssyncadd.s32 $0xFFFFF800;
	s6 =	sadd.s32 $0x2C80, s15;
	(pc) =	sbr.rel @p2 .LBB2_18-.Ltmp8, $4  }
0x2a9: {  	[spmem:s3] =	stream.indirect.scatter.add.f32 [tilespmem:s16], [sflag:$0x14], $0x10, s6, s23, $0xb8;
	[tilespmem:$0x15500] =	vst v63  }
0x2aa: {  	_ =	swait.ge [sflag:s25], $0x800  }
0x2ab: {  	[sflag:s25] =	ssyncset.done $0x0  }
0x2ac: {  	[sflag:s25] =	ssyncadd.s32 $0xFFFFF800  }
0x2ad: {  	s6 =	sadd.s32 $0x500, s15  }
0x2ae: {  	[tilespmem:s18], [sflag:$0x1] =	stream.indirect.gather [hbm4b:s5+s23], $0x10, s6, s23, $0xb8;
	[tilespmem:$0x15500] =	vst v63  }
0x2af: {  	s6 =	simm.s32 $0xC  }
0x2b0: {  	_ =	swait.ge [sflag:s6], $0x800  }
0x2b1: {  	[sflag:s6] =	ssyncset.done $0x0  }
0x2b2: {  	[sflag:s6] =	ssyncadd.s32 $0xFFFFF800;
	s6 =	sadd.s32 $0x580, s15  }
0x2b3: {  	[tilespmem:s7], [sflag:$0x2] =	stream.indirect.gather [hbm4b:s5+s23], $0x10, s6, s23, $0xb8;
	[tilespmem:$0x15500] =	vst v63  }
0x2b4: {  	_ =	swait.ge [sflag:s22], $0x800  }
0x2b5: {  	[sflag:s22] =	ssyncset.done $0x0  }
0x2b6: {  	s6 =	sadd.s32 $0x600, s15;
	[sflag:s22] =	ssyncadd.s32 $0xFFFFF800  }
0x2b7: {  	[tilespmem:s21], [sflag:$0x3] =	stream.indirect.gather [hbm4b:s5+s23], $0x10, s6, s23, $0xb8;
	[tilespmem:$0x15500] =	vst v63  }
0x2b8: {  	_ =	swait.ge [sflag:s10], $0x800  }
0x2b9: {  	[sflag:s10] =	ssyncset.done $0x0  }
0x2ba: {  	s6 =	sadd.s32 $0x680, s15;
	[sflag:s10] =	ssyncadd.s32 $0xFFFFF800  }
0x2bb: {  	[tilespmem:s8], [sflag:$0x4] =	stream.indirect.gather [hbm4b:s5+s23], $0x10, s6, s23, $0xb8;
	[tilespmem:$0x15500] =	vst v63  }
0x2bc: {  	_ =	swait.ge [sflag:s11], $0x800  }
0x2bd: {  	[sflag:s11] =	ssyncset.done $0x0  }
0x2be: {  	s6 =	sadd.s32 $0x700, s15;
	[sflag:s11] =	ssyncadd.s32 $0xFFFFF800  }
0x2bf: {  	[tilespmem:s31], [sflag:$0x5] =	stream.indirect.gather [hbm4b:s5+s23], $0x10, s6, s23, $0xb8;
	[tilespmem:$0x15500] =	vst v63  }
0x2c0: {  	_ =	swait.ge [sflag:s12], $0x800  }
0x2c1: {  	[sflag:s12] =	ssyncset.done $0x0  }
0x2c2: {  	s6 =	sadd.s32 $0x780, s15;
	[sflag:s12] =	ssyncadd.s32 $0xFFFFF800  }
0x2c3: {  	[tilespmem:s0], [sflag:$0x6] =	stream.indirect.gather [hbm4b:s5+s23], $0x10, s6, s23, $0xb8;
	[tilespmem:$0x15500] =	vst v63  }
0x2c4: {  	_ =	swait.ge [sflag:s19], $0x800  }
0x2c5: {  	[sflag:s19] =	ssyncset.done $0x0  }
0x2c6: {  	s6 =	sadd.s32 $0x800, s15;
	[sflag:s19] =	ssyncadd.s32 $0xFFFFF800  }
0x2c7: {  	[tilespmem:s4], [sflag:$0x7] =	stream.indirect.gather [hbm4b:s5+s23], $0x10, s6, s23, $0xb8;
	[tilespmem:$0x15500] =	vst v63  }
0x2c8: {  	_ =	swait.ge [sflag:s1], $0x800  }
0x2c9: {  	[sflag:s1] =	ssyncset.done $0x0  }
0x2ca: {  	s6 =	sadd.s32 $0x880, s15;
	[sflag:s1] =	ssyncadd.s32 $0xFFFFF800  }
0x2cb: {  	[tilespmem:s9], [sflag:$0x8] =	stream.indirect.gather [hbm4b:s5+s23], $0x10, s6, s23, $0xb8;
	[tilespmem:$0x15500] =	vst v63  }
0x2cc: {  	_ =	swait.ge [sflag:s20], $0x800  }
0x2cd: {  	[sflag:s20] =	ssyncset.done $0x0  }
0x2ce: {  	s6 =	sadd.s32 $0x900, s15;
	[sflag:s20] =	ssyncadd.s32 $0xFFFFF800  }
0x2cf: {  	[tilespmem:s14], [sflag:$0x9] =	stream.indirect.gather [hbm4b:s5+s23], $0x10, s6, s23, $0xb8;
	[tilespmem:$0x15500] =	vst v63  }
.Ltmp9:
0x2d0: {  	_ = 	snop;
	(pc) =	sbr.rel .LBB2_16-.Ltmp9, $4  }
0x2d1: {  	_ =	swait.ge [sflag:s2], $0x800  }
0x2d2: {  	[sflag:s2] =	ssyncset.done $0x0  }
0x2d3: {  	s13 =	sadd.s32 $0x1400, s13;
	s15 =	sadd.s32 $0x980, s15;
	[sflag:s2] =	ssyncadd.s32 $0xFFFFF800  }
0x2d4: {  	[tilespmem:s16], [sflag:$0xA] =	stream.indirect.gather [hbm4b:s5+s23], $0x10, s15, s23, $0xb8;
	[tilespmem:$0x15500] =	vst v63  }
.LBB2_18:
0x2d5: {  	s0 =	simm.s32 $0xC  }
0x2d6: {  	_ =	swait.ge [sflag:s0], $0x800  }
0x2d7: {  	[sflag:s0] =	ssyncset.done $0x0  }
0x2d8: {  	[sflag:s0] =	ssyncadd.s32 $0xFFFFF800  }
0x2d9: {  	_ =	swait.ge [sflag:s22], $0x800  }
0x2da: {  	[sflag:s22] =	ssyncset.done $0x0  }
0x2db: {  	[sflag:s22] =	ssyncadd.s32 $0xFFFFF800  }
0x2dc: {  	_ =	swait.ge [sflag:s10], $0x800  }
0x2dd: {  	[sflag:s10] =	ssyncset.done $0x0  }
0x2de: {  	[sflag:s10] =	ssyncadd.s32 $0xFFFFF800  }
0x2df: {  	_ =	swait.ge [sflag:s11], $0x800  }
0x2e0: {  	[sflag:s11] =	ssyncset.done $0x0  }
0x2e1: {  	[sflag:s11] =	ssyncadd.s32 $0xFFFFF800  }
0x2e2: {  	_ =	swait.ge [sflag:s12], $0x800  }
0x2e3: {  	[sflag:s12] =	ssyncset.done $0x0  }
0x2e4: {  	[sflag:s12] =	ssyncadd.s32 $0xFFFFF800  }
0x2e5: {  	_ =	swait.ge [sflag:s19], $0x800  }
0x2e6: {  	[sflag:s19] =	ssyncset.done $0x0  }
0x2e7: {  	[sflag:s19] =	ssyncadd.s32 $0xFFFFF800  }
0x2e8: {  	_ =	swait.ge [sflag:s1], $0x800  }
0x2e9: {  	[sflag:s1] =	ssyncset.done $0x0  }
0x2ea: {  	[sflag:s1] =	ssyncadd.s32 $0xFFFFF800  }
0x2eb: {  	_ =	swait.ge [sflag:s20], $0x800  }
0x2ec: {  	[sflag:s20] =	ssyncset.done $0x0  }
0x2ed: {  	[sflag:s20] =	ssyncadd.s32 $0xFFFFF800  }
0x2ee: {  	_ =	swait.ge [sflag:s2], $0x800  }
0x2ef: {  	[sflag:s2] =	ssyncset.done $0x0  }
0x2f0: {  	[sflag:s2] =	ssyncadd.s32 $0xFFFFF800  }
0x2f1: {  	[bflag:$0x0] =	sbarrier.arrive $0xFFFF  }
0x2f2: {  	s7 =	rddreg [dreg:$0x12]  }
0x2f3: {  	s4 =	rddreg [dreg:$0x13]  }
0x2f4: {  	s6 =	rddreg [dreg:$0x7]  }
0x2f5: {  	[hbm:s6], [sflag:s7] =	dma.local [spmem:s4], $0x280  }
0x2f6: {  	s6 =	rddreg [dreg:$0x9]  }
0x2f7: {  	[tilespmem:s24], [sflag:$0x2] =	stream.linear.gather [spmem:s6], $0x1400, $0x38;
	[tilespmem:$0x15500] =	vst v63  }
0x2f8: {  	_ =	swait.ge [sflag:s26], $0x280  }
0x2f9: {  	[sflag:s26] =	ssyncset.done $0x0  }
0x2fa: {  	[sflag:s26] =	ssyncadd.s32 $0xFFFFFD80  }
0x2fb: {  	_ =	swait.ge [sflag:s28], $0x1400  }
0x2fc: {  	[sflag:s28] =	ssyncset.done $0x0  }
0x2fd: {  	s13 =	simm.s32 $0x10400;
	[sflag:s28] =	ssyncadd.s32 $0xFFFFEC00  }
0x2fe: {  	[spmem:s6] =	stream.linear.scatter [tilespmem:s13], [sflag:$0x3], $0x1400, $0x38;
	[tilespmem:$0x15500] =	vst v63  }
0x2ff: {  	s8 =	rddreg [dreg:$0x8]  }
0x300: {  	[spmem:s8] =	stream.linear.scatter [tilespmem:s13], [sflag:$0x4], $0x1400, $0x38;
	[tilespmem:$0x15500] =	vst v63  }
0x301: {  	_ =	swait.ge [sflag:s29], $0x1400  }
0x302: {  	[sflag:s29] =	ssyncset.done $0x0  }
0x303: {  	[sflag:s29] =	ssyncadd.s32 $0xFFFFEC00  }
0x304: {  	_ =	swait.ge [sflag:s30], $0x1400  }
0x305: {  	[sflag:s30] =	ssyncset.done $0x0  }
0x306: {  	[sflag:s30] =	ssyncadd.s32 $0xFFFFEC00  }
0x307: {  	s6 =	simm.s32 @!p0 $0x100000;
	[bflag:$0x0] =	sbarrier.arrive $0xFFFF  }
0x308: {  	[smem:s6], [sflag:$0x0] =	smem.add.s32 @!p0 $0x0;
	s6 =	simm.s32 @!p0 $0x0  }
0x309: {  	_ =	swait.done @!p0 [sflag:s6]  }
0x30a: {  	s13 =	ssyncread @!p0 [sflag:$0x0];
	_ =	sdelay $0x1  }
0x30b: {  	s15 =	rddreg [dreg:$0xa]  }
0x30c: {  	s13 =	sadd.s32 @!p0 s15, s13  }
0x30d: {  	s0 =	rddreg [dreg:$0x14];
	s13 =	sshll.u32 @!p0 s13, $0x11  }
0x30e: {  	[sflag:s6] =	ssyncset.s32 @!p0 $0x0;
	s13 =	sor.u32 @!p0 s13, s0  }
0x30f: {  	[sflag:s6] =	ssyncset.done @!p0 $0x0;
	s6 =	sor.u32 @!p0 $0x1C15, s13  }
0x310: {  	[sflag:s6] =	ssyncadd.remote.s32 @!p0 $0x1;
	s6 =	simm.s32 @!p0 $0x15  }
0x311: {  	_ =	swait.ge @!p0 [sflag:s6], $0x1  }
0x312: {  	[sflag:s6] =	ssyncset.done @!p0 $0x0  }
0x313: {  	[sflag:s6] =	ssyncadd.s32 @!p0 $0xFFFFFFFF  }
0x314: {  	[bflag:$0x0] =	sbarrier.arrive $0xFFFF  }
0x315: {  	s18 =	simm.s32 $0xF000;
	s13 =	simm.s32 $0x0;
	s15 =	rddreg [dreg:$0xc]  }
0x316: {  	[tilespmem:s18], [sflag:$0x16] =	stream.linear.gather [hbm4b:s15+s13], $0x1400, $0x38;
	[tilespmem:$0x15500] =	vst v63  }
0x317: {  	_ =	swait.ge [sflag:s17], $0x1400  }
0x318: {  	[sflag:s17] =	ssyncset.done $0x0  }
0x319: {  	s13 =	simm.s32 $0x0;
	[sflag:s17] =	ssyncadd.s32 $0xFFFFEC00  }
0x31a: {  	v5 =	vld [tilespmem:s13+$0xDC00]  }
0x31b: {  	v6 =	vld [tilespmem:s13+$0xF000]  }
0x31c: {  	s7 =	rddreg [dreg:$0x15]  }
0x31d: {  	s7 =	sadd.s32 $0x1, s7;
	v4 =	vld [tilespmem:s13+$0xA000]  }
0x31e: {  	s21 =	sshll.u32 s7, $0x4  }
0x31f: {  	v3 =	vld [tilespmem:s13+$0xC800];
	s6 =	sand.u32 $0x3FFFFFF0, s21  }
0x320: {  	s15 =	simm.s32 $0x40;
	s17 =	simm.s32 $0x80;
	v2 =	vld [tilespmem:s6+$0x12C00];
	v5 =	vadd.f32 v6, v5  }
.LBB2_19:
0x321: {  	p2 =	sne.s32 s17, $0x4FC0  }
0x322: {  	v4 =	vadd.f32 v4, v5  }
0x323: {  	s6 =	sshra.s32 s15, $0x2;
	s15 =	smov.u32 s17;
	v5 =	vld [tilespmem:s13+$0xB400]  }
0x324: {  	v6 =	vld [tilespmem:s6+$0xDC00];
	v3 =	vmul.f32 v4, v3  }
0x325: {  	v7 =	vld [tilespmem:s6+$0xF000]  }
.Ltmp10:
0x326: {  	v8 =	vmul.f32 v3, v2;
	[tilespmem:s13+$0xA000] =	vst v3;
	(pc) =	sbr.rel @p2 .LBB2_19-.Ltmp10, $4  }
0x327: {  	v4 =	vld [tilespmem:s6+$0xA000]  }
0x328: {  	v8 =	vadd.f32 v8, v5  }
0x329: {  	v3 =	vld [tilespmem:s6+$0xC800]  }
0x32a: {  	s17 =	sadd.s32 $0x40, s17;
	v5 =	vadd.f32 v7, v6;
	[tilespmem:s13+$0xB400] =	vst v8;
	s13 =	smov.u32 s6  }
0x32b: {  	_ = 	snop  }
0x32c: {  	v4 =	vadd.f32 v4, v5  }
0x32d: {  	s6 =	sshra.s32 s15, $0x2;
	v61 =	vld [tilespmem:s13+$0xB400]  }
0x32e: {  	v6 =	vld [tilespmem:s6+$0xDC00];
	v3 =	vmul.f32 v4, v3  }
0x32f: {  	v62 =	vld [tilespmem:s6+$0xF000]  }
0x330: {  	[tilespmem:s13+$0xA000] =	vst v3  }
0x331: {  	v7 =	vld [tilespmem:s6+$0xA000]  }
0x332: {  	v3 =	vmul.f32 v3, v2  }
0x333: {  	v8 =	vld [tilespmem:s6+$0xC800]  }
0x334: {  	v4 =	vadd.f32 v62, v6;
	v3 =	vadd.f32 v3, v61;
	_ =	sdelay $0x1  }
0x335: {  	[tilespmem:s13+$0xB400] =	vst v3;
	v3 =	vadd.f32 v7, v4  }
0x336: {  	v63 =	vld [tilespmem:s6+$0xB400]  }
0x337: {  	v3 =	vmul.f32 v3, v8;
	_ =	sdelay $0x1  }
0x338: {  	v2 =	vmul.f32 v3, v2;
	_ =	sdelay $0x1  }
0x339: {  	v2 =	vadd.f32 v2, v63  }
0x33a: {  	s18 =	rddreg [dreg:$0xe];
	[tilespmem:s6+$0xA000] =	vst v3  }
0x33b: {  	s21 =	simm.s32 $0xA000;
	s4 =	simm.s32 $0x0;
	s17 =	simm.s32 $0x16;
	[tilespmem:s6+$0xB400] =	vst v2  }
0x33c: {  	[hbm4b:s18+s4] =	stream.linear.scatter [tilespmem:s21], [sflag:$0x16], $0x1400, $0x38;
	[tilespmem:$0x15500] =	vst v63  }
0x33d: {  	_ =	swait.ge [sflag:s17], $0x1400  }
0x33e: {  	[sflag:s17] =	ssyncset.done $0x0  }
0x33f: {  	[sflag:s17] =	ssyncadd.s32 $0xFFFFEC00  }
0x340: {  	s6 =	simm.s32 @!p0 $0x100000;
	[bflag:$0x0] =	sbarrier.arrive $0xFFFF  }
0x341: {  	[smem:s6], [sflag:$0x0] =	smem.add.s32 @!p0 $0x0;
	s6 =	simm.s32 @!p0 $0x0  }
0x342: {  	_ =	swait.done @!p0 [sflag:s6]  }
0x343: {  	s13 =	ssyncread @!p0 [sflag:$0x0];
	_ =	sdelay $0x1  }
0x344: {  	s15 =	rddreg [dreg:$0xa]  }
0x345: {  	s13 =	sadd.s32 @!p0 s15, s13  }
0x346: {  	s13 =	sshll.u32 @!p0 s13, $0x11  }
0x347: {  	[sflag:s6] =	ssyncset.s32 @!p0 $0x0;
	s13 =	sor.u32 @!p0 s13, s0  }
0x348: {  	[sflag:s6] =	ssyncset.done @!p0 $0x0;
	s6 =	sor.u32 @!p0 $0x1C15, s13  }
0x349: {  	p2 =	sne.s32 s7, $0xA;
	[sflag:s6] =	ssyncadd.remote.s32 @!p0 $0x1;
	s6 =	simm.s32 @!p0 $0x15  }
.Ltmp11:
0x34a: {  	_ =	swait.ge @!p0 [sflag:s6], $0x1;
	(pc) =	sbr.rel @p2 .LBB2_15-.Ltmp11, $3  }
0x34b: {  	[sflag:s6] =	ssyncset.done @!p0 $0x0  }
0x34c: {  	[sflag:s6] =	ssyncadd.s32 @!p0 $0xFFFFFFFF  }
0x34d: {  	[bflag:$0x0] =	sbarrier.arrive $0xFFFF;
	_ =	sdelay $0x1  }
0x34e: {  	s13 =	simm.s32 $0x0  }
0x34f: {  	v2 =	vld [tilespmem:s13+$0xC800];
	_ =	sdelay $0x4  }
0x350: {  	v5 =	vmul.f32 $5.000000000e-01, v2;
	_ =	sdelay $0x1  }
0x351: {  	v2 =	vsub.f32 $1.500000000e+00, v5;
	_ =	sdelay $0x1  }
0x352: {  	v3 =	vmul.f32 v2, v5;
	_ =	sdelay $0x1  }
0x353: {  	v3 =	vmul.f32 v3, v2;
	_ =	sdelay $0x1  }
0x354: {  	v3 =	vsub.f32 $1.500000000e+00, v3;
	_ =	sdelay $0x1  }
0x355: {  	v2 =	vmul.f32 v3, v2;
	_ =	sdelay $0x1  }
0x356: {  	v3 =	vmul.f32 v2, v5;
	_ =	sdelay $0x1  }
0x357: {  	v3 =	vmul.f32 v3, v2;
	_ =	sdelay $0x1  }
0x358: {  	v3 =	vsub.f32 $1.500000000e+00, v3;
	_ =	sdelay $0x1  }
0x359: {  	v2 =	vmul.f32 v3, v2;
	_ =	sdelay $0x1  }
0x35a: {  	v3 =	vmul.f32 v2, v5;
	_ =	sdelay $0x1  }
0x35b: {  	v3 =	vmul.f32 v3, v2  }
0x35c: {  	s7 =	simm.s32 $0x10  }
0x35d: {  	v4 =	vld [tilespmem:s7+$0xC800];
	v3 =	vsub.f32 $1.500000000e+00, v3;
	_ =	sdelay $0x1  }
0x35e: {  	v2 =	vmul.f32 v3, v2;
	_ =	sdelay $0x1  }
0x35f: {  	v3 =	vmul.f32 v2, v5  }
0x360: {  	v4 =	vmul.f32 $5.000000000e-01, v4  }
0x361: {  	v3 =	vmul.f32 v3, v2  }
0x362: {  	v6 =	vsub.f32 $1.500000000e+00, v4  }
0x363: {  	v3 =	vsub.f32 $1.500000000e+00, v3  }
0x364: {  	v7 =	vmul.f32 v6, v4  }
0x365: {  	v2 =	vmul.f32 v3, v2  }
0x366: {  	v3 =	vmul.f32 v7, v6  }
0x367: {  	v7 =	vmul.f32 v2, v5  }
0x368: {  	v3 =	vsub.f32 $1.500000000e+00, v3  }
0x369: {  	v7 =	vmul.f32 v7, v2  }
0x36a: {  	v3 =	vmul.f32 v3, v6  }
0x36b: {  	v6 =	vsub.f32 $1.500000000e+00, v7  }
0x36c: {  	v7 =	vmul.f32 v3, v4  }
0x36d: {  	v2 =	vmul.f32 v6, v2  }
0x36e: {  	v6 =	vmul.f32 v7, v3  }
0x36f: {  	v7 =	vmul.f32 v2, v5  }
0x370: {  	v6 =	vsub.f32 $1.500000000e+00, v6  }
0x371: {  	v7 =	vmul.f32 v7, v2  }
0x372: {  	v3 =	vmul.f32 v6, v3  }
0x373: {  	v6 =	vsub.f32 $1.500000000e+00, v7  }
0x374: {  	v7 =	vmul.f32 v3, v4  }
0x375: {  	v2 =	vmul.f32 v6, v2  }
0x376: {  	v6 =	vmul.f32 v7, v3  }
0x377: {  	v7 =	vmul.f32 v2, v5  }
0x378: {  	s17 =	simm.s32 $0x20;
	v6 =	vsub.f32 $1.500000000e+00, v6  }
0x379: {  	v8 =	vld [tilespmem:s17+$0xC800];
	v7 =	vmul.f32 v7, v2  }
0x37a: {  	v3 =	vmul.f32 v6, v3  }
0x37b: {  	v6 =	vsub.f32 $1.500000000e+00, v7  }
0x37c: {  	v7 =	vmul.f32 v3, v4  }
0x37d: {  	v6 =	vmul.f32 v6, v2  }
0x37e: {  	v2 =	vmul.f32 $5.000000000e-01, v8;
	v7 =	vmul.f32 v7, v3  }
0x37f: {  	v8 =	vmul.f32 v6, v5  }
0x380: {  	v9 =	vsub.f32 $1.500000000e+00, v2;
	v7 =	vsub.f32 $1.500000000e+00, v7  }
0x381: {  	v8 =	vmul.f32 v8, v6  }
0x382: {  	v10 =	vmul.f32 v9, v2;
	v3 =	vmul.f32 v7, v3  }
0x383: {  	v7 =	vsub.f32 $1.500000000e+00, v8  }
0x384: {  	v8 =	vmul.f32 v10, v9;
	v10 =	vmul.f32 v3, v4  }
0x385: {  	v6 =	vmul.f32 v7, v6  }
0x386: {  	v7 =	vsub.f32 $1.500000000e+00, v8;
	v8 =	vmul.f32 v10, v3  }
0x387: {  	v10 =	vmul.f32 v6, v5  }
0x388: {  	v7 =	vmul.f32 v7, v9;
	v8 =	vsub.f32 $1.500000000e+00, v8  }
0x389: {  	v9 =	vmul.f32 v10, v6  }
0x38a: {  	v10 =	vmul.f32 v7, v2;
	v3 =	vmul.f32 v8, v3  }
0x38b: {  	v8 =	vsub.f32 $1.500000000e+00, v9  }
0x38c: {  	v9 =	vmul.f32 v10, v7;
	v10 =	vmul.f32 v3, v4  }
0x38d: {  	v6 =	vmul.f32 v8, v6  }
0x38e: {  	v8 =	vsub.f32 $1.500000000e+00, v9;
	v9 =	vmul.f32 v10, v3  }
0x38f: {  	v10 =	vmul.f32 v6, v5  }
0x390: {  	v7 =	vmul.f32 v8, v7;
	v8 =	vsub.f32 $1.500000000e+00, v9  }
0x391: {  	v9 =	vmul.f32 v10, v6  }
0x392: {  	v10 =	vmul.f32 v7, v2;
	v3 =	vmul.f32 v8, v3  }
0x393: {  	v8 =	vsub.f32 $1.500000000e+00, v9  }
0x394: {  	v9 =	vmul.f32 v10, v7;
	v10 =	vmul.f32 v3, v4  }
0x395: {  	s8 =	simm.s32 $0x30;
	v6 =	vmul.f32 v8, v6  }
0x396: {  	v8 =	vsub.f32 $1.500000000e+00, v9;
	v9 =	vld [tilespmem:s8+$0xC800];
	v10 =	vmul.f32 v10, v3  }
0x397: {  	v11 =	vmul.f32 v6, v5  }
0x398: {  	v7 =	vmul.f32 v8, v7;
	v8 =	vsub.f32 $1.500000000e+00, v10  }
0x399: {  	v10 =	vmul.f32 v11, v6  }
0x39a: {  	v11 =	vmul.f32 v7, v2;
	v8 =	vmul.f32 v8, v3  }
0x39b: {  	v3 =	vmul.f32 $5.000000000e-01, v9;
	v10 =	vsub.f32 $1.500000000e+00, v10  }
0x39c: {  	v9 =	vmul.f32 v11, v7;
	v11 =	vmul.f32 v8, v4  }
0x39d: {  	v6 =	vmul.f32 v10, v6;
	v10 =	vsub.f32 $1.500000000e+00, v3  }
0x39e: {  	v9 =	vsub.f32 $1.500000000e+00, v9;
	v11 =	vmul.f32 v11, v8  }
0x39f: {  	v12 =	vmul.f32 v6, v5;
	v13 =	vmul.f32 v10, v3  }
0x3a0: {  	v7 =	vmul.f32 v9, v7;
	v9 =	vsub.f32 $1.500000000e+00, v11  }
0x3a1: {  	v11 =	vmul.f32 v12, v6;
	v12 =	vmul.f32 v13, v10  }
0x3a2: {  	v13 =	vmul.f32 v7, v2;
	v8 =	vmul.f32 v9, v8  }
0x3a3: {  	v9 =	vsub.f32 $1.500000000e+00, v11;
	v11 =	vsub.f32 $1.500000000e+00, v12  }
0x3a4: {  	v12 =	vmul.f32 v13, v7;
	v13 =	vmul.f32 v8, v4  }
0x3a5: {  	v6 =	vmul.f32 v9, v6;
	v9 =	vmul.f32 v11, v10  }
0x3a6: {  	v10 =	vsub.f32 $1.500000000e+00, v12;
	v11 =	vmul.f32 v13, v8  }
0x3a7: {  	v12 =	vmul.f32 v6, v5;
	v13 =	vmul.f32 v9, v3  }
0x3a8: {  	s21 =	simm.s32 $0x40;
	v7 =	vmul.f32 v10, v7;
	v11 =	vsub.f32 $1.500000000e+00, v11  }
0x3a9: {  	v10 =	vld [tilespmem:s21+$0xC800];
	v12 =	vmul.f32 v12, v6;
	v13 =	vmul.f32 v13, v9  }
0x3aa: {  	v14 =	vmul.f32 v7, v2;
	v8 =	vmul.f32 v11, v8  }
0x3ab: {  	v11 =	vsub.f32 $1.500000000e+00, v12;
	v12 =	vsub.f32 $1.500000000e+00, v13  }
0x3ac: {  	v13 =	vmul.f32 v14, v7;
	v14 =	vmul.f32 v8, v4  }
0x3ad: {  	v11 =	vmul.f32 v11, v6;
	v9 =	vmul.f32 v12, v9  }
0x3ae: {  	v6 =	vmul.f32 $5.000000000e-01, v10;
	v10 =	vsub.f32 $1.500000000e+00, v13;
	v12 =	vmul.f32 v14, v8  }
0x3af: {  	v13 =	vmul.f32 v11, v5;
	v14 =	vmul.f32 v9, v3  }
0x3b0: {  	v7 =	vmul.f32 v10, v7;
	v10 =	vsub.f32 $1.500000000e+00, v12  }
0x3b1: {  	v12 =	vmul.f32 v13, v11;
	v13 =	vsub.f32 $1.500000000e+00, v6;
	v14 =	vmul.f32 v14, v9  }
0x3b2: {  	v15 =	vmul.f32 v7, v2;
	v8 =	vmul.f32 v10, v8  }
0x3b3: {  	v10 =	vsub.f32 $1.500000000e+00, v12;
	v12 =	vmul.f32 v13, v6;
	v14 =	vsub.f32 $1.500000000e+00, v14  }
0x3b4: {  	v15 =	vmul.f32 v15, v7;
	v16 =	vmul.f32 v8, v4  }
0x3b5: {  	v10 =	vmul.f32 v10, v11;
	v9 =	vmul.f32 v14, v9  }
0x3b6: {  	v11 =	vmul.f32 v12, v13;
	v12 =	vsub.f32 $1.500000000e+00, v15;
	v14 =	vmul.f32 v16, v8  }
0x3b7: {  	v15 =	vmul.f32 v10, v5;
	v16 =	vmul.f32 v9, v3  }
0x3b8: {  	v7 =	vmul.f32 v12, v7;
	v12 =	vsub.f32 $1.500000000e+00, v14  }
0x3b9: {  	v11 =	vsub.f32 $1.500000000e+00, v11;
	v14 =	vmul.f32 v15, v10;
	v15 =	vmul.f32 v16, v9  }
0x3ba: {  	v16 =	vmul.f32 v7, v2;
	v8 =	vmul.f32 v12, v8  }
0x3bb: {  	v11 =	vmul.f32 v11, v13;
	v12 =	vsub.f32 $1.500000000e+00, v14;
	v13 =	vsub.f32 $1.500000000e+00, v15  }
0x3bc: {  	v14 =	vmul.f32 v16, v7;
	v15 =	vmul.f32 v8, v4  }
0x3bd: {  	s18 =	simm.s32 $0x50;
	v10 =	vmul.f32 v12, v10;
	v9 =	vmul.f32 v13, v9  }
0x3be: {  	v16 =	vld [tilespmem:s18+$0xC800];
	v12 =	vmul.f32 v11, v6;
	v13 =	vsub.f32 $1.500000000e+00, v14;
	v14 =	vmul.f32 v15, v8  }
0x3bf: {  	v15 =	vmul.f32 v10, v5;
	v17 =	vmul.f32 v9, v3  }
0x3c0: {  	v13 =	vmul.f32 v13, v7;
	v12 =	vmul.f32 v12, v11;
	v14 =	vsub.f32 $1.500000000e+00, v14  }
0x3c1: {  	v15 =	vmul.f32 v15, v10;
	v17 =	vmul.f32 v17, v9  }
0x3c2: {  	v18 =	vmul.f32 v13, v2;
	v8 =	vmul.f32 v14, v8  }
0x3c3: {  	v7 =	vmul.f32 $5.000000000e-01, v16;
	v14 =	vsub.f32 $1.500000000e+00, v15;
	v15 =	vsub.f32 $1.500000000e+00, v17  }
0x3c4: {  	v12 =	vsub.f32 $1.500000000e+00, v12;
	v16 =	vmul.f32 v18, v13;
	v17 =	vmul.f32 v8, v4  }
0x3c5: {  	v10 =	vmul.f32 v14, v10;
	v9 =	vmul.f32 v15, v9  }
0x3c6: {  	v12 =	vmul.f32 v12, v11;
	v11 =	vsub.f32 $1.500000000e+00, v16;
	v14 =	vmul.f32 v17, v8  }
0x3c7: {  	v15 =	vmul.f32 v10, v5;
	v16 =	vmul.f32 v9, v3  }
0x3c8: {  	v11 =	vmul.f32 v11, v13;
	v13 =	vmul.f32 v12, v6;
	v14 =	vsub.f32 $1.500000000e+00, v14  }
0x3c9: {  	v17 =	vsub.f32 $1.500000000e+00, v7;
	v15 =	vmul.f32 v15, v10;
	v16 =	vmul.f32 v16, v9  }
0x3ca: {  	v18 =	vmul.f32 v11, v2;
	v20 =	vmul.f32 v14, v8  }
0x3cb: {  	v19 =	vmul.f32 v17, v7;
	v14 =	vmul.f32 v13, v12;
	v8 =	vsub.f32 $1.500000000e+00, v15  }
0x3cc: {  	v13 =	vsub.f32 $1.500000000e+00, v16;
	v15 =	vmul.f32 v18, v11;
	v16 =	vmul.f32 v20, v4  }
0x3cd: {  	v14 =	vsub.f32 $1.500000000e+00, v14;
	v8 =	vmul.f32 v8, v10;
	v10 =	vmul.f32 v19, v17  }
0x3ce: {  	v13 =	vmul.f32 v13, v9;
	v9 =	vsub.f32 $1.500000000e+00, v15;
	v15 =	vmul.f32 v16, v20  }
0x3cf: {  	v14 =	vmul.f32 v14, v12;
	v16 =	vmul.f32 v8, v5  }
0x3d0: {  	v18 =	vmul.f32 v13, v3;
	v11 =	vmul.f32 v9, v11  }
0x3d1: {  	v10 =	vsub.f32 $1.500000000e+00, v10;
	v9 =	vsub.f32 $1.500000000e+00, v15;
	v19 =	vmul.f32 v16, v8  }
0x3d2: {  	v16 =	vmul.f32 v18, v13;
	v15 =	vmul.f32 v11, v2  }
0x3d3: {  	s15 =	simm.s32 $0x180;
	v12 =	vmul.f32 v10, v17;
	v10 =	vmul.f32 v9, v20;
	v9 =	vsub.f32 $1.500000000e+00, v19  }
.LBB2_22:
0x3d4: {  	p2 =	sne.s32 s15, $0x4FC0;
	v17 =	vmul.f32 v14, v6;
	v16 =	vsub.f32 $1.500000000e+00, v16;
	v15 =	vmul.f32 v15, v11  }
0x3d5: {  	v18 =	vmul.f32 v10, v4;
	v8 =	vmul.f32 v9, v8  }
0x3d6: {  	v9 =	vmul.f32 v17, v14;
	v13 =	vmul.f32 v16, v13;
	v15 =	vsub.f32 $1.500000000e+00, v15  }
0x3d7: {  	v16 =	vmul.f32 v18, v10;
	v17 =	vmul.f32 v8, v5;
	v5 =	vmovc v4;
	v4 =	vmovc v2;
	v2 =	vmov v3  }
0x3d8: {  	v3 =	vmovc v6;
	v6 =	vmov v7;
	v18 =	vmul.f32 v13, v2;
	v11 =	vmul.f32 v15, v11  }
0x3d9: {  	v7 =	vmul.f32 v12, v6;
	v15 =	vsub.f32 $1.500000000e+00, v16;
	v16 =	vmul.f32 v17, v8  }
0x3da: {  	v9 =	vsub.f32 $1.500000000e+00, v9;
	v17 =	vmul.f32 v18, v13;
	v18 =	vmul.f32 v11, v4;
	v19 =	vld [tilespmem:s13+$0xB400]  }
0x3db: {  	s6 =	sshra.s32 s15, $0x2;
	v20 =	vmul.f32 v7, v12;
	v10 =	vmul.f32 v15, v10;
	v7 =	vsub.f32 $1.500000000e+00, v16  }
0x3dc: {  	v9 =	vmul.f32 v9, v14;
	v15 =	vld [tilespmem:s6+$0xC800];
	v14 =	vsub.f32 $1.500000000e+00, v17;
	v16 =	vmul.f32 v18, v11  }
0x3dd: {  	v17 =	vmul.f32 v10, v5;
	v7 =	vmul.f32 v7, v8  }
0x3de: {  	v8 =	vmul.f32 v9, v3;
	v13 =	vmul.f32 v14, v13  }
0x3df: {  	v14 =	vsub.f32 $1.500000000e+00, v16;
	v16 =	vmul.f32 v17, v10;
	v17 =	vmul.f32 v7, v19  }
0x3e0: {  	v8 =	vmul.f32 v8, v9;
	v18 =	vmul.f32 v13, v2  }
0x3e1: {  	v11 =	vmul.f32 v14, v11;
	v7 =	vmul.f32 $5.000000000e-01, v15;
	v14 =	vsub.f32 $1.500000000e+00, v16;
	[tilespmem:s13+$0xB400] =	vst v17;
	s13 =	smov.u32 s7;
	s7 =	smov.u32 s17;
	s17 =	smov.u32 s8  }
0x3e2: {  	v15 =	vsub.f32 $1.500000000e+00, v20;
	v8 =	vsub.f32 $1.500000000e+00, v8;
	s8 =	smov.u32 s21;
	s21 =	smov.u32 s18;
	s18 =	smov.u32 s6;
	v16 =	vmul.f32 v18, v13  }
0x3e3: {  	v17 =	vmul.f32 v11, v4;
	v10 =	vmul.f32 v14, v10  }
0x3e4: {  	v12 =	vmul.f32 v15, v12;
	v9 =	vmul.f32 v8, v9;
	v8 =	vsub.f32 $1.500000000e+00, v16  }
0x3e5: {  	v14 =	vmul.f32 v17, v11;
	v15 =	vmul.f32 v10, v5  }
0x3e6: {  	v17 =	vsub.f32 $1.500000000e+00, v7;
	v16 =	vmul.f32 v9, v3;
	v18 =	vmul.f32 v8, v13  }
0x3e7: {  	v8 =	vmul.f32 v12, v6;
	v13 =	vsub.f32 $1.500000000e+00, v14;
	v14 =	vmul.f32 v15, v10  }
0x3e8: {  	v15 =	vmul.f32 v16, v9;
	v16 =	vmul.f32 v18, v2  }
0x3e9: {  	v19 =	vmul.f32 v17, v7;
	v20 =	vmul.f32 v13, v11;
	v11 =	vsub.f32 $1.500000000e+00, v14  }
0x3ea: {  	v14 =	vmul.f32 v8, v12;
	v13 =	vsub.f32 $1.500000000e+00, v15;
	v15 =	vmul.f32 v16, v18  }
0x3eb: {  	v16 =	vmul.f32 v20, v4;
	v8 =	vmul.f32 v11, v10  }
0x3ec: {  	v10 =	vmul.f32 v19, v17;
	v13 =	vmul.f32 v13, v9;
	v9 =	vsub.f32 $1.500000000e+00, v15  }
.Ltmp12:
0x3ed: {  	v14 =	vsub.f32 $1.500000000e+00, v14;
	v15 =	vmul.f32 v16, v20;
	v16 =	vmul.f32 v8, v5;
	(pc) =	sbr.rel @p2 .LBB2_22-.Ltmp12, $4  }
0x3ee: {  	v10 =	vsub.f32 $1.500000000e+00, v10;
	v19 =	vmul.f32 v13, v3;
	v11 =	vmul.f32 v9, v18  }
0x3ef: {  	v14 =	vmul.f32 v14, v12;
	v9 =	vsub.f32 $1.500000000e+00, v15;
	v18 =	vmul.f32 v16, v8  }
0x3f0: {  	v16 =	vmul.f32 v19, v13;
	v15 =	vmul.f32 v11, v2  }
0x3f1: {  	s15 =	sadd.s32 $0x40, s15;
	v12 =	vmul.f32 v10, v17;
	v10 =	vmul.f32 v9, v20;
	v9 =	vsub.f32 $1.500000000e+00, v18  }
0x3f2: {  	_ = 	snop  }
0x3f3: {  	v17 =	vmul.f32 v12, v7;
	_ =	sdelay $0x1  }
0x3f4: {  	v17 =	vmul.f32 v17, v12;
	_ =	sdelay $0x1  }
0x3f5: {  	v17 =	vsub.f32 $1.500000000e+00, v17;
	_ =	sdelay $0x1  }
0x3f6: {  	v25 =	vmul.f32 v17, v12;
	_ =	sdelay $0x1  }
0x3f7: {  	v26 =	vmul.f32 v14, v6;
	v18 =	vmul.f32 v25, v7;
	_ =	sdelay $0x1  }
0x3f8: {  	v17 =	vmul.f32 v26, v14;
	v18 =	vmul.f32 v18, v25;
	_ =	sdelay $0x1  }
0x3f9: {  	v17 =	vsub.f32 $1.500000000e+00, v17;
	v18 =	vsub.f32 $1.500000000e+00, v18;
	_ =	sdelay $0x1  }
0x3fa: {  	v27 =	vmul.f32 v17, v14;
	v12 =	vmul.f32 v18, v25;
	_ =	sdelay $0x1  }
0x3fb: {  	v17 =	vmul.f32 v27, v6;
	v18 =	vmul.f32 v12, v7;
	_ =	sdelay $0x1  }
0x3fc: {  	v17 =	vmul.f32 v17, v27;
	v18 =	vmul.f32 v18, v12;
	_ =	sdelay $0x1  }
0x3fd: {  	v17 =	vsub.f32 $1.500000000e+00, v17;
	v18 =	vsub.f32 $1.500000000e+00, v18;
	_ =	sdelay $0x1  }
0x3fe: {  	v14 =	vmul.f32 v17, v27;
	v12 =	vmul.f32 v18, v12;
	_ =	sdelay $0x1  }
0x3ff: {  	v17 =	vmul.f32 v14, v6;
	v18 =	vmul.f32 v12, v7  }
0x400: {  	v16 =	vsub.f32 $1.500000000e+00, v16  }
0x401: {  	v17 =	vmul.f32 v17, v14;
	v18 =	vmul.f32 v18, v12  }
0x402: {  	v13 =	vmul.f32 v16, v13  }
0x403: {  	v17 =	vsub.f32 $1.500000000e+00, v17;
	v18 =	vsub.f32 $1.500000000e+00, v18  }
0x404: {  	v16 =	vmul.f32 v13, v3  }
0x405: {  	v14 =	vmul.f32 v17, v14;
	v12 =	vmul.f32 v18, v12  }
0x406: {  	v16 =	vmul.f32 v16, v13  }
0x407: {  	v17 =	vmul.f32 v14, v6;
	v18 =	vmul.f32 v12, v7  }
0x408: {  	v16 =	vsub.f32 $1.500000000e+00, v16  }
0x409: {  	v17 =	vmul.f32 v17, v14;
	v18 =	vmul.f32 v18, v12  }
0x40a: {  	v13 =	vmul.f32 v16, v13  }
0x40b: {  	v17 =	vsub.f32 $1.500000000e+00, v17;
	v18 =	vsub.f32 $1.500000000e+00, v18  }
0x40c: {  	v16 =	vmul.f32 v13, v3  }
0x40d: {  	v14 =	vmul.f32 v17, v14;
	v12 =	vmul.f32 v18, v12  }
0x40e: {  	v16 =	vmul.f32 v16, v13  }
0x40f: {  	v17 =	vmul.f32 v14, v6;
	v18 =	vmul.f32 v12, v7  }
0x410: {  	v16 =	vsub.f32 $1.500000000e+00, v16  }
0x411: {  	v17 =	vmul.f32 v17, v14;
	v18 =	vmul.f32 v18, v12  }
0x412: {  	v19 =	vmul.f32 v10, v4;
	v13 =	vmul.f32 v16, v13  }
0x413: {  	v15 =	vmul.f32 v15, v11;
	v17 =	vsub.f32 $1.500000000e+00, v17;
	v18 =	vsub.f32 $1.500000000e+00, v18  }
0x414: {  	v19 =	vmul.f32 v19, v10;
	v31 =	vmul.f32 v13, v3  }
0x415: {  	v14 =	vmul.f32 v17, v14;
	v12 =	vmul.f32 v18, v12  }
0x416: {  	v15 =	vsub.f32 $1.500000000e+00, v15;
	v29 =	vsub.f32 $1.500000000e+00, v19;
	v35 =	vmul.f32 v31, v13  }
0x417: {  	v32 =	vmul.f32 v14, v6;
	v33 =	vmul.f32 v12, v7  }
0x418: {  	v28 =	vmul.f32 v15, v11;
	v34 =	vmul.f32 v29, v10;
	v15 =	vsub.f32 $1.500000000e+00, v35  }
0x419: {  	v36 =	vmul.f32 v32, v14;
	v37 =	vmul.f32 v33, v12  }
0x41a: {  	v30 =	vmul.f32 v28, v2;
	v13 =	vmul.f32 v15, v13  }
0x41b: {  	v38 =	vmul.f32 v34, v4;
	v17 =	vsub.f32 $1.500000000e+00, v36;
	v18 =	vsub.f32 $1.500000000e+00, v37  }
0x41c: {  	v16 =	vmul.f32 v30, v28;
	v15 =	vmul.f32 v13, v3  }
0x41d: {  	v14 =	vmul.f32 v17, v14;
	v12 =	vmul.f32 v18, v12  }
0x41e: {  	v19 =	vmul.f32 v38, v34;
	v16 =	vsub.f32 $1.500000000e+00, v16;
	v15 =	vmul.f32 v15, v13  }
0x41f: {  	v39 =	vmul.f32 v14, v6;
	v40 =	vmul.f32 v12, v7  }
0x420: {  	v11 =	vmul.f32 v16, v28;
	v15 =	vsub.f32 $1.500000000e+00, v15  }
0x421: {  	v41 =	vsub.f32 $1.500000000e+00, v19;
	v16 =	vmul.f32 v39, v14;
	v17 =	vmul.f32 v40, v12  }
0x422: {  	v13 =	vmul.f32 v15, v13  }
0x423: {  	v10 =	vmul.f32 v41, v34;
	v16 =	vsub.f32 $1.500000000e+00, v16;
	v17 =	vsub.f32 $1.500000000e+00, v17  }
0x424: {  	v42 =	vmul.f32 v11, v2;
	v47 =	vmul.f32 v13, v3  }
0x425: {  	v14 =	vmul.f32 v16, v14;
	v12 =	vmul.f32 v17, v12  }
0x426: {  	v43 =	vmul.f32 v42, v11;
	v50 =	vmul.f32 v47, v13  }
0x427: {  	v48 =	vmul.f32 v14, v6;
	v49 =	vmul.f32 v12, v7  }
0x428: {  	v44 =	vmul.f32 v10, v4;
	v45 =	vsub.f32 $1.500000000e+00, v43;
	v15 =	vsub.f32 $1.500000000e+00, v50  }
0x429: {  	v51 =	vmul.f32 v48, v14;
	v52 =	vmul.f32 v49, v12  }
0x42a: {  	v11 =	vmul.f32 v45, v11;
	v55 =	vmul.f32 v15, v13  }
0x42b: {  	v46 =	vmul.f32 v44, v10;
	v17 =	vsub.f32 $1.500000000e+00, v51;
	v18 =	vsub.f32 $1.500000000e+00, v52  }
0x42c: {  	v54 =	vmul.f32 v11, v2;
	v15 =	vmul.f32 v55, v3  }
0x42d: {  	v56 =	vmul.f32 v17, v14;
	v12 =	vmul.f32 v18, v12  }
0x42e: {  	v53 =	vsub.f32 $1.500000000e+00, v46;
	v57 =	vmul.f32 v54, v11;
	v15 =	vmul.f32 v15, v55  }
0x42f: {  	v58 =	vmul.f32 v56, v6;
	v59 =	vmul.f32 v12, v7  }
0x430: {  	v8 =	vmul.f32 v9, v8;
	v9 =	vmul.f32 v53, v10;
	v61 =	vsub.f32 $1.500000000e+00, v15  }
0x431: {  	v14 =	vsub.f32 $1.500000000e+00, v57;
	v16 =	vmul.f32 v58, v56;
	v17 =	vmul.f32 v59, v12  }
0x432: {  	v60 =	vmul.f32 v9, v4;
	v10 =	vmul.f32 v61, v55  }
0x433: {  	v11 =	vmul.f32 v14, v11;
	v62 =	vsub.f32 $1.500000000e+00, v16;
	v63 =	vsub.f32 $1.500000000e+00, v17  }
0x434: {  	v14 =	vmul.f32 v10, v3;
	v18 =	vmul.f32 v60, v9  }
0x435: {  	v13 =	vmul.f32 v62, v56;
	v12 =	vmul.f32 v63, v12  }
0x436: {  	v22 =	vmul.f32 v11, v2;
	v14 =	vmul.f32 v14, v10  }
0x437: {  	v15 =	vmul.f32 v13, v6;
	v16 =	vmul.f32 v12, v7  }
0x438: {  	v5 =	vmul.f32 v8, v5;
	v21 =	vsub.f32 $1.500000000e+00, v18;
	v23 =	vmul.f32 v22, v11  }
0x439: {  	v14 =	vsub.f32 $1.500000000e+00, v14;
	v15 =	vmul.f32 v15, v13;
	v16 =	vmul.f32 v16, v12  }
0x43a: {  	v5 =	vmul.f32 v5, v8;
	v9 =	vmul.f32 v21, v9;
	v17 =	vsub.f32 $1.500000000e+00, v23  }
0x43b: {  	v10 =	vmul.f32 v14, v10;
	v15 =	vsub.f32 $1.500000000e+00, v15;
	v16 =	vsub.f32 $1.500000000e+00, v16  }
0x43c: {  	v24 =	vmul.f32 v9, v4;
	v11 =	vmul.f32 v17, v11  }
0x43d: {  	v13 =	vmul.f32 v15, v13;
	v12 =	vmul.f32 v16, v12  }
0x43e: {  	v26 =	vmul.f32 v10, v3;
	v25 =	vmul.f32 v11, v2  }
0x43f: {  	v27 =	vmul.f32 v13, v6;
	v28 =	vmul.f32 v12, v7  }
0x440: {  	v5 =	vsub.f32 $1.500000000e+00, v5;
	v14 =	vmul.f32 v25, v11;
	v15 =	vmul.f32 v26, v10  }
0x441: {  	v16 =	vmul.f32 v27, v13;
	v17 =	vmul.f32 v28, v12  }
0x442: {  	v5 =	vmul.f32 v5, v8;
	v29 =	vsub.f32 $1.500000000e+00, v14;
	v30 =	vsub.f32 $1.500000000e+00, v15  }
0x443: {  	v4 =	vmul.f32 v24, v9;
	v31 =	vsub.f32 $1.500000000e+00, v16;
	v32 =	vsub.f32 $1.500000000e+00, v17  }
0x444: {  	v8 =	vmul.f32 v29, v11;
	v10 =	vmul.f32 v30, v10  }
0x445: {  	v33 =	vld [tilespmem:s13+$0xB400];
	v13 =	vmul.f32 v31, v13;
	v12 =	vmul.f32 v32, v12  }
0x446: {  	v34 =	vmul.f32 v8, v2;
	v35 =	vmul.f32 v10, v3  }
0x447: {  	v36 =	vmul.f32 v13, v6;
	v37 =	vmul.f32 v12, v7  }
0x448: {  	v14 =	vmul.f32 v34, v8;
	v15 =	vmul.f32 v35, v10  }
0x449: {  	v4 =	vsub.f32 $1.500000000e+00, v4;
	v16 =	vmul.f32 v36, v13;
	v17 =	vmul.f32 v37, v12  }
0x44a: {  	v5 =	vmul.f32 v5, v33;
	v38 =	vsub.f32 $1.500000000e+00, v14;
	v39 =	vsub.f32 $1.500000000e+00, v15  }
0x44b: {  	v4 =	vmul.f32 v4, v9;
	v40 =	vsub.f32 $1.500000000e+00, v16;
	v41 =	vsub.f32 $1.500000000e+00, v17  }
0x44c: {  	v8 =	vmul.f32 v38, v8;
	v10 =	vmul.f32 v39, v10  }
0x44d: {  	[tilespmem:s13+$0xB400] =	vst v5;
	v42 =	vmul.f32 v40, v13;
	v43 =	vmul.f32 v41, v12  }
0x44e: {  	v44 =	vld [tilespmem:s7+$0xB400];
	v45 =	vmul.f32 v8, v2;
	v46 =	vmul.f32 v10, v3  }
0x44f: {  	v47 =	vmul.f32 v42, v6;
	v15 =	vmul.f32 v43, v7  }
0x450: {  	v13 =	vmul.f32 v46, v10;
	v12 =	vmul.f32 v45, v8  }
0x451: {  	v14 =	vmul.f32 v47, v42;
	v15 =	vmul.f32 v15, v43  }
0x452: {  	v13 =	vsub.f32 $1.500000000e+00, v13;
	v12 =	vsub.f32 $1.500000000e+00, v12  }
0x453: {  	v4 =	vmul.f32 v4, v44;
	v48 =	vsub.f32 $1.500000000e+00, v14;
	v49 =	vsub.f32 $1.500000000e+00, v15  }
0x454: {  	v10 =	vmul.f32 v13, v10;
	v8 =	vmul.f32 v12, v8  }
0x455: {  	v5 =	vmul.f32 v48, v42;
	v9 =	vmul.f32 v49, v43  }
0x456: {  	v50 =	vmul.f32 v10, v3;
	v2 =	vmul.f32 v8, v2  }
0x457: {  	v51 =	vmul.f32 v5, v6;
	v52 =	vmul.f32 v9, v7  }
0x458: {  	[tilespmem:s7+$0xB400] =	vst v4;
	v53 =	vmul.f32 v50, v10;
	v2 =	vmul.f32 v2, v8  }
0x459: {  	v54 =	vld [tilespmem:s17+$0xB400];
	v12 =	vmul.f32 v51, v5;
	v13 =	vmul.f32 v52, v9  }
0x45a: {  	v4 =	vsub.f32 $1.500000000e+00, v53;
	v2 =	vsub.f32 $1.500000000e+00, v2  }
0x45b: {  	v12 =	vsub.f32 $1.500000000e+00, v12;
	v13 =	vsub.f32 $1.500000000e+00, v13  }
0x45c: {  	v4 =	vmul.f32 v4, v10;
	v2 =	vmul.f32 v2, v8  }
0x45d: {  	v5 =	vmul.f32 v12, v5;
	v55 =	vmul.f32 v13, v9  }
0x45e: {  	v3 =	vmul.f32 v4, v3;
	v2 =	vmul.f32 v2, v54  }
0x45f: {  	v56 =	vmul.f32 v5, v6;
	v57 =	vmul.f32 v55, v7  }
0x460: {  	[tilespmem:s17+$0xB400] =	vst v2;
	v2 =	vmul.f32 v3, v4  }
0x461: {  	v9 =	vmul.f32 v56, v5;
	v3 =	vld [tilespmem:s8+$0xB400];
	v10 =	vmul.f32 v57, v55  }
0x462: {  	v2 =	vsub.f32 $1.500000000e+00, v2  }
0x463: {  	v9 =	vsub.f32 $1.500000000e+00, v9;
	v10 =	vsub.f32 $1.500000000e+00, v10  }
0x464: {  	v2 =	vmul.f32 v2, v4  }
0x465: {  	v58 =	vmul.f32 v9, v5;
	v59 =	vmul.f32 v10, v55  }
0x466: {  	v2 =	vmul.f32 v2, v3  }
0x467: {  	v3 =	vmul.f32 v58, v6;
	v60 =	vmul.f32 v59, v7;
	_ =	sdelay $0x1  }
0x468: {  	[tilespmem:s8+$0xB400] =	vst v2;
	v2 =	vmul.f32 v3, v58;
	v3 =	vmul.f32 v60, v59  }
0x469: {  	v61 =	vld [tilespmem:s21+$0xB400]  }
0x46a: {  	v2 =	vsub.f32 $1.500000000e+00, v2;
	v3 =	vsub.f32 $1.500000000e+00, v3;
	_ =	sdelay $0x1  }
0x46b: {  	v2 =	vmul.f32 v2, v58;
	v3 =	vmul.f32 v3, v59;
	_ =	sdelay $0x1  }
0x46c: {  	v2 =	vmul.f32 v2, v61;
	v62 =	vmul.f32 v3, v7;
	_ =	sdelay $0x1  }
0x46d: {  	[tilespmem:s21+$0xB400] =	vst v2;
	v2 =	vmul.f32 v62, v3  }
0x46e: {  	v63 =	vld [tilespmem:s18+$0xB400]  }
0x46f: {  	v2 =	vsub.f32 $1.500000000e+00, v2;
	_ =	sdelay $0x1  }
0x470: {  	v2 =	vmul.f32 v2, v3;
	_ =	sdelay $0x1  }
0x471: {  	v2 =	vmul.f32 v2, v63  }
0x472: {  	s15 =	simm.s32 $0x0  }
0x473: {  	s6 =	rddreg [dreg:$0xf];
	s0 =	simm.s32 $0xB400;
	s13 =	simm.s32 $0x16;
	[tilespmem:s18+$0xB400] =	vst v2  }
0x474: {  	[hbm4b:s6+s15] =	stream.linear.scatter [tilespmem:s0], [sflag:$0x16], $0x1400, $0x38;
	[tilespmem:$0x15500] =	vst v63  }
0x475: {  	_ =	swait.ge [sflag:s13], $0x1400  }
0x476: {  	s18 =	rddreg [dreg:$0x11]  }
0x477: {  	s21 =	rddreg [dreg:$0x10];
	s0 =	sadd.s32 $0x1, s18  }
0x478: {  	p2 =	sne.s32 s0, s21  }
.Ltmp13:
0x479: {  	_ = 	snop;
	(pc) =	sbr.rel @p2 .LBB2_1-.Ltmp13, $3  }
0x47a: {  	_ =	sdelay $0x1  }
0x47b: {  	[sflag:s13] =	ssyncset.done $0x0  }
0x47c: {  	[sflag:s13] =	ssyncadd.s32 $0xFFFFEC00;
	s18 =	rddreg [dreg:$0x7]  }
0x47d: {  	_ =	sfence.sel $0x180000  }
0x47e: {  	[bflag:$0x0] =	sbarrier.arrive $0xFFFF  }
0x47f: {  	_ =	strace $0x90000047  }
0x480: {  	[bflag:$0x2] =	sbarrier.arrive $0xFFFF  }
0x481: {  	s0 =	rddreg [dreg:$0x3]  }
0x482: {  	s0 =	sadd.s32 @!p0 $0x100000, s0  }
0x483: {  	[sflag:s0] =	ssyncadd.tile.s32 @!p0 $0x1;
	_ =	shalt  }
.Lfunc_end2:
_tile_overlayer_lowered:
.L_overlay_start_2:
0x484: {  	(tag) =	ssettag $0x2  }
0x485: {  	s0 =	rddreg [dreg:$0x0];
	s2 =	stileid.u32  }
0x486: {  	s1 =	rddreg [dreg:$0x1];
	p0 =	sne.s32 s2, $0x0  }
0x487: {  	s3 =	rddreg [dreg:$0x2];
	[bflag:$0x3] =	sbarrier.arrive $0xFFFF;
	s2 =	simm.s32 @!p0 $0x1C16  }
0x488: {  	[timem:s3], [sflag:s2] =	dma.local @!p0 [hbm:s0], s1  }
0x489: {  	s0 =	simm.s32 @!p0 $0x16  }
0x48a: {  	_ =	swait.ge @!p0 [sflag:s0], s1  }
0x48b: {  	s1 =	ssub.s32 @!p0 $0x0, s1;
	[sflag:s0] =	ssyncset.done @!p0 $0x0  }
0x48c: {  	[sflag:s0] =	ssyncadd.s32 @!p0 s1  }
0x48d: {  	[bflag:$0x3] =	sbarrier.arrive $0xFFFF  }
0x48e: {  	_ =	shalt  }

</sc_bundles>
